<compile_context>
chip_gen: v7x
topology: tpu7x:2x2x1
jax: 0.10.2.dev20260603
libtpu: 0.0.44.dev20260713+nightly
codegen_flags: <defaults>
</compile_context>

<pallas_src>
import functools

import jax
import jax.numpy as jnp
from jax import lax
from jax.experimental import pallas as pl
from jax.experimental.pallas import tpu as pltpu
from jax.experimental.pallas import tpu_sc as plsc

_N_NODE = 50000
_E = 800000
_NODE_F = 128
_EDGE_F = 16
_HID = 64
_G = 64

_C = 256
_NCHUNK = _E // _C
_NC = 2
_NS = 16
_NW = _NC * _NS

_NODE_BLK = 5000
_EDGE_BLK = 8000


def _pack_pairs(y):
    lo = jax.lax.bitcast_convert_type(
        y[:, :_HID // 2].astype(jnp.bfloat16), jnp.uint16).astype(jnp.uint32)
    hi = jax.lax.bitcast_convert_type(
        y[:, _HID // 2:].astype(jnp.bfloat16), jnp.uint16).astype(jnp.uint32)
    return jax.lax.bitcast_convert_type(lo | (hi << 16), jnp.int32)


def _node_proj_body(hl, hp, wls, wps, wld, wpd, bls, bps, bld, bpd,
                    hs_lp, hs_pl, hd_lp, hd_pl):
    l = hl[...]
    p = hp[...]
    hs_lp[...] = _pack_pairs(jnp.dot(l, wls[...], preferred_element_type=jnp.float32) + bls[...])
    hs_pl[...] = _pack_pairs(jnp.dot(l, wps[...], preferred_element_type=jnp.float32) + bps[...])
    hd_lp[...] = _pack_pairs(jnp.dot(p, wld[...], preferred_element_type=jnp.float32) + bld[...])
    hd_pl[...] = _pack_pairs(jnp.dot(p, wpd[...], preferred_element_type=jnp.float32) + bpd[...])


def _edge_proj_body(er, wb, bbt, out_l):
    y = jnp.dot(er[...], wb[...], preferred_element_type=jnp.float32) + bbt[...]
    for j in range(8):
        out_l[:, j * 32:(j + 1) * 32] = _pack_pairs(y[:, j * 64:(j + 1) * 64])


def _combine_body(plp, ppl, olp, opl):
    a = jnp.sum(plp[...], axis=0)
    b = jnp.sum(ppl[...], axis=0)
    olp[...] = jnp.sum(a, axis=1, keepdims=True)
    opl[...] = jnp.sum(b, axis=1, keepdims=True)


def _sc_dir(taba, tabb, ehtab, src_hbm, dst_hbm, gid_hbm, bfc_hbm,
            out_part,
            idxa0, idxa1, idxb0, idxb1, gidb0, gidb1,
            rowsa0, rowsa1, rowsb0, rowsb1, rowse0, rowse1,
            acc, bfcbuf,
            sidx0, sidx1, srows0, srows1):
    cid = lax.axis_index("c")
    sid = lax.axis_index("s")
    wid = sid * _NC + cid

    ntrip = -(-_NCHUNK // _NW)
    assert ntrip % 2 == 0

    idxa = [idxa0, idxa1]
    idxb = [idxb0, idxb1]
    gidb = [gidb0, gidb1]
    rowsa = [rowsa0, rowsa1]
    rowsb = [rowsb0, rowsb1]
    rowse = [rowse0, rowse1]
    sidx = [sidx0, sidx1]
    srows = [srows0, srows1]

    zero16 = jnp.zeros((16,), jnp.float32)
    for i in range(_G):
        acc[i] = zero16

    lane = lax.iota(jnp.int32, 16)
    nw_words = _HID // 2
    nwblk = 4
    wunroll = nw_words // nwblk

    def unlo(x):
        return plsc.bitcast(jax.lax.shift_left(x, 16), jnp.float32)

    def unhi(x):
        return plsc.bitcast(jnp.bitwise_and(x, jnp.int32(-65536)), jnp.float32)

    pltpu.sync_copy(bfc_hbm, bfcbuf)
    bfcv = bfcbuf[...]

    def idx_copies(ci, b):
        e0 = ci * _C
        return [
            pltpu.make_async_copy(src_hbm.at[pl.ds(e0, _C)], idxa[b], sidx[b]),
            pltpu.make_async_copy(dst_hbm.at[pl.ds(e0, _C)], idxb[b], sidx[b]),
            pltpu.make_async_copy(gid_hbm.at[pl.ds(e0, _C)], gidb[b], sidx[b]),
        ]

    def rows_copies(ci, b):
        cps = []
        for k in range(_C // 128):
            sl = pl.ds(k * 128, 128)
            cps.append(pltpu.make_async_copy(
                taba.at[idxa[b].at[sl]], rowsa[b].at[sl], srows[b]))
            cps.append(pltpu.make_async_copy(
                tabb.at[idxb[b].at[sl]], rowsb[b].at[sl], srows[b]))
        cps.append(pltpu.make_async_copy(
            ehtab.at[pl.ds(ci * (_C // 8), _C // 8)], rowse[b], srows[b]))
        return cps

    def issue_idx(j, b):
        ci = wid + _NW * j

        @pl.when((j < ntrip) & (ci < _NCHUNK))
        def _():
            for cp in idx_copies(ci, b):
                cp.start()

    def start_rows(j, b):
        ci = wid + _NW * j

        @pl.when((j < ntrip) & (ci < _NCHUNK))
        def _():
            for cp in idx_copies(ci, b):
                cp.wait()
            for cp in rows_copies(ci, b):
                cp.start()

    def compute(j, b):
        ci = wid + _NW * j

        @pl.when(ci < _NCHUNK)
        def _():
            for cp in rows_copies(ci, b):
                cp.wait()

            def grp_body(g, _):
                eidx = lane + g * 16
                erow = lax.shift_right_logical(eidx, 3)
                ecol = lax.shift_left(jnp.bitwise_and(eidx, 7), 5)
                gv = gidb[b][pl.ds(g * 16, 16)]

                def h_body(hb, v):
                    vv = list(v)
                    base = hb * wunroll
                    for ww in range(wunroll):
                        wv = jnp.bitwise_and(lane + (base + ww), nw_words - 1)
                        a = plsc.load_gather(rowse[b], [erow, ecol + wv])
                        bb = plsc.load_gather(rowsa[b], [eidx, wv])
                        c = plsc.load_gather(rowsb[b], [eidx, wv])
                        vv[(2 * ww) % 4] = (vv[(2 * ww) % 4]
                                            + unlo(a) * unlo(bb) * unlo(c))
                        vv[(2 * ww + 1) % 4] = (vv[(2 * ww + 1) % 4]
                                                + unhi(a) * unhi(bb) * unhi(c))
                    return tuple(vv)

                v = lax.fori_loop(0, nwblk, h_body,
                                  (zero16, zero16, zero16, zero16))
                val = (v[0] + v[1]) + (v[2] + v[3]) + bfcv
                plsc.addupdate_scatter(acc, [gv, lane], val)
                return 0

            lax.fori_loop(0, _C // 16, grp_body, 0)

    issue_idx(0, 0)
    start_rows(0, 0)
    issue_idx(1, 1)

    def pair_body(p, _):
        for b in (0, 1):
            j = 2 * p + b
            start_rows(j + 1, 1 - b)
            compute(j, b)
            issue_idx(j + 2, b)
        return 0

    lax.fori_loop(0, ntrip // 2, pair_body, 0)

    pltpu.sync_copy(acc, out_part.at[wid])


def kernel(h_ligand, h_pocket, e_lp, e_pl, lp_src, lp_dst, pl_src, pl_dst,
           lp_graph_id, pl_graph_id,
           W_lp_src, b_lp_src, W_lp_dst, b_lp_dst, W_lp_edge, b_lp_edge,
           W_pl_src, b_pl_src, W_pl_dst, b_pl_dst, W_pl_edge, b_pl_edge,
           W_fc_lp, b_fc_lp, W_fc_pl, b_fc_pl):
    f32 = jnp.float32
    i32 = jnp.int32

    n_grid = _N_NODE // _NODE_BLK
    node_spec = pl.BlockSpec((_NODE_BLK, _NODE_F), lambda i: (i, 0))
    nw_spec = pl.BlockSpec((_NODE_F, _HID), lambda i: (0, 0))
    nb_spec = pl.BlockSpec((1, _HID), lambda i: (0, 0))
    nout_spec = pl.BlockSpec((_NODE_BLK, _HID // 2), lambda i: (i, 0))
    hs_lp, hs_pl, hd_lp, hd_pl = pl.pallas_call(
        _node_proj_body,
        grid=(n_grid,),
        in_specs=[node_spec, node_spec, nw_spec, nw_spec, nw_spec, nw_spec,
                  nb_spec, nb_spec, nb_spec, nb_spec],
        out_specs=[nout_spec] * 4,
        out_shape=[jax.ShapeDtypeStruct((_N_NODE, _HID // 2), i32)] * 4,
    )(h_ligand, h_pocket, W_lp_src, W_pl_src, W_lp_dst, W_pl_dst,
      b_lp_src.reshape(1, _HID), b_pl_src.reshape(1, _HID),
      b_lp_dst.reshape(1, _HID), b_pl_dst.reshape(1, _HID))

    er_rows = _E // 8
    eblk = 2000
    e_grid = er_rows // eblk
    edge_spec = pl.BlockSpec((eblk, 128), lambda i: (i, 0))
    ew_spec = pl.BlockSpec((128, 512), lambda i: (0, 0))
    eb_spec = pl.BlockSpec((1, 512), lambda i: (0, 0))
    eout_spec = pl.BlockSpec((eblk, 256), lambda i: (i, 0))
    edge_proj = pl.pallas_call(
        _edge_proj_body,
        grid=(e_grid,),
        in_specs=[edge_spec, ew_spec, eb_spec],
        out_specs=[eout_spec],
        out_shape=[jax.ShapeDtypeStruct((er_rows, 256), i32)],
    )

    def edge_prep(e, W_edge, b_edge, W_fc):
        wprime = W_edge * W_fc.reshape(1, _HID)
        wb = jnp.kron(jnp.eye(8, dtype=f32), wprime)
        bbt = jnp.tile((b_edge * W_fc.reshape(_HID)).reshape(1, _HID), (1, 8))
        return e.reshape(er_rows, 128), wb, bbt

    mesh = plsc.VectorSubcoreMesh(core_axis_name="c", subcore_axis_name="s",
                                  num_cores=_NC)
    sc_dir = pl.kernel(
        _sc_dir,
        mesh=mesh,
        compiler_params=pltpu.CompilerParams(
            use_tc_tiling_on_sc=False, needs_layout_passes=False),
        out_type=jax.ShapeDtypeStruct((_NW, _G, 16), f32),
        scratch_types=(
            [pltpu.VMEM((_C,), i32)] * 6
            + [pltpu.VMEM((_C, _HID // 2), i32)] * 4
            + [pltpu.VMEM((_C // 8, _HID * 4), i32)] * 2
            + [pltpu.VMEM((_G, 16), f32)]
            + [pltpu.VMEM((16,), f32)]
            + [pltpu.SemaphoreType.DMA] * 4
        ),
    )

    (eh_lp,) = edge_proj(*edge_prep(e_lp, W_lp_edge, b_lp_edge, W_fc_lp))
    part_lp = sc_dir(
        hs_lp, hd_lp, eh_lp,
        lp_src.astype(i32), lp_dst.astype(i32), lp_graph_id.astype(i32),
        jnp.broadcast_to(b_fc_lp.astype(f32), (16,)))

    (eh_pl,) = edge_proj(*edge_prep(e_pl, W_pl_edge, b_pl_edge, W_fc_pl))
    part_pl = sc_dir(
        hd_pl, hs_pl, eh_pl,
        pl_src.astype(i32), pl_dst.astype(i32), pl_graph_id.astype(i32),
        jnp.broadcast_to(b_fc_pl.astype(f32), (16,)))

    logit_lp, logit_pl = pl.pallas_call(
        _combine_body,
        out_shape=[jax.ShapeDtypeStruct((_G, 1), f32)] * 2,
    )(part_lp, part_pl)
    return (logit_lp, logit_pl)

# --- scband reference (transcript-rebuilt; emitter-appended) ---
"""Pipeline reference for scband-atom-atom-affinities-17051020165714 (READ-ONLY COPY).

The authoritative reference and input builder live on the scoring server;
editing this copy changes nothing except your own understanding.
"""

import jax, jax.numpy as jnp
import numpy as np

N_LIG = 50000
N_POC = 50000
E = 800000
NODE_F = 128
EDGE_F = 16
HID = 64
NUM_GRAPHS = 64


def _glorot(key, shape):
    fan_in, fan_out = shape[0], shape[1]
    lim = float(np.sqrt(6.0 / (fan_in + fan_out)))
    return jax.random.uniform(key, shape, jnp.float32, -lim, lim)


def setup_inputs(seed: int = 0) -> dict:
    key = jax.random.key(seed)
    ks = jax.random.split(key, 32)
    inp = {}
    inp['h_ligand'] = jax.random.normal(ks[0], (N_LIG, NODE_F), jnp.float32)
    inp['h_pocket'] = jax.random.normal(ks[1], (N_POC, NODE_F), jnp.float32)
    inp['e_lp'] = jax.random.normal(ks[2], (E, EDGE_F), jnp.float32)
    inp['e_pl'] = jax.random.normal(ks[3], (E, EDGE_F), jnp.float32)
    inp['lp_src'] = jax.random.randint(ks[4], (E,), 0, N_LIG, jnp.int64 if jax.config.jax_enable_x64 else jnp.int32)
    inp['lp_dst'] = jax.random.randint(ks[5], (E,), 0, N_POC)
    inp['pl_src'] = jax.random.randint(ks[6], (E,), 0, N_POC)
    inp['pl_dst'] = jax.random.randint(ks[7], (E,), 0, N_LIG)
    inp['lp_graph_id'] = jnp.sort(jax.random.randint(ks[8], (E,), 0, NUM_GRAPHS))
    inp['pl_graph_id'] = jnp.sort(jax.random.randint(ks[9], (E,), 0, NUM_GRAPHS))
    # parameters (nn.Linear: y = x @ W + b)
    inp['W_lp_src'] = _glorot(ks[10], (NODE_F, HID)); inp['b_lp_src'] = jnp.zeros((HID,), jnp.float32)
    inp['W_lp_dst'] = _glorot(ks[11], (NODE_F, HID)); inp['b_lp_dst'] = jnp.zeros((HID,), jnp.float32)
    inp['W_lp_edge'] = _glorot(ks[12], (EDGE_F, HID)); inp['b_lp_edge'] = jnp.zeros((HID,), jnp.float32)
    inp['W_pl_src'] = _glorot(ks[13], (NODE_F, HID)); inp['b_pl_src'] = jnp.zeros((HID,), jnp.float32)
    inp['W_pl_dst'] = _glorot(ks[14], (NODE_F, HID)); inp['b_pl_dst'] = jnp.zeros((HID,), jnp.float32)
    inp['W_pl_edge'] = _glorot(ks[15], (EDGE_F, HID)); inp['b_pl_edge'] = jnp.zeros((HID,), jnp.float32)
    inp['W_fc_lp'] = _glorot(ks[16], (HID, 1)); inp['b_fc_lp'] = jnp.zeros((1,), jnp.float32)
    inp['W_fc_pl'] = _glorot(ks[17], (HID, 1)); inp['b_fc_pl'] = jnp.zeros((1,), jnp.float32)
    return inp


def reference(h_ligand, h_pocket, e_lp, e_pl, lp_src, lp_dst, pl_src, pl_dst,
              lp_graph_id, pl_graph_id,
              W_lp_src, b_lp_src, W_lp_dst, b_lp_dst, W_lp_edge, b_lp_edge,
              W_pl_src, b_pl_src, W_pl_dst, b_pl_dst, W_pl_edge, b_pl_edge,
              W_fc_lp, b_fc_lp, W_fc_pl, b_fc_pl):
    # inter_l2p: src=ligand, dst=pocket
    hs_lp = h_ligand @ W_lp_src + b_lp_src
    hd_lp = h_pocket @ W_lp_dst + b_lp_dst
    eh_lp = e_lp @ W_lp_edge + b_lp_edge
    i_lp = eh_lp * jnp.take(hs_lp, lp_src, axis=0) * jnp.take(hd_lp, lp_dst, axis=0)
    logit_lp_e = i_lp @ W_fc_lp + b_fc_lp  # [E, 1]
    logit_lp = jax.ops.segment_sum(logit_lp_e, lp_graph_id, num_segments=NUM_GRAPHS)  # [G, 1]
    # inter_p2l: src=pocket, dst=ligand
    hs_pl = h_ligand @ W_pl_src + b_pl_src  # note: prj_pl_src applied to ligand feats per original code
    hd_pl = h_pocket @ W_pl_dst + b_pl_dst
    eh_pl = e_pl @ W_pl_edge + b_pl_edge
    i_pl = eh_pl * jnp.take(hd_pl, pl_src, axis=0) * jnp.take(hs_pl, pl_dst, axis=0)
    logit_pl_e = i_pl @ W_fc_pl + b_fc_pl
    logit_pl = jax.ops.segment_sum(logit_pl_e, pl_graph_id, num_segments=NUM_GRAPHS)
    return (logit_lp, logit_pl)

if __name__ == "__main__":
    import jax
    _d = setup_inputs()
    print(jax.jit(kernel)(*tuple(_d.values())))

</pallas_src>

<mosaic_0001>
#map = affine_map<(d0, d1) -> (0, 0)>
#map1 = affine_map<(d0, d1) -> (0)>
#map2 = affine_map<(d0, d1) -> (0, 0, 0)>
module attributes {stable_mosaic.version = 14 : i64} {
  func.func @_sc_dir(%arg0: i32, %arg1: i32, %arg2: memref<50000x32xi32, #tpu.memory_space<hbm>>, %arg3: memref<50000x32xi32, #tpu.memory_space<hbm>>, %arg4: memref<100000x256xi32, #tpu.memory_space<hbm>>, %arg5: memref<800000xi32, #tpu.memory_space<hbm>>, %arg6: memref<800000xi32, #tpu.memory_space<hbm>>, %arg7: memref<800000xi32, #tpu.memory_space<hbm>>, %arg8: memref<16xf32, #tpu.memory_space<hbm>>, %arg9: memref<32x64x16xf32, #tpu.memory_space<hbm>>, %arg10: memref<256xi32, #tpu.memory_space<vmem>>, %arg11: memref<256xi32, #tpu.memory_space<vmem>>, %arg12: memref<256xi32, #tpu.memory_space<vmem>>, %arg13: memref<256xi32, #tpu.memory_space<vmem>>, %arg14: memref<256xi32, #tpu.memory_space<vmem>>, %arg15: memref<256xi32, #tpu.memory_space<vmem>>, %arg16: memref<256x32xi32, #tpu.memory_space<vmem>>, %arg17: memref<256x32xi32, #tpu.memory_space<vmem>>, %arg18: memref<256x32xi32, #tpu.memory_space<vmem>>, %arg19: memref<256x32xi32, #tpu.memory_space<vmem>>, %arg20: memref<32x256xi32, #tpu.memory_space<vmem>>, %arg21: memref<32x256xi32, #tpu.memory_space<vmem>>, %arg22: memref<64x16xf32, #tpu.memory_space<vmem>>, %arg23: memref<16xf32, #tpu.memory_space<vmem>>, %arg24: memref<!tpu.dma_semaphore, #tpu.memory_space<semaphore_mem>>, %arg25: memref<!tpu.dma_semaphore, #tpu.memory_space<semaphore_mem>>, %arg26: memref<!tpu.dma_semaphore, #tpu.memory_space<semaphore_mem>>, %arg27: memref<!tpu.dma_semaphore, #tpu.memory_space<semaphore_mem>>) attributes {dimension_semantics = [#tpu.dimension_semantics<core_parallel>, #tpu.dimension_semantics<subcore_parallel>], iteration_bounds = array<i64: 2, 16>, scalar_prefetch = 0 : i64, scratch_operands = 18 : i64, tpu.core_type = #tpu.core_type<sc_vector_subcore>, window_params = [{transform_indices = #map}, {transform_indices = #map}, {transform_indices = #map}, {transform_indices = #map1}, {transform_indices = #map1}, {transform_indices = #map1}, {transform_indices = #map1}, {transform_indices = #map2}]} {
    %mul3A = arith.constant 2 : i32
    %mul3A_0 = arith.muli %arg1, %mul3A : i32
    %add3A = arith.addi %mul3A_0, %arg0 : i32
    %broadcast_in_dim3A = arith.constant 0.000000e+00 : f32
    %broadcast_in_dim3A_1 = vector.broadcast %broadcast_in_dim3A : f32 to vector<16xf32>
    %swap3A = arith.constant 0 : i32
    %swap3A_2 = arith.index_cast %swap3A : i32 to index
    %swap3A_3 = arith.constant 0 : index
    %swap3A_4 = tpu.vector_load %arg22[%swap3A_2, %swap3A_3] {strides = array<i32>} : memref<64x16xf32, #tpu.memory_space<vmem>>, vector<16xf32>,
    tpu.vector_store %arg22[%swap3A_2, %swap3A_3], %broadcast_in_dim3A_1 {strides = array<i32>} : memref<64x16xf32, #tpu.memory_space<vmem>>, vector<16xf32>,
    %swap3A_5 = arith.constant 1 : i32
    %swap3A_6 = arith.index_cast %swap3A_5 : i32 to index
    %swap3A_7 = arith.constant 0 : index
    %swap3A_8 = tpu.vector_load %arg22[%swap3A_6, %swap3A_7] {strides = array<i32>} : memref<64x16xf32, #tpu.memory_space<vmem>>, vector<16xf32>,
    tpu.vector_store %arg22[%swap3A_6, %swap3A_7], %broadcast_in_dim3A_1 {strides = array<i32>} : memref<64x16xf32, #tpu.memory_space<vmem>>, vector<16xf32>,
    %swap3A_9 = arith.constant 2 : i32
    %swap3A_10 = arith.index_cast %swap3A_9 : i32 to index
    %swap3A_11 = arith.constant 0 : index
    %swap3A_12 = tpu.vector_load %arg22[%swap3A_10, %swap3A_11] {strides = array<i32>} : memref<64x16xf32, #tpu.memory_space<vmem>>, vector<16xf32>,
    tpu.vector_store %arg22[%swap3A_10, %swap3A_11], %broadcast_in_dim3A_1 {strides = array<i32>} : memref<64x16xf32, #tpu.memory_space<vmem>>, vector<16xf32>,
    %swap3A_13 = arith.constant 3 : i32
    %swap3A_14 = arith.index_cast %swap3A_13 : i32 to index
    %swap3A_15 = arith.constant 0 : index
    %swap3A_16 = tpu.vector_load %arg22[%swap3A_14, %swap3A_15] {strides = array<i32>} : memref<64x16xf32, #tpu.memory_space<vmem>>, vector<16xf32>,
    tpu.vector_store %arg22[%swap3A_14, %swap3A_15], %broadcast_in_dim3A_1 {strides = array<i32>} : memref<64x16xf32, #tpu.memory_space<vmem>>, vector<16xf32>,
    %swap3A_17 = arith.constant 4 : i32
    %swap3A_18 = arith.index_cast %swap3A_17 : i32 to index
    %swap3A_19 = arith.constant 0 : index
    %swap3A_20 = tpu.vector_load %arg22[%swap3A_18, %swap3A_19] {strides = array<i32>} : memref<64x16xf32, #tpu.memory_space<vmem>>, vector<16xf32>,
    tpu.vector_store %arg22[%swap3A_18, %swap3A_19], %broadcast_in_dim3A_1 {strides = array<i32>} : memref<64x16xf32, #tpu.memory_space<vmem>>, vector<16xf32>,
    %swap3A_21 = arith.constant 5 : i32
    %swap3A_22 = arith.index_cast %swap3A_21 : i32 to index
    %swap3A_23 = arith.constant 0 : index
    %swap3A_24 = tpu.vector_load %arg22[%swap3A_22, %swap3A_23] {strides = array<i32>} : memref<64x16xf32, #tpu.memory_space<vmem>>, vector<16xf32>,
    tpu.vector_store %arg22[%swap3A_22, %swap3A_23], %broadcast_in_dim3A_1 {strides = array<i32>} : memref<64x16xf32, #tpu.memory_space<vmem>>, vector<16xf32>,
    %swap3A_25 = arith.constant 6 : i32
    %swap3A_26 = arith.index_cast %swap3A_25 : i32 to index
    %swap3A_27 = arith.constant 0 : index
    %swap3A_28 = tpu.vector_load %arg22[%swap3A_26, %swap3A_27] {strides = array<i32>} : memref<64x16xf32, #tpu.memory_space<vmem>>, vector<16xf32>,
    tpu.vector_store %arg22[%swap3A_26, %swap3A_27], %broadcast_in_dim3A_1 {strides = array<i32>} : memref<64x16xf32, #tpu.memory_space<vmem>>, vector<16xf32>,
    %swap3A_29 = arith.constant 7 : i32
    %swap3A_30 = arith.index_cast %swap3A_29 : i32 to index
    %swap3A_31 = arith.constant 0 : index
    %swap3A_32 = tpu.vector_load %arg22[%swap3A_30, %swap3A_31] {strides = array<i32>} : memref<64x16xf32, #tpu.memory_space<vmem>>, vector<16xf32>,
    tpu.vector_store %arg22[%swap3A_30, %swap3A_31], %broadcast_in_dim3A_1 {strides = array<i32>} : memref<64x16xf32, #tpu.memory_space<vmem>>, vector<16xf32>,
    %swap3A_33 = arith.constant 8 : i32
    %swap3A_34 = arith.index_cast %swap3A_33 : i32 to index
    %swap3A_35 = arith.constant 0 : index
    %swap3A_36 = tpu.vector_load %arg22[%swap3A_34, %swap3A_35] {strides = array<i32>} : memref<64x16xf32, #tpu.memory_space<vmem>>, vector<16xf32>,
    tpu.vector_store %arg22[%swap3A_34, %swap3A_35], %broadcast_in_dim3A_1 {strides = array<i32>} : memref<64x16xf32, #tpu.memory_space<vmem>>, vector<16xf32>,
    %swap3A_37 = arith.constant 9 : i32
    %swap3A_38 = arith.index_cast %swap3A_37 : i32 to index
    %swap3A_39 = arith.constant 0 : index
    %swap3A_40 = tpu.vector_load %arg22[%swap3A_38, %swap3A_39] {strides = array<i32>} : memref<64x16xf32, #tpu.memory_space<vmem>>, vector<16xf32>,
    tpu.vector_store %arg22[%swap3A_38, %swap3A_39], %broadcast_in_dim3A_1 {strides = array<i32>} : memref<64x16xf32, #tpu.memory_space<vmem>>, vector<16xf32>,
    %swap3A_41 = arith.constant 10 : i32
    %swap3A_42 = arith.index_cast %swap3A_41 : i32 to index
    %swap3A_43 = arith.constant 0 : index
    %swap3A_44 = tpu.vector_load %arg22[%swap3A_42, %swap3A_43] {strides = array<i32>} : memref<64x16xf32, #tpu.memory_space<vmem>>, vector<16xf32>,
    tpu.vector_store %arg22[%swap3A_42, %swap3A_43], %broadcast_in_dim3A_1 {strides = array<i32>} : memref<64x16xf32, #tpu.memory_space<vmem>>, vector<16xf32>,
    %swap3A_45 = arith.constant 11 : i32
    %swap3A_46 = arith.index_cast %swap3A_45 : i32 to index
    %swap3A_47 = arith.constant 0 : index
    %swap3A_48 = tpu.vector_load %arg22[%swap3A_46, %swap3A_47] {strides = array<i32>} : memref<64x16xf32, #tpu.memory_space<vmem>>, vector<16xf32>,
    tpu.vector_store %arg22[%swap3A_46, %swap3A_47], %broadcast_in_dim3A_1 {strides = array<i32>} : memref<64x16xf32, #tpu.memory_space<vmem>>, vector<16xf32>,
    %swap3A_49 = arith.constant 12 : i32
    %swap3A_50 = arith.index_cast %swap3A_49 : i32 to index
    %swap3A_51 = arith.constant 0 : index
    %swap3A_52 = tpu.vector_load %arg22[%swap3A_50, %swap3A_51] {strides = array<i32>} : memref<64x16xf32, #tpu.memory_space<vmem>>, vector<16xf32>,
    tpu.vector_store %arg22[%swap3A_50, %swap3A_51], %broadcast_in_dim3A_1 {strides = array<i32>} : memref<64x16xf32, #tpu.memory_space<vmem>>, vector<16xf32>,
    %swap3A_53 = arith.constant 13 : i32
    %swap3A_54 = arith.index_cast %swap3A_53 : i32 to index
    %swap3A_55 = arith.constant 0 : index
    %swap3A_56 = tpu.vector_load %arg22[%swap3A_54, %swap3A_55] {strides = array<i32>} : memref<64x16xf32, #tpu.memory_space<vmem>>, vector<16xf32>,
    tpu.vector_store %arg22[%swap3A_54, %swap3A_55], %broadcast_in_dim3A_1 {strides = array<i32>} : memref<64x16xf32, #tpu.memory_space<vmem>>, vector<16xf32>,
    %swap3A_57 = arith.constant 14 : i32
    %swap3A_58 = arith.index_cast %swap3A_57 : i32 to index
    %swap3A_59 = arith.constant 0 : index
    %swap3A_60 = tpu.vector_load %arg22[%swap3A_58, %swap3A_59] {strides = array<i32>} : memref<64x16xf32, #tpu.memory_space<vmem>>, vector<16xf32>,
    tpu.vector_store %arg22[%swap3A_58, %swap3A_59], %broadcast_in_dim3A_1 {strides = array<i32>} : memref<64x16xf32, #tpu.memory_space<vmem>>, vector<16xf32>,
    %swap3A_61 = arith.constant 15 : i32
    %swap3A_62 = arith.index_cast %swap3A_61 : i32 to index
    %swap3A_63 = arith.constant 0 : index
    %swap3A_64 = tpu.vector_load %arg22[%swap3A_62, %swap3A_63] {strides = array<i32>} : memref<64x16xf32, #tpu.memory_space<vmem>>, vector<16xf32>,
    tpu.vector_store %arg22[%swap3A_62, %swap3A_63], %broadcast_in_dim3A_1 {strides = array<i32>} : memref<64x16xf32, #tpu.memory_space<vmem>>, vector<16xf32>,
    %swap3A_65 = arith.constant 16 : i32
    %swap3A_66 = arith.index_cast %swap3A_65 : i32 to index
    %swap3A_67 = arith.constant 0 : index
    %swap3A_68 = tpu.vector_load %arg22[%swap3A_66, %swap3A_67] {strides = array<i32>} : memref<64x16xf32, #tpu.memory_space<vmem>>, vector<16xf32>,
    tpu.vector_store %arg22[%swap3A_66, %swap3A_67], %broadcast_in_dim3A_1 {strides = array<i32>} : memref<64x16xf32, #tpu.memory_space<vmem>>, vector<16xf32>,
    %swap3A_69 = arith.constant 17 : i32
    %swap3A_70 = arith.index_cast %swap3A_69 : i32 to index
    %swap3A_71 = arith.constant 0 : index
    %swap3A_72 = tpu.vector_load %arg22[%swap3A_70, %swap3A_71] {strides = array<i32>} : memref<64x16xf32, #tpu.memory_space<vmem>>, vector<16xf32>,
    tpu.vector_store %arg22[%swap3A_70, %swap3A_71], %broadcast_in_dim3A_1 {strides = array<i32>} : memref<64x16xf32, #tpu.memory_space<vmem>>, vector<16xf32>,
    %swap3A_73 = arith.constant 18 : i32
    %swap3A_74 = arith.index_cast %swap3A_73 : i32 to index
    %swap3A_75 = arith.constant 0 : index
    %swap3A_76 = tpu.vector_load %arg22[%swap3A_74, %swap3A_75] {strides = array<i32>} : memref<64x16xf32, #tpu.memory_space<vmem>>, vector<16xf32>,
    tpu.vector_store %arg22[%swap3A_74, %swap3A_75], %broadcast_in_dim3A_1 {strides = array<i32>} : memref<64x16xf32, #tpu.memory_space<vmem>>, vector<16xf32>,
    %swap3A_77 = arith.constant 19 : i32
    %swap3A_78 = arith.index_cast %swap3A_77 : i32 to index
    %swap3A_79 = arith.constant 0 : index
    %swap3A_80 = tpu.vector_load %arg22[%swap3A_78, %swap3A_79] {strides = array<i32>} : memref<64x16xf32, #tpu.memory_space<vmem>>, vector<16xf32>,
    tpu.vector_store %arg22[%swap3A_78, %swap3A_79], %broadcast_in_dim3A_1 {strides = array<i32>} : memref<64x16xf32, #tpu.memory_space<vmem>>, vector<16xf32>,
    %swap3A_81 = arith.constant 20 : i32
    %swap3A_82 = arith.index_cast %swap3A_81 : i32 to index
    %swap3A_83 = arith.constant 0 : index
    %swap3A_84 = tpu.vector_load %arg22[%swap3A_82, %swap3A_83] {strides = array<i32>} : memref<64x16xf32, #tpu.memory_space<vmem>>, vector<16xf32>,
    tpu.vector_store %arg22[%swap3A_82, %swap3A_83], %broadcast_in_dim3A_1 {strides = array<i32>} : memref<64x16xf32, #tpu.memory_space<vmem>>, vector<16xf32>,
    %swap3A_85 = arith.constant 21 : i32
    %swap3A_86 = arith.index_cast %swap3A_85 : i32 to index
    %swap3A_87 = arith.constant 0 : index
    %swap3A_88 = tpu.vector_load %arg22[%swap3A_86, %swap3A_87] {strides = array<i32>} : memref<64x16xf32, #tpu.memory_space<vmem>>, vector<16xf32>,
    tpu.vector_store %arg22[%swap3A_86, %swap3A_87], %broadcast_in_dim3A_1 {strides = array<i32>} : memref<64x16xf32, #tpu.memory_space<vmem>>, vector<16xf32>,
    %swap3A_89 = arith.constant 22 : i32
    %swap3A_90 = arith.index_cast %swap3A_89 : i32 to index
    %swap3A_91 = arith.constant 0 : index
    %swap3A_92 = tpu.vector_load %arg22[%swap3A_90, %swap3A_91] {strides = array<i32>} : memref<64x16xf32, #tpu.memory_space<vmem>>, vector<16xf32>,
    tpu.vector_store %arg22[%swap3A_90, %swap3A_91], %broadcast_in_dim3A_1 {strides = array<i32>} : memref<64x16xf32, #tpu.memory_space<vmem>>, vector<16xf32>,
    %swap3A_93 = arith.constant 23 : i32
    %swap3A_94 = arith.index_cast %swap3A_93 : i32 to index
    %swap3A_95 = arith.constant 0 : index
    %swap3A_96 = tpu.vector_load %arg22[%swap3A_94, %swap3A_95] {strides = array<i32>} : memref<64x16xf32, #tpu.memory_space<vmem>>, vector<16xf32>,
    tpu.vector_store %arg22[%swap3A_94, %swap3A_95], %broadcast_in_dim3A_1 {strides = array<i32>} : memref<64x16xf32, #tpu.memory_space<vmem>>, vector<16xf32>,
    %swap3A_97 = arith.constant 24 : i32
    %swap3A_98 = arith.index_cast %swap3A_97 : i32 to index
    %swap3A_99 = arith.constant 0 : index
    %swap3A_100 = tpu.vector_load %arg22[%swap3A_98, %swap3A_99] {strides = array<i32>} : memref<64x16xf32, #tpu.memory_space<vmem>>, vector<16xf32>,
    tpu.vector_store %arg22[%swap3A_98, %swap3A_99], %broadcast_in_dim3A_1 {strides = array<i32>} : memref<64x16xf32, #tpu.memory_space<vmem>>, vector<16xf32>,
    %swap3A_101 = arith.constant 25 : i32
    %swap3A_102 = arith.index_cast %swap3A_101 : i32 to index
    %swap3A_103 = arith.constant 0 : index
    %swap3A_104 = tpu.vector_load %arg22[%swap3A_102, %swap3A_103] {strides = array<i32>} : memref<64x16xf32, #tpu.memory_space<vmem>>, vector<16xf32>,
    tpu.vector_store %arg22[%swap3A_102, %swap3A_103], %broadcast_in_dim3A_1 {strides = array<i32>} : memref<64x16xf32, #tpu.memory_space<vmem>>, vector<16xf32>,
    %swap3A_105 = arith.constant 26 : i32
    %swap3A_106 = arith.index_cast %swap3A_105 : i32 to index
    %swap3A_107 = arith.constant 0 : index
    %swap3A_108 = tpu.vector_load %arg22[%swap3A_106, %swap3A_107] {strides = array<i32>} : memref<64x16xf32, #tpu.memory_space<vmem>>, vector<16xf32>,
    tpu.vector_store %arg22[%swap3A_106, %swap3A_107], %broadcast_in_dim3A_1 {strides = array<i32>} : memref<64x16xf32, #tpu.memory_space<vmem>>, vector<16xf32>,
    %swap3A_109 = arith.constant 27 : i32
    %swap3A_110 = arith.index_cast %swap3A_109 : i32 to index
    %swap3A_111 = arith.constant 0 : index
    %swap3A_112 = tpu.vector_load %arg22[%swap3A_110, %swap3A_111] {strides = array<i32>} : memref<64x16xf32, #tpu.memory_space<vmem>>, vector<16xf32>,
    tpu.vector_store %arg22[%swap3A_110, %swap3A_111], %broadcast_in_dim3A_1 {strides = array<i32>} : memref<64x16xf32, #tpu.memory_space<vmem>>, vector<16xf32>,
    %swap3A_113 = arith.constant 28 : i32
    %swap3A_114 = arith.index_cast %swap3A_113 : i32 to index
    %swap3A_115 = arith.constant 0 : index
    %swap3A_116 = tpu.vector_load %arg22[%swap3A_114, %swap3A_115] {strides = array<i32>} : memref<64x16xf32, #tpu.memory_space<vmem>>, vector<16xf32>,
    tpu.vector_store %arg22[%swap3A_114, %swap3A_115], %broadcast_in_dim3A_1 {strides = array<i32>} : memref<64x16xf32, #tpu.memory_space<vmem>>, vector<16xf32>,
    %swap3A_117 = arith.constant 29 : i32
    %swap3A_118 = arith.index_cast %swap3A_117 : i32 to index
    %swap3A_119 = arith.constant 0 : index
    %swap3A_120 = tpu.vector_load %arg22[%swap3A_118, %swap3A_119] {strides = array<i32>} : memref<64x16xf32, #tpu.memory_space<vmem>>, vector<16xf32>,
    tpu.vector_store %arg22[%swap3A_118, %swap3A_119], %broadcast_in_dim3A_1 {strides = array<i32>} : memref<64x16xf32, #tpu.memory_space<vmem>>, vector<16xf32>,
    %swap3A_121 = arith.constant 30 : i32
    %swap3A_122 = arith.index_cast %swap3A_121 : i32 to index
    %swap3A_123 = arith.constant 0 : index
    %swap3A_124 = tpu.vector_load %arg22[%swap3A_122, %swap3A_123] {strides = array<i32>} : memref<64x16xf32, #tpu.memory_space<vmem>>, vector<16xf32>,
    tpu.vector_store %arg22[%swap3A_122, %swap3A_123], %broadcast_in_dim3A_1 {strides = array<i32>} : memref<64x16xf32, #tpu.memory_space<vmem>>, vector<16xf32>,
    %swap3A_125 = arith.constant 31 : i32
    %swap3A_126 = arith.index_cast %swap3A_125 : i32 to index
    %swap3A_127 = arith.constant 0 : index
    %swap3A_128 = tpu.vector_load %arg22[%swap3A_126, %swap3A_127] {strides = array<i32>} : memref<64x16xf32, #tpu.memory_space<vmem>>, vector<16xf32>,
    tpu.vector_store %arg22[%swap3A_126, %swap3A_127], %broadcast_in_dim3A_1 {strides = array<i32>} : memref<64x16xf32, #tpu.memory_space<vmem>>, vector<16xf32>,
    %swap3A_129 = arith.constant 32 : i32
    %swap3A_130 = arith.index_cast %swap3A_129 : i32 to index
    %swap3A_131 = arith.constant 0 : index
    %swap3A_132 = tpu.vector_load %arg22[%swap3A_130, %swap3A_131] {strides = array<i32>} : memref<64x16xf32, #tpu.memory_space<vmem>>, vector<16xf32>,
    tpu.vector_store %arg22[%swap3A_130, %swap3A_131], %broadcast_in_dim3A_1 {strides = array<i32>} : memref<64x16xf32, #tpu.memory_space<vmem>>, vector<16xf32>,
    %swap3A_133 = arith.constant 33 : i32
    %swap3A_134 = arith.index_cast %swap3A_133 : i32 to index
    %swap3A_135 = arith.constant 0 : index
    %swap3A_136 = tpu.vector_load %arg22[%swap3A_134, %swap3A_135] {strides = array<i32>} : memref<64x16xf32, #tpu.memory_space<vmem>>, vector<16xf32>,
    tpu.vector_store %arg22[%swap3A_134, %swap3A_135], %broadcast_in_dim3A_1 {strides = array<i32>} : memref<64x16xf32, #tpu.memory_space<vmem>>, vector<16xf32>,
    %swap3A_137 = arith.constant 34 : i32
    %swap3A_138 = arith.index_cast %swap3A_137 : i32 to index
    %swap3A_139 = arith.constant 0 : index
    %swap3A_140 = tpu.vector_load %arg22[%swap3A_138, %swap3A_139] {strides = array<i32>} : memref<64x16xf32, #tpu.memory_space<vmem>>, vector<16xf32>,
    tpu.vector_store %arg22[%swap3A_138, %swap3A_139], %broadcast_in_dim3A_1 {strides = array<i32>} : memref<64x16xf32, #tpu.memory_space<vmem>>, vector<16xf32>,
    %swap3A_141 = arith.constant 35 : i32
    %swap3A_142 = arith.index_cast %swap3A_141 : i32 to index
    %swap3A_143 = arith.constant 0 : index
    %swap3A_144 = tpu.vector_load %arg22[%swap3A_142, %swap3A_143] {strides = array<i32>} : memref<64x16xf32, #tpu.memory_space<vmem>>, vector<16xf32>,
    tpu.vector_store %arg22[%swap3A_142, %swap3A_143], %broadcast_in_dim3A_1 {strides = array<i32>} : memref<64x16xf32, #tpu.memory_space<vmem>>, vector<16xf32>,
    %swap3A_145 = arith.constant 36 : i32
    %swap3A_146 = arith.index_cast %swap3A_145 : i32 to index
    %swap3A_147 = arith.constant 0 : index
    %swap3A_148 = tpu.vector_load %arg22[%swap3A_146, %swap3A_147] {strides = array<i32>} : memref<64x16xf32, #tpu.memory_space<vmem>>, vector<16xf32>,
    tpu.vector_store %arg22[%swap3A_146, %swap3A_147], %broadcast_in_dim3A_1 {strides = array<i32>} : memref<64x16xf32, #tpu.memory_space<vmem>>, vector<16xf32>,
    %swap3A_149 = arith.constant 37 : i32
    %swap3A_150 = arith.index_cast %swap3A_149 : i32 to index
    %swap3A_151 = arith.constant 0 : index
    %swap3A_152 = tpu.vector_load %arg22[%swap3A_150, %swap3A_151] {strides = array<i32>} : memref<64x16xf32, #tpu.memory_space<vmem>>, vector<16xf32>,
    tpu.vector_store %arg22[%swap3A_150, %swap3A_151], %broadcast_in_dim3A_1 {strides = array<i32>} : memref<64x16xf32, #tpu.memory_space<vmem>>, vector<16xf32>,
    %swap3A_153 = arith.constant 38 : i32
    %swap3A_154 = arith.index_cast %swap3A_153 : i32 to index
    %swap3A_155 = arith.constant 0 : index
    %swap3A_156 = tpu.vector_load %arg22[%swap3A_154, %swap3A_155] {strides = array<i32>} : memref<64x16xf32, #tpu.memory_space<vmem>>, vector<16xf32>,
    tpu.vector_store %arg22[%swap3A_154, %swap3A_155], %broadcast_in_dim3A_1 {strides = array<i32>} : memref<64x16xf32, #tpu.memory_space<vmem>>, vector<16xf32>,
    %swap3A_157 = arith.constant 39 : i32
    %swap3A_158 = arith.index_cast %swap3A_157 : i32 to index
    %swap3A_159 = arith.constant 0 : index
    %swap3A_160 = tpu.vector_load %arg22[%swap3A_158, %swap3A_159] {strides = array<i32>} : memref<64x16xf32, #tpu.memory_space<vmem>>, vector<16xf32>,
    tpu.vector_store %arg22[%swap3A_158, %swap3A_159], %broadcast_in_dim3A_1 {strides = array<i32>} : memref<64x16xf32, #tpu.memory_space<vmem>>, vector<16xf32>,
    %swap3A_161 = arith.constant 40 : i32
    %swap3A_162 = arith.index_cast %swap3A_161 : i32 to index
    %swap3A_163 = arith.constant 0 : index
    %swap3A_164 = tpu.vector_load %arg22[%swap3A_162, %swap3A_163] {strides = array<i32>} : memref<64x16xf32, #tpu.memory_space<vmem>>, vector<16xf32>,
    tpu.vector_store %arg22[%swap3A_162, %swap3A_163], %broadcast_in_dim3A_1 {strides = array<i32>} : memref<64x16xf32, #tpu.memory_space<vmem>>, vector<16xf32>,
    %swap3A_165 = arith.constant 41 : i32
    %swap3A_166 = arith.index_cast %swap3A_165 : i32 to index
    %swap3A_167 = arith.constant 0 : index
    %swap3A_168 = tpu.vector_load %arg22[%swap3A_166, %swap3A_167] {strides = array<i32>} : memref<64x16xf32, #tpu.memory_space<vmem>>, vector<16xf32>,
    tpu.vector_store %arg22[%swap3A_166, %swap3A_167], %broadcast_in_dim3A_1 {strides = array<i32>} : memref<64x16xf32, #tpu.memory_space<vmem>>, vector<16xf32>,
    %swap3A_169 = arith.constant 42 : i32
    %swap3A_170 = arith.index_cast %swap3A_169 : i32 to index
    %swap3A_171 = arith.constant 0 : index
    %swap3A_172 = tpu.vector_load %arg22[%swap3A_170, %swap3A_171] {strides = array<i32>} : memref<64x16xf32, #tpu.memory_space<vmem>>, vector<16xf32>,
    tpu.vector_store %arg22[%swap3A_170, %swap3A_171], %broadcast_in_dim3A_1 {strides = array<i32>} : memref<64x16xf32, #tpu.memory_space<vmem>>, vector<16xf32>,
    %swap3A_173 = arith.constant 43 : i32
    %swap3A_174 = arith.index_cast %swap3A_173 : i32 to index
    %swap3A_175 = arith.constant 0 : index
    %swap3A_176 = tpu.vector_load %arg22[%swap3A_174, %swap3A_175] {strides = array<i32>} : memref<64x16xf32, #tpu.memory_space<vmem>>, vector<16xf32>,
    tpu.vector_store %arg22[%swap3A_174, %swap3A_175], %broadcast_in_dim3A_1 {strides = array<i32>} : memref<64x16xf32, #tpu.memory_space<vmem>>, vector<16xf32>,
    %swap3A_177 = arith.constant 44 : i32
    %swap3A_178 = arith.index_cast %swap3A_177 : i32 to index
    %swap3A_179 = arith.constant 0 : index
    %swap3A_180 = tpu.vector_load %arg22[%swap3A_178, %swap3A_179] {strides = array<i32>} : memref<64x16xf32, #tpu.memory_space<vmem>>, vector<16xf32>,
    tpu.vector_store %arg22[%swap3A_178, %swap3A_179], %broadcast_in_dim3A_1 {strides = array<i32>} : memref<64x16xf32, #tpu.memory_space<vmem>>, vector<16xf32>,
    %swap3A_181 = arith.constant 45 : i32
    %swap3A_182 = arith.index_cast %swap3A_181 : i32 to index
    %swap3A_183 = arith.constant 0 : index
    %swap3A_184 = tpu.vector_load %arg22[%swap3A_182, %swap3A_183] {strides = array<i32>} : memref<64x16xf32, #tpu.memory_space<vmem>>, vector<16xf32>,
    tpu.vector_store %arg22[%swap3A_182, %swap3A_183], %broadcast_in_dim3A_1 {strides = array<i32>} : memref<64x16xf32, #tpu.memory_space<vmem>>, vector<16xf32>,
    %swap3A_185 = arith.constant 46 : i32
    %swap3A_186 = arith.index_cast %swap3A_185 : i32 to index
    %swap3A_187 = arith.constant 0 : index
    %swap3A_188 = tpu.vector_load %arg22[%swap3A_186, %swap3A_187] {strides = array<i32>} : memref<64x16xf32, #tpu.memory_space<vmem>>, vector<16xf32>,
    tpu.vector_store %arg22[%swap3A_186, %swap3A_187], %broadcast_in_dim3A_1 {strides = array<i32>} : memref<64x16xf32, #tpu.memory_space<vmem>>, vector<16xf32>,
    %swap3A_189 = arith.constant 47 : i32
    %swap3A_190 = arith.index_cast %swap3A_189 : i32 to index
    %swap3A_191 = arith.constant 0 : index
    %swap3A_192 = tpu.vector_load %arg22[%swap3A_190, %swap3A_191] {strides = array<i32>} : memref<64x16xf32, #tpu.memory_space<vmem>>, vector<16xf32>,
    tpu.vector_store %arg22[%swap3A_190, %swap3A_191], %broadcast_in_dim3A_1 {strides = array<i32>} : memref<64x16xf32, #tpu.memory_space<vmem>>, vector<16xf32>,
    %swap3A_193 = arith.constant 48 : i32
    %swap3A_194 = arith.index_cast %swap3A_193 : i32 to index
    %swap3A_195 = arith.constant 0 : index
    %swap3A_196 = tpu.vector_load %arg22[%swap3A_194, %swap3A_195] {strides = array<i32>} : memref<64x16xf32, #tpu.memory_space<vmem>>, vector<16xf32>,
    tpu.vector_store %arg22[%swap3A_194, %swap3A_195], %broadcast_in_dim3A_1 {strides = array<i32>} : memref<64x16xf32, #tpu.memory_space<vmem>>, vector<16xf32>,
    %swap3A_197 = arith.constant 49 : i32
    %swap3A_198 = arith.index_cast %swap3A_197 : i32 to index
    %swap3A_199 = arith.constant 0 : index
    %swap3A_200 = tpu.vector_load %arg22[%swap3A_198, %swap3A_199] {strides = array<i32>} : memref<64x16xf32, #tpu.memory_space<vmem>>, vector<16xf32>,
    tpu.vector_store %arg22[%swap3A_198, %swap3A_199], %broadcast_in_dim3A_1 {strides = array<i32>} : memref<64x16xf32, #tpu.memory_space<vmem>>, vector<16xf32>,
    %swap3A_201 = arith.constant 50 : i32
    %swap3A_202 = arith.index_cast %swap3A_201 : i32 to index
    %swap3A_203 = arith.constant 0 : index
    %swap3A_204 = tpu.vector_load %arg22[%swap3A_202, %swap3A_203] {strides = array<i32>} : memref<64x16xf32, #tpu.memory_space<vmem>>, vector<16xf32>,
    tpu.vector_store %arg22[%swap3A_202, %swap3A_203], %broadcast_in_dim3A_1 {strides = array<i32>} : memref<64x16xf32, #tpu.memory_space<vmem>>, vector<16xf32>,
    %swap3A_205 = arith.constant 51 : i32
    %swap3A_206 = arith.index_cast %swap3A_205 : i32 to index
    %swap3A_207 = arith.constant 0 : index
    %swap3A_208 = tpu.vector_load %arg22[%swap3A_206, %swap3A_207] {strides = array<i32>} : memref<64x16xf32, #tpu.memory_space<vmem>>, vector<16xf32>,
    tpu.vector_store %arg22[%swap3A_206, %swap3A_207], %broadcast_in_dim3A_1 {strides = array<i32>} : memref<64x16xf32, #tpu.memory_space<vmem>>, vector<16xf32>,
    %swap3A_209 = arith.constant 52 : i32
    %swap3A_210 = arith.index_cast %swap3A_209 : i32 to index
    %swap3A_211 = arith.constant 0 : index
    %swap3A_212 = tpu.vector_load %arg22[%swap3A_210, %swap3A_211] {strides = array<i32>} : memref<64x16xf32, #tpu.memory_space<vmem>>, vector<16xf32>,
    tpu.vector_store %arg22[%swap3A_210, %swap3A_211], %broadcast_in_dim3A_1 {strides = array<i32>} : memref<64x16xf32, #tpu.memory_space<vmem>>, vector<16xf32>,
    %swap3A_213 = arith.constant 53 : i32
    %swap3A_214 = arith.index_cast %swap3A_213 : i32 to index
    %swap3A_215 = arith.constant 0 : index
    %swap3A_216 = tpu.vector_load %arg22[%swap3A_214, %swap3A_215] {strides = array<i32>} : memref<64x16xf32, #tpu.memory_space<vmem>>, vector<16xf32>,
    tpu.vector_store %arg22[%swap3A_214, %swap3A_215], %broadcast_in_dim3A_1 {strides = array<i32>} : memref<64x16xf32, #tpu.memory_space<vmem>>, vector<16xf32>,
    %swap3A_217 = arith.constant 54 : i32
    %swap3A_218 = arith.index_cast %swap3A_217 : i32 to index
    %swap3A_219 = arith.constant 0 : index
    %swap3A_220 = tpu.vector_load %arg22[%swap3A_218, %swap3A_219] {strides = array<i32>} : memref<64x16xf32, #tpu.memory_space<vmem>>, vector<16xf32>,
    tpu.vector_store %arg22[%swap3A_218, %swap3A_219], %broadcast_in_dim3A_1 {strides = array<i32>} : memref<64x16xf32, #tpu.memory_space<vmem>>, vector<16xf32>,
    %swap3A_221 = arith.constant 55 : i32
    %swap3A_222 = arith.index_cast %swap3A_221 : i32 to index
    %swap3A_223 = arith.constant 0 : index
    %swap3A_224 = tpu.vector_load %arg22[%swap3A_222, %swap3A_223] {strides = array<i32>} : memref<64x16xf32, #tpu.memory_space<vmem>>, vector<16xf32>,
    tpu.vector_store %arg22[%swap3A_222, %swap3A_223], %broadcast_in_dim3A_1 {strides = array<i32>} : memref<64x16xf32, #tpu.memory_space<vmem>>, vector<16xf32>,
    %swap3A_225 = arith.constant 56 : i32
    %swap3A_226 = arith.index_cast %swap3A_225 : i32 to index
    %swap3A_227 = arith.constant 0 : index
    %swap3A_228 = tpu.vector_load %arg22[%swap3A_226, %swap3A_227] {strides = array<i32>} : memref<64x16xf32, #tpu.memory_space<vmem>>, vector<16xf32>,
    tpu.vector_store %arg22[%swap3A_226, %swap3A_227], %broadcast_in_dim3A_1 {strides = array<i32>} : memref<64x16xf32, #tpu.memory_space<vmem>>, vector<16xf32>,
    %swap3A_229 = arith.constant 57 : i32
    %swap3A_230 = arith.index_cast %swap3A_229 : i32 to index
    %swap3A_231 = arith.constant 0 : index
    %swap3A_232 = tpu.vector_load %arg22[%swap3A_230, %swap3A_231] {strides = array<i32>} : memref<64x16xf32, #tpu.memory_space<vmem>>, vector<16xf32>,
    tpu.vector_store %arg22[%swap3A_230, %swap3A_231], %broadcast_in_dim3A_1 {strides = array<i32>} : memref<64x16xf32, #tpu.memory_space<vmem>>, vector<16xf32>,
    %swap3A_233 = arith.constant 58 : i32
    %swap3A_234 = arith.index_cast %swap3A_233 : i32 to index
    %swap3A_235 = arith.constant 0 : index
    %swap3A_236 = tpu.vector_load %arg22[%swap3A_234, %swap3A_235] {strides = array<i32>} : memref<64x16xf32, #tpu.memory_space<vmem>>, vector<16xf32>,
    tpu.vector_store %arg22[%swap3A_234, %swap3A_235], %broadcast_in_dim3A_1 {strides = array<i32>} : memref<64x16xf32, #tpu.memory_space<vmem>>, vector<16xf32>,
    %swap3A_237 = arith.constant 59 : i32
    %swap3A_238 = arith.index_cast %swap3A_237 : i32 to index
    %swap3A_239 = arith.constant 0 : index
    %swap3A_240 = tpu.vector_load %arg22[%swap3A_238, %swap3A_239] {strides = array<i32>} : memref<64x16xf32, #tpu.memory_space<vmem>>, vector<16xf32>,
    tpu.vector_store %arg22[%swap3A_238, %swap3A_239], %broadcast_in_dim3A_1 {strides = array<i32>} : memref<64x16xf32, #tpu.memory_space<vmem>>, vector<16xf32>,
    %swap3A_241 = arith.constant 60 : i32
    %swap3A_242 = arith.index_cast %swap3A_241 : i32 to index
    %swap3A_243 = arith.constant 0 : index
    %swap3A_244 = tpu.vector_load %arg22[%swap3A_242, %swap3A_243] {strides = array<i32>} : memref<64x16xf32, #tpu.memory_space<vmem>>, vector<16xf32>,
    tpu.vector_store %arg22[%swap3A_242, %swap3A_243], %broadcast_in_dim3A_1 {strides = array<i32>} : memref<64x16xf32, #tpu.memory_space<vmem>>, vector<16xf32>,
    %swap3A_245 = arith.constant 61 : i32
    %swap3A_246 = arith.index_cast %swap3A_245 : i32 to index
    %swap3A_247 = arith.constant 0 : index
    %swap3A_248 = tpu.vector_load %arg22[%swap3A_246, %swap3A_247] {strides = array<i32>} : memref<64x16xf32, #tpu.memory_space<vmem>>, vector<16xf32>,
    tpu.vector_store %arg22[%swap3A_246, %swap3A_247], %broadcast_in_dim3A_1 {strides = array<i32>} : memref<64x16xf32, #tpu.memory_space<vmem>>, vector<16xf32>,
    %swap3A_249 = arith.constant 62 : i32
    %swap3A_250 = arith.index_cast %swap3A_249 : i32 to index
    %swap3A_251 = arith.constant 0 : index
    %swap3A_252 = tpu.vector_load %arg22[%swap3A_250, %swap3A_251] {strides = array<i32>} : memref<64x16xf32, #tpu.memory_space<vmem>>, vector<16xf32>,
    tpu.vector_store %arg22[%swap3A_250, %swap3A_251], %broadcast_in_dim3A_1 {strides = array<i32>} : memref<64x16xf32, #tpu.memory_space<vmem>>, vector<16xf32>,
    %swap3A_253 = arith.constant 63 : i32
    %swap3A_254 = arith.index_cast %swap3A_253 : i32 to index
    %swap3A_255 = arith.constant 0 : index
    %swap3A_256 = tpu.vector_load %arg22[%swap3A_254, %swap3A_255] {strides = array<i32>} : memref<64x16xf32, #tpu.memory_space<vmem>>, vector<16xf32>,
    tpu.vector_store %arg22[%swap3A_254, %swap3A_255], %broadcast_in_dim3A_1 {strides = array<i32>} : memref<64x16xf32, #tpu.memory_space<vmem>>, vector<16xf32>,
    %iota3A = tpu.iota {dimensions = array<i32: 0>} : vector<16xi32>
    "tpu.region"() ({
      %run_scoped3A = tpu.sem_alloc : memref<!tpu.dma_semaphore, #tpu.memory_space<semaphore_mem>>
      tpu.enqueue_dma source(%arg8 : memref<16xf32, #tpu.memory_space<hbm>>) target(%arg23 : memref<16xf32, #tpu.memory_space<vmem>>) target_semaphore(%run_scoped3A : memref<!tpu.dma_semaphore, #tpu.memory_space<semaphore_mem>>)
      tpu.wait_dma2 semaphore(%run_scoped3A : memref<!tpu.dma_semaphore, #tpu.memory_space<semaphore_mem>>) src(%arg8 : memref<16xf32, #tpu.memory_space<hbm>>) dst(%arg23 : memref<16xf32, #tpu.memory_space<vmem>>)
      tpu.yield
    }) : () -> ()
    %get3A = arith.constant 0 : index
    %get3A_257 = tpu.vector_load %arg23[%get3A] {strides = array<i32>} : memref<16xf32, #tpu.memory_space<vmem>>, vector<16xf32>,
    %add3A_258 = arith.constant 0 : i32
    %add3A_259 = arith.addi %add3A, %add3A_258 : i32
    %lt3A = arith.constant 3125 : i32
    %lt3A_260 = arith.cmpi slt, %add3A_259, %lt3A : i32
    %and3A = arith.constant true
    %and3A_261 = arith.andi %and3A, %lt3A_260 : i1
    %convert_element_type3A = arith.extui %and3A_261 : i1 to i32
    %cond3A = arith.constant 0 : i32
    %cond3A_262 = arith.cmpi ne, %convert_element_type3A, %cond3A : i32
    scf.if %cond3A_262 {
      %mul3A_287 = arith.constant 256 : i32
      %mul3A_288 = arith.muli %add3A_259, %mul3A_287 : i32
      %dma_start3A = tpu.memref_slice %arg5[%mul3A_288] : memref<800000xi32, #tpu.memory_space<hbm>> -> memref<256xi32, #tpu.memory_space<hbm>>
      %dma_start3A_289 = tpu.memref_slice %arg5[%mul3A_288] : memref<800000xi32, #tpu.memory_space<hbm>> -> memref<256xi32, #tpu.memory_space<hbm>>
      tpu.enqueue_dma source(%dma_start3A_289 : memref<256xi32, #tpu.memory_space<hbm>>) target(%arg10 : memref<256xi32, #tpu.memory_space<vmem>>) target_semaphore(%arg24 : memref<!tpu.dma_semaphore, #tpu.memory_space<semaphore_mem>>)
      %dma_start3A_290 = tpu.memref_slice %arg6[%mul3A_288] : memref<800000xi32, #tpu.memory_space<hbm>> -> memref<256xi32, #tpu.memory_space<hbm>>
      %dma_start3A_291 = tpu.memref_slice %arg6[%mul3A_288] : memref<800000xi32, #tpu.memory_space<hbm>> -> memref<256xi32, #tpu.memory_space<hbm>>
      tpu.enqueue_dma source(%dma_start3A_291 : memref<256xi32, #tpu.memory_space<hbm>>) target(%arg12 : memref<256xi32, #tpu.memory_space<vmem>>) target_semaphore(%arg24 : memref<!tpu.dma_semaphore, #tpu.memory_space<semaphore_mem>>)
      %dma_start3A_292 = tpu.memref_slice %arg7[%mul3A_288] : memref<800000xi32, #tpu.memory_space<hbm>> -> memref<256xi32, #tpu.memory_space<hbm>>
      %dma_start3A_293 = tpu.memref_slice %arg7[%mul3A_288] : memref<800000xi32, #tpu.memory_space<hbm>> -> memref<256xi32, #tpu.memory_space<hbm>>
      tpu.enqueue_dma source(%dma_start3A_293 : memref<256xi32, #tpu.memory_space<hbm>>) target(%arg14 : memref<256xi32, #tpu.memory_space<vmem>>) target_semaphore(%arg24 : memref<!tpu.dma_semaphore, #tpu.memory_space<semaphore_mem>>)
    } else {
    }
    %add3A_263 = arith.constant 0 : i32
    %add3A_264 = arith.addi %add3A, %add3A_263 : i32
    %lt3A_265 = arith.constant 3125 : i32
    %lt3A_266 = arith.cmpi slt, %add3A_264, %lt3A_265 : i32
    %and3A_267 = arith.constant true
    %and3A_268 = arith.andi %and3A_267, %lt3A_266 : i1
    %convert_element_type3A_269 = arith.extui %and3A_268 : i1 to i32
    %cond3A_270 = arith.constant 0 : i32
    %cond3A_271 = arith.cmpi ne, %convert_element_type3A_269, %cond3A_270 : i32
    scf.if %cond3A_271 {
      %mul3A_287 = arith.constant 256 : i32
      %mul3A_288 = arith.muli %add3A_264, %mul3A_287 : i32
      %dma_wait3A = tpu.memref_slice %arg5[%mul3A_288] : memref<800000xi32, #tpu.memory_space<hbm>> -> memref<256xi32, #tpu.memory_space<hbm>>
      %dma_wait3A_289 = tpu.memref_slice %arg5[%mul3A_288] : memref<800000xi32, #tpu.memory_space<hbm>> -> memref<256xi32, #tpu.memory_space<hbm>>
      tpu.wait_dma2 semaphore(%arg24 : memref<!tpu.dma_semaphore, #tpu.memory_space<semaphore_mem>>) src(%dma_wait3A_289 : memref<256xi32, #tpu.memory_space<hbm>>) dst(%arg10 : memref<256xi32, #tpu.memory_space<vmem>>)
      %dma_wait3A_290 = tpu.memref_slice %arg6[%mul3A_288] : memref<800000xi32, #tpu.memory_space<hbm>> -> memref<256xi32, #tpu.memory_space<hbm>>
      %dma_wait3A_291 = tpu.memref_slice %arg6[%mul3A_288] : memref<800000xi32, #tpu.memory_space<hbm>> -> memref<256xi32, #tpu.memory_space<hbm>>
      tpu.wait_dma2 semaphore(%arg24 : memref<!tpu.dma_semaphore, #tpu.memory_space<semaphore_mem>>) src(%dma_wait3A_291 : memref<256xi32, #tpu.memory_space<hbm>>) dst(%arg12 : memref<256xi32, #tpu.memory_space<vmem>>)
      %dma_wait3A_292 = tpu.memref_slice %arg7[%mul3A_288] : memref<800000xi32, #tpu.memory_space<hbm>> -> memref<256xi32, #tpu.memory_space<hbm>>
      %dma_wait3A_293 = tpu.memref_slice %arg7[%mul3A_288] : memref<800000xi32, #tpu.memory_space<hbm>> -> memref<256xi32, #tpu.memory_space<hbm>>
      tpu.wait_dma2 semaphore(%arg24 : memref<!tpu.dma_semaphore, #tpu.memory_space<semaphore_mem>>) src(%dma_wait3A_293 : memref<256xi32, #tpu.memory_space<hbm>>) dst(%arg14 : memref<256xi32, #tpu.memory_space<vmem>>)
      %mul3A_294 = arith.constant 32 : i32
      %mul3A_295 = arith.muli %add3A_264, %mul3A_294 : i32
      %dma_start3A = arith.constant 0 : i32
      %dma_start3A_296 = arith.constant 0 : i32
      %dma_start3A_297 = tpu.memref_slice %arg16[%dma_start3A, %dma_start3A_296] : memref<256x32xi32, #tpu.memory_space<vmem>> -> memref<128x32xi32, #tpu.memory_space<vmem>>
      %dma_start3A_298 = arith.constant 0 : i32
      %dma_start3A_299 = tpu.memref_slice %arg10[%dma_start3A_298] : memref<256xi32, #tpu.memory_space<vmem>> -> memref<128xi32, #tpu.memory_space<vmem>>
      %dma_start3A_300 = arith.constant 0 : i32
      %dma_start3A_301 = arith.constant 0 : i32
      %dma_start3A_302 = tpu.memref_slice %arg2[%dma_start3A_300, %dma_start3A_301] : memref<50000x32xi32, #tpu.memory_space<hbm>> -> memref<50000x32xi32, #tpu.memory_space<hbm>>
      tpu.enqueue_indirect_dma source(%dma_start3A_302 : memref<50000x32xi32, #tpu.memory_space<hbm>>) target(%dma_start3A_297 : memref<128x32xi32, #tpu.memory_space<vmem>>) offsets(%dma_start3A_299 : memref<128xi32, #tpu.memory_space<vmem>>) semaphore(%arg26 : memref<!tpu.dma_semaphore, #tpu.memory_space<semaphore_mem>>)
      %dma_start3A_303 = arith.constant 0 : i32
      %dma_start3A_304 = arith.constant 0 : i32
      %dma_start3A_305 = tpu.memref_slice %arg18[%dma_start3A_303, %dma_start3A_304] : memref<256x32xi32, #tpu.memory_space<vmem>> -> memref<128x32xi32, #tpu.memory_space<vmem>>
      %dma_start3A_306 = arith.constant 0 : i32
      %dma_start3A_307 = tpu.memref_slice %arg12[%dma_start3A_306] : memref<256xi32, #tpu.memory_space<vmem>> -> memref<128xi32, #tpu.memory_space<vmem>>
      %dma_start3A_308 = arith.constant 0 : i32
      %dma_start3A_309 = arith.constant 0 : i32
      %dma_start3A_310 = tpu.memref_slice %arg3[%dma_start3A_308, %dma_start3A_309] : memref<50000x32xi32, #tpu.memory_space<hbm>> -> memref<50000x32xi32, #tpu.memory_space<hbm>>
      tpu.enqueue_indirect_dma source(%dma_start3A_310 : memref<50000x32xi32, #tpu.memory_space<hbm>>) target(%dma_start3A_305 : memref<128x32xi32, #tpu.memory_space<vmem>>) offsets(%dma_start3A_307 : memref<128xi32, #tpu.memory_space<vmem>>) semaphore(%arg26 : memref<!tpu.dma_semaphore, #tpu.memory_space<semaphore_mem>>)
      %dma_start3A_311 = arith.constant 128 : i32
      %dma_start3A_312 = arith.constant 0 : i32
      %dma_start3A_313 = tpu.memref_slice %arg16[%dma_start3A_311, %dma_start3A_312] : memref<256x32xi32, #tpu.memory_space<vmem>> -> memref<128x32xi32, #tpu.memory_space<vmem>>
      %dma_start3A_314 = arith.constant 128 : i32
      %dma_start3A_315 = tpu.memref_slice %arg10[%dma_start3A_314] : memref<256xi32, #tpu.memory_space<vmem>> -> memref<128xi32, #tpu.memory_space<vmem>>
      %dma_start3A_316 = arith.constant 0 : i32
      %dma_start3A_317 = arith.constant 0 : i32
      %dma_start3A_318 = tpu.memref_slice %arg2[%dma_start3A_316, %dma_start3A_317] : memref<50000x32xi32, #tpu.memory_space<hbm>> -> memref<50000x32xi32, #tpu.memory_space<hbm>>
      tpu.enqueue_indirect_dma source(%dma_start3A_318 : memref<50000x32xi32, #tpu.memory_space<hbm>>) target(%dma_start3A_313 : memref<128x32xi32, #tpu.memory_space<vmem>>) offsets(%dma_start3A_315 : memref<128xi32, #tpu.memory_space<vmem>>) semaphore(%arg26 : memref<!tpu.dma_semaphore, #tpu.memory_space<semaphore_mem>>)
      %dma_start3A_319 = arith.constant 128 : i32
      %dma_start3A_320 = arith.constant 0 : i32
      %dma_start3A_321 = tpu.memref_slice %arg18[%dma_start3A_319, %dma_start3A_320] : memref<256x32xi32, #tpu.memory_space<vmem>> -> memref<128x32xi32, #tpu.memory_space<vmem>>
      %dma_start3A_322 = arith.constant 128 : i32
      %dma_start3A_323 = tpu.memref_slice %arg12[%dma_start3A_322] : memref<256xi32, #tpu.memory_space<vmem>> -> memref<128xi32, #tpu.memory_space<vmem>>
      %dma_start3A_324 = arith.constant 0 : i32
      %dma_start3A_325 = arith.constant 0 : i32
      %dma_start3A_326 = tpu.memref_slice %arg3[%dma_start3A_324, %dma_start3A_325] : memref<50000x32xi32, #tpu.memory_space<hbm>> -> memref<50000x32xi32, #tpu.memory_space<hbm>>
      tpu.enqueue_indirect_dma source(%dma_start3A_326 : memref<50000x32xi32, #tpu.memory_space<hbm>>) target(%dma_start3A_321 : memref<128x32xi32, #tpu.memory_space<vmem>>) offsets(%dma_start3A_323 : memref<128xi32, #tpu.memory_space<vmem>>) semaphore(%arg26 : memref<!tpu.dma_semaphore, #tpu.memory_space<semaphore_mem>>)
      %dma_start3A_327 = arith.constant 0 : i32
      %dma_start3A_328 = tpu.memref_slice %arg4[%mul3A_295, %dma_start3A_327] : memref<100000x256xi32, #tpu.memory_space<hbm>> -> memref<32x256xi32, #tpu.memory_space<hbm>>
      %dma_start3A_329 = arith.constant 0 : i32
      %dma_start3A_330 = tpu.memref_slice %arg4[%mul3A_295, %dma_start3A_329] : memref<100000x256xi32, #tpu.memory_space<hbm>> -> memref<32x256xi32, #tpu.memory_space<hbm>>
      tpu.enqueue_dma source(%dma_start3A_330 : memref<32x256xi32, #tpu.memory_space<hbm>>) target(%arg20 : memref<32x256xi32, #tpu.memory_space<vmem>>) target_semaphore(%arg26 : memref<!tpu.dma_semaphore, #tpu.memory_space<semaphore_mem>>)
    } else {
    }
    %add3A_272 = arith.constant 32 : i32
    %add3A_273 = arith.addi %add3A, %add3A_272 : i32
    %lt3A_274 = arith.constant 3125 : i32
    %lt3A_275 = arith.cmpi slt, %add3A_273, %lt3A_274 : i32
    %and3A_276 = arith.constant true
    %and3A_277 = arith.andi %and3A_276, %lt3A_275 : i1
    %convert_element_type3A_278 = arith.extui %and3A_277 : i1 to i32
    %cond3A_279 = arith.constant 0 : i32
    %cond3A_280 = arith.cmpi ne, %convert_element_type3A_278, %cond3A_279 : i32
    scf.if %cond3A_280 {
      %mul3A_287 = arith.constant 256 : i32
      %mul3A_288 = arith.muli %add3A_273, %mul3A_287 : i32
      %dma_start3A = tpu.memref_slice %arg5[%mul3A_288] : memref<800000xi32, #tpu.memory_space<hbm>> -> memref<256xi32, #tpu.memory_space<hbm>>
      %dma_start3A_289 = tpu.memref_slice %arg5[%mul3A_288] : memref<800000xi32, #tpu.memory_space<hbm>> -> memref<256xi32, #tpu.memory_space<hbm>>
      tpu.enqueue_dma source(%dma_start3A_289 : memref<256xi32, #tpu.memory_space<hbm>>) target(%arg11 : memref<256xi32, #tpu.memory_space<vmem>>) target_semaphore(%arg25 : memref<!tpu.dma_semaphore, #tpu.memory_space<semaphore_mem>>)
      %dma_start3A_290 = tpu.memref_slice %arg6[%mul3A_288] : memref<800000xi32, #tpu.memory_space<hbm>> -> memref<256xi32, #tpu.memory_space<hbm>>
      %dma_start3A_291 = tpu.memref_slice %arg6[%mul3A_288] : memref<800000xi32, #tpu.memory_space<hbm>> -> memref<256xi32, #tpu.memory_space<hbm>>
      tpu.enqueue_dma source(%dma_start3A_291 : memref<256xi32, #tpu.memory_space<hbm>>) target(%arg13 : memref<256xi32, #tpu.memory_space<vmem>>) target_semaphore(%arg25 : memref<!tpu.dma_semaphore, #tpu.memory_space<semaphore_mem>>)
      %dma_start3A_292 = tpu.memref_slice %arg7[%mul3A_288] : memref<800000xi32, #tpu.memory_space<hbm>> -> memref<256xi32, #tpu.memory_space<hbm>>
      %dma_start3A_293 = tpu.memref_slice %arg7[%mul3A_288] : memref<800000xi32, #tpu.memory_space<hbm>> -> memref<256xi32, #tpu.memory_space<hbm>>
      tpu.enqueue_dma source(%dma_start3A_293 : memref<256xi32, #tpu.memory_space<hbm>>) target(%arg15 : memref<256xi32, #tpu.memory_space<vmem>>) target_semaphore(%arg25 : memref<!tpu.dma_semaphore, #tpu.memory_space<semaphore_mem>>)
    } else {
    }
    %scan3A = arith.constant 0 : i32
    %scan3A_281 = arith.constant 0 : i32
    %scan3A_282 = arith.constant 49 : i32
    %scan3A_283 = arith.addi %scan3A_281, %scan3A_282 : i32
    %scan3A_284 = arith.constant 1 : i32
    %scan3A_285 = scf.for %scan3A_287 = %scan3A_281 to %scan3A_283 step %scan3A_284 iter_args(%scan3A_288 = %scan3A) -> (i32)  : i32 {
      %mul3A_289 = arith.constant 2 : i32
      %mul3A_290 = arith.muli %mul3A_289, %scan3A_287 : i32
      %add3A_291 = arith.constant 0 : i32
      %add3A_292 = arith.addi %mul3A_290, %add3A_291 : i32
      %add3A_293 = arith.constant 1 : i32
      %add3A_294 = arith.addi %add3A_292, %add3A_293 : i32
      %mul3A_295 = arith.constant 32 : i32
      %mul3A_296 = arith.muli %mul3A_295, %add3A_294 : i32
      %add3A_297 = arith.addi %add3A, %mul3A_296 : i32
      %lt3A_298 = arith.constant 98 : i32
      %lt3A_299 = arith.cmpi slt, %add3A_294, %lt3A_298 : i32
      %lt3A_300 = arith.constant 3125 : i32
      %lt3A_301 = arith.cmpi slt, %add3A_297, %lt3A_300 : i32
      %and3A_302 = arith.andi %lt3A_299, %lt3A_301 : i1
      %convert_element_type3A_303 = arith.extui %and3A_302 : i1 to i32
      %cond3A_304 = arith.constant 0 : i32
      %cond3A_305 = arith.cmpi ne, %convert_element_type3A_303, %cond3A_304 : i32
      scf.if %cond3A_305 {
        %mul3A_366 = arith.constant 256 : i32
        %mul3A_367 = arith.muli %add3A_297, %mul3A_366 : i32
        %dma_wait3A = tpu.memref_slice %arg5[%mul3A_367] : memref<800000xi32, #tpu.memory_space<hbm>> -> memref<256xi32, #tpu.memory_space<hbm>>
        %dma_wait3A_368 = tpu.memref_slice %arg5[%mul3A_367] : memref<800000xi32, #tpu.memory_space<hbm>> -> memref<256xi32, #tpu.memory_space<hbm>>
        tpu.wait_dma2 semaphore(%arg25 : memref<!tpu.dma_semaphore, #tpu.memory_space<semaphore_mem>>) src(%dma_wait3A_368 : memref<256xi32, #tpu.memory_space<hbm>>) dst(%arg11 : memref<256xi32, #tpu.memory_space<vmem>>)
        %dma_wait3A_369 = tpu.memref_slice %arg6[%mul3A_367] : memref<800000xi32, #tpu.memory_space<hbm>> -> memref<256xi32, #tpu.memory_space<hbm>>
        %dma_wait3A_370 = tpu.memref_slice %arg6[%mul3A_367] : memref<800000xi32, #tpu.memory_space<hbm>> -> memref<256xi32, #tpu.memory_space<hbm>>
        tpu.wait_dma2 semaphore(%arg25 : memref<!tpu.dma_semaphore, #tpu.memory_space<semaphore_mem>>) src(%dma_wait3A_370 : memref<256xi32, #tpu.memory_space<hbm>>) dst(%arg13 : memref<256xi32, #tpu.memory_space<vmem>>)
        %dma_wait3A_371 = tpu.memref_slice %arg7[%mul3A_367] : memref<800000xi32, #tpu.memory_space<hbm>> -> memref<256xi32, #tpu.memory_space<hbm>>
        %dma_wait3A_372 = tpu.memref_slice %arg7[%mul3A_367] : memref<800000xi32, #tpu.memory_space<hbm>> -> memref<256xi32, #tpu.memory_space<hbm>>
        tpu.wait_dma2 semaphore(%arg25 : memref<!tpu.dma_semaphore, #tpu.memory_space<semaphore_mem>>) src(%dma_wait3A_372 : memref<256xi32, #tpu.memory_space<hbm>>) dst(%arg15 : memref<256xi32, #tpu.memory_space<vmem>>)
        %mul3A_373 = arith.constant 32 : i32
        %mul3A_374 = arith.muli %add3A_297, %mul3A_373 : i32
        %dma_start3A = arith.constant 0 : i32
        %dma_start3A_375 = arith.constant 0 : i32
        %dma_start3A_376 = tpu.memref_slice %arg17[%dma_start3A, %dma_start3A_375] : memref<256x32xi32, #tpu.memory_space<vmem>> -> memref<128x32xi32, #tpu.memory_space<vmem>>
        %dma_start3A_377 = arith.constant 0 : i32
        %dma_start3A_378 = tpu.memref_slice %arg11[%dma_start3A_377] : memref<256xi32, #tpu.memory_space<vmem>> -> memref<128xi32, #tpu.memory_space<vmem>>
        %dma_start3A_379 = arith.constant 0 : i32
        %dma_start3A_380 = arith.constant 0 : i32
        %dma_start3A_381 = tpu.memref_slice %arg2[%dma_start3A_379, %dma_start3A_380] : memref<50000x32xi32, #tpu.memory_space<hbm>> -> memref<50000x32xi32, #tpu.memory_space<hbm>>
        tpu.enqueue_indirect_dma source(%dma_start3A_381 : memref<50000x32xi32, #tpu.memory_space<hbm>>) target(%dma_start3A_376 : memref<128x32xi32, #tpu.memory_space<vmem>>) offsets(%dma_start3A_378 : memref<128xi32, #tpu.memory_space<vmem>>) semaphore(%arg27 : memref<!tpu.dma_semaphore, #tpu.memory_space<semaphore_mem>>)
        %dma_start3A_382 = arith.constant 0 : i32
        %dma_start3A_383 = arith.constant 0 : i32
        %dma_start3A_384 = tpu.memref_slice %arg19[%dma_start3A_382, %dma_start3A_383] : memref<256x32xi32, #tpu.memory_space<vmem>> -> memref<128x32xi32, #tpu.memory_space<vmem>>
        %dma_start3A_385 = arith.constant 0 : i32
        %dma_start3A_386 = tpu.memref_slice %arg13[%dma_start3A_385] : memref<256xi32, #tpu.memory_space<vmem>> -> memref<128xi32, #tpu.memory_space<vmem>>
        %dma_start3A_387 = arith.constant 0 : i32
        %dma_start3A_388 = arith.constant 0 : i32
        %dma_start3A_389 = tpu.memref_slice %arg3[%dma_start3A_387, %dma_start3A_388] : memref<50000x32xi32, #tpu.memory_space<hbm>> -> memref<50000x32xi32, #tpu.memory_space<hbm>>
        tpu.enqueue_indirect_dma source(%dma_start3A_389 : memref<50000x32xi32, #tpu.memory_space<hbm>>) target(%dma_start3A_384 : memref<128x32xi32, #tpu.memory_space<vmem>>) offsets(%dma_start3A_386 : memref<128xi32, #tpu.memory_space<vmem>>) semaphore(%arg27 : memref<!tpu.dma_semaphore, #tpu.memory_space<semaphore_mem>>)
        %dma_start3A_390 = arith.constant 128 : i32
        %dma_start3A_391 = arith.constant 0 : i32
        %dma_start3A_392 = tpu.memref_slice %arg17[%dma_start3A_390, %dma_start3A_391] : memref<256x32xi32, #tpu.memory_space<vmem>> -> memref<128x32xi32, #tpu.memory_space<vmem>>
        %dma_start3A_393 = arith.constant 128 : i32
        %dma_start3A_394 = tpu.memref_slice %arg11[%dma_start3A_393] : memref<256xi32, #tpu.memory_space<vmem>> -> memref<128xi32, #tpu.memory_space<vmem>>
        %dma_start3A_395 = arith.constant 0 : i32
        %dma_start3A_396 = arith.constant 0 : i32
        %dma_start3A_397 = tpu.memref_slice %arg2[%dma_start3A_395, %dma_start3A_396] : memref<50000x32xi32, #tpu.memory_space<hbm>> -> memref<50000x32xi32, #tpu.memory_space<hbm>>
        tpu.enqueue_indirect_dma source(%dma_start3A_397 : memref<50000x32xi32, #tpu.memory_space<hbm>>) target(%dma_start3A_392 : memref<128x32xi32, #tpu.memory_space<vmem>>) offsets(%dma_start3A_394 : memref<128xi32, #tpu.memory_space<vmem>>) semaphore(%arg27 : memref<!tpu.dma_semaphore, #tpu.memory_space<semaphore_mem>>)
        %dma_start3A_398 = arith.constant 128 : i32
        %dma_start3A_399 = arith.constant 0 : i32
        %dma_start3A_400 = tpu.memref_slice %arg19[%dma_start3A_398, %dma_start3A_399] : memref<256x32xi32, #tpu.memory_space<vmem>> -> memref<128x32xi32, #tpu.memory_space<vmem>>
        %dma_start3A_401 = arith.constant 128 : i32
        %dma_start3A_402 = tpu.memref_slice %arg13[%dma_start3A_401] : memref<256xi32, #tpu.memory_space<vmem>> -> memref<128xi32, #tpu.memory_space<vmem>>
        %dma_start3A_403 = arith.constant 0 : i32
        %dma_start3A_404 = arith.constant 0 : i32
        %dma_start3A_405 = tpu.memref_slice %arg3[%dma_start3A_403, %dma_start3A_404] : memref<50000x32xi32, #tpu.memory_space<hbm>> -> memref<50000x32xi32, #tpu.memory_space<hbm>>
        tpu.enqueue_indirect_dma source(%dma_start3A_405 : memref<50000x32xi32, #tpu.memory_space<hbm>>) target(%dma_start3A_400 : memref<128x32xi32, #tpu.memory_space<vmem>>) offsets(%dma_start3A_402 : memref<128xi32, #tpu.memory_space<vmem>>) semaphore(%arg27 : memref<!tpu.dma_semaphore, #tpu.memory_space<semaphore_mem>>)
        %dma_start3A_406 = arith.constant 0 : i32
        %dma_start3A_407 = tpu.memref_slice %arg4[%mul3A_374, %dma_start3A_406] : memref<100000x256xi32, #tpu.memory_space<hbm>> -> memref<32x256xi32, #tpu.memory_space<hbm>>
        %dma_start3A_408 = arith.constant 0 : i32
        %dma_start3A_409 = tpu.memref_slice %arg4[%mul3A_374, %dma_start3A_408] : memref<100000x256xi32, #tpu.memory_space<hbm>> -> memref<32x256xi32, #tpu.memory_space<hbm>>
        tpu.enqueue_dma source(%dma_start3A_409 : memref<32x256xi32, #tpu.memory_space<hbm>>) target(%arg21 : memref<32x256xi32, #tpu.memory_space<vmem>>) target_semaphore(%arg27 : memref<!tpu.dma_semaphore, #tpu.memory_space<semaphore_mem>>)
      } else {
      }
      %mul3A_306 = arith.constant 32 : i32
      %mul3A_307 = arith.muli %mul3A_306, %add3A_292 : i32
      %add3A_308 = arith.addi %add3A, %mul3A_307 : i32
      %lt3A_309 = arith.constant 3125 : i32
      %lt3A_310 = arith.cmpi slt, %add3A_308, %lt3A_309 : i32
      %convert_element_type3A_311 = arith.extui %lt3A_310 : i1 to i32
      %cond3A_312 = arith.constant 0 : i32
      %cond3A_313 = arith.cmpi ne, %convert_element_type3A_311, %cond3A_312 : i32
      scf.if %cond3A_313 {
        %mul3A_366 = arith.constant 32 : i32
        %mul3A_367 = arith.muli %add3A_308, %mul3A_366 : i32
        %dma_wait3A = arith.constant 0 : i32
        %dma_wait3A_368 = arith.constant 0 : i32
        %dma_wait3A_369 = tpu.memref_slice %arg16[%dma_wait3A, %dma_wait3A_368] : memref<256x32xi32, #tpu.memory_space<vmem>> -> memref<128x32xi32, #tpu.memory_space<vmem>>
        %dma_wait3A_370 = arith.constant 0 : i32
        %dma_wait3A_371 = tpu.memref_slice %arg10[%dma_wait3A_370] : memref<256xi32, #tpu.memory_space<vmem>> -> memref<128xi32, #tpu.memory_space<vmem>>
        %dma_wait3A_372 = arith.constant 0 : i32
        %dma_wait3A_373 = arith.constant 0 : i32
        %dma_wait3A_374 = tpu.memref_slice %arg2[%dma_wait3A_372, %dma_wait3A_373] : memref<50000x32xi32, #tpu.memory_space<hbm>> -> memref<50000x32xi32, #tpu.memory_space<hbm>>
        tpu.wait_indirect_dma semaphore(%arg26 : memref<!tpu.dma_semaphore, #tpu.memory_space<semaphore_mem>>) src(%dma_wait3A_374 : memref<50000x32xi32, #tpu.memory_space<hbm>>) dst(%dma_wait3A_369 : memref<128x32xi32, #tpu.memory_space<vmem>>)
        %dma_wait3A_375 = arith.constant 0 : i32
        %dma_wait3A_376 = arith.constant 0 : i32
        %dma_wait3A_377 = tpu.memref_slice %arg18[%dma_wait3A_375, %dma_wait3A_376] : memref<256x32xi32, #tpu.memory_space<vmem>> -> memref<128x32xi32, #tpu.memory_space<vmem>>
        %dma_wait3A_378 = arith.constant 0 : i32
        %dma_wait3A_379 = tpu.memref_slice %arg12[%dma_wait3A_378] : memref<256xi32, #tpu.memory_space<vmem>> -> memref<128xi32, #tpu.memory_space<vmem>>
        %dma_wait3A_380 = arith.constant 0 : i32
        %dma_wait3A_381 = arith.constant 0 : i32
        %dma_wait3A_382 = tpu.memref_slice %arg3[%dma_wait3A_380, %dma_wait3A_381] : memref<50000x32xi32, #tpu.memory_space<hbm>> -> memref<50000x32xi32, #tpu.memory_space<hbm>>
        tpu.wait_indirect_dma semaphore(%arg26 : memref<!tpu.dma_semaphore, #tpu.memory_space<semaphore_mem>>) src(%dma_wait3A_382 : memref<50000x32xi32, #tpu.memory_space<hbm>>) dst(%dma_wait3A_377 : memref<128x32xi32, #tpu.memory_space<vmem>>)
        %dma_wait3A_383 = arith.constant 128 : i32
        %dma_wait3A_384 = arith.constant 0 : i32
        %dma_wait3A_385 = tpu.memref_slice %arg16[%dma_wait3A_383, %dma_wait3A_384] : memref<256x32xi32, #tpu.memory_space<vmem>> -> memref<128x32xi32, #tpu.memory_space<vmem>>
        %dma_wait3A_386 = arith.constant 128 : i32
        %dma_wait3A_387 = tpu.memref_slice %arg10[%dma_wait3A_386] : memref<256xi32, #tpu.memory_space<vmem>> -> memref<128xi32, #tpu.memory_space<vmem>>
        %dma_wait3A_388 = arith.constant 0 : i32
        %dma_wait3A_389 = arith.constant 0 : i32
        %dma_wait3A_390 = tpu.memref_slice %arg2[%dma_wait3A_388, %dma_wait3A_389] : memref<50000x32xi32, #tpu.memory_space<hbm>> -> memref<50000x32xi32, #tpu.memory_space<hbm>>
        tpu.wait_indirect_dma semaphore(%arg26 : memref<!tpu.dma_semaphore, #tpu.memory_space<semaphore_mem>>) src(%dma_wait3A_390 : memref<50000x32xi32, #tpu.memory_space<hbm>>) dst(%dma_wait3A_385 : memref<128x32xi32, #tpu.memory_space<vmem>>)
        %dma_wait3A_391 = arith.constant 128 : i32
        %dma_wait3A_392 = arith.constant 0 : i32
        %dma_wait3A_393 = tpu.memref_slice %arg18[%dma_wait3A_391, %dma_wait3A_392] : memref<256x32xi32, #tpu.memory_space<vmem>> -> memref<128x32xi32, #tpu.memory_space<vmem>>
        %dma_wait3A_394 = arith.constant 128 : i32
        %dma_wait3A_395 = tpu.memref_slice %arg12[%dma_wait3A_394] : memref<256xi32, #tpu.memory_space<vmem>> -> memref<128xi32, #tpu.memory_space<vmem>>
        %dma_wait3A_396 = arith.constant 0 : i32
        %dma_wait3A_397 = arith.constant 0 : i32
        %dma_wait3A_398 = tpu.memref_slice %arg3[%dma_wait3A_396, %dma_wait3A_397] : memref<50000x32xi32, #tpu.memory_space<hbm>> -> memref<50000x32xi32, #tpu.memory_space<hbm>>
        tpu.wait_indirect_dma semaphore(%arg26 : memref<!tpu.dma_semaphore, #tpu.memory_space<semaphore_mem>>) src(%dma_wait3A_398 : memref<50000x32xi32, #tpu.memory_space<hbm>>) dst(%dma_wait3A_393 : memref<128x32xi32, #tpu.memory_space<vmem>>)
        %dma_wait3A_399 = arith.constant 0 : i32
        %dma_wait3A_400 = tpu.memref_slice %arg4[%mul3A_367, %dma_wait3A_399] : memref<100000x256xi32, #tpu.memory_space<hbm>> -> memref<32x256xi32, #tpu.memory_space<hbm>>
        %dma_wait3A_401 = arith.constant 0 : i32
        %dma_wait3A_402 = tpu.memref_slice %arg4[%mul3A_367, %dma_wait3A_401] : memref<100000x256xi32, #tpu.memory_space<hbm>> -> memref<32x256xi32, #tpu.memory_space<hbm>>
        tpu.wait_dma2 semaphore(%arg26 : memref<!tpu.dma_semaphore, #tpu.memory_space<semaphore_mem>>) src(%dma_wait3A_402 : memref<32x256xi32, #tpu.memory_space<hbm>>) dst(%arg20 : memref<32x256xi32, #tpu.memory_space<vmem>>)
        %scan3A_403 = arith.constant 0 : i32
        %scan3A_404 = arith.constant 0 : i32
        %scan3A_405 = arith.constant 16 : i32
        %scan3A_406 = arith.addi %scan3A_404, %scan3A_405 : i32
        %scan3A_407 = arith.constant 1 : i32
        %scan3A_408 = scf.for %scan3A_410 = %scan3A_404 to %scan3A_406 step %scan3A_407 iter_args(%scan3A_411 = %scan3A_403) -> (i32)  : i32 {
          %mul3A_412 = arith.constant 16 : i32
          %mul3A_413 = arith.muli %scan3A_410, %mul3A_412 : i32
          %add3A_414 = vector.broadcast %mul3A_413 : i32 to vector<16xi32>
          %add3A_415 = arith.addi %iota3A, %add3A_414 : vector<16xi32>
          %shift_right_logical3A = arith.constant 3 : i32
          %shift_right_logical3A_416 = vector.broadcast %shift_right_logical3A : i32 to vector<16xi32>
          %shift_right_logical3A_417 = arith.shrui %add3A_415, %shift_right_logical3A_416 : vector<16xi32>
          %and3A_418 = arith.constant 7 : i32
          %and3A_419 = vector.broadcast %and3A_418 : i32 to vector<16xi32>
          %and3A_420 = arith.andi %add3A_415, %and3A_419 : vector<16xi32>
          %shift_left3A = arith.constant 5 : i32
          %shift_left3A_421 = vector.broadcast %shift_left3A : i32 to vector<16xi32>
          %shift_left3A_422 = arith.shli %and3A_420, %shift_left3A_421 : vector<16xi32>
          %mul3A_423 = arith.constant 16 : i32
          %mul3A_424 = arith.muli %scan3A_410, %mul3A_423 : i32
          %get3A_425 = arith.index_cast %mul3A_424 : i32 to index
          %get3A_426 = tpu.vector_load %arg14[%get3A_425] {strides = array<i32>} : memref<256xi32, #tpu.memory_space<vmem>>, vector<16xi32>,
          %scan3A_427 = arith.constant 0 : i32
          %scan3A_428 = arith.constant 4 : i32
          %scan3A_429 = arith.addi %scan3A_427, %scan3A_428 : i32
          %scan3A_430 = arith.constant 1 : i32
          %scan3A_431:4 = scf.for %scan3A_438 = %scan3A_427 to %scan3A_429 step %scan3A_430 iter_args(%scan3A_439 = %broadcast_in_dim3A_1, %scan3A_440 = %broadcast_in_dim3A_1, %scan3A_441 = %broadcast_in_dim3A_1, %scan3A_442 = %broadcast_in_dim3A_1) -> (vector<16xf32>, vector<16xf32>, vector<16xf32>, vector<16xf32>)  : i32 {
            %mul3A_443 = arith.constant 8 : i32
            %mul3A_444 = arith.muli %scan3A_438, %mul3A_443 : i32
            %add3A_445 = arith.constant 0 : i32
            %add3A_446 = arith.addi %mul3A_444, %add3A_445 : i32
            %add3A_447 = vector.broadcast %add3A_446 : i32 to vector<16xi32>
            %add3A_448 = arith.addi %iota3A, %add3A_447 : vector<16xi32>
            %and3A_449 = arith.constant 31 : i32
            %and3A_450 = vector.broadcast %and3A_449 : i32 to vector<16xi32>
            %and3A_451 = arith.andi %add3A_448, %and3A_450 : vector<16xi32>
            %add3A_452 = arith.addi %shift_left3A_422, %and3A_451 : vector<16xi32>
            %gather3A = tpu.vector_load_idx %arg20[%shift_right_logical3A_417, %add3A_452] : memref<32x256xi32, #tpu.memory_space<vmem>>[vector<16xi32>, vector<16xi32>], vector<16xi32>,
            %gather3A_453 = tpu.vector_load_idx %arg16[%add3A_415, %and3A_451] : memref<256x32xi32, #tpu.memory_space<vmem>>[vector<16xi32>, vector<16xi32>], vector<16xi32>,
            %gather3A_454 = tpu.vector_load_idx %arg18[%add3A_415, %and3A_451] : memref<256x32xi32, #tpu.memory_space<vmem>>[vector<16xi32>, vector<16xi32>], vector<16xi32>,
            %shift_left3A_455 = arith.constant 16 : i32
            %shift_left3A_456 = vector.broadcast %shift_left3A_455 : i32 to vector<16xi32>
            %shift_left3A_457 = arith.shli %gather3A, %shift_left3A_456 : vector<16xi32>
            %bitcast3A = vector.bitcast %shift_left3A_457 : vector<16xi32> to vector<16xf32>
            %shift_left3A_458 = arith.constant 16 : i32
            %shift_left3A_459 = vector.broadcast %shift_left3A_458 : i32 to vector<16xi32>
            %shift_left3A_460 = arith.shli %gather3A_453, %shift_left3A_459 : vector<16xi32>
            %bitcast3A_461 = vector.bitcast %shift_left3A_460 : vector<16xi32> to vector<16xf32>
            %mul3A_462 = arith.mulf %bitcast3A, %bitcast3A_461 : vector<16xf32>
            %shift_left3A_463 = arith.constant 16 : i32
            %shift_left3A_464 = vector.broadcast %shift_left3A_463 : i32 to vector<16xi32>
            %shift_left3A_465 = arith.shli %gather3A_454, %shift_left3A_464 : vector<16xi32>
            %bitcast3A_466 = vector.bitcast %shift_left3A_465 : vector<16xi32> to vector<16xf32>
            %mul3A_467 = arith.mulf %mul3A_462, %bitcast3A_466 : vector<16xf32>
            %add3A_468 = arith.addf %scan3A_439, %mul3A_467 : vector<16xf32>
            %and3A_469 = arith.constant -65536 : i32
            %and3A_470 = vector.broadcast %and3A_469 : i32 to vector<16xi32>
            %and3A_471 = arith.andi %gather3A, %and3A_470 : vector<16xi32>
            %bitcast3A_472 = vector.bitcast %and3A_471 : vector<16xi32> to vector<16xf32>
            %and3A_473 = arith.constant -65536 : i32
            %and3A_474 = vector.broadcast %and3A_473 : i32 to vector<16xi32>
            %and3A_475 = arith.andi %gather3A_453, %and3A_474 : vector<16xi32>
            %bitcast3A_476 = vector.bitcast %and3A_475 : vector<16xi32> to vector<16xf32>
            %mul3A_477 = arith.mulf %bitcast3A_472, %bitcast3A_476 : vector<16xf32>
            %and3A_478 = arith.constant -65536 : i32
            %and3A_479 = vector.broadcast %and3A_478 : i32 to vector<16xi32>
            %and3A_480 = arith.andi %gather3A_454, %and3A_479 : vector<16xi32>
            %bitcast3A_481 = vector.bitcast %and3A_480 : vector<16xi32> to vector<16xf32>
            %mul3A_482 = arith.mulf %mul3A_477, %bitcast3A_481 : vector<16xf32>
            %add3A_483 = arith.addf %scan3A_440, %mul3A_482 : vector<16xf32>
            %add3A_484 = arith.constant 1 : i32
            %add3A_485 = arith.addi %mul3A_444, %add3A_484 : i32
            %add3A_486 = vector.broadcast %add3A_485 : i32 to vector<16xi32>
            %add3A_487 = arith.addi %iota3A, %add3A_486 : vector<16xi32>
            %and3A_488 = arith.constant 31 : i32
            %and3A_489 = vector.broadcast %and3A_488 : i32 to vector<16xi32>
            %and3A_490 = arith.andi %add3A_487, %and3A_489 : vector<16xi32>
            %add3A_491 = arith.addi %shift_left3A_422, %and3A_490 : vector<16xi32>
            %gather3A_492 = tpu.vector_load_idx %arg20[%shift_right_logical3A_417, %add3A_491] : memref<32x256xi32, #tpu.memory_space<vmem>>[vector<16xi32>, vector<16xi32>], vector<16xi32>,
            %gather3A_493 = tpu.vector_load_idx %arg16[%add3A_415, %and3A_490] : memref<256x32xi32, #tpu.memory_space<vmem>>[vector<16xi32>, vector<16xi32>], vector<16xi32>,
            %gather3A_494 = tpu.vector_load_idx %arg18[%add3A_415, %and3A_490] : memref<256x32xi32, #tpu.memory_space<vmem>>[vector<16xi32>, vector<16xi32>], vector<16xi32>,
            %shift_left3A_495 = arith.constant 16 : i32
            %shift_left3A_496 = vector.broadcast %shift_left3A_495 : i32 to vector<16xi32>
            %shift_left3A_497 = arith.shli %gather3A_492, %shift_left3A_496 : vector<16xi32>
            %bitcast3A_498 = vector.bitcast %shift_left3A_497 : vector<16xi32> to vector<16xf32>
            %shift_left3A_499 = arith.constant 16 : i32
            %shift_left3A_500 = vector.broadcast %shift_left3A_499 : i32 to vector<16xi32>
            %shift_left3A_501 = arith.shli %gather3A_493, %shift_left3A_500 : vector<16xi32>
            %bitcast3A_502 = vector.bitcast %shift_left3A_501 : vector<16xi32> to vector<16xf32>
            %mul3A_503 = arith.mulf %bitcast3A_498, %bitcast3A_502 : vector<16xf32>
            %shift_left3A_504 = arith.constant 16 : i32
            %shift_left3A_505 = vector.broadcast %shift_left3A_504 : i32 to vector<16xi32>
            %shift_left3A_506 = arith.shli %gather3A_494, %shift_left3A_505 : vector<16xi32>
            %bitcast3A_507 = vector.bitcast %shift_left3A_506 : vector<16xi32> to vector<16xf32>
            %mul3A_508 = arith.mulf %mul3A_503, %bitcast3A_507 : vector<16xf32>
            %add3A_509 = arith.addf %scan3A_441, %mul3A_508 : vector<16xf32>
            %and3A_510 = arith.constant -65536 : i32
            %and3A_511 = vector.broadcast %and3A_510 : i32 to vector<16xi32>
            %and3A_512 = arith.andi %gather3A_492, %and3A_511 : vector<16xi32>
            %bitcast3A_513 = vector.bitcast %and3A_512 : vector<16xi32> to vector<16xf32>
            %and3A_514 = arith.constant -65536 : i32
            %and3A_515 = vector.broadcast %and3A_514 : i32 to vector<16xi32>
            %and3A_516 = arith.andi %gather3A_493, %and3A_515 : vector<16xi32>
            %bitcast3A_517 = vector.bitcast %and3A_516 : vector<16xi32> to vector<16xf32>
            %mul3A_518 = arith.mulf %bitcast3A_513, %bitcast3A_517 : vector<16xf32>
            %and3A_519 = arith.constant -65536 : i32
            %and3A_520 = vector.broadcast %and3A_519 : i32 to vector<16xi32>
            %and3A_521 = arith.andi %gather3A_494, %and3A_520 : vector<16xi32>
            %bitcast3A_522 = vector.bitcast %and3A_521 : vector<16xi32> to vector<16xf32>
            %mul3A_523 = arith.mulf %mul3A_518, %bitcast3A_522 : vector<16xf32>
            %add3A_524 = arith.addf %scan3A_442, %mul3A_523 : vector<16xf32>
            %add3A_525 = arith.constant 2 : i32
            %add3A_526 = arith.addi %mul3A_444, %add3A_525 : i32
            %add3A_527 = vector.broadcast %add3A_526 : i32 to vector<16xi32>
            %add3A_528 = arith.addi %iota3A, %add3A_527 : vector<16xi32>
            %and3A_529 = arith.constant 31 : i32
            %and3A_530 = vector.broadcast %and3A_529 : i32 to vector<16xi32>
            %and3A_531 = arith.andi %add3A_528, %and3A_530 : vector<16xi32>
            %add3A_532 = arith.addi %shift_left3A_422, %and3A_531 : vector<16xi32>
            %gather3A_533 = tpu.vector_load_idx %arg20[%shift_right_logical3A_417, %add3A_532] : memref<32x256xi32, #tpu.memory_space<vmem>>[vector<16xi32>, vector<16xi32>], vector<16xi32>,
            %gather3A_534 = tpu.vector_load_idx %arg16[%add3A_415, %and3A_531] : memref<256x32xi32, #tpu.memory_space<vmem>>[vector<16xi32>, vector<16xi32>], vector<16xi32>,
            %gather3A_535 = tpu.vector_load_idx %arg18[%add3A_415, %and3A_531] : memref<256x32xi32, #tpu.memory_space<vmem>>[vector<16xi32>, vector<16xi32>], vector<16xi32>,
            %shift_left3A_536 = arith.constant 16 : i32
            %shift_left3A_537 = vector.broadcast %shift_left3A_536 : i32 to vector<16xi32>
            %shift_left3A_538 = arith.shli %gather3A_533, %shift_left3A_537 : vector<16xi32>
            %bitcast3A_539 = vector.bitcast %shift_left3A_538 : vector<16xi32> to vector<16xf32>
            %shift_left3A_540 = arith.constant 16 : i32
            %shift_left3A_541 = vector.broadcast %shift_left3A_540 : i32 to vector<16xi32>
            %shift_left3A_542 = arith.shli %gather3A_534, %shift_left3A_541 : vector<16xi32>
            %bitcast3A_543 = vector.bitcast %shift_left3A_542 : vector<16xi32> to vector<16xf32>
            %mul3A_544 = arith.mulf %bitcast3A_539, %bitcast3A_543 : vector<16xf32>
            %shift_left3A_545 = arith.constant 16 : i32
            %shift_left3A_546 = vector.broadcast %shift_left3A_545 : i32 to vector<16xi32>
            %shift_left3A_547 = arith.shli %gather3A_535, %shift_left3A_546 : vector<16xi32>
            %bitcast3A_548 = vector.bitcast %shift_left3A_547 : vector<16xi32> to vector<16xf32>
            %mul3A_549 = arith.mulf %mul3A_544, %bitcast3A_548 : vector<16xf32>
            %add3A_550 = arith.addf %add3A_468, %mul3A_549 : vector<16xf32>
            %and3A_551 = arith.constant -65536 : i32
            %and3A_552 = vector.broadcast %and3A_551 : i32 to vector<16xi32>
            %and3A_553 = arith.andi %gather3A_533, %and3A_552 : vector<16xi32>
            %bitcast3A_554 = vector.bitcast %and3A_553 : vector<16xi32> to vector<16xf32>
            %and3A_555 = arith.constant -65536 : i32
            %and3A_556 = vector.broadcast %and3A_555 : i32 to vector<16xi32>
            %and3A_557 = arith.andi %gather3A_534, %and3A_556 : vector<16xi32>
            %bitcast3A_558 = vector.bitcast %and3A_557 : vector<16xi32> to vector<16xf32>
            %mul3A_559 = arith.mulf %bitcast3A_554, %bitcast3A_558 : vector<16xf32>
            %and3A_560 = arith.constant -65536 : i32
            %and3A_561 = vector.broadcast %and3A_560 : i32 to vector<16xi32>
            %and3A_562 = arith.andi %gather3A_535, %and3A_561 : vector<16xi32>
            %bitcast3A_563 = vector.bitcast %and3A_562 : vector<16xi32> to vector<16xf32>
            %mul3A_564 = arith.mulf %mul3A_559, %bitcast3A_563 : vector<16xf32>
            %add3A_565 = arith.addf %add3A_483, %mul3A_564 : vector<16xf32>
            %add3A_566 = arith.constant 3 : i32
            %add3A_567 = arith.addi %mul3A_444, %add3A_566 : i32
            %add3A_568 = vector.broadcast %add3A_567 : i32 to vector<16xi32>
            %add3A_569 = arith.addi %iota3A, %add3A_568 : vector<16xi32>
            %and3A_570 = arith.constant 31 : i32
            %and3A_571 = vector.broadcast %and3A_570 : i32 to vector<16xi32>
            %and3A_572 = arith.andi %add3A_569, %and3A_571 : vector<16xi32>
            %add3A_573 = arith.addi %shift_left3A_422, %and3A_572 : vector<16xi32>
            %gather3A_574 = tpu.vector_load_idx %arg20[%shift_right_logical3A_417, %add3A_573] : memref<32x256xi32, #tpu.memory_space<vmem>>[vector<16xi32>, vector<16xi32>], vector<16xi32>,
            %gather3A_575 = tpu.vector_load_idx %arg16[%add3A_415, %and3A_572] : memref<256x32xi32, #tpu.memory_space<vmem>>[vector<16xi32>, vector<16xi32>], vector<16xi32>,
            %gather3A_576 = tpu.vector_load_idx %arg18[%add3A_415, %and3A_572] : memref<256x32xi32, #tpu.memory_space<vmem>>[vector<16xi32>, vector<16xi32>], vector<16xi32>,
            %shift_left3A_577 = arith.constant 16 : i32
            %shift_left3A_578 = vector.broadcast %shift_left3A_577 : i32 to vector<16xi32>
            %shift_left3A_579 = arith.shli %gather3A_574, %shift_left3A_578 : vector<16xi32>
            %bitcast3A_580 = vector.bitcast %shift_left3A_579 : vector<16xi32> to vector<16xf32>
            %shift_left3A_581 = arith.constant 16 : i32
            %shift_left3A_582 = vector.broadcast %shift_left3A_581 : i32 to vector<16xi32>
            %shift_left3A_583 = arith.shli %gather3A_575, %shift_left3A_582 : vector<16xi32>
            %bitcast3A_584 = vector.bitcast %shift_left3A_583 : vector<16xi32> to vector<16xf32>
            %mul3A_585 = arith.mulf %bitcast3A_580, %bitcast3A_584 : vector<16xf32>
            %shift_left3A_586 = arith.constant 16 : i32
            %shift_left3A_587 = vector.broadcast %shift_left3A_586 : i32 to vector<16xi32>
            %shift_left3A_588 = arith.shli %gather3A_576, %shift_left3A_587 : vector<16xi32>
            %bitcast3A_589 = vector.bitcast %shift_left3A_588 : vector<16xi32> to vector<16xf32>
            %mul3A_590 = arith.mulf %mul3A_585, %bitcast3A_589 : vector<16xf32>
            %add3A_591 = arith.addf %add3A_509, %mul3A_590 : vector<16xf32>
            %and3A_592 = arith.constant -65536 : i32
            %and3A_593 = vector.broadcast %and3A_592 : i32 to vector<16xi32>
            %and3A_594 = arith.andi %gather3A_574, %and3A_593 : vector<16xi32>
            %bitcast3A_595 = vector.bitcast %and3A_594 : vector<16xi32> to vector<16xf32>
            %and3A_596 = arith.constant -65536 : i32
            %and3A_597 = vector.broadcast %and3A_596 : i32 to vector<16xi32>
            %and3A_598 = arith.andi %gather3A_575, %and3A_597 : vector<16xi32>
            %bitcast3A_599 = vector.bitcast %and3A_598 : vector<16xi32> to vector<16xf32>
            %mul3A_600 = arith.mulf %bitcast3A_595, %bitcast3A_599 : vector<16xf32>
            %and3A_601 = arith.constant -65536 : i32
            %and3A_602 = vector.broadcast %and3A_601 : i32 to vector<16xi32>
            %and3A_603 = arith.andi %gather3A_576, %and3A_602 : vector<16xi32>
            %bitcast3A_604 = vector.bitcast %and3A_603 : vector<16xi32> to vector<16xf32>
            %mul3A_605 = arith.mulf %mul3A_600, %bitcast3A_604 : vector<16xf32>
            %add3A_606 = arith.addf %add3A_524, %mul3A_605 : vector<16xf32>
            %add3A_607 = arith.constant 4 : i32
            %add3A_608 = arith.addi %mul3A_444, %add3A_607 : i32
            %add3A_609 = vector.broadcast %add3A_608 : i32 to vector<16xi32>
            %add3A_610 = arith.addi %iota3A, %add3A_609 : vector<16xi32>
            %and3A_611 = arith.constant 31 : i32
            %and3A_612 = vector.broadcast %and3A_611 : i32 to vector<16xi32>
            %and3A_613 = arith.andi %add3A_610, %and3A_612 : vector<16xi32>
            %add3A_614 = arith.addi %shift_left3A_422, %and3A_613 : vector<16xi32>
            %gather3A_615 = tpu.vector_load_idx %arg20[%shift_right_logical3A_417, %add3A_614] : memref<32x256xi32, #tpu.memory_space<vmem>>[vector<16xi32>, vector<16xi32>], vector<16xi32>,
            %gather3A_616 = tpu.vector_load_idx %arg16[%add3A_415, %and3A_613] : memref<256x32xi32, #tpu.memory_space<vmem>>[vector<16xi32>, vector<16xi32>], vector<16xi32>,
            %gather3A_617 = tpu.vector_load_idx %arg18[%add3A_415, %and3A_613] : memref<256x32xi32, #tpu.memory_space<vmem>>[vector<16xi32>, vector<16xi32>], vector<16xi32>,
            %shift_left3A_618 = arith.constant 16 : i32
            %shift_left3A_619 = vector.broadcast %shift_left3A_618 : i32 to vector<16xi32>
            %shift_left3A_620 = arith.shli %gather3A_615, %shift_left3A_619 : vector<16xi32>
            %bitcast3A_621 = vector.bitcast %shift_left3A_620 : vector<16xi32> to vector<16xf32>
            %shift_left3A_622 = arith.constant 16 : i32
            %shift_left3A_623 = vector.broadcast %shift_left3A_622 : i32 to vector<16xi32>
            %shift_left3A_624 = arith.shli %gather3A_616, %shift_left3A_623 : vector<16xi32>
            %bitcast3A_625 = vector.bitcast %shift_left3A_624 : vector<16xi32> to vector<16xf32>
            %mul3A_626 = arith.mulf %bitcast3A_621, %bitcast3A_625 : vector<16xf32>
            %shift_left3A_627 = arith.constant 16 : i32
            %shift_left3A_628 = vector.broadcast %shift_left3A_627 : i32 to vector<16xi32>
            %shift_left3A_629 = arith.shli %gather3A_617, %shift_left3A_628 : vector<16xi32>
            %bitcast3A_630 = vector.bitcast %shift_left3A_629 : vector<16xi32> to vector<16xf32>
            %mul3A_631 = arith.mulf %mul3A_626, %bitcast3A_630 : vector<16xf32>
            %add3A_632 = arith.addf %add3A_550, %mul3A_631 : vector<16xf32>
            %and3A_633 = arith.constant -65536 : i32
            %and3A_634 = vector.broadcast %and3A_633 : i32 to vector<16xi32>
            %and3A_635 = arith.andi %gather3A_615, %and3A_634 : vector<16xi32>
            %bitcast3A_636 = vector.bitcast %and3A_635 : vector<16xi32> to vector<16xf32>
            %and3A_637 = arith.constant -65536 : i32
            %and3A_638 = vector.broadcast %and3A_637 : i32 to vector<16xi32>
            %and3A_639 = arith.andi %gather3A_616, %and3A_638 : vector<16xi32>
            %bitcast3A_640 = vector.bitcast %and3A_639 : vector<16xi32> to vector<16xf32>
            %mul3A_641 = arith.mulf %bitcast3A_636, %bitcast3A_640 : vector<16xf32>
            %and3A_642 = arith.constant -65536 : i32
            %and3A_643 = vector.broadcast %and3A_642 : i32 to vector<16xi32>
            %and3A_644 = arith.andi %gather3A_617, %and3A_643 : vector<16xi32>
            %bitcast3A_645 = vector.bitcast %and3A_644 : vector<16xi32> to vector<16xf32>
            %mul3A_646 = arith.mulf %mul3A_641, %bitcast3A_645 : vector<16xf32>
            %add3A_647 = arith.addf %add3A_565, %mul3A_646 : vector<16xf32>
            %add3A_648 = arith.constant 5 : i32
            %add3A_649 = arith.addi %mul3A_444, %add3A_648 : i32
            %add3A_650 = vector.broadcast %add3A_649 : i32 to vector<16xi32>
            %add3A_651 = arith.addi %iota3A, %add3A_650 : vector<16xi32>
            %and3A_652 = arith.constant 31 : i32
            %and3A_653 = vector.broadcast %and3A_652 : i32 to vector<16xi32>
            %and3A_654 = arith.andi %add3A_651, %and3A_653 : vector<16xi32>
            %add3A_655 = arith.addi %shift_left3A_422, %and3A_654 : vector<16xi32>
            %gather3A_656 = tpu.vector_load_idx %arg20[%shift_right_logical3A_417, %add3A_655] : memref<32x256xi32, #tpu.memory_space<vmem>>[vector<16xi32>, vector<16xi32>], vector<16xi32>,
            %gather3A_657 = tpu.vector_load_idx %arg16[%add3A_415, %and3A_654] : memref<256x32xi32, #tpu.memory_space<vmem>>[vector<16xi32>, vector<16xi32>], vector<16xi32>,
            %gather3A_658 = tpu.vector_load_idx %arg18[%add3A_415, %and3A_654] : memref<256x32xi32, #tpu.memory_space<vmem>>[vector<16xi32>, vector<16xi32>], vector<16xi32>,
            %shift_left3A_659 = arith.constant 16 : i32
            %shift_left3A_660 = vector.broadcast %shift_left3A_659 : i32 to vector<16xi32>
            %shift_left3A_661 = arith.shli %gather3A_656, %shift_left3A_660 : vector<16xi32>
            %bitcast3A_662 = vector.bitcast %shift_left3A_661 : vector<16xi32> to vector<16xf32>
            %shift_left3A_663 = arith.constant 16 : i32
            %shift_left3A_664 = vector.broadcast %shift_left3A_663 : i32 to vector<16xi32>
            %shift_left3A_665 = arith.shli %gather3A_657, %shift_left3A_664 : vector<16xi32>
            %bitcast3A_666 = vector.bitcast %shift_left3A_665 : vector<16xi32> to vector<16xf32>
            %mul3A_667 = arith.mulf %bitcast3A_662, %bitcast3A_666 : vector<16xf32>
            %shift_left3A_668 = arith.constant 16 : i32
            %shift_left3A_669 = vector.broadcast %shift_left3A_668 : i32 to vector<16xi32>
            %shift_left3A_670 = arith.shli %gather3A_658, %shift_left3A_669 : vector<16xi32>
            %bitcast3A_671 = vector.bitcast %shift_left3A_670 : vector<16xi32> to vector<16xf32>
            %mul3A_672 = arith.mulf %mul3A_667, %bitcast3A_671 : vector<16xf32>
            %add3A_673 = arith.addf %add3A_591, %mul3A_672 : vector<16xf32>
            %and3A_674 = arith.constant -65536 : i32
            %and3A_675 = vector.broadcast %and3A_674 : i32 to vector<16xi32>
            %and3A_676 = arith.andi %gather3A_656, %and3A_675 : vector<16xi32>
            %bitcast3A_677 = vector.bitcast %and3A_676 : vector<16xi32> to vector<16xf32>
            %and3A_678 = arith.constant -65536 : i32
            %and3A_679 = vector.broadcast %and3A_678 : i32 to vector<16xi32>
            %and3A_680 = arith.andi %gather3A_657, %and3A_679 : vector<16xi32>
            %bitcast3A_681 = vector.bitcast %and3A_680 : vector<16xi32> to vector<16xf32>
            %mul3A_682 = arith.mulf %bitcast3A_677, %bitcast3A_681 : vector<16xf32>
            %and3A_683 = arith.constant -65536 : i32
            %and3A_684 = vector.broadcast %and3A_683 : i32 to vector<16xi32>
            %and3A_685 = arith.andi %gather3A_658, %and3A_684 : vector<16xi32>
            %bitcast3A_686 = vector.bitcast %and3A_685 : vector<16xi32> to vector<16xf32>
            %mul3A_687 = arith.mulf %mul3A_682, %bitcast3A_686 : vector<16xf32>
            %add3A_688 = arith.addf %add3A_606, %mul3A_687 : vector<16xf32>
            %add3A_689 = arith.constant 6 : i32
            %add3A_690 = arith.addi %mul3A_444, %add3A_689 : i32
            %add3A_691 = vector.broadcast %add3A_690 : i32 to vector<16xi32>
            %add3A_692 = arith.addi %iota3A, %add3A_691 : vector<16xi32>
            %and3A_693 = arith.constant 31 : i32
            %and3A_694 = vector.broadcast %and3A_693 : i32 to vector<16xi32>
            %and3A_695 = arith.andi %add3A_692, %and3A_694 : vector<16xi32>
            %add3A_696 = arith.addi %shift_left3A_422, %and3A_695 : vector<16xi32>
            %gather3A_697 = tpu.vector_load_idx %arg20[%shift_right_logical3A_417, %add3A_696] : memref<32x256xi32, #tpu.memory_space<vmem>>[vector<16xi32>, vector<16xi32>], vector<16xi32>,
            %gather3A_698 = tpu.vector_load_idx %arg16[%add3A_415, %and3A_695] : memref<256x32xi32, #tpu.memory_space<vmem>>[vector<16xi32>, vector<16xi32>], vector<16xi32>,
            %gather3A_699 = tpu.vector_load_idx %arg18[%add3A_415, %and3A_695] : memref<256x32xi32, #tpu.memory_space<vmem>>[vector<16xi32>, vector<16xi32>], vector<16xi32>,
            %shift_left3A_700 = arith.constant 16 : i32
            %shift_left3A_701 = vector.broadcast %shift_left3A_700 : i32 to vector<16xi32>
            %shift_left3A_702 = arith.shli %gather3A_697, %shift_left3A_701 : vector<16xi32>
            %bitcast3A_703 = vector.bitcast %shift_left3A_702 : vector<16xi32> to vector<16xf32>
            %shift_left3A_704 = arith.constant 16 : i32
            %shift_left3A_705 = vector.broadcast %shift_left3A_704 : i32 to vector<16xi32>
            %shift_left3A_706 = arith.shli %gather3A_698, %shift_left3A_705 : vector<16xi32>
            %bitcast3A_707 = vector.bitcast %shift_left3A_706 : vector<16xi32> to vector<16xf32>
            %mul3A_708 = arith.mulf %bitcast3A_703, %bitcast3A_707 : vector<16xf32>
            %shift_left3A_709 = arith.constant 16 : i32
            %shift_left3A_710 = vector.broadcast %shift_left3A_709 : i32 to vector<16xi32>
            %shift_left3A_711 = arith.shli %gather3A_699, %shift_left3A_710 : vector<16xi32>
            %bitcast3A_712 = vector.bitcast %shift_left3A_711 : vector<16xi32> to vector<16xf32>
            %mul3A_713 = arith.mulf %mul3A_708, %bitcast3A_712 : vector<16xf32>
            %add3A_714 = arith.addf %add3A_632, %mul3A_713 : vector<16xf32>
            %and3A_715 = arith.constant -65536 : i32
            %and3A_716 = vector.broadcast %and3A_715 : i32 to vector<16xi32>
            %and3A_717 = arith.andi %gather3A_697, %and3A_716 : vector<16xi32>
            %bitcast3A_718 = vector.bitcast %and3A_717 : vector<16xi32> to vector<16xf32>
            %and3A_719 = arith.constant -65536 : i32
            %and3A_720 = vector.broadcast %and3A_719 : i32 to vector<16xi32>
            %and3A_721 = arith.andi %gather3A_698, %and3A_720 : vector<16xi32>
            %bitcast3A_722 = vector.bitcast %and3A_721 : vector<16xi32> to vector<16xf32>
            %mul3A_723 = arith.mulf %bitcast3A_718, %bitcast3A_722 : vector<16xf32>
            %and3A_724 = arith.constant -65536 : i32
            %and3A_725 = vector.broadcast %and3A_724 : i32 to vector<16xi32>
            %and3A_726 = arith.andi %gather3A_699, %and3A_725 : vector<16xi32>
            %bitcast3A_727 = vector.bitcast %and3A_726 : vector<16xi32> to vector<16xf32>
            %mul3A_728 = arith.mulf %mul3A_723, %bitcast3A_727 : vector<16xf32>
            %add3A_729 = arith.addf %add3A_647, %mul3A_728 : vector<16xf32>
            %add3A_730 = arith.constant 7 : i32
            %add3A_731 = arith.addi %mul3A_444, %add3A_730 : i32
            %add3A_732 = vector.broadcast %add3A_731 : i32 to vector<16xi32>
            %add3A_733 = arith.addi %iota3A, %add3A_732 : vector<16xi32>
            %and3A_734 = arith.constant 31 : i32
            %and3A_735 = vector.broadcast %and3A_734 : i32 to vector<16xi32>
            %and3A_736 = arith.andi %add3A_733, %and3A_735 : vector<16xi32>
            %add3A_737 = arith.addi %shift_left3A_422, %and3A_736 : vector<16xi32>
            %gather3A_738 = tpu.vector_load_idx %arg20[%shift_right_logical3A_417, %add3A_737] : memref<32x256xi32, #tpu.memory_space<vmem>>[vector<16xi32>, vector<16xi32>], vector<16xi32>,
            %gather3A_739 = tpu.vector_load_idx %arg16[%add3A_415, %and3A_736] : memref<256x32xi32, #tpu.memory_space<vmem>>[vector<16xi32>, vector<16xi32>], vector<16xi32>,
            %gather3A_740 = tpu.vector_load_idx %arg18[%add3A_415, %and3A_736] : memref<256x32xi32, #tpu.memory_space<vmem>>[vector<16xi32>, vector<16xi32>], vector<16xi32>,
            %shift_left3A_741 = arith.constant 16 : i32
            %shift_left3A_742 = vector.broadcast %shift_left3A_741 : i32 to vector<16xi32>
            %shift_left3A_743 = arith.shli %gather3A_738, %shift_left3A_742 : vector<16xi32>
            %bitcast3A_744 = vector.bitcast %shift_left3A_743 : vector<16xi32> to vector<16xf32>
            %shift_left3A_745 = arith.constant 16 : i32
            %shift_left3A_746 = vector.broadcast %shift_left3A_745 : i32 to vector<16xi32>
            %shift_left3A_747 = arith.shli %gather3A_739, %shift_left3A_746 : vector<16xi32>
            %bitcast3A_748 = vector.bitcast %shift_left3A_747 : vector<16xi32> to vector<16xf32>
            %mul3A_749 = arith.mulf %bitcast3A_744, %bitcast3A_748 : vector<16xf32>
            %shift_left3A_750 = arith.constant 16 : i32
            %shift_left3A_751 = vector.broadcast %shift_left3A_750 : i32 to vector<16xi32>
            %shift_left3A_752 = arith.shli %gather3A_740, %shift_left3A_751 : vector<16xi32>
            %bitcast3A_753 = vector.bitcast %shift_left3A_752 : vector<16xi32> to vector<16xf32>
            %mul3A_754 = arith.mulf %mul3A_749, %bitcast3A_753 : vector<16xf32>
            %add3A_755 = arith.addf %add3A_673, %mul3A_754 : vector<16xf32>
            %and3A_756 = arith.constant -65536 : i32
            %and3A_757 = vector.broadcast %and3A_756 : i32 to vector<16xi32>
            %and3A_758 = arith.andi %gather3A_738, %and3A_757 : vector<16xi32>
            %bitcast3A_759 = vector.bitcast %and3A_758 : vector<16xi32> to vector<16xf32>
            %and3A_760 = arith.constant -65536 : i32
            %and3A_761 = vector.broadcast %and3A_760 : i32 to vector<16xi32>
            %and3A_762 = arith.andi %gather3A_739, %and3A_761 : vector<16xi32>
            %bitcast3A_763 = vector.bitcast %and3A_762 : vector<16xi32> to vector<16xf32>
            %mul3A_764 = arith.mulf %bitcast3A_759, %bitcast3A_763 : vector<16xf32>
            %and3A_765 = arith.constant -65536 : i32
            %and3A_766 = vector.broadcast %and3A_765 : i32 to vector<16xi32>
            %and3A_767 = arith.andi %gather3A_740, %and3A_766 : vector<16xi32>
            %bitcast3A_768 = vector.bitcast %and3A_767 : vector<16xi32> to vector<16xf32>
            %mul3A_769 = arith.mulf %mul3A_764, %bitcast3A_768 : vector<16xf32>
            %add3A_770 = arith.addf %add3A_688, %mul3A_769 : vector<16xf32>
            scf.yield %add3A_714, %add3A_729, %add3A_755, %add3A_770 : vector<16xf32>, vector<16xf32>, vector<16xf32>, vector<16xf32>
          }
          %scan3A_432 = arith.constant 4 : i32
          %add3A_433 = arith.addf %scan3A_431#0, %scan3A_431#1 : vector<16xf32>
          %add3A_434 = arith.addf %scan3A_431#2, %scan3A_431#3 : vector<16xf32>
          %add3A_435 = arith.addf %add3A_433, %add3A_434 : vector<16xf32>
          %add3A_436 = arith.addf %add3A_435, %get3A_257 : vector<16xf32>
          tpu.vector_store_idx %arg22[%get3A_426, %iota3A], %add3A_436 {add = true} : memref<64x16xf32, #tpu.memory_space<vmem>>[vector<16xi32>, vector<16xi32>], vector<16xf32>,
          %scan3A_437 = arith.constant 0 : i32
          scf.yield %scan3A_437 : i32
        }
        %scan3A_409 = arith.constant 16 : i32
      } else {
      }
      %add3A_314 = arith.constant 2 : i32
      %add3A_315 = arith.addi %add3A_292, %add3A_314 : i32
      %mul3A_316 = arith.constant 32 : i32
      %mul3A_317 = arith.muli %mul3A_316, %add3A_315 : i32
      %add3A_318 = arith.addi %add3A, %mul3A_317 : i32
      %lt3A_319 = arith.constant 98 : i32
      %lt3A_320 = arith.cmpi slt, %add3A_315, %lt3A_319 : i32
      %lt3A_321 = arith.constant 3125 : i32
      %lt3A_322 = arith.cmpi slt, %add3A_318, %lt3A_321 : i32
      %and3A_323 = arith.andi %lt3A_320, %lt3A_322 : i1
      %convert_element_type3A_324 = arith.extui %and3A_323 : i1 to i32
      %cond3A_325 = arith.constant 0 : i32
      %cond3A_326 = arith.cmpi ne, %convert_element_type3A_324, %cond3A_325 : i32
      scf.if %cond3A_326 {
        %mul3A_366 = arith.constant 256 : i32
        %mul3A_367 = arith.muli %add3A_318, %mul3A_366 : i32
        %dma_start3A = tpu.memref_slice %arg5[%mul3A_367] : memref<800000xi32, #tpu.memory_space<hbm>> -> memref<256xi32, #tpu.memory_space<hbm>>
        %dma_start3A_368 = tpu.memref_slice %arg5[%mul3A_367] : memref<800000xi32, #tpu.memory_space<hbm>> -> memref<256xi32, #tpu.memory_space<hbm>>
        tpu.enqueue_dma source(%dma_start3A_368 : memref<256xi32, #tpu.memory_space<hbm>>) target(%arg10 : memref<256xi32, #tpu.memory_space<vmem>>) target_semaphore(%arg24 : memref<!tpu.dma_semaphore, #tpu.memory_space<semaphore_mem>>)
        %dma_start3A_369 = tpu.memref_slice %arg6[%mul3A_367] : memref<800000xi32, #tpu.memory_space<hbm>> -> memref<256xi32, #tpu.memory_space<hbm>>
        %dma_start3A_370 = tpu.memref_slice %arg6[%mul3A_367] : memref<800000xi32, #tpu.memory_space<hbm>> -> memref<256xi32, #tpu.memory_space<hbm>>
        tpu.enqueue_dma source(%dma_start3A_370 : memref<256xi32, #tpu.memory_space<hbm>>) target(%arg12 : memref<256xi32, #tpu.memory_space<vmem>>) target_semaphore(%arg24 : memref<!tpu.dma_semaphore, #tpu.memory_space<semaphore_mem>>)
        %dma_start3A_371 = tpu.memref_slice %arg7[%mul3A_367] : memref<800000xi32, #tpu.memory_space<hbm>> -> memref<256xi32, #tpu.memory_space<hbm>>
        %dma_start3A_372 = tpu.memref_slice %arg7[%mul3A_367] : memref<800000xi32, #tpu.memory_space<hbm>> -> memref<256xi32, #tpu.memory_space<hbm>>
        tpu.enqueue_dma source(%dma_start3A_372 : memref<256xi32, #tpu.memory_space<hbm>>) target(%arg14 : memref<256xi32, #tpu.memory_space<vmem>>) target_semaphore(%arg24 : memref<!tpu.dma_semaphore, #tpu.memory_space<semaphore_mem>>)
      } else {
      }
      %mul3A_327 = arith.constant 2 : i32
      %mul3A_328 = arith.muli %mul3A_327, %scan3A_287 : i32
      %add3A_329 = arith.constant 1 : i32
      %add3A_330 = arith.addi %mul3A_328, %add3A_329 : i32
      %add3A_331 = arith.constant 1 : i32
      %add3A_332 = arith.addi %add3A_330, %add3A_331 : i32
      %mul3A_333 = arith.constant 32 : i32
      %mul3A_334 = arith.muli %mul3A_333, %add3A_332 : i32
      %add3A_335 = arith.addi %add3A, %mul3A_334 : i32
      %lt3A_336 = arith.constant 98 : i32
      %lt3A_337 = arith.cmpi slt, %add3A_332, %lt3A_336 : i32
      %lt3A_338 = arith.constant 3125 : i32
      %lt3A_339 = arith.cmpi slt, %add3A_335, %lt3A_338 : i32
      %and3A_340 = arith.andi %lt3A_337, %lt3A_339 : i1
      %convert_element_type3A_341 = arith.extui %and3A_340 : i1 to i32
      %cond3A_342 = arith.constant 0 : i32
      %cond3A_343 = arith.cmpi ne, %convert_element_type3A_341, %cond3A_342 : i32
      scf.if %cond3A_343 {
        %mul3A_366 = arith.constant 256 : i32
        %mul3A_367 = arith.muli %add3A_335, %mul3A_366 : i32
        %dma_wait3A = tpu.memref_slice %arg5[%mul3A_367] : memref<800000xi32, #tpu.memory_space<hbm>> -> memref<256xi32, #tpu.memory_space<hbm>>
        %dma_wait3A_368 = tpu.memref_slice %arg5[%mul3A_367] : memref<800000xi32, #tpu.memory_space<hbm>> -> memref<256xi32, #tpu.memory_space<hbm>>
        tpu.wait_dma2 semaphore(%arg24 : memref<!tpu.dma_semaphore, #tpu.memory_space<semaphore_mem>>) src(%dma_wait3A_368 : memref<256xi32, #tpu.memory_space<hbm>>) dst(%arg10 : memref<256xi32, #tpu.memory_space<vmem>>)
        %dma_wait3A_369 = tpu.memref_slice %arg6[%mul3A_367] : memref<800000xi32, #tpu.memory_space<hbm>> -> memref<256xi32, #tpu.memory_space<hbm>>
        %dma_wait3A_370 = tpu.memref_slice %arg6[%mul3A_367] : memref<800000xi32, #tpu.memory_space<hbm>> -> memref<256xi32, #tpu.memory_space<hbm>>
        tpu.wait_dma2 semaphore(%arg24 : memref<!tpu.dma_semaphore, #tpu.memory_space<semaphore_mem>>) src(%dma_wait3A_370 : memref<256xi32, #tpu.memory_space<hbm>>) dst(%arg12 : memref<256xi32, #tpu.memory_space<vmem>>)
        %dma_wait3A_371 = tpu.memref_slice %arg7[%mul3A_367] : memref<800000xi32, #tpu.memory_space<hbm>> -> memref<256xi32, #tpu.memory_space<hbm>>
        %dma_wait3A_372 = tpu.memref_slice %arg7[%mul3A_367] : memref<800000xi32, #tpu.memory_space<hbm>> -> memref<256xi32, #tpu.memory_space<hbm>>
        tpu.wait_dma2 semaphore(%arg24 : memref<!tpu.dma_semaphore, #tpu.memory_space<semaphore_mem>>) src(%dma_wait3A_372 : memref<256xi32, #tpu.memory_space<hbm>>) dst(%arg14 : memref<256xi32, #tpu.memory_space<vmem>>)
        %mul3A_373 = arith.constant 32 : i32
        %mul3A_374 = arith.muli %add3A_335, %mul3A_373 : i32
        %dma_start3A = arith.constant 0 : i32
        %dma_start3A_375 = arith.constant 0 : i32
        %dma_start3A_376 = tpu.memref_slice %arg16[%dma_start3A, %dma_start3A_375] : memref<256x32xi32, #tpu.memory_space<vmem>> -> memref<128x32xi32, #tpu.memory_space<vmem>>
        %dma_start3A_377 = arith.constant 0 : i32
        %dma_start3A_378 = tpu.memref_slice %arg10[%dma_start3A_377] : memref<256xi32, #tpu.memory_space<vmem>> -> memref<128xi32, #tpu.memory_space<vmem>>
        %dma_start3A_379 = arith.constant 0 : i32
        %dma_start3A_380 = arith.constant 0 : i32
        %dma_start3A_381 = tpu.memref_slice %arg2[%dma_start3A_379, %dma_start3A_380] : memref<50000x32xi32, #tpu.memory_space<hbm>> -> memref<50000x32xi32, #tpu.memory_space<hbm>>
        tpu.enqueue_indirect_dma source(%dma_start3A_381 : memref<50000x32xi32, #tpu.memory_space<hbm>>) target(%dma_start3A_376 : memref<128x32xi32, #tpu.memory_space<vmem>>) offsets(%dma_start3A_378 : memref<128xi32, #tpu.memory_space<vmem>>) semaphore(%arg26 : memref<!tpu.dma_semaphore, #tpu.memory_space<semaphore_mem>>)
        %dma_start3A_382 = arith.constant 0 : i32
        %dma_start3A_383 = arith.constant 0 : i32
        %dma_start3A_384 = tpu.memref_slice %arg18[%dma_start3A_382, %dma_start3A_383] : memref<256x32xi32, #tpu.memory_space<vmem>> -> memref<128x32xi32, #tpu.memory_space<vmem>>
        %dma_start3A_385 = arith.constant 0 : i32
        %dma_start3A_386 = tpu.memref_slice %arg12[%dma_start3A_385] : memref<256xi32, #tpu.memory_space<vmem>> -> memref<128xi32, #tpu.memory_space<vmem>>
        %dma_start3A_387 = arith.constant 0 : i32
        %dma_start3A_388 = arith.constant 0 : i32
        %dma_start3A_389 = tpu.memref_slice %arg3[%dma_start3A_387, %dma_start3A_388] : memref<50000x32xi32, #tpu.memory_space<hbm>> -> memref<50000x32xi32, #tpu.memory_space<hbm>>
        tpu.enqueue_indirect_dma source(%dma_start3A_389 : memref<50000x32xi32, #tpu.memory_space<hbm>>) target(%dma_start3A_384 : memref<128x32xi32, #tpu.memory_space<vmem>>) offsets(%dma_start3A_386 : memref<128xi32, #tpu.memory_space<vmem>>) semaphore(%arg26 : memref<!tpu.dma_semaphore, #tpu.memory_space<semaphore_mem>>)
        %dma_start3A_390 = arith.constant 128 : i32
        %dma_start3A_391 = arith.constant 0 : i32
        %dma_start3A_392 = tpu.memref_slice %arg16[%dma_start3A_390, %dma_start3A_391] : memref<256x32xi32, #tpu.memory_space<vmem>> -> memref<128x32xi32, #tpu.memory_space<vmem>>
        %dma_start3A_393 = arith.constant 128 : i32
        %dma_start3A_394 = tpu.memref_slice %arg10[%dma_start3A_393] : memref<256xi32, #tpu.memory_space<vmem>> -> memref<128xi32, #tpu.memory_space<vmem>>
        %dma_start3A_395 = arith.constant 0 : i32
        %dma_start3A_396 = arith.constant 0 : i32
        %dma_start3A_397 = tpu.memref_slice %arg2[%dma_start3A_395, %dma_start3A_396] : memref<50000x32xi32, #tpu.memory_space<hbm>> -> memref<50000x32xi32, #tpu.memory_space<hbm>>
        tpu.enqueue_indirect_dma source(%dma_start3A_397 : memref<50000x32xi32, #tpu.memory_space<hbm>>) target(%dma_start3A_392 : memref<128x32xi32, #tpu.memory_space<vmem>>) offsets(%dma_start3A_394 : memref<128xi32, #tpu.memory_space<vmem>>) semaphore(%arg26 : memref<!tpu.dma_semaphore, #tpu.memory_space<semaphore_mem>>)
        %dma_start3A_398 = arith.constant 128 : i32
        %dma_start3A_399 = arith.constant 0 : i32
        %dma_start3A_400 = tpu.memref_slice %arg18[%dma_start3A_398, %dma_start3A_399] : memref<256x32xi32, #tpu.memory_space<vmem>> -> memref<128x32xi32, #tpu.memory_space<vmem>>
        %dma_start3A_401 = arith.constant 128 : i32
        %dma_start3A_402 = tpu.memref_slice %arg12[%dma_start3A_401] : memref<256xi32, #tpu.memory_space<vmem>> -> memref<128xi32, #tpu.memory_space<vmem>>
        %dma_start3A_403 = arith.constant 0 : i32
        %dma_start3A_404 = arith.constant 0 : i32
        %dma_start3A_405 = tpu.memref_slice %arg3[%dma_start3A_403, %dma_start3A_404] : memref<50000x32xi32, #tpu.memory_space<hbm>> -> memref<50000x32xi32, #tpu.memory_space<hbm>>
        tpu.enqueue_indirect_dma source(%dma_start3A_405 : memref<50000x32xi32, #tpu.memory_space<hbm>>) target(%dma_start3A_400 : memref<128x32xi32, #tpu.memory_space<vmem>>) offsets(%dma_start3A_402 : memref<128xi32, #tpu.memory_space<vmem>>) semaphore(%arg26 : memref<!tpu.dma_semaphore, #tpu.memory_space<semaphore_mem>>)
        %dma_start3A_406 = arith.constant 0 : i32
        %dma_start3A_407 = tpu.memref_slice %arg4[%mul3A_374, %dma_start3A_406] : memref<100000x256xi32, #tpu.memory_space<hbm>> -> memref<32x256xi32, #tpu.memory_space<hbm>>
        %dma_start3A_408 = arith.constant 0 : i32
        %dma_start3A_409 = tpu.memref_slice %arg4[%mul3A_374, %dma_start3A_408] : memref<100000x256xi32, #tpu.memory_space<hbm>> -> memref<32x256xi32, #tpu.memory_space<hbm>>
        tpu.enqueue_dma source(%dma_start3A_409 : memref<32x256xi32, #tpu.memory_space<hbm>>) target(%arg20 : memref<32x256xi32, #tpu.memory_space<vmem>>) target_semaphore(%arg26 : memref<!tpu.dma_semaphore, #tpu.memory_space<semaphore_mem>>)
      } else {
      }
      %mul3A_344 = arith.constant 32 : i32
      %mul3A_345 = arith.muli %mul3A_344, %add3A_330 : i32
      %add3A_346 = arith.addi %add3A, %mul3A_345 : i32
      %lt3A_347 = arith.constant 3125 : i32
      %lt3A_348 = arith.cmpi slt, %add3A_346, %lt3A_347 : i32
      %convert_element_type3A_349 = arith.extui %lt3A_348 : i1 to i32
      %cond3A_350 = arith.constant 0 : i32
      %cond3A_351 = arith.cmpi ne, %convert_element_type3A_349, %cond3A_350 : i32
      scf.if %cond3A_351 {
        %mul3A_366 = arith.constant 32 : i32
        %mul3A_367 = arith.muli %add3A_346, %mul3A_366 : i32
        %dma_wait3A = arith.constant 0 : i32
        %dma_wait3A_368 = arith.constant 0 : i32
        %dma_wait3A_369 = tpu.memref_slice %arg17[%dma_wait3A, %dma_wait3A_368] : memref<256x32xi32, #tpu.memory_space<vmem>> -> memref<128x32xi32, #tpu.memory_space<vmem>>
        %dma_wait3A_370 = arith.constant 0 : i32
        %dma_wait3A_371 = tpu.memref_slice %arg11[%dma_wait3A_370] : memref<256xi32, #tpu.memory_space<vmem>> -> memref<128xi32, #tpu.memory_space<vmem>>
        %dma_wait3A_372 = arith.constant 0 : i32
        %dma_wait3A_373 = arith.constant 0 : i32
        %dma_wait3A_374 = tpu.memref_slice %arg2[%dma_wait3A_372, %dma_wait3A_373] : memref<50000x32xi32, #tpu.memory_space<hbm>> -> memref<50000x32xi32, #tpu.memory_space<hbm>>
        tpu.wait_indirect_dma semaphore(%arg27 : memref<!tpu.dma_semaphore, #tpu.memory_space<semaphore_mem>>) src(%dma_wait3A_374 : memref<50000x32xi32, #tpu.memory_space<hbm>>) dst(%dma_wait3A_369 : memref<128x32xi32, #tpu.memory_space<vmem>>)
        %dma_wait3A_375 = arith.constant 0 : i32
        %dma_wait3A_376 = arith.constant 0 : i32
        %dma_wait3A_377 = tpu.memref_slice %arg19[%dma_wait3A_375, %dma_wait3A_376] : memref<256x32xi32, #tpu.memory_space<vmem>> -> memref<128x32xi32, #tpu.memory_space<vmem>>
        %dma_wait3A_378 = arith.constant 0 : i32
        %dma_wait3A_379 = tpu.memref_slice %arg13[%dma_wait3A_378] : memref<256xi32, #tpu.memory_space<vmem>> -> memref<128xi32, #tpu.memory_space<vmem>>
        %dma_wait3A_380 = arith.constant 0 : i32
        %dma_wait3A_381 = arith.constant 0 : i32
        %dma_wait3A_382 = tpu.memref_slice %arg3[%dma_wait3A_380, %dma_wait3A_381] : memref<50000x32xi32, #tpu.memory_space<hbm>> -> memref<50000x32xi32, #tpu.memory_space<hbm>>
        tpu.wait_indirect_dma semaphore(%arg27 : memref<!tpu.dma_semaphore, #tpu.memory_space<semaphore_mem>>) src(%dma_wait3A_382 : memref<50000x32xi32, #tpu.memory_space<hbm>>) dst(%dma_wait3A_377 : memref<128x32xi32, #tpu.memory_space<vmem>>)
        %dma_wait3A_383 = arith.constant 128 : i32
        %dma_wait3A_384 = arith.constant 0 : i32
        %dma_wait3A_385 = tpu.memref_slice %arg17[%dma_wait3A_383, %dma_wait3A_384] : memref<256x32xi32, #tpu.memory_space<vmem>> -> memref<128x32xi32, #tpu.memory_space<vmem>>
        %dma_wait3A_386 = arith.constant 128 : i32
        %dma_wait3A_387 = tpu.memref_slice %arg11[%dma_wait3A_386] : memref<256xi32, #tpu.memory_space<vmem>> -> memref<128xi32, #tpu.memory_space<vmem>>
        %dma_wait3A_388 = arith.constant 0 : i32
        %dma_wait3A_389 = arith.constant 0 : i32
        %dma_wait3A_390 = tpu.memref_slice %arg2[%dma_wait3A_388, %dma_wait3A_389] : memref<50000x32xi32, #tpu.memory_space<hbm>> -> memref<50000x32xi32, #tpu.memory_space<hbm>>
        tpu.wait_indirect_dma semaphore(%arg27 : memref<!tpu.dma_semaphore, #tpu.memory_space<semaphore_mem>>) src(%dma_wait3A_390 : memref<50000x32xi32, #tpu.memory_space<hbm>>) dst(%dma_wait3A_385 : memref<128x32xi32, #tpu.memory_space<vmem>>)
        %dma_wait3A_391 = arith.constant 128 : i32
        %dma_wait3A_392 = arith.constant 0 : i32
        %dma_wait3A_393 = tpu.memref_slice %arg19[%dma_wait3A_391, %dma_wait3A_392] : memref<256x32xi32, #tpu.memory_space<vmem>> -> memref<128x32xi32, #tpu.memory_space<vmem>>
        %dma_wait3A_394 = arith.constant 128 : i32
        %dma_wait3A_395 = tpu.memref_slice %arg13[%dma_wait3A_394] : memref<256xi32, #tpu.memory_space<vmem>> -> memref<128xi32, #tpu.memory_space<vmem>>
        %dma_wait3A_396 = arith.constant 0 : i32
        %dma_wait3A_397 = arith.constant 0 : i32
        %dma_wait3A_398 = tpu.memref_slice %arg3[%dma_wait3A_396, %dma_wait3A_397] : memref<50000x32xi32, #tpu.memory_space<hbm>> -> memref<50000x32xi32, #tpu.memory_space<hbm>>
        tpu.wait_indirect_dma semaphore(%arg27 : memref<!tpu.dma_semaphore, #tpu.memory_space<semaphore_mem>>) src(%dma_wait3A_398 : memref<50000x32xi32, #tpu.memory_space<hbm>>) dst(%dma_wait3A_393 : memref<128x32xi32, #tpu.memory_space<vmem>>)
        %dma_wait3A_399 = arith.constant 0 : i32
        %dma_wait3A_400 = tpu.memref_slice %arg4[%mul3A_367, %dma_wait3A_399] : memref<100000x256xi32, #tpu.memory_space<hbm>> -> memref<32x256xi32, #tpu.memory_space<hbm>>
        %dma_wait3A_401 = arith.constant 0 : i32
        %dma_wait3A_402 = tpu.memref_slice %arg4[%mul3A_367, %dma_wait3A_401] : memref<100000x256xi32, #tpu.memory_space<hbm>> -> memref<32x256xi32, #tpu.memory_space<hbm>>
        tpu.wait_dma2 semaphore(%arg27 : memref<!tpu.dma_semaphore, #tpu.memory_space<semaphore_mem>>) src(%dma_wait3A_402 : memref<32x256xi32, #tpu.memory_space<hbm>>) dst(%arg21 : memref<32x256xi32, #tpu.memory_space<vmem>>)
        %scan3A_403 = arith.constant 0 : i32
        %scan3A_404 = arith.constant 0 : i32
        %scan3A_405 = arith.constant 16 : i32
        %scan3A_406 = arith.addi %scan3A_404, %scan3A_405 : i32
        %scan3A_407 = arith.constant 1 : i32
        %scan3A_408 = scf.for %scan3A_410 = %scan3A_404 to %scan3A_406 step %scan3A_407 iter_args(%scan3A_411 = %scan3A_403) -> (i32)  : i32 {
          %mul3A_412 = arith.constant 16 : i32
          %mul3A_413 = arith.muli %scan3A_410, %mul3A_412 : i32
          %add3A_414 = vector.broadcast %mul3A_413 : i32 to vector<16xi32>
          %add3A_415 = arith.addi %iota3A, %add3A_414 : vector<16xi32>
          %shift_right_logical3A = arith.constant 3 : i32
          %shift_right_logical3A_416 = vector.broadcast %shift_right_logical3A : i32 to vector<16xi32>
          %shift_right_logical3A_417 = arith.shrui %add3A_415, %shift_right_logical3A_416 : vector<16xi32>
          %and3A_418 = arith.constant 7 : i32
          %and3A_419 = vector.broadcast %and3A_418 : i32 to vector<16xi32>
          %and3A_420 = arith.andi %add3A_415, %and3A_419 : vector<16xi32>
          %shift_left3A = arith.constant 5 : i32
          %shift_left3A_421 = vector.broadcast %shift_left3A : i32 to vector<16xi32>
          %shift_left3A_422 = arith.shli %and3A_420, %shift_left3A_421 : vector<16xi32>
          %mul3A_423 = arith.constant 16 : i32
          %mul3A_424 = arith.muli %scan3A_410, %mul3A_423 : i32
          %get3A_425 = arith.index_cast %mul3A_424 : i32 to index
          %get3A_426 = tpu.vector_load %arg15[%get3A_425] {strides = array<i32>} : memref<256xi32, #tpu.memory_space<vmem>>, vector<16xi32>,
          %scan3A_427 = arith.constant 0 : i32
          %scan3A_428 = arith.constant 4 : i32
          %scan3A_429 = arith.addi %scan3A_427, %scan3A_428 : i32
          %scan3A_430 = arith.constant 1 : i32
          %scan3A_431:4 = scf.for %scan3A_438 = %scan3A_427 to %scan3A_429 step %scan3A_430 iter_args(%scan3A_439 = %broadcast_in_dim3A_1, %scan3A_440 = %broadcast_in_dim3A_1, %scan3A_441 = %broadcast_in_dim3A_1, %scan3A_442 = %broadcast_in_dim3A_1) -> (vector<16xf32>, vector<16xf32>, vector<16xf32>, vector<16xf32>)  : i32 {
            %mul3A_443 = arith.constant 8 : i32
            %mul3A_444 = arith.muli %scan3A_438, %mul3A_443 : i32
            %add3A_445 = arith.constant 0 : i32
            %add3A_446 = arith.addi %mul3A_444, %add3A_445 : i32
            %add3A_447 = vector.broadcast %add3A_446 : i32 to vector<16xi32>
            %add3A_448 = arith.addi %iota3A, %add3A_447 : vector<16xi32>
            %and3A_449 = arith.constant 31 : i32
            %and3A_450 = vector.broadcast %and3A_449 : i32 to vector<16xi32>
            %and3A_451 = arith.andi %add3A_448, %and3A_450 : vector<16xi32>
            %add3A_452 = arith.addi %shift_left3A_422, %and3A_451 : vector<16xi32>
            %gather3A = tpu.vector_load_idx %arg21[%shift_right_logical3A_417, %add3A_452] : memref<32x256xi32, #tpu.memory_space<vmem>>[vector<16xi32>, vector<16xi32>], vector<16xi32>,
            %gather3A_453 = tpu.vector_load_idx %arg17[%add3A_415, %and3A_451] : memref<256x32xi32, #tpu.memory_space<vmem>>[vector<16xi32>, vector<16xi32>], vector<16xi32>,
            %gather3A_454 = tpu.vector_load_idx %arg19[%add3A_415, %and3A_451] : memref<256x32xi32, #tpu.memory_space<vmem>>[vector<16xi32>, vector<16xi32>], vector<16xi32>,
            %shift_left3A_455 = arith.constant 16 : i32
            %shift_left3A_456 = vector.broadcast %shift_left3A_455 : i32 to vector<16xi32>
            %shift_left3A_457 = arith.shli %gather3A, %shift_left3A_456 : vector<16xi32>
            %bitcast3A = vector.bitcast %shift_left3A_457 : vector<16xi32> to vector<16xf32>
            %shift_left3A_458 = arith.constant 16 : i32
            %shift_left3A_459 = vector.broadcast %shift_left3A_458 : i32 to vector<16xi32>
            %shift_left3A_460 = arith.shli %gather3A_453, %shift_left3A_459 : vector<16xi32>
            %bitcast3A_461 = vector.bitcast %shift_left3A_460 : vector<16xi32> to vector<16xf32>
            %mul3A_462 = arith.mulf %bitcast3A, %bitcast3A_461 : vector<16xf32>
            %shift_left3A_463 = arith.constant 16 : i32
            %shift_left3A_464 = vector.broadcast %shift_left3A_463 : i32 to vector<16xi32>
            %shift_left3A_465 = arith.shli %gather3A_454, %shift_left3A_464 : vector<16xi32>
            %bitcast3A_466 = vector.bitcast %shift_left3A_465 : vector<16xi32> to vector<16xf32>
            %mul3A_467 = arith.mulf %mul3A_462, %bitcast3A_466 : vector<16xf32>
            %add3A_468 = arith.addf %scan3A_439, %mul3A_467 : vector<16xf32>
            %and3A_469 = arith.constant -65536 : i32
            %and3A_470 = vector.broadcast %and3A_469 : i32 to vector<16xi32>
            %and3A_471 = arith.andi %gather3A, %and3A_470 : vector<16xi32>
            %bitcast3A_472 = vector.bitcast %and3A_471 : vector<16xi32> to vector<16xf32>
            %and3A_473 = arith.constant -65536 : i32
            %and3A_474 = vector.broadcast %and3A_473 : i32 to vector<16xi32>
            %and3A_475 = arith.andi %gather3A_453, %and3A_474 : vector<16xi32>
            %bitcast3A_476 = vector.bitcast %and3A_475 : vector<16xi32> to vector<16xf32>
            %mul3A_477 = arith.mulf %bitcast3A_472, %bitcast3A_476 : vector<16xf32>
            %and3A_478 = arith.constant -65536 : i32
            %and3A_479 = vector.broadcast %and3A_478 : i32 to vector<16xi32>
            %and3A_480 = arith.andi %gather3A_454, %and3A_479 : vector<16xi32>
            %bitcast3A_481 = vector.bitcast %and3A_480 : vector<16xi32> to vector<16xf32>
            %mul3A_482 = arith.mulf %mul3A_477, %bitcast3A_481 : vector<16xf32>
            %add3A_483 = arith.addf %scan3A_440, %mul3A_482 : vector<16xf32>
            %add3A_484 = arith.constant 1 : i32
            %add3A_485 = arith.addi %mul3A_444, %add3A_484 : i32
            %add3A_486 = vector.broadcast %add3A_485 : i32 to vector<16xi32>
            %add3A_487 = arith.addi %iota3A, %add3A_486 : vector<16xi32>
            %and3A_488 = arith.constant 31 : i32
            %and3A_489 = vector.broadcast %and3A_488 : i32 to vector<16xi32>
            %and3A_490 = arith.andi %add3A_487, %and3A_489 : vector<16xi32>
            %add3A_491 = arith.addi %shift_left3A_422, %and3A_490 : vector<16xi32>
            %gather3A_492 = tpu.vector_load_idx %arg21[%shift_right_logical3A_417, %add3A_491] : memref<32x256xi32, #tpu.memory_space<vmem>>[vector<16xi32>, vector<16xi32>], vector<16xi32>,
            %gather3A_493 = tpu.vector_load_idx %arg17[%add3A_415, %and3A_490] : memref<256x32xi32, #tpu.memory_space<vmem>>[vector<16xi32>, vector<16xi32>], vector<16xi32>,
            %gather3A_494 = tpu.vector_load_idx %arg19[%add3A_415, %and3A_490] : memref<256x32xi32, #tpu.memory_space<vmem>>[vector<16xi32>, vector<16xi32>], vector<16xi32>,
            %shift_left3A_495 = arith.constant 16 : i32
            %shift_left3A_496 = vector.broadcast %shift_left3A_495 : i32 to vector<16xi32>
            %shift_left3A_497 = arith.shli %gather3A_492, %shift_left3A_496 : vector<16xi32>
            %bitcast3A_498 = vector.bitcast %shift_left3A_497 : vector<16xi32> to vector<16xf32>
            %shift_left3A_499 = arith.constant 16 : i32
            %shift_left3A_500 = vector.broadcast %shift_left3A_499 : i32 to vector<16xi32>
            %shift_left3A_501 = arith.shli %gather3A_493, %shift_left3A_500 : vector<16xi32>
            %bitcast3A_502 = vector.bitcast %shift_left3A_501 : vector<16xi32> to vector<16xf32>
            %mul3A_503 = arith.mulf %bitcast3A_498, %bitcast3A_502 : vector<16xf32>
            %shift_left3A_504 = arith.constant 16 : i32
            %shift_left3A_505 = vector.broadcast %shift_left3A_504 : i32 to vector<16xi32>
            %shift_left3A_506 = arith.shli %gather3A_494, %shift_left3A_505 : vector<16xi32>
            %bitcast3A_507 = vector.bitcast %shift_left3A_506 : vector<16xi32> to vector<16xf32>
            %mul3A_508 = arith.mulf %mul3A_503, %bitcast3A_507 : vector<16xf32>
            %add3A_509 = arith.addf %scan3A_441, %mul3A_508 : vector<16xf32>
            %and3A_510 = arith.constant -65536 : i32
            %and3A_511 = vector.broadcast %and3A_510 : i32 to vector<16xi32>
            %and3A_512 = arith.andi %gather3A_492, %and3A_511 : vector<16xi32>
            %bitcast3A_513 = vector.bitcast %and3A_512 : vector<16xi32> to vector<16xf32>
            %and3A_514 = arith.constant -65536 : i32
            %and3A_515 = vector.broadcast %and3A_514 : i32 to vector<16xi32>
            %and3A_516 = arith.andi %gather3A_493, %and3A_515 : vector<16xi32>
            %bitcast3A_517 = vector.bitcast %and3A_516 : vector<16xi32> to vector<16xf32>
            %mul3A_518 = arith.mulf %bitcast3A_513, %bitcast3A_517 : vector<16xf32>
            %and3A_519 = arith.constant -65536 : i32
            %and3A_520 = vector.broadcast %and3A_519 : i32 to vector<16xi32>
            %and3A_521 = arith.andi %gather3A_494, %and3A_520 : vector<16xi32>
            %bitcast3A_522 = vector.bitcast %and3A_521 : vector<16xi32> to vector<16xf32>
            %mul3A_523 = arith.mulf %mul3A_518, %bitcast3A_522 : vector<16xf32>
            %add3A_524 = arith.addf %scan3A_442, %mul3A_523 : vector<16xf32>
            %add3A_525 = arith.constant 2 : i32
            %add3A_526 = arith.addi %mul3A_444, %add3A_525 : i32
            %add3A_527 = vector.broadcast %add3A_526 : i32 to vector<16xi32>
            %add3A_528 = arith.addi %iota3A, %add3A_527 : vector<16xi32>
            %and3A_529 = arith.constant 31 : i32
            %and3A_530 = vector.broadcast %and3A_529 : i32 to vector<16xi32>
            %and3A_531 = arith.andi %add3A_528, %and3A_530 : vector<16xi32>
            %add3A_532 = arith.addi %shift_left3A_422, %and3A_531 : vector<16xi32>
            %gather3A_533 = tpu.vector_load_idx %arg21[%shift_right_logical3A_417, %add3A_532] : memref<32x256xi32, #tpu.memory_space<vmem>>[vector<16xi32>, vector<16xi32>], vector<16xi32>,
            %gather3A_534 = tpu.vector_load_idx %arg17[%add3A_415, %and3A_531] : memref<256x32xi32, #tpu.memory_space<vmem>>[vector<16xi32>, vector<16xi32>], vector<16xi32>,
            %gather3A_535 = tpu.vector_load_idx %arg19[%add3A_415, %and3A_531] : memref<256x32xi32, #tpu.memory_space<vmem>>[vector<16xi32>, vector<16xi32>], vector<16xi32>,
            %shift_left3A_536 = arith.constant 16 : i32
            %shift_left3A_537 = vector.broadcast %shift_left3A_536 : i32 to vector<16xi32>
            %shift_left3A_538 = arith.shli %gather3A_533, %shift_left3A_537 : vector<16xi32>
            %bitcast3A_539 = vector.bitcast %shift_left3A_538 : vector<16xi32> to vector<16xf32>
            %shift_left3A_540 = arith.constant 16 : i32
            %shift_left3A_541 = vector.broadcast %shift_left3A_540 : i32 to vector<16xi32>
            %shift_left3A_542 = arith.shli %gather3A_534, %shift_left3A_541 : vector<16xi32>
            %bitcast3A_543 = vector.bitcast %shift_left3A_542 : vector<16xi32> to vector<16xf32>
            %mul3A_544 = arith.mulf %bitcast3A_539, %bitcast3A_543 : vector<16xf32>
            %shift_left3A_545 = arith.constant 16 : i32
            %shift_left3A_546 = vector.broadcast %shift_left3A_545 : i32 to vector<16xi32>
            %shift_left3A_547 = arith.shli %gather3A_535, %shift_left3A_546 : vector<16xi32>
            %bitcast3A_548 = vector.bitcast %shift_left3A_547 : vector<16xi32> to vector<16xf32>
            %mul3A_549 = arith.mulf %mul3A_544, %bitcast3A_548 : vector<16xf32>
            %add3A_550 = arith.addf %add3A_468, %mul3A_549 : vector<16xf32>
            %and3A_551 = arith.constant -65536 : i32
            %and3A_552 = vector.broadcast %and3A_551 : i32 to vector<16xi32>
            %and3A_553 = arith.andi %gather3A_533, %and3A_552 : vector<16xi32>
            %bitcast3A_554 = vector.bitcast %and3A_553 : vector<16xi32> to vector<16xf32>
            %and3A_555 = arith.constant -65536 : i32
            %and3A_556 = vector.broadcast %and3A_555 : i32 to vector<16xi32>
            %and3A_557 = arith.andi %gather3A_534, %and3A_556 : vector<16xi32>
            %bitcast3A_558 = vector.bitcast %and3A_557 : vector<16xi32> to vector<16xf32>
            %mul3A_559 = arith.mulf %bitcast3A_554, %bitcast3A_558 : vector<16xf32>
            %and3A_560 = arith.constant -65536 : i32
            %and3A_561 = vector.broadcast %and3A_560 : i32 to vector<16xi32>
            %and3A_562 = arith.andi %gather3A_535, %and3A_561 : vector<16xi32>
            %bitcast3A_563 = vector.bitcast %and3A_562 : vector<16xi32> to vector<16xf32>
            %mul3A_564 = arith.mulf %mul3A_559, %bitcast3A_563 : vector<16xf32>
            %add3A_565 = arith.addf %add3A_483, %mul3A_564 : vector<16xf32>
            %add3A_566 = arith.constant 3 : i32
            %add3A_567 = arith.addi %mul3A_444, %add3A_566 : i32
            %add3A_568 = vector.broadcast %add3A_567 : i32 to vector<16xi32>
            %add3A_569 = arith.addi %iota3A, %add3A_568 : vector<16xi32>
            %and3A_570 = arith.constant 31 : i32
            %and3A_571 = vector.broadcast %and3A_570 : i32 to vector<16xi32>
            %and3A_572 = arith.andi %add3A_569, %and3A_571 : vector<16xi32>
            %add3A_573 = arith.addi %shift_left3A_422, %and3A_572 : vector<16xi32>
            %gather3A_574 = tpu.vector_load_idx %arg21[%shift_right_logical3A_417, %add3A_573] : memref<32x256xi32, #tpu.memory_space<vmem>>[vector<16xi32>, vector<16xi32>], vector<16xi32>,
            %gather3A_575 = tpu.vector_load_idx %arg17[%add3A_415, %and3A_572] : memref<256x32xi32, #tpu.memory_space<vmem>>[vector<16xi32>, vector<16xi32>], vector<16xi32>,
            %gather3A_576 = tpu.vector_load_idx %arg19[%add3A_415, %and3A_572] : memref<256x32xi32, #tpu.memory_space<vmem>>[vector<16xi32>, vector<16xi32>], vector<16xi32>,
            %shift_left3A_577 = arith.constant 16 : i32
            %shift_left3A_578 = vector.broadcast %shift_left3A_577 : i32 to vector<16xi32>
            %shift_left3A_579 = arith.shli %gather3A_574, %shift_left3A_578 : vector<16xi32>
            %bitcast3A_580 = vector.bitcast %shift_left3A_579 : vector<16xi32> to vector<16xf32>
            %shift_left3A_581 = arith.constant 16 : i32
            %shift_left3A_582 = vector.broadcast %shift_left3A_581 : i32 to vector<16xi32>
            %shift_left3A_583 = arith.shli %gather3A_575, %shift_left3A_582 : vector<16xi32>
            %bitcast3A_584 = vector.bitcast %shift_left3A_583 : vector<16xi32> to vector<16xf32>
            %mul3A_585 = arith.mulf %bitcast3A_580, %bitcast3A_584 : vector<16xf32>
            %shift_left3A_586 = arith.constant 16 : i32
            %shift_left3A_587 = vector.broadcast %shift_left3A_586 : i32 to vector<16xi32>
            %shift_left3A_588 = arith.shli %gather3A_576, %shift_left3A_587 : vector<16xi32>
            %bitcast3A_589 = vector.bitcast %shift_left3A_588 : vector<16xi32> to vector<16xf32>
            %mul3A_590 = arith.mulf %mul3A_585, %bitcast3A_589 : vector<16xf32>
            %add3A_591 = arith.addf %add3A_509, %mul3A_590 : vector<16xf32>
            %and3A_592 = arith.constant -65536 : i32
            %and3A_593 = vector.broadcast %and3A_592 : i32 to vector<16xi32>
            %and3A_594 = arith.andi %gather3A_574, %and3A_593 : vector<16xi32>
            %bitcast3A_595 = vector.bitcast %and3A_594 : vector<16xi32> to vector<16xf32>
            %and3A_596 = arith.constant -65536 : i32
            %and3A_597 = vector.broadcast %and3A_596 : i32 to vector<16xi32>
            %and3A_598 = arith.andi %gather3A_575, %and3A_597 : vector<16xi32>
            %bitcast3A_599 = vector.bitcast %and3A_598 : vector<16xi32> to vector<16xf32>
            %mul3A_600 = arith.mulf %bitcast3A_595, %bitcast3A_599 : vector<16xf32>
            %and3A_601 = arith.constant -65536 : i32
            %and3A_602 = vector.broadcast %and3A_601 : i32 to vector<16xi32>
            %and3A_603 = arith.andi %gather3A_576, %and3A_602 : vector<16xi32>
            %bitcast3A_604 = vector.bitcast %and3A_603 : vector<16xi32> to vector<16xf32>
            %mul3A_605 = arith.mulf %mul3A_600, %bitcast3A_604 : vector<16xf32>
            %add3A_606 = arith.addf %add3A_524, %mul3A_605 : vector<16xf32>
            %add3A_607 = arith.constant 4 : i32
            %add3A_608 = arith.addi %mul3A_444, %add3A_607 : i32
            %add3A_609 = vector.broadcast %add3A_608 : i32 to vector<16xi32>
            %add3A_610 = arith.addi %iota3A, %add3A_609 : vector<16xi32>
            %and3A_611 = arith.constant 31 : i32
            %and3A_612 = vector.broadcast %and3A_611 : i32 to vector<16xi32>
            %and3A_613 = arith.andi %add3A_610, %and3A_612 : vector<16xi32>
            %add3A_614 = arith.addi %shift_left3A_422, %and3A_613 : vector<16xi32>
            %gather3A_615 = tpu.vector_load_idx %arg21[%shift_right_logical3A_417, %add3A_614] : memref<32x256xi32, #tpu.memory_space<vmem>>[vector<16xi32>, vector<16xi32>], vector<16xi32>,
            %gather3A_616 = tpu.vector_load_idx %arg17[%add3A_415, %and3A_613] : memref<256x32xi32, #tpu.memory_space<vmem>>[vector<16xi32>, vector<16xi32>], vector<16xi32>,
            %gather3A_617 = tpu.vector_load_idx %arg19[%add3A_415, %and3A_613] : memref<256x32xi32, #tpu.memory_space<vmem>>[vector<16xi32>, vector<16xi32>], vector<16xi32>,
            %shift_left3A_618 = arith.constant 16 : i32
            %shift_left3A_619 = vector.broadcast %shift_left3A_618 : i32 to vector<16xi32>
            %shift_left3A_620 = arith.shli %gather3A_615, %shift_left3A_619 : vector<16xi32>
            %bitcast3A_621 = vector.bitcast %shift_left3A_620 : vector<16xi32> to vector<16xf32>
            %shift_left3A_622 = arith.constant 16 : i32
            %shift_left3A_623 = vector.broadcast %shift_left3A_622 : i32 to vector<16xi32>
            %shift_left3A_624 = arith.shli %gather3A_616, %shift_left3A_623 : vector<16xi32>
            %bitcast3A_625 = vector.bitcast %shift_left3A_624 : vector<16xi32> to vector<16xf32>
            %mul3A_626 = arith.mulf %bitcast3A_621, %bitcast3A_625 : vector<16xf32>
            %shift_left3A_627 = arith.constant 16 : i32
            %shift_left3A_628 = vector.broadcast %shift_left3A_627 : i32 to vector<16xi32>
            %shift_left3A_629 = arith.shli %gather3A_617, %shift_left3A_628 : vector<16xi32>
            %bitcast3A_630 = vector.bitcast %shift_left3A_629 : vector<16xi32> to vector<16xf32>
            %mul3A_631 = arith.mulf %mul3A_626, %bitcast3A_630 : vector<16xf32>
            %add3A_632 = arith.addf %add3A_550, %mul3A_631 : vector<16xf32>
            %and3A_633 = arith.constant -65536 : i32
            %and3A_634 = vector.broadcast %and3A_633 : i32 to vector<16xi32>
            %and3A_635 = arith.andi %gather3A_615, %and3A_634 : vector<16xi32>
            %bitcast3A_636 = vector.bitcast %and3A_635 : vector<16xi32> to vector<16xf32>
            %and3A_637 = arith.constant -65536 : i32
            %and3A_638 = vector.broadcast %and3A_637 : i32 to vector<16xi32>
            %and3A_639 = arith.andi %gather3A_616, %and3A_638 : vector<16xi32>
            %bitcast3A_640 = vector.bitcast %and3A_639 : vector<16xi32> to vector<16xf32>
            %mul3A_641 = arith.mulf %bitcast3A_636, %bitcast3A_640 : vector<16xf32>
            %and3A_642 = arith.constant -65536 : i32
            %and3A_643 = vector.broadcast %and3A_642 : i32 to vector<16xi32>
            %and3A_644 = arith.andi %gather3A_617, %and3A_643 : vector<16xi32>
            %bitcast3A_645 = vector.bitcast %and3A_644 : vector<16xi32> to vector<16xf32>
            %mul3A_646 = arith.mulf %mul3A_641, %bitcast3A_645 : vector<16xf32>
            %add3A_647 = arith.addf %add3A_565, %mul3A_646 : vector<16xf32>
            %add3A_648 = arith.constant 5 : i32
            %add3A_649 = arith.addi %mul3A_444, %add3A_648 : i32
            %add3A_650 = vector.broadcast %add3A_649 : i32 to vector<16xi32>
            %add3A_651 = arith.addi %iota3A, %add3A_650 : vector<16xi32>
            %and3A_652 = arith.constant 31 : i32
            %and3A_653 = vector.broadcast %and3A_652 : i32 to vector<16xi32>
            %and3A_654 = arith.andi %add3A_651, %and3A_653 : vector<16xi32>
            %add3A_655 = arith.addi %shift_left3A_422, %and3A_654 : vector<16xi32>
            %gather3A_656 = tpu.vector_load_idx %arg21[%shift_right_logical3A_417, %add3A_655] : memref<32x256xi32, #tpu.memory_space<vmem>>[vector<16xi32>, vector<16xi32>], vector<16xi32>,
            %gather3A_657 = tpu.vector_load_idx %arg17[%add3A_415, %and3A_654] : memref<256x32xi32, #tpu.memory_space<vmem>>[vector<16xi32>, vector<16xi32>], vector<16xi32>,
            %gather3A_658 = tpu.vector_load_idx %arg19[%add3A_415, %and3A_654] : memref<256x32xi32, #tpu.memory_space<vmem>>[vector<16xi32>, vector<16xi32>], vector<16xi32>,
            %shift_left3A_659 = arith.constant 16 : i32
            %shift_left3A_660 = vector.broadcast %shift_left3A_659 : i32 to vector<16xi32>
            %shift_left3A_661 = arith.shli %gather3A_656, %shift_left3A_660 : vector<16xi32>
            %bitcast3A_662 = vector.bitcast %shift_left3A_661 : vector<16xi32> to vector<16xf32>
            %shift_left3A_663 = arith.constant 16 : i32
            %shift_left3A_664 = vector.broadcast %shift_left3A_663 : i32 to vector<16xi32>
            %shift_left3A_665 = arith.shli %gather3A_657, %shift_left3A_664 : vector<16xi32>
            %bitcast3A_666 = vector.bitcast %shift_left3A_665 : vector<16xi32> to vector<16xf32>
            %mul3A_667 = arith.mulf %bitcast3A_662, %bitcast3A_666 : vector<16xf32>
            %shift_left3A_668 = arith.constant 16 : i32
            %shift_left3A_669 = vector.broadcast %shift_left3A_668 : i32 to vector<16xi32>
            %shift_left3A_670 = arith.shli %gather3A_658, %shift_left3A_669 : vector<16xi32>
            %bitcast3A_671 = vector.bitcast %shift_left3A_670 : vector<16xi32> to vector<16xf32>
            %mul3A_672 = arith.mulf %mul3A_667, %bitcast3A_671 : vector<16xf32>
            %add3A_673 = arith.addf %add3A_591, %mul3A_672 : vector<16xf32>
            %and3A_674 = arith.constant -65536 : i32
            %and3A_675 = vector.broadcast %and3A_674 : i32 to vector<16xi32>
            %and3A_676 = arith.andi %gather3A_656, %and3A_675 : vector<16xi32>
            %bitcast3A_677 = vector.bitcast %and3A_676 : vector<16xi32> to vector<16xf32>
            %and3A_678 = arith.constant -65536 : i32
            %and3A_679 = vector.broadcast %and3A_678 : i32 to vector<16xi32>
            %and3A_680 = arith.andi %gather3A_657, %and3A_679 : vector<16xi32>
            %bitcast3A_681 = vector.bitcast %and3A_680 : vector<16xi32> to vector<16xf32>
            %mul3A_682 = arith.mulf %bitcast3A_677, %bitcast3A_681 : vector<16xf32>
            %and3A_683 = arith.constant -65536 : i32
            %and3A_684 = vector.broadcast %and3A_683 : i32 to vector<16xi32>
            %and3A_685 = arith.andi %gather3A_658, %and3A_684 : vector<16xi32>
            %bitcast3A_686 = vector.bitcast %and3A_685 : vector<16xi32> to vector<16xf32>
            %mul3A_687 = arith.mulf %mul3A_682, %bitcast3A_686 : vector<16xf32>
            %add3A_688 = arith.addf %add3A_606, %mul3A_687 : vector<16xf32>
            %add3A_689 = arith.constant 6 : i32
            %add3A_690 = arith.addi %mul3A_444, %add3A_689 : i32
            %add3A_691 = vector.broadcast %add3A_690 : i32 to vector<16xi32>
            %add3A_692 = arith.addi %iota3A, %add3A_691 : vector<16xi32>
            %and3A_693 = arith.constant 31 : i32
            %and3A_694 = vector.broadcast %and3A_693 : i32 to vector<16xi32>
            %and3A_695 = arith.andi %add3A_692, %and3A_694 : vector<16xi32>
            %add3A_696 = arith.addi %shift_left3A_422, %and3A_695 : vector<16xi32>
            %gather3A_697 = tpu.vector_load_idx %arg21[%shift_right_logical3A_417, %add3A_696] : memref<32x256xi32, #tpu.memory_space<vmem>>[vector<16xi32>, vector<16xi32>], vector<16xi32>,
            %gather3A_698 = tpu.vector_load_idx %arg17[%add3A_415, %and3A_695] : memref<256x32xi32, #tpu.memory_space<vmem>>[vector<16xi32>, vector<16xi32>], vector<16xi32>,
            %gather3A_699 = tpu.vector_load_idx %arg19[%add3A_415, %and3A_695] : memref<256x32xi32, #tpu.memory_space<vmem>>[vector<16xi32>, vector<16xi32>], vector<16xi32>,
            %shift_left3A_700 = arith.constant 16 : i32
            %shift_left3A_701 = vector.broadcast %shift_left3A_700 : i32 to vector<16xi32>
            %shift_left3A_702 = arith.shli %gather3A_697, %shift_left3A_701 : vector<16xi32>
            %bitcast3A_703 = vector.bitcast %shift_left3A_702 : vector<16xi32> to vector<16xf32>
            %shift_left3A_704 = arith.constant 16 : i32
            %shift_left3A_705 = vector.broadcast %shift_left3A_704 : i32 to vector<16xi32>
            %shift_left3A_706 = arith.shli %gather3A_698, %shift_left3A_705 : vector<16xi32>
            %bitcast3A_707 = vector.bitcast %shift_left3A_706 : vector<16xi32> to vector<16xf32>
            %mul3A_708 = arith.mulf %bitcast3A_703, %bitcast3A_707 : vector<16xf32>
            %shift_left3A_709 = arith.constant 16 : i32
            %shift_left3A_710 = vector.broadcast %shift_left3A_709 : i32 to vector<16xi32>
            %shift_left3A_711 = arith.shli %gather3A_699, %shift_left3A_710 : vector<16xi32>
            %bitcast3A_712 = vector.bitcast %shift_left3A_711 : vector<16xi32> to vector<16xf32>
            %mul3A_713 = arith.mulf %mul3A_708, %bitcast3A_712 : vector<16xf32>
            %add3A_714 = arith.addf %add3A_632, %mul3A_713 : vector<16xf32>
            %and3A_715 = arith.constant -65536 : i32
            %and3A_716 = vector.broadcast %and3A_715 : i32 to vector<16xi32>
            %and3A_717 = arith.andi %gather3A_697, %and3A_716 : vector<16xi32>
            %bitcast3A_718 = vector.bitcast %and3A_717 : vector<16xi32> to vector<16xf32>
            %and3A_719 = arith.constant -65536 : i32
            %and3A_720 = vector.broadcast %and3A_719 : i32 to vector<16xi32>
            %and3A_721 = arith.andi %gather3A_698, %and3A_720 : vector<16xi32>
            %bitcast3A_722 = vector.bitcast %and3A_721 : vector<16xi32> to vector<16xf32>
            %mul3A_723 = arith.mulf %bitcast3A_718, %bitcast3A_722 : vector<16xf32>
            %and3A_724 = arith.constant -65536 : i32
            %and3A_725 = vector.broadcast %and3A_724 : i32 to vector<16xi32>
            %and3A_726 = arith.andi %gather3A_699, %and3A_725 : vector<16xi32>
            %bitcast3A_727 = vector.bitcast %and3A_726 : vector<16xi32> to vector<16xf32>
            %mul3A_728 = arith.mulf %mul3A_723, %bitcast3A_727 : vector<16xf32>
            %add3A_729 = arith.addf %add3A_647, %mul3A_728 : vector<16xf32>
            %add3A_730 = arith.constant 7 : i32
            %add3A_731 = arith.addi %mul3A_444, %add3A_730 : i32
            %add3A_732 = vector.broadcast %add3A_731 : i32 to vector<16xi32>
            %add3A_733 = arith.addi %iota3A, %add3A_732 : vector<16xi32>
            %and3A_734 = arith.constant 31 : i32
            %and3A_735 = vector.broadcast %and3A_734 : i32 to vector<16xi32>
            %and3A_736 = arith.andi %add3A_733, %and3A_735 : vector<16xi32>
            %add3A_737 = arith.addi %shift_left3A_422, %and3A_736 : vector<16xi32>
            %gather3A_738 = tpu.vector_load_idx %arg21[%shift_right_logical3A_417, %add3A_737] : memref<32x256xi32, #tpu.memory_space<vmem>>[vector<16xi32>, vector<16xi32>], vector<16xi32>,
            %gather3A_739 = tpu.vector_load_idx %arg17[%add3A_415, %and3A_736] : memref<256x32xi32, #tpu.memory_space<vmem>>[vector<16xi32>, vector<16xi32>], vector<16xi32>,
            %gather3A_740 = tpu.vector_load_idx %arg19[%add3A_415, %and3A_736] : memref<256x32xi32, #tpu.memory_space<vmem>>[vector<16xi32>, vector<16xi32>], vector<16xi32>,
            %shift_left3A_741 = arith.constant 16 : i32
            %shift_left3A_742 = vector.broadcast %shift_left3A_741 : i32 to vector<16xi32>
            %shift_left3A_743 = arith.shli %gather3A_738, %shift_left3A_742 : vector<16xi32>
            %bitcast3A_744 = vector.bitcast %shift_left3A_743 : vector<16xi32> to vector<16xf32>
            %shift_left3A_745 = arith.constant 16 : i32
            %shift_left3A_746 = vector.broadcast %shift_left3A_745 : i32 to vector<16xi32>
            %shift_left3A_747 = arith.shli %gather3A_739, %shift_left3A_746 : vector<16xi32>
            %bitcast3A_748 = vector.bitcast %shift_left3A_747 : vector<16xi32> to vector<16xf32>
            %mul3A_749 = arith.mulf %bitcast3A_744, %bitcast3A_748 : vector<16xf32>
            %shift_left3A_750 = arith.constant 16 : i32
            %shift_left3A_751 = vector.broadcast %shift_left3A_750 : i32 to vector<16xi32>
            %shift_left3A_752 = arith.shli %gather3A_740, %shift_left3A_751 : vector<16xi32>
            %bitcast3A_753 = vector.bitcast %shift_left3A_752 : vector<16xi32> to vector<16xf32>
            %mul3A_754 = arith.mulf %mul3A_749, %bitcast3A_753 : vector<16xf32>
            %add3A_755 = arith.addf %add3A_673, %mul3A_754 : vector<16xf32>
            %and3A_756 = arith.constant -65536 : i32
            %and3A_757 = vector.broadcast %and3A_756 : i32 to vector<16xi32>
            %and3A_758 = arith.andi %gather3A_738, %and3A_757 : vector<16xi32>
            %bitcast3A_759 = vector.bitcast %and3A_758 : vector<16xi32> to vector<16xf32>
            %and3A_760 = arith.constant -65536 : i32
            %and3A_761 = vector.broadcast %and3A_760 : i32 to vector<16xi32>
            %and3A_762 = arith.andi %gather3A_739, %and3A_761 : vector<16xi32>
            %bitcast3A_763 = vector.bitcast %and3A_762 : vector<16xi32> to vector<16xf32>
            %mul3A_764 = arith.mulf %bitcast3A_759, %bitcast3A_763 : vector<16xf32>
            %and3A_765 = arith.constant -65536 : i32
            %and3A_766 = vector.broadcast %and3A_765 : i32 to vector<16xi32>
            %and3A_767 = arith.andi %gather3A_740, %and3A_766 : vector<16xi32>
            %bitcast3A_768 = vector.bitcast %and3A_767 : vector<16xi32> to vector<16xf32>
            %mul3A_769 = arith.mulf %mul3A_764, %bitcast3A_768 : vector<16xf32>
            %add3A_770 = arith.addf %add3A_688, %mul3A_769 : vector<16xf32>
            scf.yield %add3A_714, %add3A_729, %add3A_755, %add3A_770 : vector<16xf32>, vector<16xf32>, vector<16xf32>, vector<16xf32>
          }
          %scan3A_432 = arith.constant 4 : i32
          %add3A_433 = arith.addf %scan3A_431#0, %scan3A_431#1 : vector<16xf32>
          %add3A_434 = arith.addf %scan3A_431#2, %scan3A_431#3 : vector<16xf32>
          %add3A_435 = arith.addf %add3A_433, %add3A_434 : vector<16xf32>
          %add3A_436 = arith.addf %add3A_435, %get3A_257 : vector<16xf32>
          tpu.vector_store_idx %arg22[%get3A_426, %iota3A], %add3A_436 {add = true} : memref<64x16xf32, #tpu.memory_space<vmem>>[vector<16xi32>, vector<16xi32>], vector<16xf32>,
          %scan3A_437 = arith.constant 0 : i32
          scf.yield %scan3A_437 : i32
        }
        %scan3A_409 = arith.constant 16 : i32
      } else {
      }
      %add3A_352 = arith.constant 2 : i32
      %add3A_353 = arith.addi %add3A_330, %add3A_352 : i32
      %mul3A_354 = arith.constant 32 : i32
      %mul3A_355 = arith.muli %mul3A_354, %add3A_353 : i32
      %add3A_356 = arith.addi %add3A, %mul3A_355 : i32
      %lt3A_357 = arith.constant 98 : i32
      %lt3A_358 = arith.cmpi slt, %add3A_353, %lt3A_357 : i32
      %lt3A_359 = arith.constant 3125 : i32
      %lt3A_360 = arith.cmpi slt, %add3A_356, %lt3A_359 : i32
      %and3A_361 = arith.andi %lt3A_358, %lt3A_360 : i1
      %convert_element_type3A_362 = arith.extui %and3A_361 : i1 to i32
      %cond3A_363 = arith.constant 0 : i32
      %cond3A_364 = arith.cmpi ne, %convert_element_type3A_362, %cond3A_363 : i32
      scf.if %cond3A_364 {
        %mul3A_366 = arith.constant 256 : i32
        %mul3A_367 = arith.muli %add3A_356, %mul3A_366 : i32
        %dma_start3A = tpu.memref_slice %arg5[%mul3A_367] : memref<800000xi32, #tpu.memory_space<hbm>> -> memref<256xi32, #tpu.memory_space<hbm>>
        %dma_start3A_368 = tpu.memref_slice %arg5[%mul3A_367] : memref<800000xi32, #tpu.memory_space<hbm>> -> memref<256xi32, #tpu.memory_space<hbm>>
        tpu.enqueue_dma source(%dma_start3A_368 : memref<256xi32, #tpu.memory_space<hbm>>) target(%arg11 : memref<256xi32, #tpu.memory_space<vmem>>) target_semaphore(%arg25 : memref<!tpu.dma_semaphore, #tpu.memory_space<semaphore_mem>>)
        %dma_start3A_369 = tpu.memref_slice %arg6[%mul3A_367] : memref<800000xi32, #tpu.memory_space<hbm>> -> memref<256xi32, #tpu.memory_space<hbm>>
        %dma_start3A_370 = tpu.memref_slice %arg6[%mul3A_367] : memref<800000xi32, #tpu.memory_space<hbm>> -> memref<256xi32, #tpu.memory_space<hbm>>
        tpu.enqueue_dma source(%dma_start3A_370 : memref<256xi32, #tpu.memory_space<hbm>>) target(%arg13 : memref<256xi32, #tpu.memory_space<vmem>>) target_semaphore(%arg25 : memref<!tpu.dma_semaphore, #tpu.memory_space<semaphore_mem>>)
        %dma_start3A_371 = tpu.memref_slice %arg7[%mul3A_367] : memref<800000xi32, #tpu.memory_space<hbm>> -> memref<256xi32, #tpu.memory_space<hbm>>
        %dma_start3A_372 = tpu.memref_slice %arg7[%mul3A_367] : memref<800000xi32, #tpu.memory_space<hbm>> -> memref<256xi32, #tpu.memory_space<hbm>>
        tpu.enqueue_dma source(%dma_start3A_372 : memref<256xi32, #tpu.memory_space<hbm>>) target(%arg15 : memref<256xi32, #tpu.memory_space<vmem>>) target_semaphore(%arg25 : memref<!tpu.dma_semaphore, #tpu.memory_space<semaphore_mem>>)
      } else {
      }
      %scan3A_365 = arith.constant 0 : i32
      scf.yield %scan3A_365 : i32
    }
    %scan3A_286 = arith.constant 49 : i32
    "tpu.region"() ({
      %run_scoped3A = tpu.sem_alloc : memref<!tpu.dma_semaphore, #tpu.memory_space<semaphore_mem>>
      %dma_start3A = arith.constant 0 : i32
      %dma_start3A_287 = arith.constant 0 : i32
      %dma_start3A_288 = tpu.memref_slice %arg9[%add3A, %dma_start3A, %dma_start3A_287] : memref<32x64x16xf32, #tpu.memory_space<hbm>> -> memref<1x64x16xf32, #tpu.memory_space<hbm>>
      %dma_start3A_289 = tpu.memref_squeeze %dma_start3A_288 : memref<1x64x16xf32, #tpu.memory_space<hbm>> -> memref<64x16xf32, #tpu.memory_space<hbm>>
      %dma_start3A_290 = arith.constant 0 : i32
      %dma_start3A_291 = arith.constant 0 : i32
      %dma_start3A_292 = tpu.memref_slice %arg9[%add3A, %dma_start3A_290, %dma_start3A_291] : memref<32x64x16xf32, #tpu.memory_space<hbm>> -> memref<1x64x16xf32, #tpu.memory_space<hbm>>
      %dma_start3A_293 = tpu.memref_squeeze %dma_start3A_292 : memref<1x64x16xf32, #tpu.memory_space<hbm>> -> memref<64x16xf32, #tpu.memory_space<hbm>>
      tpu.enqueue_dma source(%arg22 : memref<64x16xf32, #tpu.memory_space<vmem>>) target(%dma_start3A_293 : memref<64x16xf32, #tpu.memory_space<hbm>>) target_semaphore(%run_scoped3A : memref<!tpu.dma_semaphore, #tpu.memory_space<semaphore_mem>>)
      %dma_wait3A = arith.constant 0 : i32
      %dma_wait3A_294 = arith.constant 0 : i32
      %dma_wait3A_295 = tpu.memref_slice %arg9[%add3A, %dma_wait3A, %dma_wait3A_294] : memref<32x64x16xf32, #tpu.memory_space<hbm>> -> memref<1x64x16xf32, #tpu.memory_space<hbm>>
      %dma_wait3A_296 = tpu.memref_squeeze %dma_wait3A_295 : memref<1x64x16xf32, #tpu.memory_space<hbm>> -> memref<64x16xf32, #tpu.memory_space<hbm>>
      %dma_wait3A_297 = arith.constant 0 : i32
      %dma_wait3A_298 = arith.constant 0 : i32
      %dma_wait3A_299 = tpu.memref_slice %arg9[%add3A, %dma_wait3A_297, %dma_wait3A_298] : memref<32x64x16xf32, #tpu.memory_space<hbm>> -> memref<1x64x16xf32, #tpu.memory_space<hbm>>
      %dma_wait3A_300 = tpu.memref_squeeze %dma_wait3A_299 : memref<1x64x16xf32, #tpu.memory_space<hbm>> -> memref<64x16xf32, #tpu.memory_space<hbm>>
      tpu.wait_dma2 semaphore(%run_scoped3A : memref<!tpu.dma_semaphore, #tpu.memory_space<semaphore_mem>>) src(%arg22 : memref<64x16xf32, #tpu.memory_space<vmem>>) dst(%dma_wait3A_300 : memref<64x16xf32, #tpu.memory_space<hbm>>)
      tpu.yield
    }) : () -> ()
    return
  }
}

#map = affine_map<(d0, d1) -> (0, 0)>
#map1 = affine_map<(d0, d1) -> (0)>
#map2 = affine_map<(d0, d1) -> (0, 0, 0)>
module attributes {stable_mosaic.version = 14 : i64} {
  func.func @_sc_dir(%arg0: i32, %arg1: i32, %arg2: memref<50000x32xi32, #tpu.memory_space<hbm>>, %arg3: memref<50000x32xi32, #tpu.memory_space<hbm>>, %arg4: memref<100000x256xi32, #tpu.memory_space<hbm>>, %arg5: memref<800000xi32, #tpu.memory_space<hbm>>, %arg6: memref<800000xi32, #tpu.memory_space<hbm>>, %arg7: memref<800000xi32, #tpu.memory_space<hbm>>, %arg8: memref<16xf32, #tpu.memory_space<hbm>>, %arg9: memref<32x64x16xf32, #tpu.memory_space<hbm>>, %arg10: memref<256xi32, #tpu.memory_space<vmem>>, %arg11: memref<256xi32, #tpu.memory_space<vmem>>, %arg12: memref<256xi32, #tpu.memory_space<vmem>>, %arg13: memref<256xi32, #tpu.memory_space<vmem>>, %arg14: memref<256xi32, #tpu.memory_space<vmem>>, %arg15: memref<256xi32, #tpu.memory_space<vmem>>, %arg16: memref<256x32xi32, #tpu.memory_space<vmem>>, %arg17: memref<256x32xi32, #tpu.memory_space<vmem>>, %arg18: memref<256x32xi32, #tpu.memory_space<vmem>>, %arg19: memref<256x32xi32, #tpu.memory_space<vmem>>, %arg20: memref<32x256xi32, #tpu.memory_space<vmem>>, %arg21: memref<32x256xi32, #tpu.memory_space<vmem>>, %arg22: memref<64x16xf32, #tpu.memory_space<vmem>>, %arg23: memref<16xf32, #tpu.memory_space<vmem>>, %arg24: memref<!tpu.dma_semaphore, #tpu.memory_space<semaphore_mem>>, %arg25: memref<!tpu.dma_semaphore, #tpu.memory_space<semaphore_mem>>, %arg26: memref<!tpu.dma_semaphore, #tpu.memory_space<semaphore_mem>>, %arg27: memref<!tpu.dma_semaphore, #tpu.memory_space<semaphore_mem>>) attributes {dimension_semantics = [#tpu.dimension_semantics<core_parallel>, #tpu.dimension_semantics<subcore_parallel>], iteration_bounds = array<i64: 2, 16>, scalar_prefetch = 0 : i64, scratch_operands = 18 : i64, tpu.core_type = #tpu.core_type<sc_vector_subcore>, window_params = [{transform_indices = #map}, {transform_indices = #map}, {transform_indices = #map}, {transform_indices = #map1}, {transform_indices = #map1}, {transform_indices = #map1}, {transform_indices = #map1}, {transform_indices = #map2}]} {
    %mul3A = arith.constant 2 : i32
    %mul3A_0 = arith.muli %arg1, %mul3A : i32
    %add3A = arith.addi %mul3A_0, %arg0 : i32
    %broadcast_in_dim3A = arith.constant 0.000000e+00 : f32
    %broadcast_in_dim3A_1 = vector.broadcast %broadcast_in_dim3A : f32 to vector<16xf32>
    %swap3A = arith.constant 0 : i32
    %swap3A_2 = arith.index_cast %swap3A : i32 to index
    %swap3A_3 = arith.constant 0 : index
    %swap3A_4 = tpu.vector_load %arg22[%swap3A_2, %swap3A_3] {strides = array<i32>} : memref<64x16xf32, #tpu.memory_space<vmem>>, vector<16xf32>,
    tpu.vector_store %arg22[%swap3A_2, %swap3A_3], %broadcast_in_dim3A_1 {strides = array<i32>} : memref<64x16xf32, #tpu.memory_space<vmem>>, vector<16xf32>,
    %swap3A_5 = arith.constant 1 : i32
    %swap3A_6 = arith.index_cast %swap3A_5 : i32 to index
    %swap3A_7 = arith.constant 0 : index
    %swap3A_8 = tpu.vector_load %arg22[%swap3A_6, %swap3A_7] {strides = array<i32>} : memref<64x16xf32, #tpu.memory_space<vmem>>, vector<16xf32>,
    tpu.vector_store %arg22[%swap3A_6, %swap3A_7], %broadcast_in_dim3A_1 {strides = array<i32>} : memref<64x16xf32, #tpu.memory_space<vmem>>, vector<16xf32>,
    %swap3A_9 = arith.constant 2 : i32
    %swap3A_10 = arith.index_cast %swap3A_9 : i32 to index
    %swap3A_11 = arith.constant 0 : index
    %swap3A_12 = tpu.vector_load %arg22[%swap3A_10, %swap3A_11] {strides = array<i32>} : memref<64x16xf32, #tpu.memory_space<vmem>>, vector<16xf32>,
    tpu.vector_store %arg22[%swap3A_10, %swap3A_11], %broadcast_in_dim3A_1 {strides = array<i32>} : memref<64x16xf32, #tpu.memory_space<vmem>>, vector<16xf32>,
    %swap3A_13 = arith.constant 3 : i32
    %swap3A_14 = arith.index_cast %swap3A_13 : i32 to index
    %swap3A_15 = arith.constant 0 : index
    %swap3A_16 = tpu.vector_load %arg22[%swap3A_14, %swap3A_15] {strides = array<i32>} : memref<64x16xf32, #tpu.memory_space<vmem>>, vector<16xf32>,
    tpu.vector_store %arg22[%swap3A_14, %swap3A_15], %broadcast_in_dim3A_1 {strides = array<i32>} : memref<64x16xf32, #tpu.memory_space<vmem>>, vector<16xf32>,
    %swap3A_17 = arith.constant 4 : i32
    %swap3A_18 = arith.index_cast %swap3A_17 : i32 to index
    %swap3A_19 = arith.constant 0 : index
    %swap3A_20 = tpu.vector_load %arg22[%swap3A_18, %swap3A_19] {strides = array<i32>} : memref<64x16xf32, #tpu.memory_space<vmem>>, vector<16xf32>,
    tpu.vector_store %arg22[%swap3A_18, %swap3A_19], %broadcast_in_dim3A_1 {strides = array<i32>} : memref<64x16xf32, #tpu.memory_space<vmem>>, vector<16xf32>,
    %swap3A_21 = arith.constant 5 : i32
    %swap3A_22 = arith.index_cast %swap3A_21 : i32 to index
    %swap3A_23 = arith.constant 0 : index
    %swap3A_24 = tpu.vector_load %arg22[%swap3A_22, %swap3A_23] {strides = array<i32>} : memref<64x16xf32, #tpu.memory_space<vmem>>, vector<16xf32>,
    tpu.vector_store %arg22[%swap3A_22, %swap3A_23], %broadcast_in_dim3A_1 {strides = array<i32>} : memref<64x16xf32, #tpu.memory_space<vmem>>, vector<16xf32>,
    %swap3A_25 = arith.constant 6 : i32
    %swap3A_26 = arith.index_cast %swap3A_25 : i32 to index
    %swap3A_27 = arith.constant 0 : index
    %swap3A_28 = tpu.vector_load %arg22[%swap3A_26, %swap3A_27] {strides = array<i32>} : memref<64x16xf32, #tpu.memory_space<vmem>>, vector<16xf32>,
    tpu.vector_store %arg22[%swap3A_26, %swap3A_27], %broadcast_in_dim3A_1 {strides = array<i32>} : memref<64x16xf32, #tpu.memory_space<vmem>>, vector<16xf32>,
    %swap3A_29 = arith.constant 7 : i32
    %swap3A_30 = arith.index_cast %swap3A_29 : i32 to index
    %swap3A_31 = arith.constant 0 : index
    %swap3A_32 = tpu.vector_load %arg22[%swap3A_30, %swap3A_31] {strides = array<i32>} : memref<64x16xf32, #tpu.memory_space<vmem>>, vector<16xf32>,
    tpu.vector_store %arg22[%swap3A_30, %swap3A_31], %broadcast_in_dim3A_1 {strides = array<i32>} : memref<64x16xf32, #tpu.memory_space<vmem>>, vector<16xf32>,
    %swap3A_33 = arith.constant 8 : i32
    %swap3A_34 = arith.index_cast %swap3A_33 : i32 to index
    %swap3A_35 = arith.constant 0 : index
    %swap3A_36 = tpu.vector_load %arg22[%swap3A_34, %swap3A_35] {strides = array<i32>} : memref<64x16xf32, #tpu.memory_space<vmem>>, vector<16xf32>,
    tpu.vector_store %arg22[%swap3A_34, %swap3A_35], %broadcast_in_dim3A_1 {strides = array<i32>} : memref<64x16xf32, #tpu.memory_space<vmem>>, vector<16xf32>,
    %swap3A_37 = arith.constant 9 : i32
    %swap3A_38 = arith.index_cast %swap3A_37 : i32 to index
    %swap3A_39 = arith.constant 0 : index
    %swap3A_40 = tpu.vector_load %arg22[%swap3A_38, %swap3A_39] {strides = array<i32>} : memref<64x16xf32, #tpu.memory_space<vmem>>, vector<16xf32>,
    tpu.vector_store %arg22[%swap3A_38, %swap3A_39], %broadcast_in_dim3A_1 {strides = array<i32>} : memref<64x16xf32, #tpu.memory_space<vmem>>, vector<16xf32>,
    %swap3A_41 = arith.constant 10 : i32
    %swap3A_42 = arith.index_cast %swap3A_41 : i32 to index
    %swap3A_43 = arith.constant 0 : index
    %swap3A_44 = tpu.vector_load %arg22[%swap3A_42, %swap3A_43] {strides = array<i32>} : memref<64x16xf32, #tpu.memory_space<vmem>>, vector<16xf32>,
    tpu.vector_store %arg22[%swap3A_42, %swap3A_43], %broadcast_in_dim3A_1 {strides = array<i32>} : memref<64x16xf32, #tpu.memory_space<vmem>>, vector<16xf32>,
    %swap3A_45 = arith.constant 11 : i32
    %swap3A_46 = arith.index_cast %swap3A_45 : i32 to index
    %swap3A_47 = arith.constant 0 : index
    %swap3A_48 = tpu.vector_load %arg22[%swap3A_46, %swap3A_47] {strides = array<i32>} : memref<64x16xf32, #tpu.memory_space<vmem>>, vector<16xf32>,
    tpu.vector_store %arg22[%swap3A_46, %swap3A_47], %broadcast_in_dim3A_1 {strides = array<i32>} : memref<64x16xf32, #tpu.memory_space<vmem>>, vector<16xf32>,
    %swap3A_49 = arith.constant 12 : i32
    %swap3A_50 = arith.index_cast %swap3A_49 : i32 to index
    %swap3A_51 = arith.constant 0 : index
    %swap3A_52 = tpu.vector_load %arg22[%swap3A_50, %swap3A_51] {strides = array<i32>} : memref<64x16xf32, #tpu.memory_space<vmem>>, vector<16xf32>,
    tpu.vector_store %arg22[%swap3A_50, %swap3A_51], %broadcast_in_dim3A_1 {strides = array<i32>} : memref<64x16xf32, #tpu.memory_space<vmem>>, vector<16xf32>,
    %swap3A_53 = arith.constant 13 : i32
    %swap3A_54 = arith.index_cast %swap3A_53 : i32 to index
    %swap3A_55 = arith.constant 0 : index
    %swap3A_56 = tpu.vector_load %arg22[%swap3A_54, %swap3A_55] {strides = array<i32>} : memref<64x16xf32, #tpu.memory_space<vmem>>, vector<16xf32>,
    tpu.vector_store %arg22[%swap3A_54, %swap3A_55], %broadcast_in_dim3A_1 {strides = array<i32>} : memref<64x16xf32, #tpu.memory_space<vmem>>, vector<16xf32>,
    %swap3A_57 = arith.constant 14 : i32
    %swap3A_58 = arith.index_cast %swap3A_57 : i32 to index
    %swap3A_59 = arith.constant 0 : index
    %swap3A_60 = tpu.vector_load %arg22[%swap3A_58, %swap3A_59] {strides = array<i32>} : memref<64x16xf32, #tpu.memory_space<vmem>>, vector<16xf32>,
    tpu.vector_store %arg22[%swap3A_58, %swap3A_59], %broadcast_in_dim3A_1 {strides = array<i32>} : memref<64x16xf32, #tpu.memory_space<vmem>>, vector<16xf32>,
    %swap3A_61 = arith.constant 15 : i32
    %swap3A_62 = arith.index_cast %swap3A_61 : i32 to index
    %swap3A_63 = arith.constant 0 : index
    %swap3A_64 = tpu.vector_load %arg22[%swap3A_62, %swap3A_63] {strides = array<i32>} : memref<64x16xf32, #tpu.memory_space<vmem>>, vector<16xf32>,
    tpu.vector_store %arg22[%swap3A_62, %swap3A_63], %broadcast_in_dim3A_1 {strides = array<i32>} : memref<64x16xf32, #tpu.memory_space<vmem>>, vector<16xf32>,
    %swap3A_65 = arith.constant 16 : i32
    %swap3A_66 = arith.index_cast %swap3A_65 : i32 to index
    %swap3A_67 = arith.constant 0 : index
    %swap3A_68 = tpu.vector_load %arg22[%swap3A_66, %swap3A_67] {strides = array<i32>} : memref<64x16xf32, #tpu.memory_space<vmem>>, vector<16xf32>,
    tpu.vector_store %arg22[%swap3A_66, %swap3A_67], %broadcast_in_dim3A_1 {strides = array<i32>} : memref<64x16xf32, #tpu.memory_space<vmem>>, vector<16xf32>,
    %swap3A_69 = arith.constant 17 : i32
    %swap3A_70 = arith.index_cast %swap3A_69 : i32 to index
    %swap3A_71 = arith.constant 0 : index
    %swap3A_72 = tpu.vector_load %arg22[%swap3A_70, %swap3A_71] {strides = array<i32>} : memref<64x16xf32, #tpu.memory_space<vmem>>, vector<16xf32>,
    tpu.vector_store %arg22[%swap3A_70, %swap3A_71], %broadcast_in_dim3A_1 {strides = array<i32>} : memref<64x16xf32, #tpu.memory_space<vmem>>, vector<16xf32>,
    %swap3A_73 = arith.constant 18 : i32
    %swap3A_74 = arith.index_cast %swap3A_73 : i32 to index
    %swap3A_75 = arith.constant 0 : index
    %swap3A_76 = tpu.vector_load %arg22[%swap3A_74, %swap3A_75] {strides = array<i32>} : memref<64x16xf32, #tpu.memory_space<vmem>>, vector<16xf32>,
    tpu.vector_store %arg22[%swap3A_74, %swap3A_75], %broadcast_in_dim3A_1 {strides = array<i32>} : memref<64x16xf32, #tpu.memory_space<vmem>>, vector<16xf32>,
    %swap3A_77 = arith.constant 19 : i32
    %swap3A_78 = arith.index_cast %swap3A_77 : i32 to index
    %swap3A_79 = arith.constant 0 : index
    %swap3A_80 = tpu.vector_load %arg22[%swap3A_78, %swap3A_79] {strides = array<i32>} : memref<64x16xf32, #tpu.memory_space<vmem>>, vector<16xf32>,
    tpu.vector_store %arg22[%swap3A_78, %swap3A_79], %broadcast_in_dim3A_1 {strides = array<i32>} : memref<64x16xf32, #tpu.memory_space<vmem>>, vector<16xf32>,
    %swap3A_81 = arith.constant 20 : i32
    %swap3A_82 = arith.index_cast %swap3A_81 : i32 to index
    %swap3A_83 = arith.constant 0 : index
    %swap3A_84 = tpu.vector_load %arg22[%swap3A_82, %swap3A_83] {strides = array<i32>} : memref<64x16xf32, #tpu.memory_space<vmem>>, vector<16xf32>,
    tpu.vector_store %arg22[%swap3A_82, %swap3A_83], %broadcast_in_dim3A_1 {strides = array<i32>} : memref<64x16xf32, #tpu.memory_space<vmem>>, vector<16xf32>,
    %swap3A_85 = arith.constant 21 : i32
    %swap3A_86 = arith.index_cast %swap3A_85 : i32 to index
    %swap3A_87 = arith.constant 0 : index
    %swap3A_88 = tpu.vector_load %arg22[%swap3A_86, %swap3A_87] {strides = array<i32>} : memref<64x16xf32, #tpu.memory_space<vmem>>, vector<16xf32>,
    tpu.vector_store %arg22[%swap3A_86, %swap3A_87], %broadcast_in_dim3A_1 {strides = array<i32>} : memref<64x16xf32, #tpu.memory_space<vmem>>, vector<16xf32>,
    %swap3A_89 = arith.constant 22 : i32
    %swap3A_90 = arith.index_cast %swap3A_89 : i32 to index
    %swap3A_91 = arith.constant 0 : index
    %swap3A_92 = tpu.vector_load %arg22[%swap3A_90, %swap3A_91] {strides = array<i32>} : memref<64x16xf32, #tpu.memory_space<vmem>>, vector<16xf32>,
    tpu.vector_store %arg22[%swap3A_90, %swap3A_91], %broadcast_in_dim3A_1 {strides = array<i32>} : memref<64x16xf32, #tpu.memory_space<vmem>>, vector<16xf32>,
    %swap3A_93 = arith.constant 23 : i32
    %swap3A_94 = arith.index_cast %swap3A_93 : i32 to index
    %swap3A_95 = arith.constant 0 : index
    %swap3A_96 = tpu.vector_load %arg22[%swap3A_94, %swap3A_95] {strides = array<i32>} : memref<64x16xf32, #tpu.memory_space<vmem>>, vector<16xf32>,
    tpu.vector_store %arg22[%swap3A_94, %swap3A_95], %broadcast_in_dim3A_1 {strides = array<i32>} : memref<64x16xf32, #tpu.memory_space<vmem>>, vector<16xf32>,
    %swap3A_97 = arith.constant 24 : i32
    %swap3A_98 = arith.index_cast %swap3A_97 : i32 to index
    %swap3A_99 = arith.constant 0 : index
    %swap3A_100 = tpu.vector_load %arg22[%swap3A_98, %swap3A_99] {strides = array<i32>} : memref<64x16xf32, #tpu.memory_space<vmem>>, vector<16xf32>,
    tpu.vector_store %arg22[%swap3A_98, %swap3A_99], %broadcast_in_dim3A_1 {strides = array<i32>} : memref<64x16xf32, #tpu.memory_space<vmem>>, vector<16xf32>,
    %swap3A_101 = arith.constant 25 : i32
    %swap3A_102 = arith.index_cast %swap3A_101 : i32 to index
    %swap3A_103 = arith.constant 0 : index
    %swap3A_104 = tpu.vector_load %arg22[%swap3A_102, %swap3A_103] {strides = array<i32>} : memref<64x16xf32, #tpu.memory_space<vmem>>, vector<16xf32>,
    tpu.vector_store %arg22[%swap3A_102, %swap3A_103], %broadcast_in_dim3A_1 {strides = array<i32>} : memref<64x16xf32, #tpu.memory_space<vmem>>, vector<16xf32>,
    %swap3A_105 = arith.constant 26 : i32
    %swap3A_106 = arith.index_cast %swap3A_105 : i32 to index
    %swap3A_107 = arith.constant 0 : index
    %swap3A_108 = tpu.vector_load %arg22[%swap3A_106, %swap3A_107] {strides = array<i32>} : memref<64x16xf32, #tpu.memory_space<vmem>>, vector<16xf32>,
    tpu.vector_store %arg22[%swap3A_106, %swap3A_107], %broadcast_in_dim3A_1 {strides = array<i32>} : memref<64x16xf32, #tpu.memory_space<vmem>>, vector<16xf32>,
    %swap3A_109 = arith.constant 27 : i32
    %swap3A_110 = arith.index_cast %swap3A_109 : i32 to index
    %swap3A_111 = arith.constant 0 : index
    %swap3A_112 = tpu.vector_load %arg22[%swap3A_110, %swap3A_111] {strides = array<i32>} : memref<64x16xf32, #tpu.memory_space<vmem>>, vector<16xf32>,
    tpu.vector_store %arg22[%swap3A_110, %swap3A_111], %broadcast_in_dim3A_1 {strides = array<i32>} : memref<64x16xf32, #tpu.memory_space<vmem>>, vector<16xf32>,
    %swap3A_113 = arith.constant 28 : i32
    %swap3A_114 = arith.index_cast %swap3A_113 : i32 to index
    %swap3A_115 = arith.constant 0 : index
    %swap3A_116 = tpu.vector_load %arg22[%swap3A_114, %swap3A_115] {strides = array<i32>} : memref<64x16xf32, #tpu.memory_space<vmem>>, vector<16xf32>,
    tpu.vector_store %arg22[%swap3A_114, %swap3A_115], %broadcast_in_dim3A_1 {strides = array<i32>} : memref<64x16xf32, #tpu.memory_space<vmem>>, vector<16xf32>,
    %swap3A_117 = arith.constant 29 : i32
    %swap3A_118 = arith.index_cast %swap3A_117 : i32 to index
    %swap3A_119 = arith.constant 0 : index
    %swap3A_120 = tpu.vector_load %arg22[%swap3A_118, %swap3A_119] {strides = array<i32>} : memref<64x16xf32, #tpu.memory_space<vmem>>, vector<16xf32>,
    tpu.vector_store %arg22[%swap3A_118, %swap3A_119], %broadcast_in_dim3A_1 {strides = array<i32>} : memref<64x16xf32, #tpu.memory_space<vmem>>, vector<16xf32>,
    %swap3A_121 = arith.constant 30 : i32
    %swap3A_122 = arith.index_cast %swap3A_121 : i32 to index
    %swap3A_123 = arith.constant 0 : index
    %swap3A_124 = tpu.vector_load %arg22[%swap3A_122, %swap3A_123] {strides = array<i32>} : memref<64x16xf32, #tpu.memory_space<vmem>>, vector<16xf32>,
    tpu.vector_store %arg22[%swap3A_122, %swap3A_123], %broadcast_in_dim3A_1 {strides = array<i32>} : memref<64x16xf32, #tpu.memory_space<vmem>>, vector<16xf32>,
    %swap3A_125 = arith.constant 31 : i32
    %swap3A_126 = arith.index_cast %swap3A_125 : i32 to index
    %swap3A_127 = arith.constant 0 : index
    %swap3A_128 = tpu.vector_load %arg22[%swap3A_126, %swap3A_127] {strides = array<i32>} : memref<64x16xf32, #tpu.memory_space<vmem>>, vector<16xf32>,
    tpu.vector_store %arg22[%swap3A_126, %swap3A_127], %broadcast_in_dim3A_1 {strides = array<i32>} : memref<64x16xf32, #tpu.memory_space<vmem>>, vector<16xf32>,
    %swap3A_129 = arith.constant 32 : i32
    %swap3A_130 = arith.index_cast %swap3A_129 : i32 to index
    %swap3A_131 = arith.constant 0 : index
    %swap3A_132 = tpu.vector_load %arg22[%swap3A_130, %swap3A_131] {strides = array<i32>} : memref<64x16xf32, #tpu.memory_space<vmem>>, vector<16xf32>,
    tpu.vector_store %arg22[%swap3A_130, %swap3A_131], %broadcast_in_dim3A_1 {strides = array<i32>} : memref<64x16xf32, #tpu.memory_space<vmem>>, vector<16xf32>,
    %swap3A_133 = arith.constant 33 : i32
    %swap3A_134 = arith.index_cast %swap3A_133 : i32 to index
    %swap3A_135 = arith.constant 0 : index
    %swap3A_136 = tpu.vector_load %arg22[%swap3A_134, %swap3A_135] {strides = array<i32>} : memref<64x16xf32, #tpu.memory_space<vmem>>, vector<16xf32>,
    tpu.vector_store %arg22[%swap3A_134, %swap3A_135], %broadcast_in_dim3A_1 {strides = array<i32>} : memref<64x16xf32, #tpu.memory_space<vmem>>, vector<16xf32>,
    %swap3A_137 = arith.constant 34 : i32
    %swap3A_138 = arith.index_cast %swap3A_137 : i32 to index
    %swap3A_139 = arith.constant 0 : index
    %swap3A_140 = tpu.vector_load %arg22[%swap3A_138, %swap3A_139] {strides = array<i32>} : memref<64x16xf32, #tpu.memory_space<vmem>>, vector<16xf32>,
    tpu.vector_store %arg22[%swap3A_138, %swap3A_139], %broadcast_in_dim3A_1 {strides = array<i32>} : memref<64x16xf32, #tpu.memory_space<vmem>>, vector<16xf32>,
    %swap3A_141 = arith.constant 35 : i32
    %swap3A_142 = arith.index_cast %swap3A_141 : i32 to index
    %swap3A_143 = arith.constant 0 : index
    %swap3A_144 = tpu.vector_load %arg22[%swap3A_142, %swap3A_143] {strides = array<i32>} : memref<64x16xf32, #tpu.memory_space<vmem>>, vector<16xf32>,
    tpu.vector_store %arg22[%swap3A_142, %swap3A_143], %broadcast_in_dim3A_1 {strides = array<i32>} : memref<64x16xf32, #tpu.memory_space<vmem>>, vector<16xf32>,
    %swap3A_145 = arith.constant 36 : i32
    %swap3A_146 = arith.index_cast %swap3A_145 : i32 to index
    %swap3A_147 = arith.constant 0 : index
    %swap3A_148 = tpu.vector_load %arg22[%swap3A_146, %swap3A_147] {strides = array<i32>} : memref<64x16xf32, #tpu.memory_space<vmem>>, vector<16xf32>,
    tpu.vector_store %arg22[%swap3A_146, %swap3A_147], %broadcast_in_dim3A_1 {strides = array<i32>} : memref<64x16xf32, #tpu.memory_space<vmem>>, vector<16xf32>,
    %swap3A_149 = arith.constant 37 : i32
    %swap3A_150 = arith.index_cast %swap3A_149 : i32 to index
    %swap3A_151 = arith.constant 0 : index
    %swap3A_152 = tpu.vector_load %arg22[%swap3A_150, %swap3A_151] {strides = array<i32>} : memref<64x16xf32, #tpu.memory_space<vmem>>, vector<16xf32>,
    tpu.vector_store %arg22[%swap3A_150, %swap3A_151], %broadcast_in_dim3A_1 {strides = array<i32>} : memref<64x16xf32, #tpu.memory_space<vmem>>, vector<16xf32>,
    %swap3A_153 = arith.constant 38 : i32
    %swap3A_154 = arith.index_cast %swap3A_153 : i32 to index
    %swap3A_155 = arith.constant 0 : index
    %swap3A_156 = tpu.vector_load %arg22[%swap3A_154, %swap3A_155] {strides = array<i32>} : memref<64x16xf32, #tpu.memory_space<vmem>>, vector<16xf32>,
    tpu.vector_store %arg22[%swap3A_154, %swap3A_155], %broadcast_in_dim3A_1 {strides = array<i32>} : memref<64x16xf32, #tpu.memory_space<vmem>>, vector<16xf32>,
    %swap3A_157 = arith.constant 39 : i32
    %swap3A_158 = arith.index_cast %swap3A_157 : i32 to index
    %swap3A_159 = arith.constant 0 : index
    %swap3A_160 = tpu.vector_load %arg22[%swap3A_158, %swap3A_159] {strides = array<i32>} : memref<64x16xf32, #tpu.memory_space<vmem>>, vector<16xf32>,
    tpu.vector_store %arg22[%swap3A_158, %swap3A_159], %broadcast_in_dim3A_1 {strides = array<i32>} : memref<64x16xf32, #tpu.memory_space<vmem>>, vector<16xf32>,
    %swap3A_161 = arith.constant 40 : i32
    %swap3A_162 = arith.index_cast %swap3A_161 : i32 to index
    %swap3A_163 = arith.constant 0 : index
    %swap3A_164 = tpu.vector_load %arg22[%swap3A_162, %swap3A_163] {strides = array<i32>} : memref<64x16xf32, #tpu.memory_space<vmem>>, vector<16xf32>,
    tpu.vector_store %arg22[%swap3A_162, %swap3A_163], %broadcast_in_dim3A_1 {strides = array<i32>} : memref<64x16xf32, #tpu.memory_space<vmem>>, vector<16xf32>,
    %swap3A_165 = arith.constant 41 : i32
    %swap3A_166 = arith.index_cast %swap3A_165 : i32 to index
    %swap3A_167 = arith.constant 0 : index
    %swap3A_168 = tpu.vector_load %arg22[%swap3A_166, %swap3A_167] {strides = array<i32>} : memref<64x16xf32, #tpu.memory_space<vmem>>, vector<16xf32>,
    tpu.vector_store %arg22[%swap3A_166, %swap3A_167], %broadcast_in_dim3A_1 {strides = array<i32>} : memref<64x16xf32, #tpu.memory_space<vmem>>, vector<16xf32>,
    %swap3A_169 = arith.constant 42 : i32
    %swap3A_170 = arith.index_cast %swap3A_169 : i32 to index
    %swap3A_171 = arith.constant 0 : index
    %swap3A_172 = tpu.vector_load %arg22[%swap3A_170, %swap3A_171] {strides = array<i32>} : memref<64x16xf32, #tpu.memory_space<vmem>>, vector<16xf32>,
    tpu.vector_store %arg22[%swap3A_170, %swap3A_171], %broadcast_in_dim3A_1 {strides = array<i32>} : memref<64x16xf32, #tpu.memory_space<vmem>>, vector<16xf32>,
    %swap3A_173 = arith.constant 43 : i32
    %swap3A_174 = arith.index_cast %swap3A_173 : i32 to index
    %swap3A_175 = arith.constant 0 : index
    %swap3A_176 = tpu.vector_load %arg22[%swap3A_174, %swap3A_175] {strides = array<i32>} : memref<64x16xf32, #tpu.memory_space<vmem>>, vector<16xf32>,
    tpu.vector_store %arg22[%swap3A_174, %swap3A_175], %broadcast_in_dim3A_1 {strides = array<i32>} : memref<64x16xf32, #tpu.memory_space<vmem>>, vector<16xf32>,
    %swap3A_177 = arith.constant 44 : i32
    %swap3A_178 = arith.index_cast %swap3A_177 : i32 to index
    %swap3A_179 = arith.constant 0 : index
    %swap3A_180 = tpu.vector_load %arg22[%swap3A_178, %swap3A_179] {strides = array<i32>} : memref<64x16xf32, #tpu.memory_space<vmem>>, vector<16xf32>,
    tpu.vector_store %arg22[%swap3A_178, %swap3A_179], %broadcast_in_dim3A_1 {strides = array<i32>} : memref<64x16xf32, #tpu.memory_space<vmem>>, vector<16xf32>,
    %swap3A_181 = arith.constant 45 : i32
    %swap3A_182 = arith.index_cast %swap3A_181 : i32 to index
    %swap3A_183 = arith.constant 0 : index
    %swap3A_184 = tpu.vector_load %arg22[%swap3A_182, %swap3A_183] {strides = array<i32>} : memref<64x16xf32, #tpu.memory_space<vmem>>, vector<16xf32>,
    tpu.vector_store %arg22[%swap3A_182, %swap3A_183], %broadcast_in_dim3A_1 {strides = array<i32>} : memref<64x16xf32, #tpu.memory_space<vmem>>, vector<16xf32>,
    %swap3A_185 = arith.constant 46 : i32
    %swap3A_186 = arith.index_cast %swap3A_185 : i32 to index
    %swap3A_187 = arith.constant 0 : index
    %swap3A_188 = tpu.vector_load %arg22[%swap3A_186, %swap3A_187] {strides = array<i32>} : memref<64x16xf32, #tpu.memory_space<vmem>>, vector<16xf32>,
    tpu.vector_store %arg22[%swap3A_186, %swap3A_187], %broadcast_in_dim3A_1 {strides = array<i32>} : memref<64x16xf32, #tpu.memory_space<vmem>>, vector<16xf32>,
    %swap3A_189 = arith.constant 47 : i32
    %swap3A_190 = arith.index_cast %swap3A_189 : i32 to index
    %swap3A_191 = arith.constant 0 : index
    %swap3A_192 = tpu.vector_load %arg22[%swap3A_190, %swap3A_191] {strides = array<i32>} : memref<64x16xf32, #tpu.memory_space<vmem>>, vector<16xf32>,
    tpu.vector_store %arg22[%swap3A_190, %swap3A_191], %broadcast_in_dim3A_1 {strides = array<i32>} : memref<64x16xf32, #tpu.memory_space<vmem>>, vector<16xf32>,
    %swap3A_193 = arith.constant 48 : i32
    %swap3A_194 = arith.index_cast %swap3A_193 : i32 to index
    %swap3A_195 = arith.constant 0 : index
    %swap3A_196 = tpu.vector_load %arg22[%swap3A_194, %swap3A_195] {strides = array<i32>} : memref<64x16xf32, #tpu.memory_space<vmem>>, vector<16xf32>,
    tpu.vector_store %arg22[%swap3A_194, %swap3A_195], %broadcast_in_dim3A_1 {strides = array<i32>} : memref<64x16xf32, #tpu.memory_space<vmem>>, vector<16xf32>,
    %swap3A_197 = arith.constant 49 : i32
    %swap3A_198 = arith.index_cast %swap3A_197 : i32 to index
    %swap3A_199 = arith.constant 0 : index
    %swap3A_200 = tpu.vector_load %arg22[%swap3A_198, %swap3A_199] {strides = array<i32>} : memref<64x16xf32, #tpu.memory_space<vmem>>, vector<16xf32>,
    tpu.vector_store %arg22[%swap3A_198, %swap3A_199], %broadcast_in_dim3A_1 {strides = array<i32>} : memref<64x16xf32, #tpu.memory_space<vmem>>, vector<16xf32>,
    %swap3A_201 = arith.constant 50 : i32
    %swap3A_202 = arith.index_cast %swap3A_201 : i32 to index
    %swap3A_203 = arith.constant 0 : index
    %swap3A_204 = tpu.vector_load %arg22[%swap3A_202, %swap3A_203] {strides = array<i32>} : memref<64x16xf32, #tpu.memory_space<vmem>>, vector<16xf32>,
    tpu.vector_store %arg22[%swap3A_202, %swap3A_203], %broadcast_in_dim3A_1 {strides = array<i32>} : memref<64x16xf32, #tpu.memory_space<vmem>>, vector<16xf32>,
    %swap3A_205 = arith.constant 51 : i32
    %swap3A_206 = arith.index_cast %swap3A_205 : i32 to index
    %swap3A_207 = arith.constant 0 : index
    %swap3A_208 = tpu.vector_load %arg22[%swap3A_206, %swap3A_207] {strides = array<i32>} : memref<64x16xf32, #tpu.memory_space<vmem>>, vector<16xf32>,
    tpu.vector_store %arg22[%swap3A_206, %swap3A_207], %broadcast_in_dim3A_1 {strides = array<i32>} : memref<64x16xf32, #tpu.memory_space<vmem>>, vector<16xf32>,
    %swap3A_209 = arith.constant 52 : i32
    %swap3A_210 = arith.index_cast %swap3A_209 : i32 to index
    %swap3A_211 = arith.constant 0 : index
    %swap3A_212 = tpu.vector_load %arg22[%swap3A_210, %swap3A_211] {strides = array<i32>} : memref<64x16xf32, #tpu.memory_space<vmem>>, vector<16xf32>,
    tpu.vector_store %arg22[%swap3A_210, %swap3A_211], %broadcast_in_dim3A_1 {strides = array<i32>} : memref<64x16xf32, #tpu.memory_space<vmem>>, vector<16xf32>,
    %swap3A_213 = arith.constant 53 : i32
    %swap3A_214 = arith.index_cast %swap3A_213 : i32 to index
    %swap3A_215 = arith.constant 0 : index
    %swap3A_216 = tpu.vector_load %arg22[%swap3A_214, %swap3A_215] {strides = array<i32>} : memref<64x16xf32, #tpu.memory_space<vmem>>, vector<16xf32>,
    tpu.vector_store %arg22[%swap3A_214, %swap3A_215], %broadcast_in_dim3A_1 {strides = array<i32>} : memref<64x16xf32, #tpu.memory_space<vmem>>, vector<16xf32>,
    %swap3A_217 = arith.constant 54 : i32
    %swap3A_218 = arith.index_cast %swap3A_217 : i32 to index
    %swap3A_219 = arith.constant 0 : index
    %swap3A_220 = tpu.vector_load %arg22[%swap3A_218, %swap3A_219] {strides = array<i32>} : memref<64x16xf32, #tpu.memory_space<vmem>>, vector<16xf32>,
    tpu.vector_store %arg22[%swap3A_218, %swap3A_219], %broadcast_in_dim3A_1 {strides = array<i32>} : memref<64x16xf32, #tpu.memory_space<vmem>>, vector<16xf32>,
    %swap3A_221 = arith.constant 55 : i32
    %swap3A_222 = arith.index_cast %swap3A_221 : i32 to index
    %swap3A_223 = arith.constant 0 : index
    %swap3A_224 = tpu.vector_load %arg22[%swap3A_222, %swap3A_223] {strides = array<i32>} : memref<64x16xf32, #tpu.memory_space<vmem>>, vector<16xf32>,
    tpu.vector_store %arg22[%swap3A_222, %swap3A_223], %broadcast_in_dim3A_1 {strides = array<i32>} : memref<64x16xf32, #tpu.memory_space<vmem>>, vector<16xf32>,
    %swap3A_225 = arith.constant 56 : i32
    %swap3A_226 = arith.index_cast %swap3A_225 : i32 to index
    %swap3A_227 = arith.constant 0 : index
    %swap3A_228 = tpu.vector_load %arg22[%swap3A_226, %swap3A_227] {strides = array<i32>} : memref<64x16xf32, #tpu.memory_space<vmem>>, vector<16xf32>,
    tpu.vector_store %arg22[%swap3A_226, %swap3A_227], %broadcast_in_dim3A_1 {strides = array<i32>} : memref<64x16xf32, #tpu.memory_space<vmem>>, vector<16xf32>,
    %swap3A_229 = arith.constant 57 : i32
    %swap3A_230 = arith.index_cast %swap3A_229 : i32 to index
    %swap3A_231 = arith.constant 0 : index
    %swap3A_232 = tpu.vector_load %arg22[%swap3A_230, %swap3A_231] {strides = array<i32>} : memref<64x16xf32, #tpu.memory_space<vmem>>, vector<16xf32>,
    tpu.vector_store %arg22[%swap3A_230, %swap3A_231], %broadcast_in_dim3A_1 {strides = array<i32>} : memref<64x16xf32, #tpu.memory_space<vmem>>, vector<16xf32>,
    %swap3A_233 = arith.constant 58 : i32
    %swap3A_234 = arith.index_cast %swap3A_233 : i32 to index
    %swap3A_235 = arith.constant 0 : index
    %swap3A_236 = tpu.vector_load %arg22[%swap3A_234, %swap3A_235] {strides = array<i32>} : memref<64x16xf32, #tpu.memory_space<vmem>>, vector<16xf32>,
    tpu.vector_store %arg22[%swap3A_234, %swap3A_235], %broadcast_in_dim3A_1 {strides = array<i32>} : memref<64x16xf32, #tpu.memory_space<vmem>>, vector<16xf32>,
    %swap3A_237 = arith.constant 59 : i32
    %swap3A_238 = arith.index_cast %swap3A_237 : i32 to index
    %swap3A_239 = arith.constant 0 : index
    %swap3A_240 = tpu.vector_load %arg22[%swap3A_238, %swap3A_239] {strides = array<i32>} : memref<64x16xf32, #tpu.memory_space<vmem>>, vector<16xf32>,
    tpu.vector_store %arg22[%swap3A_238, %swap3A_239], %broadcast_in_dim3A_1 {strides = array<i32>} : memref<64x16xf32, #tpu.memory_space<vmem>>, vector<16xf32>,
    %swap3A_241 = arith.constant 60 : i32
    %swap3A_242 = arith.index_cast %swap3A_241 : i32 to index
    %swap3A_243 = arith.constant 0 : index
    %swap3A_244 = tpu.vector_load %arg22[%swap3A_242, %swap3A_243] {strides = array<i32>} : memref<64x16xf32, #tpu.memory_space<vmem>>, vector<16xf32>,
    tpu.vector_store %arg22[%swap3A_242, %swap3A_243], %broadcast_in_dim3A_1 {strides = array<i32>} : memref<64x16xf32, #tpu.memory_space<vmem>>, vector<16xf32>,
    %swap3A_245 = arith.constant 61 : i32
    %swap3A_246 = arith.index_cast %swap3A_245 : i32 to index
    %swap3A_247 = arith.constant 0 : index
    %swap3A_248 = tpu.vector_load %arg22[%swap3A_246, %swap3A_247] {strides = array<i32>} : memref<64x16xf32, #tpu.memory_space<vmem>>, vector<16xf32>,
    tpu.vector_store %arg22[%swap3A_246, %swap3A_247], %broadcast_in_dim3A_1 {strides = array<i32>} : memref<64x16xf32, #tpu.memory_space<vmem>>, vector<16xf32>,
    %swap3A_249 = arith.constant 62 : i32
    %swap3A_250 = arith.index_cast %swap3A_249 : i32 to index
    %swap3A_251 = arith.constant 0 : index
    %swap3A_252 = tpu.vector_load %arg22[%swap3A_250, %swap3A_251] {strides = array<i32>} : memref<64x16xf32, #tpu.memory_space<vmem>>, vector<16xf32>,
    tpu.vector_store %arg22[%swap3A_250, %swap3A_251], %broadcast_in_dim3A_1 {strides = array<i32>} : memref<64x16xf32, #tpu.memory_space<vmem>>, vector<16xf32>,
    %swap3A_253 = arith.constant 63 : i32
    %swap3A_254 = arith.index_cast %swap3A_253 : i32 to index
    %swap3A_255 = arith.constant 0 : index
    %swap3A_256 = tpu.vector_load %arg22[%swap3A_254, %swap3A_255] {strides = array<i32>} : memref<64x16xf32, #tpu.memory_space<vmem>>, vector<16xf32>,
    tpu.vector_store %arg22[%swap3A_254, %swap3A_255], %broadcast_in_dim3A_1 {strides = array<i32>} : memref<64x16xf32, #tpu.memory_space<vmem>>, vector<16xf32>,
    %iota3A = tpu.iota {dimensions = array<i32: 0>} : vector<16xi32>
    "tpu.region"() ({
      %run_scoped3A = tpu.sem_alloc : memref<!tpu.dma_semaphore, #tpu.memory_space<semaphore_mem>>
      tpu.enqueue_dma source(%arg8 : memref<16xf32, #tpu.memory_space<hbm>>) target(%arg23 : memref<16xf32, #tpu.memory_space<vmem>>) target_semaphore(%run_scoped3A : memref<!tpu.dma_semaphore, #tpu.memory_space<semaphore_mem>>)
      tpu.wait_dma2 semaphore(%run_scoped3A : memref<!tpu.dma_semaphore, #tpu.memory_space<semaphore_mem>>) src(%arg8 : memref<16xf32, #tpu.memory_space<hbm>>) dst(%arg23 : memref<16xf32, #tpu.memory_space<vmem>>)
      tpu.yield
    }) : () -> ()
    %get3A = arith.constant 0 : index
    %get3A_257 = tpu.vector_load %arg23[%get3A] {strides = array<i32>} : memref<16xf32, #tpu.memory_space<vmem>>, vector<16xf32>,
    %add3A_258 = arith.constant 0 : i32
    %add3A_259 = arith.addi %add3A, %add3A_258 : i32
    %lt3A = arith.constant 3125 : i32
    %lt3A_260 = arith.cmpi slt, %add3A_259, %lt3A : i32
    %and3A = arith.constant true
    %and3A_261 = arith.andi %and3A, %lt3A_260 : i1
    %convert_element_type3A = arith.extui %and3A_261 : i1 to i32
    %cond3A = arith.constant 0 : i32
    %cond3A_262 = arith.cmpi ne, %convert_element_type3A, %cond3A : i32
    scf.if %cond3A_262 {
      %mul3A_287 = arith.constant 256 : i32
      %mul3A_288 = arith.muli %add3A_259, %mul3A_287 : i32
      %dma_start3A = tpu.memref_slice %arg5[%mul3A_288] : memref<800000xi32, #tpu.memory_space<hbm>> -> memref<256xi32, #tpu.memory_space<hbm>>
      %dma_start3A_289 = tpu.memref_slice %arg5[%mul3A_288] : memref<800000xi32, #tpu.memory_space<hbm>> -> memref<256xi32, #tpu.memory_space<hbm>>
      tpu.enqueue_dma source(%dma_start3A_289 : memref<256xi32, #tpu.memory_space<hbm>>) target(%arg10 : memref<256xi32, #tpu.memory_space<vmem>>) target_semaphore(%arg24 : memref<!tpu.dma_semaphore, #tpu.memory_space<semaphore_mem>>)
      %dma_start3A_290 = tpu.memref_slice %arg6[%mul3A_288] : memref<800000xi32, #tpu.memory_space<hbm>> -> memref<256xi32, #tpu.memory_space<hbm>>
      %dma_start3A_291 = tpu.memref_slice %arg6[%mul3A_288] : memref<800000xi32, #tpu.memory_space<hbm>> -> memref<256xi32, #tpu.memory_space<hbm>>
      tpu.enqueue_dma source(%dma_start3A_291 : memref<256xi32, #tpu.memory_space<hbm>>) target(%arg12 : memref<256xi32, #tpu.memory_space<vmem>>) target_semaphore(%arg24 : memref<!tpu.dma_semaphore, #tpu.memory_space<semaphore_mem>>)
      %dma_start3A_292 = tpu.memref_slice %arg7[%mul3A_288] : memref<800000xi32, #tpu.memory_space<hbm>> -> memref<256xi32, #tpu.memory_space<hbm>>
      %dma_start3A_293 = tpu.memref_slice %arg7[%mul3A_288] : memref<800000xi32, #tpu.memory_space<hbm>> -> memref<256xi32, #tpu.memory_space<hbm>>
      tpu.enqueue_dma source(%dma_start3A_293 : memref<256xi32, #tpu.memory_space<hbm>>) target(%arg14 : memref<256xi32, #tpu.memory_space<vmem>>) target_semaphore(%arg24 : memref<!tpu.dma_semaphore, #tpu.memory_space<semaphore_mem>>)
    } else {
    }
    %add3A_263 = arith.constant 0 : i32
    %add3A_264 = arith.addi %add3A, %add3A_263 : i32
    %lt3A_265 = arith.constant 3125 : i32
    %lt3A_266 = arith.cmpi slt, %add3A_264, %lt3A_265 : i32
    %and3A_267 = arith.constant true
    %and3A_268 = arith.andi %and3A_267, %lt3A_266 : i1
    %convert_element_type3A_269 = arith.extui %and3A_268 : i1 to i32
    %cond3A_270 = arith.constant 0 : i32
    %cond3A_271 = arith.cmpi ne, %convert_element_type3A_269, %cond3A_270 : i32
    scf.if %cond3A_271 {
      %mul3A_287 = arith.constant 256 : i32
      %mul3A_288 = arith.muli %add3A_264, %mul3A_287 : i32
      %dma_wait3A = tpu.memref_slice %arg5[%mul3A_288] : memref<800000xi32, #tpu.memory_space<hbm>> -> memref<256xi32, #tpu.memory_space<hbm>>
      %dma_wait3A_289 = tpu.memref_slice %arg5[%mul3A_288] : memref<800000xi32, #tpu.memory_space<hbm>> -> memref<256xi32, #tpu.memory_space<hbm>>
      tpu.wait_dma2 semaphore(%arg24 : memref<!tpu.dma_semaphore, #tpu.memory_space<semaphore_mem>>) src(%dma_wait3A_289 : memref<256xi32, #tpu.memory_space<hbm>>) dst(%arg10 : memref<256xi32, #tpu.memory_space<vmem>>)
      %dma_wait3A_290 = tpu.memref_slice %arg6[%mul3A_288] : memref<800000xi32, #tpu.memory_space<hbm>> -> memref<256xi32, #tpu.memory_space<hbm>>
      %dma_wait3A_291 = tpu.memref_slice %arg6[%mul3A_288] : memref<800000xi32, #tpu.memory_space<hbm>> -> memref<256xi32, #tpu.memory_space<hbm>>
      tpu.wait_dma2 semaphore(%arg24 : memref<!tpu.dma_semaphore, #tpu.memory_space<semaphore_mem>>) src(%dma_wait3A_291 : memref<256xi32, #tpu.memory_space<hbm>>) dst(%arg12 : memref<256xi32, #tpu.memory_space<vmem>>)
      %dma_wait3A_292 = tpu.memref_slice %arg7[%mul3A_288] : memref<800000xi32, #tpu.memory_space<hbm>> -> memref<256xi32, #tpu.memory_space<hbm>>
      %dma_wait3A_293 = tpu.memref_slice %arg7[%mul3A_288] : memref<800000xi32, #tpu.memory_space<hbm>> -> memref<256xi32, #tpu.memory_space<hbm>>
      tpu.wait_dma2 semaphore(%arg24 : memref<!tpu.dma_semaphore, #tpu.memory_space<semaphore_mem>>) src(%dma_wait3A_293 : memref<256xi32, #tpu.memory_space<hbm>>) dst(%arg14 : memref<256xi32, #tpu.memory_space<vmem>>)
      %mul3A_294 = arith.constant 32 : i32
      %mul3A_295 = arith.muli %add3A_264, %mul3A_294 : i32
      %dma_start3A = arith.constant 0 : i32
      %dma_start3A_296 = arith.constant 0 : i32
      %dma_start3A_297 = tpu.memref_slice %arg16[%dma_start3A, %dma_start3A_296] : memref<256x32xi32, #tpu.memory_space<vmem>> -> memref<128x32xi32, #tpu.memory_space<vmem>>
      %dma_start3A_298 = arith.constant 0 : i32
      %dma_start3A_299 = tpu.memref_slice %arg10[%dma_start3A_298] : memref<256xi32, #tpu.memory_space<vmem>> -> memref<128xi32, #tpu.memory_space<vmem>>
      %dma_start3A_300 = arith.constant 0 : i32
      %dma_start3A_301 = arith.constant 0 : i32
      %dma_start3A_302 = tpu.memref_slice %arg2[%dma_start3A_300, %dma_start3A_301] : memref<50000x32xi32, #tpu.memory_space<hbm>> -> memref<50000x32xi32, #tpu.memory_space<hbm>>
      tpu.enqueue_indirect_dma source(%dma_start3A_302 : memref<50000x32xi32, #tpu.memory_space<hbm>>) target(%dma_start3A_297 : memref<128x32xi32, #tpu.memory_space<vmem>>) offsets(%dma_start3A_299 : memref<128xi32, #tpu.memory_space<vmem>>) semaphore(%arg26 : memref<!tpu.dma_semaphore, #tpu.memory_space<semaphore_mem>>)
      %dma_start3A_303 = arith.constant 0 : i32
      %dma_start3A_304 = arith.constant 0 : i32
      %dma_start3A_305 = tpu.memref_slice %arg18[%dma_start3A_303, %dma_start3A_304] : memref<256x32xi32, #tpu.memory_space<vmem>> -> memref<128x32xi32, #tpu.memory_space<vmem>>
      %dma_start3A_306 = arith.constant 0 : i32
      %dma_start3A_307 = tpu.memref_slice %arg12[%dma_start3A_306] : memref<256xi32, #tpu.memory_space<vmem>> -> memref<128xi32, #tpu.memory_space<vmem>>
      %dma_start3A_308 = arith.constant 0 : i32
      %dma_start3A_309 = arith.constant 0 : i32
      %dma_start3A_310 = tpu.memref_slice %arg3[%dma_start3A_308, %dma_start3A_309] : memref<50000x32xi32, #tpu.memory_space<hbm>> -> memref<50000x32xi32, #tpu.memory_space<hbm>>
      tpu.enqueue_indirect_dma source(%dma_start3A_310 : memref<50000x32xi32, #tpu.memory_space<hbm>>) target(%dma_start3A_305 : memref<128x32xi32, #tpu.memory_space<vmem>>) offsets(%dma_start3A_307 : memref<128xi32, #tpu.memory_space<vmem>>) semaphore(%arg26 : memref<!tpu.dma_semaphore, #tpu.memory_space<semaphore_mem>>)
      %dma_start3A_311 = arith.constant 128 : i32
      %dma_start3A_312 = arith.constant 0 : i32
      %dma_start3A_313 = tpu.memref_slice %arg16[%dma_start3A_311, %dma_start3A_312] : memref<256x32xi32, #tpu.memory_space<vmem>> -> memref<128x32xi32, #tpu.memory_space<vmem>>
      %dma_start3A_314 = arith.constant 128 : i32
      %dma_start3A_315 = tpu.memref_slice %arg10[%dma_start3A_314] : memref<256xi32, #tpu.memory_space<vmem>> -> memref<128xi32, #tpu.memory_space<vmem>>
      %dma_start3A_316 = arith.constant 0 : i32
      %dma_start3A_317 = arith.constant 0 : i32
      %dma_start3A_318 = tpu.memref_slice %arg2[%dma_start3A_316, %dma_start3A_317] : memref<50000x32xi32, #tpu.memory_space<hbm>> -> memref<50000x32xi32, #tpu.memory_space<hbm>>
      tpu.enqueue_indirect_dma source(%dma_start3A_318 : memref<50000x32xi32, #tpu.memory_space<hbm>>) target(%dma_start3A_313 : memref<128x32xi32, #tpu.memory_space<vmem>>) offsets(%dma_start3A_315 : memref<128xi32, #tpu.memory_space<vmem>>) semaphore(%arg26 : memref<!tpu.dma_semaphore, #tpu.memory_space<semaphore_mem>>)
      %dma_start3A_319 = arith.constant 128 : i32
      %dma_start3A_320 = arith.constant 0 : i32
      %dma_start3A_321 = tpu.memref_slice %arg18[%dma_start3A_319, %dma_start3A_320] : memref<256x32xi32, #tpu.memory_space<vmem>> -> memref<128x32xi32, #tpu.memory_space<vmem>>
      %dma_start3A_322 = arith.constant 128 : i32
      %dma_start3A_323 = tpu.memref_slice %arg12[%dma_start3A_322] : memref<256xi32, #tpu.memory_space<vmem>> -> memref<128xi32, #tpu.memory_space<vmem>>
      %dma_start3A_324 = arith.constant 0 : i32
      %dma_start3A_325 = arith.constant 0 : i32
      %dma_start3A_326 = tpu.memref_slice %arg3[%dma_start3A_324, %dma_start3A_325] : memref<50000x32xi32, #tpu.memory_space<hbm>> -> memref<50000x32xi32, #tpu.memory_space<hbm>>
      tpu.enqueue_indirect_dma source(%dma_start3A_326 : memref<50000x32xi32, #tpu.memory_space<hbm>>) target(%dma_start3A_321 : memref<128x32xi32, #tpu.memory_space<vmem>>) offsets(%dma_start3A_323 : memref<128xi32, #tpu.memory_space<vmem>>) semaphore(%arg26 : memref<!tpu.dma_semaphore, #tpu.memory_space<semaphore_mem>>)
      %dma_start3A_327 = arith.constant 0 : i32
      %dma_start3A_328 = tpu.memref_slice %arg4[%mul3A_295, %dma_start3A_327] : memref<100000x256xi32, #tpu.memory_space<hbm>> -> memref<32x256xi32, #tpu.memory_space<hbm>>
      %dma_start3A_329 = arith.constant 0 : i32
      %dma_start3A_330 = tpu.memref_slice %arg4[%mul3A_295, %dma_start3A_329] : memref<100000x256xi32, #tpu.memory_space<hbm>> -> memref<32x256xi32, #tpu.memory_space<hbm>>
      tpu.enqueue_dma source(%dma_start3A_330 : memref<32x256xi32, #tpu.memory_space<hbm>>) target(%arg20 : memref<32x256xi32, #tpu.memory_space<vmem>>) target_semaphore(%arg26 : memref<!tpu.dma_semaphore, #tpu.memory_space<semaphore_mem>>)
    } else {
    }
    %add3A_272 = arith.constant 32 : i32
    %add3A_273 = arith.addi %add3A, %add3A_272 : i32
    %lt3A_274 = arith.constant 3125 : i32
    %lt3A_275 = arith.cmpi slt, %add3A_273, %lt3A_274 : i32
    %and3A_276 = arith.constant true
    %and3A_277 = arith.andi %and3A_276, %lt3A_275 : i1
    %convert_element_type3A_278 = arith.extui %and3A_277 : i1 to i32
    %cond3A_279 = arith.constant 0 : i32
    %cond3A_280 = arith.cmpi ne, %convert_element_type3A_278, %cond3A_279 : i32
    scf.if %cond3A_280 {
      %mul3A_287 = arith.constant 256 : i32
      %mul3A_288 = arith.muli %add3A_273, %mul3A_287 : i32
      %dma_start3A = tpu.memref_slice %arg5[%mul3A_288] : memref<800000xi32, #tpu.memory_space<hbm>> -> memref<256xi32, #tpu.memory_space<hbm>>
      %dma_start3A_289 = tpu.memref_slice %arg5[%mul3A_288] : memref<800000xi32, #tpu.memory_space<hbm>> -> memref<256xi32, #tpu.memory_space<hbm>>
      tpu.enqueue_dma source(%dma_start3A_289 : memref<256xi32, #tpu.memory_space<hbm>>) target(%arg11 : memref<256xi32, #tpu.memory_space<vmem>>) target_semaphore(%arg25 : memref<!tpu.dma_semaphore, #tpu.memory_space<semaphore_mem>>)
      %dma_start3A_290 = tpu.memref_slice %arg6[%mul3A_288] : memref<800000xi32, #tpu.memory_space<hbm>> -> memref<256xi32, #tpu.memory_space<hbm>>
      %dma_start3A_291 = tpu.memref_slice %arg6[%mul3A_288] : memref<800000xi32, #tpu.memory_space<hbm>> -> memref<256xi32, #tpu.memory_space<hbm>>
      tpu.enqueue_dma source(%dma_start3A_291 : memref<256xi32, #tpu.memory_space<hbm>>) target(%arg13 : memref<256xi32, #tpu.memory_space<vmem>>) target_semaphore(%arg25 : memref<!tpu.dma_semaphore, #tpu.memory_space<semaphore_mem>>)
      %dma_start3A_292 = tpu.memref_slice %arg7[%mul3A_288] : memref<800000xi32, #tpu.memory_space<hbm>> -> memref<256xi32, #tpu.memory_space<hbm>>
      %dma_start3A_293 = tpu.memref_slice %arg7[%mul3A_288] : memref<800000xi32, #tpu.memory_space<hbm>> -> memref<256xi32, #tpu.memory_space<hbm>>
      tpu.enqueue_dma source(%dma_start3A_293 : memref<256xi32, #tpu.memory_space<hbm>>) target(%arg15 : memref<256xi32, #tpu.memory_space<vmem>>) target_semaphore(%arg25 : memref<!tpu.dma_semaphore, #tpu.memory_space<semaphore_mem>>)
    } else {
    }
    %scan3A = arith.constant 0 : i32
    %scan3A_281 = arith.constant 0 : i32
    %scan3A_282 = arith.constant 49 : i32
    %scan3A_283 = arith.addi %scan3A_281, %scan3A_282 : i32
    %scan3A_284 = arith.constant 1 : i32
    %scan3A_285 = scf.for %scan3A_287 = %scan3A_281 to %scan3A_283 step %scan3A_284 iter_args(%scan3A_288 = %scan3A) -> (i32)  : i32 {
      %mul3A_289 = arith.constant 2 : i32
      %mul3A_290 = arith.muli %mul3A_289, %scan3A_287 : i32
      %add3A_291 = arith.constant 0 : i32
      %add3A_292 = arith.addi %mul3A_290, %add3A_291 : i32
      %add3A_293 = arith.constant 1 : i32
      %add3A_294 = arith.addi %add3A_292, %add3A_293 : i32
      %mul3A_295 = arith.constant 32 : i32
      %mul3A_296 = arith.muli %mul3A_295, %add3A_294 : i32
      %add3A_297 = arith.addi %add3A, %mul3A_296 : i32
      %lt3A_298 = arith.constant 98 : i32
      %lt3A_299 = arith.cmpi slt, %add3A_294, %lt3A_298 : i32
      %lt3A_300 = arith.constant 3125 : i32
      %lt3A_301 = arith.cmpi slt, %add3A_297, %lt3A_300 : i32
      %and3A_302 = arith.andi %lt3A_299, %lt3A_301 : i1
      %convert_element_type3A_303 = arith.extui %and3A_302 : i1 to i32
      %cond3A_304 = arith.constant 0 : i32
      %cond3A_305 = arith.cmpi ne, %convert_element_type3A_303, %cond3A_304 : i32
      scf.if %cond3A_305 {
        %mul3A_366 = arith.constant 256 : i32
        %mul3A_367 = arith.muli %add3A_297, %mul3A_366 : i32
        %dma_wait3A = tpu.memref_slice %arg5[%mul3A_367] : memref<800000xi32, #tpu.memory_space<hbm>> -> memref<256xi32, #tpu.memory_space<hbm>>
        %dma_wait3A_368 = tpu.memref_slice %arg5[%mul3A_367] : memref<800000xi32, #tpu.memory_space<hbm>> -> memref<256xi32, #tpu.memory_space<hbm>>
        tpu.wait_dma2 semaphore(%arg25 : memref<!tpu.dma_semaphore, #tpu.memory_space<semaphore_mem>>) src(%dma_wait3A_368 : memref<256xi32, #tpu.memory_space<hbm>>) dst(%arg11 : memref<256xi32, #tpu.memory_space<vmem>>)
        %dma_wait3A_369 = tpu.memref_slice %arg6[%mul3A_367] : memref<800000xi32, #tpu.memory_space<hbm>> -> memref<256xi32, #tpu.memory_space<hbm>>
        %dma_wait3A_370 = tpu.memref_slice %arg6[%mul3A_367] : memref<800000xi32, #tpu.memory_space<hbm>> -> memref<256xi32, #tpu.memory_space<hbm>>
        tpu.wait_dma2 semaphore(%arg25 : memref<!tpu.dma_semaphore, #tpu.memory_space<semaphore_mem>>) src(%dma_wait3A_370 : memref<256xi32, #tpu.memory_space<hbm>>) dst(%arg13 : memref<256xi32, #tpu.memory_space<vmem>>)
        %dma_wait3A_371 = tpu.memref_slice %arg7[%mul3A_367] : memref<800000xi32, #tpu.memory_space<hbm>> -> memref<256xi32, #tpu.memory_space<hbm>>
        %dma_wait3A_372 = tpu.memref_slice %arg7[%mul3A_367] : memref<800000xi32, #tpu.memory_space<hbm>> -> memref<256xi32, #tpu.memory_space<hbm>>
        tpu.wait_dma2 semaphore(%arg25 : memref<!tpu.dma_semaphore, #tpu.memory_space<semaphore_mem>>) src(%dma_wait3A_372 : memref<256xi32, #tpu.memory_space<hbm>>) dst(%arg15 : memref<256xi32, #tpu.memory_space<vmem>>)
        %mul3A_373 = arith.constant 32 : i32
        %mul3A_374 = arith.muli %add3A_297, %mul3A_373 : i32
        %dma_start3A = arith.constant 0 : i32
        %dma_start3A_375 = arith.constant 0 : i32
        %dma_start3A_376 = tpu.memref_slice %arg17[%dma_start3A, %dma_start3A_375] : memref<256x32xi32, #tpu.memory_space<vmem>> -> memref<128x32xi32, #tpu.memory_space<vmem>>
        %dma_start3A_377 = arith.constant 0 : i32
        %dma_start3A_378 = tpu.memref_slice %arg11[%dma_start3A_377] : memref<256xi32, #tpu.memory_space<vmem>> -> memref<128xi32, #tpu.memory_space<vmem>>
        %dma_start3A_379 = arith.constant 0 : i32
        %dma_start3A_380 = arith.constant 0 : i32
        %dma_start3A_381 = tpu.memref_slice %arg2[%dma_start3A_379, %dma_start3A_380] : memref<50000x32xi32, #tpu.memory_space<hbm>> -> memref<50000x32xi32, #tpu.memory_space<hbm>>
        tpu.enqueue_indirect_dma source(%dma_start3A_381 : memref<50000x32xi32, #tpu.memory_space<hbm>>) target(%dma_start3A_376 : memref<128x32xi32, #tpu.memory_space<vmem>>) offsets(%dma_start3A_378 : memref<128xi32, #tpu.memory_space<vmem>>) semaphore(%arg27 : memref<!tpu.dma_semaphore, #tpu.memory_space<semaphore_mem>>)
        %dma_start3A_382 = arith.constant 0 : i32
        %dma_start3A_383 = arith.constant 0 : i32
        %dma_start3A_384 = tpu.memref_slice %arg19[%dma_start3A_382, %dma_start3A_383] : memref<256x32xi32, #tpu.memory_space<vmem>> -> memref<128x32xi32, #tpu.memory_space<vmem>>
        %dma_start3A_385 = arith.constant 0 : i32
        %dma_start3A_386 = tpu.memref_slice %arg13[%dma_start3A_385] : memref<256xi32, #tpu.memory_space<vmem>> -> memref<128xi32, #tpu.memory_space<vmem>>
        %dma_start3A_387 = arith.constant 0 : i32
        %dma_start3A_388 = arith.constant 0 : i32
        %dma_start3A_389 = tpu.memref_slice %arg3[%dma_start3A_387, %dma_start3A_388] : memref<50000x32xi32, #tpu.memory_space<hbm>> -> memref<50000x32xi32, #tpu.memory_space<hbm>>
        tpu.enqueue_indirect_dma source(%dma_start3A_389 : memref<50000x32xi32, #tpu.memory_space<hbm>>) target(%dma_start3A_384 : memref<128x32xi32, #tpu.memory_space<vmem>>) offsets(%dma_start3A_386 : memref<128xi32, #tpu.memory_space<vmem>>) semaphore(%arg27 : memref<!tpu.dma_semaphore, #tpu.memory_space<semaphore_mem>>)
        %dma_start3A_390 = arith.constant 128 : i32
        %dma_start3A_391 = arith.constant 0 : i32
        %dma_start3A_392 = tpu.memref_slice %arg17[%dma_start3A_390, %dma_start3A_391] : memref<256x32xi32, #tpu.memory_space<vmem>> -> memref<128x32xi32, #tpu.memory_space<vmem>>
        %dma_start3A_393 = arith.constant 128 : i32
        %dma_start3A_394 = tpu.memref_slice %arg11[%dma_start3A_393] : memref<256xi32, #tpu.memory_space<vmem>> -> memref<128xi32, #tpu.memory_space<vmem>>
        %dma_start3A_395 = arith.constant 0 : i32
        %dma_start3A_396 = arith.constant 0 : i32
        %dma_start3A_397 = tpu.memref_slice %arg2[%dma_start3A_395, %dma_start3A_396] : memref<50000x32xi32, #tpu.memory_space<hbm>> -> memref<50000x32xi32, #tpu.memory_space<hbm>>
        tpu.enqueue_indirect_dma source(%dma_start3A_397 : memref<50000x32xi32, #tpu.memory_space<hbm>>) target(%dma_start3A_392 : memref<128x32xi32, #tpu.memory_space<vmem>>) offsets(%dma_start3A_394 : memref<128xi32, #tpu.memory_space<vmem>>) semaphore(%arg27 : memref<!tpu.dma_semaphore, #tpu.memory_space<semaphore_mem>>)
        %dma_start3A_398 = arith.constant 128 : i32
        %dma_start3A_399 = arith.constant 0 : i32
        %dma_start3A_400 = tpu.memref_slice %arg19[%dma_start3A_398, %dma_start3A_399] : memref<256x32xi32, #tpu.memory_space<vmem>> -> memref<128x32xi32, #tpu.memory_space<vmem>>
        %dma_start3A_401 = arith.constant 128 : i32
        %dma_start3A_402 = tpu.memref_slice %arg13[%dma_start3A_401] : memref<256xi32, #tpu.memory_space<vmem>> -> memref<128xi32, #tpu.memory_space<vmem>>
        %dma_start3A_403 = arith.constant 0 : i32
        %dma_start3A_404 = arith.constant 0 : i32
        %dma_start3A_405 = tpu.memref_slice %arg3[%dma_start3A_403, %dma_start3A_404] : memref<50000x32xi32, #tpu.memory_space<hbm>> -> memref<50000x32xi32, #tpu.memory_space<hbm>>
        tpu.enqueue_indirect_dma source(%dma_start3A_405 : memref<50000x32xi32, #tpu.memory_space<hbm>>) target(%dma_start3A_400 : memref<128x32xi32, #tpu.memory_space<vmem>>) offsets(%dma_start3A_402 : memref<128xi32, #tpu.memory_space<vmem>>) semaphore(%arg27 : memref<!tpu.dma_semaphore, #tpu.memory_space<semaphore_mem>>)
        %dma_start3A_406 = arith.constant 0 : i32
        %dma_start3A_407 = tpu.memref_slice %arg4[%mul3A_374, %dma_start3A_406] : memref<100000x256xi32, #tpu.memory_space<hbm>> -> memref<32x256xi32, #tpu.memory_space<hbm>>
        %dma_start3A_408 = arith.constant 0 : i32
        %dma_start3A_409 = tpu.memref_slice %arg4[%mul3A_374, %dma_start3A_408] : memref<100000x256xi32, #tpu.memory_space<hbm>> -> memref<32x256xi32, #tpu.memory_space<hbm>>
        tpu.enqueue_dma source(%dma_start3A_409 : memref<32x256xi32, #tpu.memory_space<hbm>>) target(%arg21 : memref<32x256xi32, #tpu.memory_space<vmem>>) target_semaphore(%arg27 : memref<!tpu.dma_semaphore, #tpu.memory_space<semaphore_mem>>)
      } else {
      }
      %mul3A_306 = arith.constant 32 : i32
      %mul3A_307 = arith.muli %mul3A_306, %add3A_292 : i32
      %add3A_308 = arith.addi %add3A, %mul3A_307 : i32
      %lt3A_309 = arith.constant 3125 : i32
      %lt3A_310 = arith.cmpi slt, %add3A_308, %lt3A_309 : i32
      %convert_element_type3A_311 = arith.extui %lt3A_310 : i1 to i32
      %cond3A_312 = arith.constant 0 : i32
      %cond3A_313 = arith.cmpi ne, %convert_element_type3A_311, %cond3A_312 : i32
      scf.if %cond3A_313 {
        %mul3A_366 = arith.constant 32 : i32
        %mul3A_367 = arith.muli %add3A_308, %mul3A_366 : i32
        %dma_wait3A = arith.constant 0 : i32
        %dma_wait3A_368 = arith.constant 0 : i32
        %dma_wait3A_369 = tpu.memref_slice %arg16[%dma_wait3A, %dma_wait3A_368] : memref<256x32xi32, #tpu.memory_space<vmem>> -> memref<128x32xi32, #tpu.memory_space<vmem>>
        %dma_wait3A_370 = arith.constant 0 : i32
        %dma_wait3A_371 = tpu.memref_slice %arg10[%dma_wait3A_370] : memref<256xi32, #tpu.memory_space<vmem>> -> memref<128xi32, #tpu.memory_space<vmem>>
        %dma_wait3A_372 = arith.constant 0 : i32
        %dma_wait3A_373 = arith.constant 0 : i32
        %dma_wait3A_374 = tpu.memref_slice %arg2[%dma_wait3A_372, %dma_wait3A_373] : memref<50000x32xi32, #tpu.memory_space<hbm>> -> memref<50000x32xi32, #tpu.memory_space<hbm>>
        tpu.wait_indirect_dma semaphore(%arg26 : memref<!tpu.dma_semaphore, #tpu.memory_space<semaphore_mem>>) src(%dma_wait3A_374 : memref<50000x32xi32, #tpu.memory_space<hbm>>) dst(%dma_wait3A_369 : memref<128x32xi32, #tpu.memory_space<vmem>>)
        %dma_wait3A_375 = arith.constant 0 : i32
        %dma_wait3A_376 = arith.constant 0 : i32
        %dma_wait3A_377 = tpu.memref_slice %arg18[%dma_wait3A_375, %dma_wait3A_376] : memref<256x32xi32, #tpu.memory_space<vmem>> -> memref<128x32xi32, #tpu.memory_space<vmem>>
        %dma_wait3A_378 = arith.constant 0 : i32
        %dma_wait3A_379 = tpu.memref_slice %arg12[%dma_wait3A_378] : memref<256xi32, #tpu.memory_space<vmem>> -> memref<128xi32, #tpu.memory_space<vmem>>
        %dma_wait3A_380 = arith.constant 0 : i32
        %dma_wait3A_381 = arith.constant 0 : i32
        %dma_wait3A_382 = tpu.memref_slice %arg3[%dma_wait3A_380, %dma_wait3A_381] : memref<50000x32xi32, #tpu.memory_space<hbm>> -> memref<50000x32xi32, #tpu.memory_space<hbm>>
        tpu.wait_indirect_dma semaphore(%arg26 : memref<!tpu.dma_semaphore, #tpu.memory_space<semaphore_mem>>) src(%dma_wait3A_382 : memref<50000x32xi32, #tpu.memory_space<hbm>>) dst(%dma_wait3A_377 : memref<128x32xi32, #tpu.memory_space<vmem>>)
        %dma_wait3A_383 = arith.constant 128 : i32
        %dma_wait3A_384 = arith.constant 0 : i32
        %dma_wait3A_385 = tpu.memref_slice %arg16[%dma_wait3A_383, %dma_wait3A_384] : memref<256x32xi32, #tpu.memory_space<vmem>> -> memref<128x32xi32, #tpu.memory_space<vmem>>
        %dma_wait3A_386 = arith.constant 128 : i32
        %dma_wait3A_387 = tpu.memref_slice %arg10[%dma_wait3A_386] : memref<256xi32, #tpu.memory_space<vmem>> -> memref<128xi32, #tpu.memory_space<vmem>>
        %dma_wait3A_388 = arith.constant 0 : i32
        %dma_wait3A_389 = arith.constant 0 : i32
        %dma_wait3A_390 = tpu.memref_slice %arg2[%dma_wait3A_388, %dma_wait3A_389] : memref<50000x32xi32, #tpu.memory_space<hbm>> -> memref<50000x32xi32, #tpu.memory_space<hbm>>
        tpu.wait_indirect_dma semaphore(%arg26 : memref<!tpu.dma_semaphore, #tpu.memory_space<semaphore_mem>>) src(%dma_wait3A_390 : memref<50000x32xi32, #tpu.memory_space<hbm>>) dst(%dma_wait3A_385 : memref<128x32xi32, #tpu.memory_space<vmem>>)
        %dma_wait3A_391 = arith.constant 128 : i32
        %dma_wait3A_392 = arith.constant 0 : i32
        %dma_wait3A_393 = tpu.memref_slice %arg18[%dma_wait3A_391, %dma_wait3A_392] : memref<256x32xi32, #tpu.memory_space<vmem>> -> memref<128x32xi32, #tpu.memory_space<vmem>>
        %dma_wait3A_394 = arith.constant 128 : i32
        %dma_wait3A_395 = tpu.memref_slice %arg12[%dma_wait3A_394] : memref<256xi32, #tpu.memory_space<vmem>> -> memref<128xi32, #tpu.memory_space<vmem>>
        %dma_wait3A_396 = arith.constant 0 : i32
        %dma_wait3A_397 = arith.constant 0 : i32
        %dma_wait3A_398 = tpu.memref_slice %arg3[%dma_wait3A_396, %dma_wait3A_397] : memref<50000x32xi32, #tpu.memory_space<hbm>> -> memref<50000x32xi32, #tpu.memory_space<hbm>>
        tpu.wait_indirect_dma semaphore(%arg26 : memref<!tpu.dma_semaphore, #tpu.memory_space<semaphore_mem>>) src(%dma_wait3A_398 : memref<50000x32xi32, #tpu.memory_space<hbm>>) dst(%dma_wait3A_393 : memref<128x32xi32, #tpu.memory_space<vmem>>)
        %dma_wait3A_399 = arith.constant 0 : i32
        %dma_wait3A_400 = tpu.memref_slice %arg4[%mul3A_367, %dma_wait3A_399] : memref<100000x256xi32, #tpu.memory_space<hbm>> -> memref<32x256xi32, #tpu.memory_space<hbm>>
        %dma_wait3A_401 = arith.constant 0 : i32
        %dma_wait3A_402 = tpu.memref_slice %arg4[%mul3A_367, %dma_wait3A_401] : memref<100000x256xi32, #tpu.memory_space<hbm>> -> memref<32x256xi32, #tpu.memory_space<hbm>>
        tpu.wait_dma2 semaphore(%arg26 : memref<!tpu.dma_semaphore, #tpu.memory_space<semaphore_mem>>) src(%dma_wait3A_402 : memref<32x256xi32, #tpu.memory_space<hbm>>) dst(%arg20 : memref<32x256xi32, #tpu.memory_space<vmem>>)
        %scan3A_403 = arith.constant 0 : i32
        %scan3A_404 = arith.constant 0 : i32
        %scan3A_405 = arith.constant 16 : i32
        %scan3A_406 = arith.addi %scan3A_404, %scan3A_405 : i32
        %scan3A_407 = arith.constant 1 : i32
        %scan3A_408 = scf.for %scan3A_410 = %scan3A_404 to %scan3A_406 step %scan3A_407 iter_args(%scan3A_411 = %scan3A_403) -> (i32)  : i32 {
          %mul3A_412 = arith.constant 16 : i32
          %mul3A_413 = arith.muli %scan3A_410, %mul3A_412 : i32
          %add3A_414 = vector.broadcast %mul3A_413 : i32 to vector<16xi32>
          %add3A_415 = arith.addi %iota3A, %add3A_414 : vector<16xi32>
          %shift_right_logical3A = arith.constant 3 : i32
          %shift_right_logical3A_416 = vector.broadcast %shift_right_logical3A : i32 to vector<16xi32>
          %shift_right_logical3A_417 = arith.shrui %add3A_415, %shift_right_logical3A_416 : vector<16xi32>
          %and3A_418 = arith.constant 7 : i32
          %and3A_419 = vector.broadcast %and3A_418 : i32 to vector<16xi32>
          %and3A_420 = arith.andi %add3A_415, %and3A_419 : vector<16xi32>
          %shift_left3A = arith.constant 5 : i32
          %shift_left3A_421 = vector.broadcast %shift_left3A : i32 to vector<16xi32>
          %shift_left3A_422 = arith.shli %and3A_420, %shift_left3A_421 : vector<16xi32>
          %mul3A_423 = arith.constant 16 : i32
          %mul3A_424 = arith.muli %scan3A_410, %mul3A_423 : i32
          %get3A_425 = arith.index_cast %mul3A_424 : i32 to index
          %get3A_426 = tpu.vector_load %arg14[%get3A_425] {strides = array<i32>} : memref<256xi32, #tpu.memory_space<vmem>>, vector<16xi32>,
          %scan3A_427 = arith.constant 0 : i32
          %scan3A_428 = arith.constant 4 : i32
          %scan3A_429 = arith.addi %scan3A_427, %scan3A_428 : i32
          %scan3A_430 = arith.constant 1 : i32
          %scan3A_431:4 = scf.for %scan3A_438 = %scan3A_427 to %scan3A_429 step %scan3A_430 iter_args(%scan3A_439 = %broadcast_in_dim3A_1, %scan3A_440 = %broadcast_in_dim3A_1, %scan3A_441 = %broadcast_in_dim3A_1, %scan3A_442 = %broadcast_in_dim3A_1) -> (vector<16xf32>, vector<16xf32>, vector<16xf32>, vector<16xf32>)  : i32 {
            %mul3A_443 = arith.constant 8 : i32
            %mul3A_444 = arith.muli %scan3A_438, %mul3A_443 : i32
            %add3A_445 = arith.constant 0 : i32
            %add3A_446 = arith.addi %mul3A_444, %add3A_445 : i32
            %add3A_447 = vector.broadcast %add3A_446 : i32 to vector<16xi32>
            %add3A_448 = arith.addi %iota3A, %add3A_447 : vector<16xi32>
            %and3A_449 = arith.constant 31 : i32
            %and3A_450 = vector.broadcast %and3A_449 : i32 to vector<16xi32>
            %and3A_451 = arith.andi %add3A_448, %and3A_450 : vector<16xi32>
            %add3A_452 = arith.addi %shift_left3A_422, %and3A_451 : vector<16xi32>
            %gather3A = tpu.vector_load_idx %arg20[%shift_right_logical3A_417, %add3A_452] : memref<32x256xi32, #tpu.memory_space<vmem>>[vector<16xi32>, vector<16xi32>], vector<16xi32>,
            %gather3A_453 = tpu.vector_load_idx %arg16[%add3A_415, %and3A_451] : memref<256x32xi32, #tpu.memory_space<vmem>>[vector<16xi32>, vector<16xi32>], vector<16xi32>,
            %gather3A_454 = tpu.vector_load_idx %arg18[%add3A_415, %and3A_451] : memref<256x32xi32, #tpu.memory_space<vmem>>[vector<16xi32>, vector<16xi32>], vector<16xi32>,
            %shift_left3A_455 = arith.constant 16 : i32
            %shift_left3A_456 = vector.broadcast %shift_left3A_455 : i32 to vector<16xi32>
            %shift_left3A_457 = arith.shli %gather3A, %shift_left3A_456 : vector<16xi32>
            %bitcast3A = vector.bitcast %shift_left3A_457 : vector<16xi32> to vector<16xf32>
            %shift_left3A_458 = arith.constant 16 : i32
            %shift_left3A_459 = vector.broadcast %shift_left3A_458 : i32 to vector<16xi32>
            %shift_left3A_460 = arith.shli %gather3A_453, %shift_left3A_459 : vector<16xi32>
            %bitcast3A_461 = vector.bitcast %shift_left3A_460 : vector<16xi32> to vector<16xf32>
            %mul3A_462 = arith.mulf %bitcast3A, %bitcast3A_461 : vector<16xf32>
            %shift_left3A_463 = arith.constant 16 : i32
            %shift_left3A_464 = vector.broadcast %shift_left3A_463 : i32 to vector<16xi32>
            %shift_left3A_465 = arith.shli %gather3A_454, %shift_left3A_464 : vector<16xi32>
            %bitcast3A_466 = vector.bitcast %shift_left3A_465 : vector<16xi32> to vector<16xf32>
            %mul3A_467 = arith.mulf %mul3A_462, %bitcast3A_466 : vector<16xf32>
            %add3A_468 = arith.addf %scan3A_439, %mul3A_467 : vector<16xf32>
            %and3A_469 = arith.constant -65536 : i32
            %and3A_470 = vector.broadcast %and3A_469 : i32 to vector<16xi32>
            %and3A_471 = arith.andi %gather3A, %and3A_470 : vector<16xi32>
            %bitcast3A_472 = vector.bitcast %and3A_471 : vector<16xi32> to vector<16xf32>
            %and3A_473 = arith.constant -65536 : i32
            %and3A_474 = vector.broadcast %and3A_473 : i32 to vector<16xi32>
            %and3A_475 = arith.andi %gather3A_453, %and3A_474 : vector<16xi32>
            %bitcast3A_476 = vector.bitcast %and3A_475 : vector<16xi32> to vector<16xf32>
            %mul3A_477 = arith.mulf %bitcast3A_472, %bitcast3A_476 : vector<16xf32>
            %and3A_478 = arith.constant -65536 : i32
            %and3A_479 = vector.broadcast %and3A_478 : i32 to vector<16xi32>
            %and3A_480 = arith.andi %gather3A_454, %and3A_479 : vector<16xi32>
            %bitcast3A_481 = vector.bitcast %and3A_480 : vector<16xi32> to vector<16xf32>
            %mul3A_482 = arith.mulf %mul3A_477, %bitcast3A_481 : vector<16xf32>
            %add3A_483 = arith.addf %scan3A_440, %mul3A_482 : vector<16xf32>
            %add3A_484 = arith.constant 1 : i32
            %add3A_485 = arith.addi %mul3A_444, %add3A_484 : i32
            %add3A_486 = vector.broadcast %add3A_485 : i32 to vector<16xi32>
            %add3A_487 = arith.addi %iota3A, %add3A_486 : vector<16xi32>
            %and3A_488 = arith.constant 31 : i32
            %and3A_489 = vector.broadcast %and3A_488 : i32 to vector<16xi32>
            %and3A_490 = arith.andi %add3A_487, %and3A_489 : vector<16xi32>
            %add3A_491 = arith.addi %shift_left3A_422, %and3A_490 : vector<16xi32>
            %gather3A_492 = tpu.vector_load_idx %arg20[%shift_right_logical3A_417, %add3A_491] : memref<32x256xi32, #tpu.memory_space<vmem>>[vector<16xi32>, vector<16xi32>], vector<16xi32>,
            %gather3A_493 = tpu.vector_load_idx %arg16[%add3A_415, %and3A_490] : memref<256x32xi32, #tpu.memory_space<vmem>>[vector<16xi32>, vector<16xi32>], vector<16xi32>,
            %gather3A_494 = tpu.vector_load_idx %arg18[%add3A_415, %and3A_490] : memref<256x32xi32, #tpu.memory_space<vmem>>[vector<16xi32>, vector<16xi32>], vector<16xi32>,
            %shift_left3A_495 = arith.constant 16 : i32
            %shift_left3A_496 = vector.broadcast %shift_left3A_495 : i32 to vector<16xi32>
            %shift_left3A_497 = arith.shli %gather3A_492, %shift_left3A_496 : vector<16xi32>
            %bitcast3A_498 = vector.bitcast %shift_left3A_497 : vector<16xi32> to vector<16xf32>
            %shift_left3A_499 = arith.constant 16 : i32
            %shift_left3A_500 = vector.broadcast %shift_left3A_499 : i32 to vector<16xi32>
            %shift_left3A_501 = arith.shli %gather3A_493, %shift_left3A_500 : vector<16xi32>
            %bitcast3A_502 = vector.bitcast %shift_left3A_501 : vector<16xi32> to vector<16xf32>
            %mul3A_503 = arith.mulf %bitcast3A_498, %bitcast3A_502 : vector<16xf32>
            %shift_left3A_504 = arith.constant 16 : i32
            %shift_left3A_505 = vector.broadcast %shift_left3A_504 : i32 to vector<16xi32>
            %shift_left3A_506 = arith.shli %gather3A_494, %shift_left3A_505 : vector<16xi32>
            %bitcast3A_507 = vector.bitcast %shift_left3A_506 : vector<16xi32> to vector<16xf32>
            %mul3A_508 = arith.mulf %mul3A_503, %bitcast3A_507 : vector<16xf32>
            %add3A_509 = arith.addf %scan3A_441, %mul3A_508 : vector<16xf32>
            %and3A_510 = arith.constant -65536 : i32
            %and3A_511 = vector.broadcast %and3A_510 : i32 to vector<16xi32>
            %and3A_512 = arith.andi %gather3A_492, %and3A_511 : vector<16xi32>
            %bitcast3A_513 = vector.bitcast %and3A_512 : vector<16xi32> to vector<16xf32>
            %and3A_514 = arith.constant -65536 : i32
            %and3A_515 = vector.broadcast %and3A_514 : i32 to vector<16xi32>
            %and3A_516 = arith.andi %gather3A_493, %and3A_515 : vector<16xi32>
            %bitcast3A_517 = vector.bitcast %and3A_516 : vector<16xi32> to vector<16xf32>
            %mul3A_518 = arith.mulf %bitcast3A_513, %bitcast3A_517 : vector<16xf32>
            %and3A_519 = arith.constant -65536 : i32
            %and3A_520 = vector.broadcast %and3A_519 : i32 to vector<16xi32>
            %and3A_521 = arith.andi %gather3A_494, %and3A_520 : vector<16xi32>
            %bitcast3A_522 = vector.bitcast %and3A_521 : vector<16xi32> to vector<16xf32>
            %mul3A_523 = arith.mulf %mul3A_518, %bitcast3A_522 : vector<16xf32>
            %add3A_524 = arith.addf %scan3A_442, %mul3A_523 : vector<16xf32>
            %add3A_525 = arith.constant 2 : i32
            %add3A_526 = arith.addi %mul3A_444, %add3A_525 : i32
            %add3A_527 = vector.broadcast %add3A_526 : i32 to vector<16xi32>
            %add3A_528 = arith.addi %iota3A, %add3A_527 : vector<16xi32>
            %and3A_529 = arith.constant 31 : i32
            %and3A_530 = vector.broadcast %and3A_529 : i32 to vector<16xi32>
            %and3A_531 = arith.andi %add3A_528, %and3A_530 : vector<16xi32>
            %add3A_532 = arith.addi %shift_left3A_422, %and3A_531 : vector<16xi32>
            %gather3A_533 = tpu.vector_load_idx %arg20[%shift_right_logical3A_417, %add3A_532] : memref<32x256xi32, #tpu.memory_space<vmem>>[vector<16xi32>, vector<16xi32>], vector<16xi32>,
            %gather3A_534 = tpu.vector_load_idx %arg16[%add3A_415, %and3A_531] : memref<256x32xi32, #tpu.memory_space<vmem>>[vector<16xi32>, vector<16xi32>], vector<16xi32>,
            %gather3A_535 = tpu.vector_load_idx %arg18[%add3A_415, %and3A_531] : memref<256x32xi32, #tpu.memory_space<vmem>>[vector<16xi32>, vector<16xi32>], vector<16xi32>,
            %shift_left3A_536 = arith.constant 16 : i32
            %shift_left3A_537 = vector.broadcast %shift_left3A_536 : i32 to vector<16xi32>
            %shift_left3A_538 = arith.shli %gather3A_533, %shift_left3A_537 : vector<16xi32>
            %bitcast3A_539 = vector.bitcast %shift_left3A_538 : vector<16xi32> to vector<16xf32>
            %shift_left3A_540 = arith.constant 16 : i32
            %shift_left3A_541 = vector.broadcast %shift_left3A_540 : i32 to vector<16xi32>
            %shift_left3A_542 = arith.shli %gather3A_534, %shift_left3A_541 : vector<16xi32>
            %bitcast3A_543 = vector.bitcast %shift_left3A_542 : vector<16xi32> to vector<16xf32>
            %mul3A_544 = arith.mulf %bitcast3A_539, %bitcast3A_543 : vector<16xf32>
            %shift_left3A_545 = arith.constant 16 : i32
            %shift_left3A_546 = vector.broadcast %shift_left3A_545 : i32 to vector<16xi32>
            %shift_left3A_547 = arith.shli %gather3A_535, %shift_left3A_546 : vector<16xi32>
            %bitcast3A_548 = vector.bitcast %shift_left3A_547 : vector<16xi32> to vector<16xf32>
            %mul3A_549 = arith.mulf %mul3A_544, %bitcast3A_548 : vector<16xf32>
            %add3A_550 = arith.addf %add3A_468, %mul3A_549 : vector<16xf32>
            %and3A_551 = arith.constant -65536 : i32
            %and3A_552 = vector.broadcast %and3A_551 : i32 to vector<16xi32>
            %and3A_553 = arith.andi %gather3A_533, %and3A_552 : vector<16xi32>
            %bitcast3A_554 = vector.bitcast %and3A_553 : vector<16xi32> to vector<16xf32>
            %and3A_555 = arith.constant -65536 : i32
            %and3A_556 = vector.broadcast %and3A_555 : i32 to vector<16xi32>
            %and3A_557 = arith.andi %gather3A_534, %and3A_556 : vector<16xi32>
            %bitcast3A_558 = vector.bitcast %and3A_557 : vector<16xi32> to vector<16xf32>
            %mul3A_559 = arith.mulf %bitcast3A_554, %bitcast3A_558 : vector<16xf32>
            %and3A_560 = arith.constant -65536 : i32
            %and3A_561 = vector.broadcast %and3A_560 : i32 to vector<16xi32>
            %and3A_562 = arith.andi %gather3A_535, %and3A_561 : vector<16xi32>
            %bitcast3A_563 = vector.bitcast %and3A_562 : vector<16xi32> to vector<16xf32>
            %mul3A_564 = arith.mulf %mul3A_559, %bitcast3A_563 : vector<16xf32>
            %add3A_565 = arith.addf %add3A_483, %mul3A_564 : vector<16xf32>
            %add3A_566 = arith.constant 3 : i32
            %add3A_567 = arith.addi %mul3A_444, %add3A_566 : i32
            %add3A_568 = vector.broadcast %add3A_567 : i32 to vector<16xi32>
            %add3A_569 = arith.addi %iota3A, %add3A_568 : vector<16xi32>
            %and3A_570 = arith.constant 31 : i32
            %and3A_571 = vector.broadcast %and3A_570 : i32 to vector<16xi32>
            %and3A_572 = arith.andi %add3A_569, %and3A_571 : vector<16xi32>
            %add3A_573 = arith.addi %shift_left3A_422, %and3A_572 : vector<16xi32>
            %gather3A_574 = tpu.vector_load_idx %arg20[%shift_right_logical3A_417, %add3A_573] : memref<32x256xi32, #tpu.memory_space<vmem>>[vector<16xi32>, vector<16xi32>], vector<16xi32>,
            %gather3A_575 = tpu.vector_load_idx %arg16[%add3A_415, %and3A_572] : memref<256x32xi32, #tpu.memory_space<vmem>>[vector<16xi32>, vector<16xi32>], vector<16xi32>,
            %gather3A_576 = tpu.vector_load_idx %arg18[%add3A_415, %and3A_572] : memref<256x32xi32, #tpu.memory_space<vmem>>[vector<16xi32>, vector<16xi32>], vector<16xi32>,
            %shift_left3A_577 = arith.constant 16 : i32
            %shift_left3A_578 = vector.broadcast %shift_left3A_577 : i32 to vector<16xi32>
            %shift_left3A_579 = arith.shli %gather3A_574, %shift_left3A_578 : vector<16xi32>
            %bitcast3A_580 = vector.bitcast %shift_left3A_579 : vector<16xi32> to vector<16xf32>
            %shift_left3A_581 = arith.constant 16 : i32
            %shift_left3A_582 = vector.broadcast %shift_left3A_581 : i32 to vector<16xi32>
            %shift_left3A_583 = arith.shli %gather3A_575, %shift_left3A_582 : vector<16xi32>
            %bitcast3A_584 = vector.bitcast %shift_left3A_583 : vector<16xi32> to vector<16xf32>
            %mul3A_585 = arith.mulf %bitcast3A_580, %bitcast3A_584 : vector<16xf32>
            %shift_left3A_586 = arith.constant 16 : i32
            %shift_left3A_587 = vector.broadcast %shift_left3A_586 : i32 to vector<16xi32>
            %shift_left3A_588 = arith.shli %gather3A_576, %shift_left3A_587 : vector<16xi32>
            %bitcast3A_589 = vector.bitcast %shift_left3A_588 : vector<16xi32> to vector<16xf32>
            %mul3A_590 = arith.mulf %mul3A_585, %bitcast3A_589 : vector<16xf32>
            %add3A_591 = arith.addf %add3A_509, %mul3A_590 : vector<16xf32>
            %and3A_592 = arith.constant -65536 : i32
            %and3A_593 = vector.broadcast %and3A_592 : i32 to vector<16xi32>
            %and3A_594 = arith.andi %gather3A_574, %and3A_593 : vector<16xi32>
            %bitcast3A_595 = vector.bitcast %and3A_594 : vector<16xi32> to vector<16xf32>
            %and3A_596 = arith.constant -65536 : i32
            %and3A_597 = vector.broadcast %and3A_596 : i32 to vector<16xi32>
            %and3A_598 = arith.andi %gather3A_575, %and3A_597 : vector<16xi32>
            %bitcast3A_599 = vector.bitcast %and3A_598 : vector<16xi32> to vector<16xf32>
            %mul3A_600 = arith.mulf %bitcast3A_595, %bitcast3A_599 : vector<16xf32>
            %and3A_601 = arith.constant -65536 : i32
            %and3A_602 = vector.broadcast %and3A_601 : i32 to vector<16xi32>
            %and3A_603 = arith.andi %gather3A_576, %and3A_602 : vector<16xi32>
            %bitcast3A_604 = vector.bitcast %and3A_603 : vector<16xi32> to vector<16xf32>
            %mul3A_605 = arith.mulf %mul3A_600, %bitcast3A_604 : vector<16xf32>
            %add3A_606 = arith.addf %add3A_524, %mul3A_605 : vector<16xf32>
            %add3A_607 = arith.constant 4 : i32
            %add3A_608 = arith.addi %mul3A_444, %add3A_607 : i32
            %add3A_609 = vector.broadcast %add3A_608 : i32 to vector<16xi32>
            %add3A_610 = arith.addi %iota3A, %add3A_609 : vector<16xi32>
            %and3A_611 = arith.constant 31 : i32
            %and3A_612 = vector.broadcast %and3A_611 : i32 to vector<16xi32>
            %and3A_613 = arith.andi %add3A_610, %and3A_612 : vector<16xi32>
            %add3A_614 = arith.addi %shift_left3A_422, %and3A_613 : vector<16xi32>
            %gather3A_615 = tpu.vector_load_idx %arg20[%shift_right_logical3A_417, %add3A_614] : memref<32x256xi32, #tpu.memory_space<vmem>>[vector<16xi32>, vector<16xi32>], vector<16xi32>,
            %gather3A_616 = tpu.vector_load_idx %arg16[%add3A_415, %and3A_613] : memref<256x32xi32, #tpu.memory_space<vmem>>[vector<16xi32>, vector<16xi32>], vector<16xi32>,
            %gather3A_617 = tpu.vector_load_idx %arg18[%add3A_415, %and3A_613] : memref<256x32xi32, #tpu.memory_space<vmem>>[vector<16xi32>, vector<16xi32>], vector<16xi32>,
            %shift_left3A_618 = arith.constant 16 : i32
            %shift_left3A_619 = vector.broadcast %shift_left3A_618 : i32 to vector<16xi32>
            %shift_left3A_620 = arith.shli %gather3A_615, %shift_left3A_619 : vector<16xi32>
            %bitcast3A_621 = vector.bitcast %shift_left3A_620 : vector<16xi32> to vector<16xf32>
            %shift_left3A_622 = arith.constant 16 : i32
            %shift_left3A_623 = vector.broadcast %shift_left3A_622 : i32 to vector<16xi32>
            %shift_left3A_624 = arith.shli %gather3A_616, %shift_left3A_623 : vector<16xi32>
            %bitcast3A_625 = vector.bitcast %shift_left3A_624 : vector<16xi32> to vector<16xf32>
            %mul3A_626 = arith.mulf %bitcast3A_621, %bitcast3A_625 : vector<16xf32>
            %shift_left3A_627 = arith.constant 16 : i32
            %shift_left3A_628 = vector.broadcast %shift_left3A_627 : i32 to vector<16xi32>
            %shift_left3A_629 = arith.shli %gather3A_617, %shift_left3A_628 : vector<16xi32>
            %bitcast3A_630 = vector.bitcast %shift_left3A_629 : vector<16xi32> to vector<16xf32>
            %mul3A_631 = arith.mulf %mul3A_626, %bitcast3A_630 : vector<16xf32>
            %add3A_632 = arith.addf %add3A_550, %mul3A_631 : vector<16xf32>
            %and3A_633 = arith.constant -65536 : i32
            %and3A_634 = vector.broadcast %and3A_633 : i32 to vector<16xi32>
            %and3A_635 = arith.andi %gather3A_615, %and3A_634 : vector<16xi32>
            %bitcast3A_636 = vector.bitcast %and3A_635 : vector<16xi32> to vector<16xf32>
            %and3A_637 = arith.constant -65536 : i32
            %and3A_638 = vector.broadcast %and3A_637 : i32 to vector<16xi32>
            %and3A_639 = arith.andi %gather3A_616, %and3A_638 : vector<16xi32>
            %bitcast3A_640 = vector.bitcast %and3A_639 : vector<16xi32> to vector<16xf32>
            %mul3A_641 = arith.mulf %bitcast3A_636, %bitcast3A_640 : vector<16xf32>
            %and3A_642 = arith.constant -65536 : i32
            %and3A_643 = vector.broadcast %and3A_642 : i32 to vector<16xi32>
            %and3A_644 = arith.andi %gather3A_617, %and3A_643 : vector<16xi32>
            %bitcast3A_645 = vector.bitcast %and3A_644 : vector<16xi32> to vector<16xf32>
            %mul3A_646 = arith.mulf %mul3A_641, %bitcast3A_645 : vector<16xf32>
            %add3A_647 = arith.addf %add3A_565, %mul3A_646 : vector<16xf32>
            %add3A_648 = arith.constant 5 : i32
            %add3A_649 = arith.addi %mul3A_444, %add3A_648 : i32
            %add3A_650 = vector.broadcast %add3A_649 : i32 to vector<16xi32>
            %add3A_651 = arith.addi %iota3A, %add3A_650 : vector<16xi32>
            %and3A_652 = arith.constant 31 : i32
            %and3A_653 = vector.broadcast %and3A_652 : i32 to vector<16xi32>
            %and3A_654 = arith.andi %add3A_651, %and3A_653 : vector<16xi32>
            %add3A_655 = arith.addi %shift_left3A_422, %and3A_654 : vector<16xi32>
            %gather3A_656 = tpu.vector_load_idx %arg20[%shift_right_logical3A_417, %add3A_655] : memref<32x256xi32, #tpu.memory_space<vmem>>[vector<16xi32>, vector<16xi32>], vector<16xi32>,
            %gather3A_657 = tpu.vector_load_idx %arg16[%add3A_415, %and3A_654] : memref<256x32xi32, #tpu.memory_space<vmem>>[vector<16xi32>, vector<16xi32>], vector<16xi32>,
            %gather3A_658 = tpu.vector_load_idx %arg18[%add3A_415, %and3A_654] : memref<256x32xi32, #tpu.memory_space<vmem>>[vector<16xi32>, vector<16xi32>], vector<16xi32>,
            %shift_left3A_659 = arith.constant 16 : i32
            %shift_left3A_660 = vector.broadcast %shift_left3A_659 : i32 to vector<16xi32>
            %shift_left3A_661 = arith.shli %gather3A_656, %shift_left3A_660 : vector<16xi32>
            %bitcast3A_662 = vector.bitcast %shift_left3A_661 : vector<16xi32> to vector<16xf32>
            %shift_left3A_663 = arith.constant 16 : i32
            %shift_left3A_664 = vector.broadcast %shift_left3A_663 : i32 to vector<16xi32>
            %shift_left3A_665 = arith.shli %gather3A_657, %shift_left3A_664 : vector<16xi32>
            %bitcast3A_666 = vector.bitcast %shift_left3A_665 : vector<16xi32> to vector<16xf32>
            %mul3A_667 = arith.mulf %bitcast3A_662, %bitcast3A_666 : vector<16xf32>
            %shift_left3A_668 = arith.constant 16 : i32
            %shift_left3A_669 = vector.broadcast %shift_left3A_668 : i32 to vector<16xi32>
            %shift_left3A_670 = arith.shli %gather3A_658, %shift_left3A_669 : vector<16xi32>
            %bitcast3A_671 = vector.bitcast %shift_left3A_670 : vector<16xi32> to vector<16xf32>
            %mul3A_672 = arith.mulf %mul3A_667, %bitcast3A_671 : vector<16xf32>
            %add3A_673 = arith.addf %add3A_591, %mul3A_672 : vector<16xf32>
            %and3A_674 = arith.constant -65536 : i32
            %and3A_675 = vector.broadcast %and3A_674 : i32 to vector<16xi32>
            %and3A_676 = arith.andi %gather3A_656, %and3A_675 : vector<16xi32>
            %bitcast3A_677 = vector.bitcast %and3A_676 : vector<16xi32> to vector<16xf32>
            %and3A_678 = arith.constant -65536 : i32
            %and3A_679 = vector.broadcast %and3A_678 : i32 to vector<16xi32>
            %and3A_680 = arith.andi %gather3A_657, %and3A_679 : vector<16xi32>
            %bitcast3A_681 = vector.bitcast %and3A_680 : vector<16xi32> to vector<16xf32>
            %mul3A_682 = arith.mulf %bitcast3A_677, %bitcast3A_681 : vector<16xf32>
            %and3A_683 = arith.constant -65536 : i32
            %and3A_684 = vector.broadcast %and3A_683 : i32 to vector<16xi32>
            %and3A_685 = arith.andi %gather3A_658, %and3A_684 : vector<16xi32>
            %bitcast3A_686 = vector.bitcast %and3A_685 : vector<16xi32> to vector<16xf32>
            %mul3A_687 = arith.mulf %mul3A_682, %bitcast3A_686 : vector<16xf32>
            %add3A_688 = arith.addf %add3A_606, %mul3A_687 : vector<16xf32>
            %add3A_689 = arith.constant 6 : i32
            %add3A_690 = arith.addi %mul3A_444, %add3A_689 : i32
            %add3A_691 = vector.broadcast %add3A_690 : i32 to vector<16xi32>
            %add3A_692 = arith.addi %iota3A, %add3A_691 : vector<16xi32>
            %and3A_693 = arith.constant 31 : i32
            %and3A_694 = vector.broadcast %and3A_693 : i32 to vector<16xi32>
            %and3A_695 = arith.andi %add3A_692, %and3A_694 : vector<16xi32>
            %add3A_696 = arith.addi %shift_left3A_422, %and3A_695 : vector<16xi32>
            %gather3A_697 = tpu.vector_load_idx %arg20[%shift_right_logical3A_417, %add3A_696] : memref<32x256xi32, #tpu.memory_space<vmem>>[vector<16xi32>, vector<16xi32>], vector<16xi32>,
            %gather3A_698 = tpu.vector_load_idx %arg16[%add3A_415, %and3A_695] : memref<256x32xi32, #tpu.memory_space<vmem>>[vector<16xi32>, vector<16xi32>], vector<16xi32>,
            %gather3A_699 = tpu.vector_load_idx %arg18[%add3A_415, %and3A_695] : memref<256x32xi32, #tpu.memory_space<vmem>>[vector<16xi32>, vector<16xi32>], vector<16xi32>,
            %shift_left3A_700 = arith.constant 16 : i32
            %shift_left3A_701 = vector.broadcast %shift_left3A_700 : i32 to vector<16xi32>
            %shift_left3A_702 = arith.shli %gather3A_697, %shift_left3A_701 : vector<16xi32>
            %bitcast3A_703 = vector.bitcast %shift_left3A_702 : vector<16xi32> to vector<16xf32>
            %shift_left3A_704 = arith.constant 16 : i32
            %shift_left3A_705 = vector.broadcast %shift_left3A_704 : i32 to vector<16xi32>
            %shift_left3A_706 = arith.shli %gather3A_698, %shift_left3A_705 : vector<16xi32>
            %bitcast3A_707 = vector.bitcast %shift_left3A_706 : vector<16xi32> to vector<16xf32>
            %mul3A_708 = arith.mulf %bitcast3A_703, %bitcast3A_707 : vector<16xf32>
            %shift_left3A_709 = arith.constant 16 : i32
            %shift_left3A_710 = vector.broadcast %shift_left3A_709 : i32 to vector<16xi32>
            %shift_left3A_711 = arith.shli %gather3A_699, %shift_left3A_710 : vector<16xi32>
            %bitcast3A_712 = vector.bitcast %shift_left3A_711 : vector<16xi32> to vector<16xf32>
            %mul3A_713 = arith.mulf %mul3A_708, %bitcast3A_712 : vector<16xf32>
            %add3A_714 = arith.addf %add3A_632, %mul3A_713 : vector<16xf32>
            %and3A_715 = arith.constant -65536 : i32
            %and3A_716 = vector.broadcast %and3A_715 : i32 to vector<16xi32>
            %and3A_717 = arith.andi %gather3A_697, %and3A_716 : vector<16xi32>
            %bitcast3A_718 = vector.bitcast %and3A_717 : vector<16xi32> to vector<16xf32>
            %and3A_719 = arith.constant -65536 : i32
            %and3A_720 = vector.broadcast %and3A_719 : i32 to vector<16xi32>
            %and3A_721 = arith.andi %gather3A_698, %and3A_720 : vector<16xi32>
            %bitcast3A_722 = vector.bitcast %and3A_721 : vector<16xi32> to vector<16xf32>
            %mul3A_723 = arith.mulf %bitcast3A_718, %bitcast3A_722 : vector<16xf32>
            %and3A_724 = arith.constant -65536 : i32
            %and3A_725 = vector.broadcast %and3A_724 : i32 to vector<16xi32>
            %and3A_726 = arith.andi %gather3A_699, %and3A_725 : vector<16xi32>
            %bitcast3A_727 = vector.bitcast %and3A_726 : vector<16xi32> to vector<16xf32>
            %mul3A_728 = arith.mulf %mul3A_723, %bitcast3A_727 : vector<16xf32>
            %add3A_729 = arith.addf %add3A_647, %mul3A_728 : vector<16xf32>
            %add3A_730 = arith.constant 7 : i32
            %add3A_731 = arith.addi %mul3A_444, %add3A_730 : i32
            %add3A_732 = vector.broadcast %add3A_731 : i32 to vector<16xi32>
            %add3A_733 = arith.addi %iota3A, %add3A_732 : vector<16xi32>
            %and3A_734 = arith.constant 31 : i32
            %and3A_735 = vector.broadcast %and3A_734 : i32 to vector<16xi32>
            %and3A_736 = arith.andi %add3A_733, %and3A_735 : vector<16xi32>
            %add3A_737 = arith.addi %shift_left3A_422, %and3A_736 : vector<16xi32>
            %gather3A_738 = tpu.vector_load_idx %arg20[%shift_right_logical3A_417, %add3A_737] : memref<32x256xi32, #tpu.memory_space<vmem>>[vector<16xi32>, vector<16xi32>], vector<16xi32>,
            %gather3A_739 = tpu.vector_load_idx %arg16[%add3A_415, %and3A_736] : memref<256x32xi32, #tpu.memory_space<vmem>>[vector<16xi32>, vector<16xi32>], vector<16xi32>,
            %gather3A_740 = tpu.vector_load_idx %arg18[%add3A_415, %and3A_736] : memref<256x32xi32, #tpu.memory_space<vmem>>[vector<16xi32>, vector<16xi32>], vector<16xi32>,
            %shift_left3A_741 = arith.constant 16 : i32
            %shift_left3A_742 = vector.broadcast %shift_left3A_741 : i32 to vector<16xi32>
            %shift_left3A_743 = arith.shli %gather3A_738, %shift_left3A_742 : vector<16xi32>
            %bitcast3A_744 = vector.bitcast %shift_left3A_743 : vector<16xi32> to vector<16xf32>
            %shift_left3A_745 = arith.constant 16 : i32
            %shift_left3A_746 = vector.broadcast %shift_left3A_745 : i32 to vector<16xi32>
            %shift_left3A_747 = arith.shli %gather3A_739, %shift_left3A_746 : vector<16xi32>
            %bitcast3A_748 = vector.bitcast %shift_left3A_747 : vector<16xi32> to vector<16xf32>
            %mul3A_749 = arith.mulf %bitcast3A_744, %bitcast3A_748 : vector<16xf32>
            %shift_left3A_750 = arith.constant 16 : i32
            %shift_left3A_751 = vector.broadcast %shift_left3A_750 : i32 to vector<16xi32>
            %shift_left3A_752 = arith.shli %gather3A_740, %shift_left3A_751 : vector<16xi32>
            %bitcast3A_753 = vector.bitcast %shift_left3A_752 : vector<16xi32> to vector<16xf32>
            %mul3A_754 = arith.mulf %mul3A_749, %bitcast3A_753 : vector<16xf32>
            %add3A_755 = arith.addf %add3A_673, %mul3A_754 : vector<16xf32>
            %and3A_756 = arith.constant -65536 : i32
            %and3A_757 = vector.broadcast %and3A_756 : i32 to vector<16xi32>
            %and3A_758 = arith.andi %gather3A_738, %and3A_757 : vector<16xi32>
            %bitcast3A_759 = vector.bitcast %and3A_758 : vector<16xi32> to vector<16xf32>
            %and3A_760 = arith.constant -65536 : i32
            %and3A_761 = vector.broadcast %and3A_760 : i32 to vector<16xi32>
            %and3A_762 = arith.andi %gather3A_739, %and3A_761 : vector<16xi32>
            %bitcast3A_763 = vector.bitcast %and3A_762 : vector<16xi32> to vector<16xf32>
            %mul3A_764 = arith.mulf %bitcast3A_759, %bitcast3A_763 : vector<16xf32>
            %and3A_765 = arith.constant -65536 : i32
            %and3A_766 = vector.broadcast %and3A_765 : i32 to vector<16xi32>
            %and3A_767 = arith.andi %gather3A_740, %and3A_766 : vector<16xi32>
            %bitcast3A_768 = vector.bitcast %and3A_767 : vector<16xi32> to vector<16xf32>
            %mul3A_769 = arith.mulf %mul3A_764, %bitcast3A_768 : vector<16xf32>
            %add3A_770 = arith.addf %add3A_688, %mul3A_769 : vector<16xf32>
            scf.yield %add3A_714, %add3A_729, %add3A_755, %add3A_770 : vector<16xf32>, vector<16xf32>, vector<16xf32>, vector<16xf32>
          }
          %scan3A_432 = arith.constant 4 : i32
          %add3A_433 = arith.addf %scan3A_431#0, %scan3A_431#1 : vector<16xf32>
          %add3A_434 = arith.addf %scan3A_431#2, %scan3A_431#3 : vector<16xf32>
          %add3A_435 = arith.addf %add3A_433, %add3A_434 : vector<16xf32>
          %add3A_436 = arith.addf %add3A_435, %get3A_257 : vector<16xf32>
          tpu.vector_store_idx %arg22[%get3A_426, %iota3A], %add3A_436 {add = true} : memref<64x16xf32, #tpu.memory_space<vmem>>[vector<16xi32>, vector<16xi32>], vector<16xf32>,
          %scan3A_437 = arith.constant 0 : i32
          scf.yield %scan3A_437 : i32
        }
        %scan3A_409 = arith.constant 16 : i32
      } else {
      }
      %add3A_314 = arith.constant 2 : i32
      %add3A_315 = arith.addi %add3A_292, %add3A_314 : i32
      %mul3A_316 = arith.constant 32 : i32
      %mul3A_317 = arith.muli %mul3A_316, %add3A_315 : i32
      %add3A_318 = arith.addi %add3A, %mul3A_317 : i32
      %lt3A_319 = arith.constant 98 : i32
      %lt3A_320 = arith.cmpi slt, %add3A_315, %lt3A_319 : i32
      %lt3A_321 = arith.constant 3125 : i32
      %lt3A_322 = arith.cmpi slt, %add3A_318, %lt3A_321 : i32
      %and3A_323 = arith.andi %lt3A_320, %lt3A_322 : i1
      %convert_element_type3A_324 = arith.extui %and3A_323 : i1 to i32
      %cond3A_325 = arith.constant 0 : i32
      %cond3A_326 = arith.cmpi ne, %convert_element_type3A_324, %cond3A_325 : i32
      scf.if %cond3A_326 {
        %mul3A_366 = arith.constant 256 : i32
        %mul3A_367 = arith.muli %add3A_318, %mul3A_366 : i32
        %dma_start3A = tpu.memref_slice %arg5[%mul3A_367] : memref<800000xi32, #tpu.memory_space<hbm>> -> memref<256xi32, #tpu.memory_space<hbm>>
        %dma_start3A_368 = tpu.memref_slice %arg5[%mul3A_367] : memref<800000xi32, #tpu.memory_space<hbm>> -> memref<256xi32, #tpu.memory_space<hbm>>
        tpu.enqueue_dma source(%dma_start3A_368 : memref<256xi32, #tpu.memory_space<hbm>>) target(%arg10 : memref<256xi32, #tpu.memory_space<vmem>>) target_semaphore(%arg24 : memref<!tpu.dma_semaphore, #tpu.memory_space<semaphore_mem>>)
        %dma_start3A_369 = tpu.memref_slice %arg6[%mul3A_367] : memref<800000xi32, #tpu.memory_space<hbm>> -> memref<256xi32, #tpu.memory_space<hbm>>
        %dma_start3A_370 = tpu.memref_slice %arg6[%mul3A_367] : memref<800000xi32, #tpu.memory_space<hbm>> -> memref<256xi32, #tpu.memory_space<hbm>>
        tpu.enqueue_dma source(%dma_start3A_370 : memref<256xi32, #tpu.memory_space<hbm>>) target(%arg12 : memref<256xi32, #tpu.memory_space<vmem>>) target_semaphore(%arg24 : memref<!tpu.dma_semaphore, #tpu.memory_space<semaphore_mem>>)
        %dma_start3A_371 = tpu.memref_slice %arg7[%mul3A_367] : memref<800000xi32, #tpu.memory_space<hbm>> -> memref<256xi32, #tpu.memory_space<hbm>>
        %dma_start3A_372 = tpu.memref_slice %arg7[%mul3A_367] : memref<800000xi32, #tpu.memory_space<hbm>> -> memref<256xi32, #tpu.memory_space<hbm>>
        tpu.enqueue_dma source(%dma_start3A_372 : memref<256xi32, #tpu.memory_space<hbm>>) target(%arg14 : memref<256xi32, #tpu.memory_space<vmem>>) target_semaphore(%arg24 : memref<!tpu.dma_semaphore, #tpu.memory_space<semaphore_mem>>)
      } else {
      }
      %mul3A_327 = arith.constant 2 : i32
      %mul3A_328 = arith.muli %mul3A_327, %scan3A_287 : i32
      %add3A_329 = arith.constant 1 : i32
      %add3A_330 = arith.addi %mul3A_328, %add3A_329 : i32
      %add3A_331 = arith.constant 1 : i32
      %add3A_332 = arith.addi %add3A_330, %add3A_331 : i32
      %mul3A_333 = arith.constant 32 : i32
      %mul3A_334 = arith.muli %mul3A_333, %add3A_332 : i32
      %add3A_335 = arith.addi %add3A, %mul3A_334 : i32
      %lt3A_336 = arith.constant 98 : i32
      %lt3A_337 = arith.cmpi slt, %add3A_332, %lt3A_336 : i32
      %lt3A_338 = arith.constant 3125 : i32
      %lt3A_339 = arith.cmpi slt, %add3A_335, %lt3A_338 : i32
      %and3A_340 = arith.andi %lt3A_337, %lt3A_339 : i1
      %convert_element_type3A_341 = arith.extui %and3A_340 : i1 to i32
      %cond3A_342 = arith.constant 0 : i32
      %cond3A_343 = arith.cmpi ne, %convert_element_type3A_341, %cond3A_342 : i32
      scf.if %cond3A_343 {
        %mul3A_366 = arith.constant 256 : i32
        %mul3A_367 = arith.muli %add3A_335, %mul3A_366 : i32
        %dma_wait3A = tpu.memref_slice %arg5[%mul3A_367] : memref<800000xi32, #tpu.memory_space<hbm>> -> memref<256xi32, #tpu.memory_space<hbm>>
        %dma_wait3A_368 = tpu.memref_slice %arg5[%mul3A_367] : memref<800000xi32, #tpu.memory_space<hbm>> -> memref<256xi32, #tpu.memory_space<hbm>>
        tpu.wait_dma2 semaphore(%arg24 : memref<!tpu.dma_semaphore, #tpu.memory_space<semaphore_mem>>) src(%dma_wait3A_368 : memref<256xi32, #tpu.memory_space<hbm>>) dst(%arg10 : memref<256xi32, #tpu.memory_space<vmem>>)
        %dma_wait3A_369 = tpu.memref_slice %arg6[%mul3A_367] : memref<800000xi32, #tpu.memory_space<hbm>> -> memref<256xi32, #tpu.memory_space<hbm>>
        %dma_wait3A_370 = tpu.memref_slice %arg6[%mul3A_367] : memref<800000xi32, #tpu.memory_space<hbm>> -> memref<256xi32, #tpu.memory_space<hbm>>
        tpu.wait_dma2 semaphore(%arg24 : memref<!tpu.dma_semaphore, #tpu.memory_space<semaphore_mem>>) src(%dma_wait3A_370 : memref<256xi32, #tpu.memory_space<hbm>>) dst(%arg12 : memref<256xi32, #tpu.memory_space<vmem>>)
        %dma_wait3A_371 = tpu.memref_slice %arg7[%mul3A_367] : memref<800000xi32, #tpu.memory_space<hbm>> -> memref<256xi32, #tpu.memory_space<hbm>>
        %dma_wait3A_372 = tpu.memref_slice %arg7[%mul3A_367] : memref<800000xi32, #tpu.memory_space<hbm>> -> memref<256xi32, #tpu.memory_space<hbm>>
        tpu.wait_dma2 semaphore(%arg24 : memref<!tpu.dma_semaphore, #tpu.memory_space<semaphore_mem>>) src(%dma_wait3A_372 : memref<256xi32, #tpu.memory_space<hbm>>) dst(%arg14 : memref<256xi32, #tpu.memory_space<vmem>>)
        %mul3A_373 = arith.constant 32 : i32
        %mul3A_374 = arith.muli %add3A_335, %mul3A_373 : i32
        %dma_start3A = arith.constant 0 : i32
        %dma_start3A_375 = arith.constant 0 : i32
        %dma_start3A_376 = tpu.memref_slice %arg16[%dma_start3A, %dma_start3A_375] : memref<256x32xi32, #tpu.memory_space<vmem>> -> memref<128x32xi32, #tpu.memory_space<vmem>>
        %dma_start3A_377 = arith.constant 0 : i32
        %dma_start3A_378 = tpu.memref_slice %arg10[%dma_start3A_377] : memref<256xi32, #tpu.memory_space<vmem>> -> memref<128xi32, #tpu.memory_space<vmem>>
        %dma_start3A_379 = arith.constant 0 : i32
        %dma_start3A_380 = arith.constant 0 : i32
        %dma_start3A_381 = tpu.memref_slice %arg2[%dma_start3A_379, %dma_start3A_380] : memref<50000x32xi32, #tpu.memory_space<hbm>> -> memref<50000x32xi32, #tpu.memory_space<hbm>>
        tpu.enqueue_indirect_dma source(%dma_start3A_381 : memref<50000x32xi32, #tpu.memory_space<hbm>>) target(%dma_start3A_376 : memref<128x32xi32, #tpu.memory_space<vmem>>) offsets(%dma_start3A_378 : memref<128xi32, #tpu.memory_space<vmem>>) semaphore(%arg26 : memref<!tpu.dma_semaphore, #tpu.memory_space<semaphore_mem>>)
        %dma_start3A_382 = arith.constant 0 : i32
        %dma_start3A_383 = arith.constant 0 : i32
        %dma_start3A_384 = tpu.memref_slice %arg18[%dma_start3A_382, %dma_start3A_383] : memref<256x32xi32, #tpu.memory_space<vmem>> -> memref<128x32xi32, #tpu.memory_space<vmem>>
        %dma_start3A_385 = arith.constant 0 : i32
        %dma_start3A_386 = tpu.memref_slice %arg12[%dma_start3A_385] : memref<256xi32, #tpu.memory_space<vmem>> -> memref<128xi32, #tpu.memory_space<vmem>>
        %dma_start3A_387 = arith.constant 0 : i32
        %dma_start3A_388 = arith.constant 0 : i32
        %dma_start3A_389 = tpu.memref_slice %arg3[%dma_start3A_387, %dma_start3A_388] : memref<50000x32xi32, #tpu.memory_space<hbm>> -> memref<50000x32xi32, #tpu.memory_space<hbm>>
        tpu.enqueue_indirect_dma source(%dma_start3A_389 : memref<50000x32xi32, #tpu.memory_space<hbm>>) target(%dma_start3A_384 : memref<128x32xi32, #tpu.memory_space<vmem>>) offsets(%dma_start3A_386 : memref<128xi32, #tpu.memory_space<vmem>>) semaphore(%arg26 : memref<!tpu.dma_semaphore, #tpu.memory_space<semaphore_mem>>)
        %dma_start3A_390 = arith.constant 128 : i32
        %dma_start3A_391 = arith.constant 0 : i32
        %dma_start3A_392 = tpu.memref_slice %arg16[%dma_start3A_390, %dma_start3A_391] : memref<256x32xi32, #tpu.memory_space<vmem>> -> memref<128x32xi32, #tpu.memory_space<vmem>>
        %dma_start3A_393 = arith.constant 128 : i32
        %dma_start3A_394 = tpu.memref_slice %arg10[%dma_start3A_393] : memref<256xi32, #tpu.memory_space<vmem>> -> memref<128xi32, #tpu.memory_space<vmem>>
        %dma_start3A_395 = arith.constant 0 : i32
        %dma_start3A_396 = arith.constant 0 : i32
        %dma_start3A_397 = tpu.memref_slice %arg2[%dma_start3A_395, %dma_start3A_396] : memref<50000x32xi32, #tpu.memory_space<hbm>> -> memref<50000x32xi32, #tpu.memory_space<hbm>>
        tpu.enqueue_indirect_dma source(%dma_start3A_397 : memref<50000x32xi32, #tpu.memory_space<hbm>>) target(%dma_start3A_392 : memref<128x32xi32, #tpu.memory_space<vmem>>) offsets(%dma_start3A_394 : memref<128xi32, #tpu.memory_space<vmem>>) semaphore(%arg26 : memref<!tpu.dma_semaphore, #tpu.memory_space<semaphore_mem>>)
        %dma_start3A_398 = arith.constant 128 : i32
        %dma_start3A_399 = arith.constant 0 : i32
        %dma_start3A_400 = tpu.memref_slice %arg18[%dma_start3A_398, %dma_start3A_399] : memref<256x32xi32, #tpu.memory_space<vmem>> -> memref<128x32xi32, #tpu.memory_space<vmem>>
        %dma_start3A_401 = arith.constant 128 : i32
        %dma_start3A_402 = tpu.memref_slice %arg12[%dma_start3A_401] : memref<256xi32, #tpu.memory_space<vmem>> -> memref<128xi32, #tpu.memory_space<vmem>>
        %dma_start3A_403 = arith.constant 0 : i32
        %dma_start3A_404 = arith.constant 0 : i32
        %dma_start3A_405 = tpu.memref_slice %arg3[%dma_start3A_403, %dma_start3A_404] : memref<50000x32xi32, #tpu.memory_space<hbm>> -> memref<50000x32xi32, #tpu.memory_space<hbm>>
        tpu.enqueue_indirect_dma source(%dma_start3A_405 : memref<50000x32xi32, #tpu.memory_space<hbm>>) target(%dma_start3A_400 : memref<128x32xi32, #tpu.memory_space<vmem>>) offsets(%dma_start3A_402 : memref<128xi32, #tpu.memory_space<vmem>>) semaphore(%arg26 : memref<!tpu.dma_semaphore, #tpu.memory_space<semaphore_mem>>)
        %dma_start3A_406 = arith.constant 0 : i32
        %dma_start3A_407 = tpu.memref_slice %arg4[%mul3A_374, %dma_start3A_406] : memref<100000x256xi32, #tpu.memory_space<hbm>> -> memref<32x256xi32, #tpu.memory_space<hbm>>
        %dma_start3A_408 = arith.constant 0 : i32
        %dma_start3A_409 = tpu.memref_slice %arg4[%mul3A_374, %dma_start3A_408] : memref<100000x256xi32, #tpu.memory_space<hbm>> -> memref<32x256xi32, #tpu.memory_space<hbm>>
        tpu.enqueue_dma source(%dma_start3A_409 : memref<32x256xi32, #tpu.memory_space<hbm>>) target(%arg20 : memref<32x256xi32, #tpu.memory_space<vmem>>) target_semaphore(%arg26 : memref<!tpu.dma_semaphore, #tpu.memory_space<semaphore_mem>>)
      } else {
      }
      %mul3A_344 = arith.constant 32 : i32
      %mul3A_345 = arith.muli %mul3A_344, %add3A_330 : i32
      %add3A_346 = arith.addi %add3A, %mul3A_345 : i32
      %lt3A_347 = arith.constant 3125 : i32
      %lt3A_348 = arith.cmpi slt, %add3A_346, %lt3A_347 : i32
      %convert_element_type3A_349 = arith.extui %lt3A_348 : i1 to i32
      %cond3A_350 = arith.constant 0 : i32
      %cond3A_351 = arith.cmpi ne, %convert_element_type3A_349, %cond3A_350 : i32
      scf.if %cond3A_351 {
        %mul3A_366 = arith.constant 32 : i32
        %mul3A_367 = arith.muli %add3A_346, %mul3A_366 : i32
        %dma_wait3A = arith.constant 0 : i32
        %dma_wait3A_368 = arith.constant 0 : i32
        %dma_wait3A_369 = tpu.memref_slice %arg17[%dma_wait3A, %dma_wait3A_368] : memref<256x32xi32, #tpu.memory_space<vmem>> -> memref<128x32xi32, #tpu.memory_space<vmem>>
        %dma_wait3A_370 = arith.constant 0 : i32
        %dma_wait3A_371 = tpu.memref_slice %arg11[%dma_wait3A_370] : memref<256xi32, #tpu.memory_space<vmem>> -> memref<128xi32, #tpu.memory_space<vmem>>
        %dma_wait3A_372 = arith.constant 0 : i32
        %dma_wait3A_373 = arith.constant 0 : i32
        %dma_wait3A_374 = tpu.memref_slice %arg2[%dma_wait3A_372, %dma_wait3A_373] : memref<50000x32xi32, #tpu.memory_space<hbm>> -> memref<50000x32xi32, #tpu.memory_space<hbm>>
        tpu.wait_indirect_dma semaphore(%arg27 : memref<!tpu.dma_semaphore, #tpu.memory_space<semaphore_mem>>) src(%dma_wait3A_374 : memref<50000x32xi32, #tpu.memory_space<hbm>>) dst(%dma_wait3A_369 : memref<128x32xi32, #tpu.memory_space<vmem>>)
        %dma_wait3A_375 = arith.constant 0 : i32
        %dma_wait3A_376 = arith.constant 0 : i32
        %dma_wait3A_377 = tpu.memref_slice %arg19[%dma_wait3A_375, %dma_wait3A_376] : memref<256x32xi32, #tpu.memory_space<vmem>> -> memref<128x32xi32, #tpu.memory_space<vmem>>
        %dma_wait3A_378 = arith.constant 0 : i32
        %dma_wait3A_379 = tpu.memref_slice %arg13[%dma_wait3A_378] : memref<256xi32, #tpu.memory_space<vmem>> -> memref<128xi32, #tpu.memory_space<vmem>>
        %dma_wait3A_380 = arith.constant 0 : i32
        %dma_wait3A_381 = arith.constant 0 : i32
        %dma_wait3A_382 = tpu.memref_slice %arg3[%dma_wait3A_380, %dma_wait3A_381] : memref<50000x32xi32, #tpu.memory_space<hbm>> -> memref<50000x32xi32, #tpu.memory_space<hbm>>
        tpu.wait_indirect_dma semaphore(%arg27 : memref<!tpu.dma_semaphore, #tpu.memory_space<semaphore_mem>>) src(%dma_wait3A_382 : memref<50000x32xi32, #tpu.memory_space<hbm>>) dst(%dma_wait3A_377 : memref<128x32xi32, #tpu.memory_space<vmem>>)
        %dma_wait3A_383 = arith.constant 128 : i32
        %dma_wait3A_384 = arith.constant 0 : i32
        %dma_wait3A_385 = tpu.memref_slice %arg17[%dma_wait3A_383, %dma_wait3A_384] : memref<256x32xi32, #tpu.memory_space<vmem>> -> memref<128x32xi32, #tpu.memory_space<vmem>>
        %dma_wait3A_386 = arith.constant 128 : i32
        %dma_wait3A_387 = tpu.memref_slice %arg11[%dma_wait3A_386] : memref<256xi32, #tpu.memory_space<vmem>> -> memref<128xi32, #tpu.memory_space<vmem>>
        %dma_wait3A_388 = arith.constant 0 : i32
        %dma_wait3A_389 = arith.constant 0 : i32
        %dma_wait3A_390 = tpu.memref_slice %arg2[%dma_wait3A_388, %dma_wait3A_389] : memref<50000x32xi32, #tpu.memory_space<hbm>> -> memref<50000x32xi32, #tpu.memory_space<hbm>>
        tpu.wait_indirect_dma semaphore(%arg27 : memref<!tpu.dma_semaphore, #tpu.memory_space<semaphore_mem>>) src(%dma_wait3A_390 : memref<50000x32xi32, #tpu.memory_space<hbm>>) dst(%dma_wait3A_385 : memref<128x32xi32, #tpu.memory_space<vmem>>)
        %dma_wait3A_391 = arith.constant 128 : i32
        %dma_wait3A_392 = arith.constant 0 : i32
        %dma_wait3A_393 = tpu.memref_slice %arg19[%dma_wait3A_391, %dma_wait3A_392] : memref<256x32xi32, #tpu.memory_space<vmem>> -> memref<128x32xi32, #tpu.memory_space<vmem>>
        %dma_wait3A_394 = arith.constant 128 : i32
        %dma_wait3A_395 = tpu.memref_slice %arg13[%dma_wait3A_394] : memref<256xi32, #tpu.memory_space<vmem>> -> memref<128xi32, #tpu.memory_space<vmem>>
        %dma_wait3A_396 = arith.constant 0 : i32
        %dma_wait3A_397 = arith.constant 0 : i32
        %dma_wait3A_398 = tpu.memref_slice %arg3[%dma_wait3A_396, %dma_wait3A_397] : memref<50000x32xi32, #tpu.memory_space<hbm>> -> memref<50000x32xi32, #tpu.memory_space<hbm>>
        tpu.wait_indirect_dma semaphore(%arg27 : memref<!tpu.dma_semaphore, #tpu.memory_space<semaphore_mem>>) src(%dma_wait3A_398 : memref<50000x32xi32, #tpu.memory_space<hbm>>) dst(%dma_wait3A_393 : memref<128x32xi32, #tpu.memory_space<vmem>>)
        %dma_wait3A_399 = arith.constant 0 : i32
        %dma_wait3A_400 = tpu.memref_slice %arg4[%mul3A_367, %dma_wait3A_399] : memref<100000x256xi32, #tpu.memory_space<hbm>> -> memref<32x256xi32, #tpu.memory_space<hbm>>
        %dma_wait3A_401 = arith.constant 0 : i32
        %dma_wait3A_402 = tpu.memref_slice %arg4[%mul3A_367, %dma_wait3A_401] : memref<100000x256xi32, #tpu.memory_space<hbm>> -> memref<32x256xi32, #tpu.memory_space<hbm>>
        tpu.wait_dma2 semaphore(%arg27 : memref<!tpu.dma_semaphore, #tpu.memory_space<semaphore_mem>>) src(%dma_wait3A_402 : memref<32x256xi32, #tpu.memory_space<hbm>>) dst(%arg21 : memref<32x256xi32, #tpu.memory_space<vmem>>)
        %scan3A_403 = arith.constant 0 : i32
        %scan3A_404 = arith.constant 0 : i32
        %scan3A_405 = arith.constant 16 : i32
        %scan3A_406 = arith.addi %scan3A_404, %scan3A_405 : i32
        %scan3A_407 = arith.constant 1 : i32
        %scan3A_408 = scf.for %scan3A_410 = %scan3A_404 to %scan3A_406 step %scan3A_407 iter_args(%scan3A_411 = %scan3A_403) -> (i32)  : i32 {
          %mul3A_412 = arith.constant 16 : i32
          %mul3A_413 = arith.muli %scan3A_410, %mul3A_412 : i32
          %add3A_414 = vector.broadcast %mul3A_413 : i32 to vector<16xi32>
          %add3A_415 = arith.addi %iota3A, %add3A_414 : vector<16xi32>
          %shift_right_logical3A = arith.constant 3 : i32
          %shift_right_logical3A_416 = vector.broadcast %shift_right_logical3A : i32 to vector<16xi32>
          %shift_right_logical3A_417 = arith.shrui %add3A_415, %shift_right_logical3A_416 : vector<16xi32>
          %and3A_418 = arith.constant 7 : i32
          %and3A_419 = vector.broadcast %and3A_418 : i32 to vector<16xi32>
          %and3A_420 = arith.andi %add3A_415, %and3A_419 : vector<16xi32>
          %shift_left3A = arith.constant 5 : i32
          %shift_left3A_421 = vector.broadcast %shift_left3A : i32 to vector<16xi32>
          %shift_left3A_422 = arith.shli %and3A_420, %shift_left3A_421 : vector<16xi32>
          %mul3A_423 = arith.constant 16 : i32
          %mul3A_424 = arith.muli %scan3A_410, %mul3A_423 : i32
          %get3A_425 = arith.index_cast %mul3A_424 : i32 to index
          %get3A_426 = tpu.vector_load %arg15[%get3A_425] {strides = array<i32>} : memref<256xi32, #tpu.memory_space<vmem>>, vector<16xi32>,
          %scan3A_427 = arith.constant 0 : i32
          %scan3A_428 = arith.constant 4 : i32
          %scan3A_429 = arith.addi %scan3A_427, %scan3A_428 : i32
          %scan3A_430 = arith.constant 1 : i32
          %scan3A_431:4 = scf.for %scan3A_438 = %scan3A_427 to %scan3A_429 step %scan3A_430 iter_args(%scan3A_439 = %broadcast_in_dim3A_1, %scan3A_440 = %broadcast_in_dim3A_1, %scan3A_441 = %broadcast_in_dim3A_1, %scan3A_442 = %broadcast_in_dim3A_1) -> (vector<16xf32>, vector<16xf32>, vector<16xf32>, vector<16xf32>)  : i32 {
            %mul3A_443 = arith.constant 8 : i32
            %mul3A_444 = arith.muli %scan3A_438, %mul3A_443 : i32
            %add3A_445 = arith.constant 0 : i32
            %add3A_446 = arith.addi %mul3A_444, %add3A_445 : i32
            %add3A_447 = vector.broadcast %add3A_446 : i32 to vector<16xi32>
            %add3A_448 = arith.addi %iota3A, %add3A_447 : vector<16xi32>
            %and3A_449 = arith.constant 31 : i32
            %and3A_450 = vector.broadcast %and3A_449 : i32 to vector<16xi32>
            %and3A_451 = arith.andi %add3A_448, %and3A_450 : vector<16xi32>
            %add3A_452 = arith.addi %shift_left3A_422, %and3A_451 : vector<16xi32>
            %gather3A = tpu.vector_load_idx %arg21[%shift_right_logical3A_417, %add3A_452] : memref<32x256xi32, #tpu.memory_space<vmem>>[vector<16xi32>, vector<16xi32>], vector<16xi32>,
            %gather3A_453 = tpu.vector_load_idx %arg17[%add3A_415, %and3A_451] : memref<256x32xi32, #tpu.memory_space<vmem>>[vector<16xi32>, vector<16xi32>], vector<16xi32>,
            %gather3A_454 = tpu.vector_load_idx %arg19[%add3A_415, %and3A_451] : memref<256x32xi32, #tpu.memory_space<vmem>>[vector<16xi32>, vector<16xi32>], vector<16xi32>,
            %shift_left3A_455 = arith.constant 16 : i32
            %shift_left3A_456 = vector.broadcast %shift_left3A_455 : i32 to vector<16xi32>
            %shift_left3A_457 = arith.shli %gather3A, %shift_left3A_456 : vector<16xi32>
            %bitcast3A = vector.bitcast %shift_left3A_457 : vector<16xi32> to vector<16xf32>
            %shift_left3A_458 = arith.constant 16 : i32
            %shift_left3A_459 = vector.broadcast %shift_left3A_458 : i32 to vector<16xi32>
            %shift_left3A_460 = arith.shli %gather3A_453, %shift_left3A_459 : vector<16xi32>
            %bitcast3A_461 = vector.bitcast %shift_left3A_460 : vector<16xi32> to vector<16xf32>
            %mul3A_462 = arith.mulf %bitcast3A, %bitcast3A_461 : vector<16xf32>
            %shift_left3A_463 = arith.constant 16 : i32
            %shift_left3A_464 = vector.broadcast %shift_left3A_463 : i32 to vector<16xi32>
            %shift_left3A_465 = arith.shli %gather3A_454, %shift_left3A_464 : vector<16xi32>
            %bitcast3A_466 = vector.bitcast %shift_left3A_465 : vector<16xi32> to vector<16xf32>
            %mul3A_467 = arith.mulf %mul3A_462, %bitcast3A_466 : vector<16xf32>
            %add3A_468 = arith.addf %scan3A_439, %mul3A_467 : vector<16xf32>
            %and3A_469 = arith.constant -65536 : i32
            %and3A_470 = vector.broadcast %and3A_469 : i32 to vector<16xi32>
            %and3A_471 = arith.andi %gather3A, %and3A_470 : vector<16xi32>
            %bitcast3A_472 = vector.bitcast %and3A_471 : vector<16xi32> to vector<16xf32>
            %and3A_473 = arith.constant -65536 : i32
            %and3A_474 = vector.broadcast %and3A_473 : i32 to vector<16xi32>
            %and3A_475 = arith.andi %gather3A_453, %and3A_474 : vector<16xi32>
            %bitcast3A_476 = vector.bitcast %and3A_475 : vector<16xi32> to vector<16xf32>
            %mul3A_477 = arith.mulf %bitcast3A_472, %bitcast3A_476 : vector<16xf32>
            %and3A_478 = arith.constant -65536 : i32
            %and3A_479 = vector.broadcast %and3A_478 : i32 to vector<16xi32>
            %and3A_480 = arith.andi %gather3A_454, %and3A_479 : vector<16xi32>
            %bitcast3A_481 = vector.bitcast %and3A_480 : vector<16xi32> to vector<16xf32>
            %mul3A_482 = arith.mulf %mul3A_477, %bitcast3A_481 : vector<16xf32>
            %add3A_483 = arith.addf %scan3A_440, %mul3A_482 : vector<16xf32>
            %add3A_484 = arith.constant 1 : i32
            %add3A_485 = arith.addi %mul3A_444, %add3A_484 : i32
            %add3A_486 = vector.broadcast %add3A_485 : i32 to vector<16xi32>
            %add3A_487 = arith.addi %iota3A, %add3A_486 : vector<16xi32>
            %and3A_488 = arith.constant 31 : i32
            %and3A_489 = vector.broadcast %and3A_488 : i32 to vector<16xi32>
            %and3A_490 = arith.andi %add3A_487, %and3A_489 : vector<16xi32>
            %add3A_491 = arith.addi %shift_left3A_422, %and3A_490 : vector<16xi32>
            %gather3A_492 = tpu.vector_load_idx %arg21[%shift_right_logical3A_417, %add3A_491] : memref<32x256xi32, #tpu.memory_space<vmem>>[vector<16xi32>, vector<16xi32>], vector<16xi32>,
            %gather3A_493 = tpu.vector_load_idx %arg17[%add3A_415, %and3A_490] : memref<256x32xi32, #tpu.memory_space<vmem>>[vector<16xi32>, vector<16xi32>], vector<16xi32>,
            %gather3A_494 = tpu.vector_load_idx %arg19[%add3A_415, %and3A_490] : memref<256x32xi32, #tpu.memory_space<vmem>>[vector<16xi32>, vector<16xi32>], vector<16xi32>,
            %shift_left3A_495 = arith.constant 16 : i32
            %shift_left3A_496 = vector.broadcast %shift_left3A_495 : i32 to vector<16xi32>
            %shift_left3A_497 = arith.shli %gather3A_492, %shift_left3A_496 : vector<16xi32>
            %bitcast3A_498 = vector.bitcast %shift_left3A_497 : vector<16xi32> to vector<16xf32>
            %shift_left3A_499 = arith.constant 16 : i32
            %shift_left3A_500 = vector.broadcast %shift_left3A_499 : i32 to vector<16xi32>
            %shift_left3A_501 = arith.shli %gather3A_493, %shift_left3A_500 : vector<16xi32>
            %bitcast3A_502 = vector.bitcast %shift_left3A_501 : vector<16xi32> to vector<16xf32>
            %mul3A_503 = arith.mulf %bitcast3A_498, %bitcast3A_502 : vector<16xf32>
            %shift_left3A_504 = arith.constant 16 : i32
            %shift_left3A_505 = vector.broadcast %shift_left3A_504 : i32 to vector<16xi32>
            %shift_left3A_506 = arith.shli %gather3A_494, %shift_left3A_505 : vector<16xi32>
            %bitcast3A_507 = vector.bitcast %shift_left3A_506 : vector<16xi32> to vector<16xf32>
            %mul3A_508 = arith.mulf %mul3A_503, %bitcast3A_507 : vector<16xf32>
            %add3A_509 = arith.addf %scan3A_441, %mul3A_508 : vector<16xf32>
            %and3A_510 = arith.constant -65536 : i32
            %and3A_511 = vector.broadcast %and3A_510 : i32 to vector<16xi32>
            %and3A_512 = arith.andi %gather3A_492, %and3A_511 : vector<16xi32>
            %bitcast3A_513 = vector.bitcast %and3A_512 : vector<16xi32> to vector<16xf32>
            %and3A_514 = arith.constant -65536 : i32
            %and3A_515 = vector.broadcast %and3A_514 : i32 to vector<16xi32>
            %and3A_516 = arith.andi %gather3A_493, %and3A_515 : vector<16xi32>
            %bitcast3A_517 = vector.bitcast %and3A_516 : vector<16xi32> to vector<16xf32>
            %mul3A_518 = arith.mulf %bitcast3A_513, %bitcast3A_517 : vector<16xf32>
            %and3A_519 = arith.constant -65536 : i32
            %and3A_520 = vector.broadcast %and3A_519 : i32 to vector<16xi32>
            %and3A_521 = arith.andi %gather3A_494, %and3A_520 : vector<16xi32>
            %bitcast3A_522 = vector.bitcast %and3A_521 : vector<16xi32> to vector<16xf32>
            %mul3A_523 = arith.mulf %mul3A_518, %bitcast3A_522 : vector<16xf32>
            %add3A_524 = arith.addf %scan3A_442, %mul3A_523 : vector<16xf32>
            %add3A_525 = arith.constant 2 : i32
            %add3A_526 = arith.addi %mul3A_444, %add3A_525 : i32
            %add3A_527 = vector.broadcast %add3A_526 : i32 to vector<16xi32>
            %add3A_528 = arith.addi %iota3A, %add3A_527 : vector<16xi32>
            %and3A_529 = arith.constant 31 : i32
            %and3A_530 = vector.broadcast %and3A_529 : i32 to vector<16xi32>
            %and3A_531 = arith.andi %add3A_528, %and3A_530 : vector<16xi32>
            %add3A_532 = arith.addi %shift_left3A_422, %and3A_531 : vector<16xi32>
            %gather3A_533 = tpu.vector_load_idx %arg21[%shift_right_logical3A_417, %add3A_532] : memref<32x256xi32, #tpu.memory_space<vmem>>[vector<16xi32>, vector<16xi32>], vector<16xi32>,
            %gather3A_534 = tpu.vector_load_idx %arg17[%add3A_415, %and3A_531] : memref<256x32xi32, #tpu.memory_space<vmem>>[vector<16xi32>, vector<16xi32>], vector<16xi32>,
            %gather3A_535 = tpu.vector_load_idx %arg19[%add3A_415, %and3A_531] : memref<256x32xi32, #tpu.memory_space<vmem>>[vector<16xi32>, vector<16xi32>], vector<16xi32>,
            %shift_left3A_536 = arith.constant 16 : i32
            %shift_left3A_537 = vector.broadcast %shift_left3A_536 : i32 to vector<16xi32>
            %shift_left3A_538 = arith.shli %gather3A_533, %shift_left3A_537 : vector<16xi32>
            %bitcast3A_539 = vector.bitcast %shift_left3A_538 : vector<16xi32> to vector<16xf32>
            %shift_left3A_540 = arith.constant 16 : i32
            %shift_left3A_541 = vector.broadcast %shift_left3A_540 : i32 to vector<16xi32>
            %shift_left3A_542 = arith.shli %gather3A_534, %shift_left3A_541 : vector<16xi32>
            %bitcast3A_543 = vector.bitcast %shift_left3A_542 : vector<16xi32> to vector<16xf32>
            %mul3A_544 = arith.mulf %bitcast3A_539, %bitcast3A_543 : vector<16xf32>
            %shift_left3A_545 = arith.constant 16 : i32
            %shift_left3A_546 = vector.broadcast %shift_left3A_545 : i32 to vector<16xi32>
            %shift_left3A_547 = arith.shli %gather3A_535, %shift_left3A_546 : vector<16xi32>
            %bitcast3A_548 = vector.bitcast %shift_left3A_547 : vector<16xi32> to vector<16xf32>
            %mul3A_549 = arith.mulf %mul3A_544, %bitcast3A_548 : vector<16xf32>
            %add3A_550 = arith.addf %add3A_468, %mul3A_549 : vector<16xf32>
            %and3A_551 = arith.constant -65536 : i32
            %and3A_552 = vector.broadcast %and3A_551 : i32 to vector<16xi32>
            %and3A_553 = arith.andi %gather3A_533, %and3A_552 : vector<16xi32>
            %bitcast3A_554 = vector.bitcast %and3A_553 : vector<16xi32> to vector<16xf32>
            %and3A_555 = arith.constant -65536 : i32
            %and3A_556 = vector.broadcast %and3A_555 : i32 to vector<16xi32>
            %and3A_557 = arith.andi %gather3A_534, %and3A_556 : vector<16xi32>
            %bitcast3A_558 = vector.bitcast %and3A_557 : vector<16xi32> to vector<16xf32>
            %mul3A_559 = arith.mulf %bitcast3A_554, %bitcast3A_558 : vector<16xf32>
            %and3A_560 = arith.constant -65536 : i32
            %and3A_561 = vector.broadcast %and3A_560 : i32 to vector<16xi32>
            %and3A_562 = arith.andi %gather3A_535, %and3A_561 : vector<16xi32>
            %bitcast3A_563 = vector.bitcast %and3A_562 : vector<16xi32> to vector<16xf32>
            %mul3A_564 = arith.mulf %mul3A_559, %bitcast3A_563 : vector<16xf32>
            %add3A_565 = arith.addf %add3A_483, %mul3A_564 : vector<16xf32>
            %add3A_566 = arith.constant 3 : i32
            %add3A_567 = arith.addi %mul3A_444, %add3A_566 : i32
            %add3A_568 = vector.broadcast %add3A_567 : i32 to vector<16xi32>
            %add3A_569 = arith.addi %iota3A, %add3A_568 : vector<16xi32>
            %and3A_570 = arith.constant 31 : i32
            %and3A_571 = vector.broadcast %and3A_570 : i32 to vector<16xi32>
            %and3A_572 = arith.andi %add3A_569, %and3A_571 : vector<16xi32>
            %add3A_573 = arith.addi %shift_left3A_422, %and3A_572 : vector<16xi32>
            %gather3A_574 = tpu.vector_load_idx %arg21[%shift_right_logical3A_417, %add3A_573] : memref<32x256xi32, #tpu.memory_space<vmem>>[vector<16xi32>, vector<16xi32>], vector<16xi32>,
            %gather3A_575 = tpu.vector_load_idx %arg17[%add3A_415, %and3A_572] : memref<256x32xi32, #tpu.memory_space<vmem>>[vector<16xi32>, vector<16xi32>], vector<16xi32>,
            %gather3A_576 = tpu.vector_load_idx %arg19[%add3A_415, %and3A_572] : memref<256x32xi32, #tpu.memory_space<vmem>>[vector<16xi32>, vector<16xi32>], vector<16xi32>,
            %shift_left3A_577 = arith.constant 16 : i32
            %shift_left3A_578 = vector.broadcast %shift_left3A_577 : i32 to vector<16xi32>
            %shift_left3A_579 = arith.shli %gather3A_574, %shift_left3A_578 : vector<16xi32>
            %bitcast3A_580 = vector.bitcast %shift_left3A_579 : vector<16xi32> to vector<16xf32>
            %shift_left3A_581 = arith.constant 16 : i32
            %shift_left3A_582 = vector.broadcast %shift_left3A_581 : i32 to vector<16xi32>
            %shift_left3A_583 = arith.shli %gather3A_575, %shift_left3A_582 : vector<16xi32>
            %bitcast3A_584 = vector.bitcast %shift_left3A_583 : vector<16xi32> to vector<16xf32>
            %mul3A_585 = arith.mulf %bitcast3A_580, %bitcast3A_584 : vector<16xf32>
            %shift_left3A_586 = arith.constant 16 : i32
            %shift_left3A_587 = vector.broadcast %shift_left3A_586 : i32 to vector<16xi32>
            %shift_left3A_588 = arith.shli %gather3A_576, %shift_left3A_587 : vector<16xi32>
            %bitcast3A_589 = vector.bitcast %shift_left3A_588 : vector<16xi32> to vector<16xf32>
            %mul3A_590 = arith.mulf %mul3A_585, %bitcast3A_589 : vector<16xf32>
            %add3A_591 = arith.addf %add3A_509, %mul3A_590 : vector<16xf32>
            %and3A_592 = arith.constant -65536 : i32
            %and3A_593 = vector.broadcast %and3A_592 : i32 to vector<16xi32>
            %and3A_594 = arith.andi %gather3A_574, %and3A_593 : vector<16xi32>
            %bitcast3A_595 = vector.bitcast %and3A_594 : vector<16xi32> to vector<16xf32>
            %and3A_596 = arith.constant -65536 : i32
            %and3A_597 = vector.broadcast %and3A_596 : i32 to vector<16xi32>
            %and3A_598 = arith.andi %gather3A_575, %and3A_597 : vector<16xi32>
            %bitcast3A_599 = vector.bitcast %and3A_598 : vector<16xi32> to vector<16xf32>
            %mul3A_600 = arith.mulf %bitcast3A_595, %bitcast3A_599 : vector<16xf32>
            %and3A_601 = arith.constant -65536 : i32
            %and3A_602 = vector.broadcast %and3A_601 : i32 to vector<16xi32>
            %and3A_603 = arith.andi %gather3A_576, %and3A_602 : vector<16xi32>
            %bitcast3A_604 = vector.bitcast %and3A_603 : vector<16xi32> to vector<16xf32>
            %mul3A_605 = arith.mulf %mul3A_600, %bitcast3A_604 : vector<16xf32>
            %add3A_606 = arith.addf %add3A_524, %mul3A_605 : vector<16xf32>
            %add3A_607 = arith.constant 4 : i32
            %add3A_608 = arith.addi %mul3A_444, %add3A_607 : i32
            %add3A_609 = vector.broadcast %add3A_608 : i32 to vector<16xi32>
            %add3A_610 = arith.addi %iota3A, %add3A_609 : vector<16xi32>
            %and3A_611 = arith.constant 31 : i32
            %and3A_612 = vector.broadcast %and3A_611 : i32 to vector<16xi32>
            %and3A_613 = arith.andi %add3A_610, %and3A_612 : vector<16xi32>
            %add3A_614 = arith.addi %shift_left3A_422, %and3A_613 : vector<16xi32>
            %gather3A_615 = tpu.vector_load_idx %arg21[%shift_right_logical3A_417, %add3A_614] : memref<32x256xi32, #tpu.memory_space<vmem>>[vector<16xi32>, vector<16xi32>], vector<16xi32>,
            %gather3A_616 = tpu.vector_load_idx %arg17[%add3A_415, %and3A_613] : memref<256x32xi32, #tpu.memory_space<vmem>>[vector<16xi32>, vector<16xi32>], vector<16xi32>,
            %gather3A_617 = tpu.vector_load_idx %arg19[%add3A_415, %and3A_613] : memref<256x32xi32, #tpu.memory_space<vmem>>[vector<16xi32>, vector<16xi32>], vector<16xi32>,
            %shift_left3A_618 = arith.constant 16 : i32
            %shift_left3A_619 = vector.broadcast %shift_left3A_618 : i32 to vector<16xi32>
            %shift_left3A_620 = arith.shli %gather3A_615, %shift_left3A_619 : vector<16xi32>
            %bitcast3A_621 = vector.bitcast %shift_left3A_620 : vector<16xi32> to vector<16xf32>
            %shift_left3A_622 = arith.constant 16 : i32
            %shift_left3A_623 = vector.broadcast %shift_left3A_622 : i32 to vector<16xi32>
            %shift_left3A_624 = arith.shli %gather3A_616, %shift_left3A_623 : vector<16xi32>
            %bitcast3A_625 = vector.bitcast %shift_left3A_624 : vector<16xi32> to vector<16xf32>
            %mul3A_626 = arith.mulf %bitcast3A_621, %bitcast3A_625 : vector<16xf32>
            %shift_left3A_627 = arith.constant 16 : i32
            %shift_left3A_628 = vector.broadcast %shift_left3A_627 : i32 to vector<16xi32>
            %shift_left3A_629 = arith.shli %gather3A_617, %shift_left3A_628 : vector<16xi32>
            %bitcast3A_630 = vector.bitcast %shift_left3A_629 : vector<16xi32> to vector<16xf32>
            %mul3A_631 = arith.mulf %mul3A_626, %bitcast3A_630 : vector<16xf32>
            %add3A_632 = arith.addf %add3A_550, %mul3A_631 : vector<16xf32>
            %and3A_633 = arith.constant -65536 : i32
            %and3A_634 = vector.broadcast %and3A_633 : i32 to vector<16xi32>
            %and3A_635 = arith.andi %gather3A_615, %and3A_634 : vector<16xi32>
            %bitcast3A_636 = vector.bitcast %and3A_635 : vector<16xi32> to vector<16xf32>
            %and3A_637 = arith.constant -65536 : i32
            %and3A_638 = vector.broadcast %and3A_637 : i32 to vector<16xi32>
            %and3A_639 = arith.andi %gather3A_616, %and3A_638 : vector<16xi32>
            %bitcast3A_640 = vector.bitcast %and3A_639 : vector<16xi32> to vector<16xf32>
            %mul3A_641 = arith.mulf %bitcast3A_636, %bitcast3A_640 : vector<16xf32>
            %and3A_642 = arith.constant -65536 : i32
            %and3A_643 = vector.broadcast %and3A_642 : i32 to vector<16xi32>
            %and3A_644 = arith.andi %gather3A_617, %and3A_643 : vector<16xi32>
            %bitcast3A_645 = vector.bitcast %and3A_644 : vector<16xi32> to vector<16xf32>
            %mul3A_646 = arith.mulf %mul3A_641, %bitcast3A_645 : vector<16xf32>
            %add3A_647 = arith.addf %add3A_565, %mul3A_646 : vector<16xf32>
            %add3A_648 = arith.constant 5 : i32
            %add3A_649 = arith.addi %mul3A_444, %add3A_648 : i32
            %add3A_650 = vector.broadcast %add3A_649 : i32 to vector<16xi32>
            %add3A_651 = arith.addi %iota3A, %add3A_650 : vector<16xi32>
            %and3A_652 = arith.constant 31 : i32
            %and3A_653 = vector.broadcast %and3A_652 : i32 to vector<16xi32>
            %and3A_654 = arith.andi %add3A_651, %and3A_653 : vector<16xi32>
            %add3A_655 = arith.addi %shift_left3A_422, %and3A_654 : vector<16xi32>
            %gather3A_656 = tpu.vector_load_idx %arg21[%shift_right_logical3A_417, %add3A_655] : memref<32x256xi32, #tpu.memory_space<vmem>>[vector<16xi32>, vector<16xi32>], vector<16xi32>,
            %gather3A_657 = tpu.vector_load_idx %arg17[%add3A_415, %and3A_654] : memref<256x32xi32, #tpu.memory_space<vmem>>[vector<16xi32>, vector<16xi32>], vector<16xi32>,
            %gather3A_658 = tpu.vector_load_idx %arg19[%add3A_415, %and3A_654] : memref<256x32xi32, #tpu.memory_space<vmem>>[vector<16xi32>, vector<16xi32>], vector<16xi32>,
            %shift_left3A_659 = arith.constant 16 : i32
            %shift_left3A_660 = vector.broadcast %shift_left3A_659 : i32 to vector<16xi32>
            %shift_left3A_661 = arith.shli %gather3A_656, %shift_left3A_660 : vector<16xi32>
            %bitcast3A_662 = vector.bitcast %shift_left3A_661 : vector<16xi32> to vector<16xf32>
            %shift_left3A_663 = arith.constant 16 : i32
            %shift_left3A_664 = vector.broadcast %shift_left3A_663 : i32 to vector<16xi32>
            %shift_left3A_665 = arith.shli %gather3A_657, %shift_left3A_664 : vector<16xi32>
            %bitcast3A_666 = vector.bitcast %shift_left3A_665 : vector<16xi32> to vector<16xf32>
            %mul3A_667 = arith.mulf %bitcast3A_662, %bitcast3A_666 : vector<16xf32>
            %shift_left3A_668 = arith.constant 16 : i32
            %shift_left3A_669 = vector.broadcast %shift_left3A_668 : i32 to vector<16xi32>
            %shift_left3A_670 = arith.shli %gather3A_658, %shift_left3A_669 : vector<16xi32>
            %bitcast3A_671 = vector.bitcast %shift_left3A_670 : vector<16xi32> to vector<16xf32>
            %mul3A_672 = arith.mulf %mul3A_667, %bitcast3A_671 : vector<16xf32>
            %add3A_673 = arith.addf %add3A_591, %mul3A_672 : vector<16xf32>
            %and3A_674 = arith.constant -65536 : i32
            %and3A_675 = vector.broadcast %and3A_674 : i32 to vector<16xi32>
            %and3A_676 = arith.andi %gather3A_656, %and3A_675 : vector<16xi32>
            %bitcast3A_677 = vector.bitcast %and3A_676 : vector<16xi32> to vector<16xf32>
            %and3A_678 = arith.constant -65536 : i32
            %and3A_679 = vector.broadcast %and3A_678 : i32 to vector<16xi32>
            %and3A_680 = arith.andi %gather3A_657, %and3A_679 : vector<16xi32>
            %bitcast3A_681 = vector.bitcast %and3A_680 : vector<16xi32> to vector<16xf32>
            %mul3A_682 = arith.mulf %bitcast3A_677, %bitcast3A_681 : vector<16xf32>
            %and3A_683 = arith.constant -65536 : i32
            %and3A_684 = vector.broadcast %and3A_683 : i32 to vector<16xi32>
            %and3A_685 = arith.andi %gather3A_658, %and3A_684 : vector<16xi32>
            %bitcast3A_686 = vector.bitcast %and3A_685 : vector<16xi32> to vector<16xf32>
            %mul3A_687 = arith.mulf %mul3A_682, %bitcast3A_686 : vector<16xf32>
            %add3A_688 = arith.addf %add3A_606, %mul3A_687 : vector<16xf32>
            %add3A_689 = arith.constant 6 : i32
            %add3A_690 = arith.addi %mul3A_444, %add3A_689 : i32
            %add3A_691 = vector.broadcast %add3A_690 : i32 to vector<16xi32>
            %add3A_692 = arith.addi %iota3A, %add3A_691 : vector<16xi32>
            %and3A_693 = arith.constant 31 : i32
            %and3A_694 = vector.broadcast %and3A_693 : i32 to vector<16xi32>
            %and3A_695 = arith.andi %add3A_692, %and3A_694 : vector<16xi32>
            %add3A_696 = arith.addi %shift_left3A_422, %and3A_695 : vector<16xi32>
            %gather3A_697 = tpu.vector_load_idx %arg21[%shift_right_logical3A_417, %add3A_696] : memref<32x256xi32, #tpu.memory_space<vmem>>[vector<16xi32>, vector<16xi32>], vector<16xi32>,
            %gather3A_698 = tpu.vector_load_idx %arg17[%add3A_415, %and3A_695] : memref<256x32xi32, #tpu.memory_space<vmem>>[vector<16xi32>, vector<16xi32>], vector<16xi32>,
            %gather3A_699 = tpu.vector_load_idx %arg19[%add3A_415, %and3A_695] : memref<256x32xi32, #tpu.memory_space<vmem>>[vector<16xi32>, vector<16xi32>], vector<16xi32>,
            %shift_left3A_700 = arith.constant 16 : i32
            %shift_left3A_701 = vector.broadcast %shift_left3A_700 : i32 to vector<16xi32>
            %shift_left3A_702 = arith.shli %gather3A_697, %shift_left3A_701 : vector<16xi32>
            %bitcast3A_703 = vector.bitcast %shift_left3A_702 : vector<16xi32> to vector<16xf32>
            %shift_left3A_704 = arith.constant 16 : i32
            %shift_left3A_705 = vector.broadcast %shift_left3A_704 : i32 to vector<16xi32>
            %shift_left3A_706 = arith.shli %gather3A_698, %shift_left3A_705 : vector<16xi32>
            %bitcast3A_707 = vector.bitcast %shift_left3A_706 : vector<16xi32> to vector<16xf32>
            %mul3A_708 = arith.mulf %bitcast3A_703, %bitcast3A_707 : vector<16xf32>
            %shift_left3A_709 = arith.constant 16 : i32
            %shift_left3A_710 = vector.broadcast %shift_left3A_709 : i32 to vector<16xi32>
            %shift_left3A_711 = arith.shli %gather3A_699, %shift_left3A_710 : vector<16xi32>
            %bitcast3A_712 = vector.bitcast %shift_left3A_711 : vector<16xi32> to vector<16xf32>
            %mul3A_713 = arith.mulf %mul3A_708, %bitcast3A_712 : vector<16xf32>
            %add3A_714 = arith.addf %add3A_632, %mul3A_713 : vector<16xf32>
            %and3A_715 = arith.constant -65536 : i32
            %and3A_716 = vector.broadcast %and3A_715 : i32 to vector<16xi32>
            %and3A_717 = arith.andi %gather3A_697, %and3A_716 : vector<16xi32>
            %bitcast3A_718 = vector.bitcast %and3A_717 : vector<16xi32> to vector<16xf32>
            %and3A_719 = arith.constant -65536 : i32
            %and3A_720 = vector.broadcast %and3A_719 : i32 to vector<16xi32>
            %and3A_721 = arith.andi %gather3A_698, %and3A_720 : vector<16xi32>
            %bitcast3A_722 = vector.bitcast %and3A_721 : vector<16xi32> to vector<16xf32>
            %mul3A_723 = arith.mulf %bitcast3A_718, %bitcast3A_722 : vector<16xf32>
            %and3A_724 = arith.constant -65536 : i32
            %and3A_725 = vector.broadcast %and3A_724 : i32 to vector<16xi32>
            %and3A_726 = arith.andi %gather3A_699, %and3A_725 : vector<16xi32>
            %bitcast3A_727 = vector.bitcast %and3A_726 : vector<16xi32> to vector<16xf32>
            %mul3A_728 = arith.mulf %mul3A_723, %bitcast3A_727 : vector<16xf32>
            %add3A_729 = arith.addf %add3A_647, %mul3A_728 : vector<16xf32>
            %add3A_730 = arith.constant 7 : i32
            %add3A_731 = arith.addi %mul3A_444, %add3A_730 : i32
            %add3A_732 = vector.broadcast %add3A_731 : i32 to vector<16xi32>
            %add3A_733 = arith.addi %iota3A, %add3A_732 : vector<16xi32>
            %and3A_734 = arith.constant 31 : i32
            %and3A_735 = vector.broadcast %and3A_734 : i32 to vector<16xi32>
            %and3A_736 = arith.andi %add3A_733, %and3A_735 : vector<16xi32>
            %add3A_737 = arith.addi %shift_left3A_422, %and3A_736 : vector<16xi32>
            %gather3A_738 = tpu.vector_load_idx %arg21[%shift_right_logical3A_417, %add3A_737] : memref<32x256xi32, #tpu.memory_space<vmem>>[vector<16xi32>, vector<16xi32>], vector<16xi32>,
            %gather3A_739 = tpu.vector_load_idx %arg17[%add3A_415, %and3A_736] : memref<256x32xi32, #tpu.memory_space<vmem>>[vector<16xi32>, vector<16xi32>], vector<16xi32>,
            %gather3A_740 = tpu.vector_load_idx %arg19[%add3A_415, %and3A_736] : memref<256x32xi32, #tpu.memory_space<vmem>>[vector<16xi32>, vector<16xi32>], vector<16xi32>,
            %shift_left3A_741 = arith.constant 16 : i32
            %shift_left3A_742 = vector.broadcast %shift_left3A_741 : i32 to vector<16xi32>
            %shift_left3A_743 = arith.shli %gather3A_738, %shift_left3A_742 : vector<16xi32>
            %bitcast3A_744 = vector.bitcast %shift_left3A_743 : vector<16xi32> to vector<16xf32>
            %shift_left3A_745 = arith.constant 16 : i32
            %shift_left3A_746 = vector.broadcast %shift_left3A_745 : i32 to vector<16xi32>
            %shift_left3A_747 = arith.shli %gather3A_739, %shift_left3A_746 : vector<16xi32>
            %bitcast3A_748 = vector.bitcast %shift_left3A_747 : vector<16xi32> to vector<16xf32>
            %mul3A_749 = arith.mulf %bitcast3A_744, %bitcast3A_748 : vector<16xf32>
            %shift_left3A_750 = arith.constant 16 : i32
            %shift_left3A_751 = vector.broadcast %shift_left3A_750 : i32 to vector<16xi32>
            %shift_left3A_752 = arith.shli %gather3A_740, %shift_left3A_751 : vector<16xi32>
            %bitcast3A_753 = vector.bitcast %shift_left3A_752 : vector<16xi32> to vector<16xf32>
            %mul3A_754 = arith.mulf %mul3A_749, %bitcast3A_753 : vector<16xf32>
            %add3A_755 = arith.addf %add3A_673, %mul3A_754 : vector<16xf32>
            %and3A_756 = arith.constant -65536 : i32
            %and3A_757 = vector.broadcast %and3A_756 : i32 to vector<16xi32>
            %and3A_758 = arith.andi %gather3A_738, %and3A_757 : vector<16xi32>
            %bitcast3A_759 = vector.bitcast %and3A_758 : vector<16xi32> to vector<16xf32>
            %and3A_760 = arith.constant -65536 : i32
            %and3A_761 = vector.broadcast %and3A_760 : i32 to vector<16xi32>
            %and3A_762 = arith.andi %gather3A_739, %and3A_761 : vector<16xi32>
            %bitcast3A_763 = vector.bitcast %and3A_762 : vector<16xi32> to vector<16xf32>
            %mul3A_764 = arith.mulf %bitcast3A_759, %bitcast3A_763 : vector<16xf32>
            %and3A_765 = arith.constant -65536 : i32
            %and3A_766 = vector.broadcast %and3A_765 : i32 to vector<16xi32>
            %and3A_767 = arith.andi %gather3A_740, %and3A_766 : vector<16xi32>
            %bitcast3A_768 = vector.bitcast %and3A_767 : vector<16xi32> to vector<16xf32>
            %mul3A_769 = arith.mulf %mul3A_764, %bitcast3A_768 : vector<16xf32>
            %add3A_770 = arith.addf %add3A_688, %mul3A_769 : vector<16xf32>
            scf.yield %add3A_714, %add3A_729, %add3A_755, %add3A_770 : vector<16xf32>, vector<16xf32>, vector<16xf32>, vector<16xf32>
          }
          %scan3A_432 = arith.constant 4 : i32
          %add3A_433 = arith.addf %scan3A_431#0, %scan3A_431#1 : vector<16xf32>
          %add3A_434 = arith.addf %scan3A_431#2, %scan3A_431#3 : vector<16xf32>
          %add3A_435 = arith.addf %add3A_433, %add3A_434 : vector<16xf32>
          %add3A_436 = arith.addf %add3A_435, %get3A_257 : vector<16xf32>
          tpu.vector_store_idx %arg22[%get3A_426, %iota3A], %add3A_436 {add = true} : memref<64x16xf32, #tpu.memory_space<vmem>>[vector<16xi32>, vector<16xi32>], vector<16xf32>,
          %scan3A_437 = arith.constant 0 : i32
          scf.yield %scan3A_437 : i32
        }
        %scan3A_409 = arith.constant 16 : i32
      } else {
      }
      %add3A_352 = arith.constant 2 : i32
      %add3A_353 = arith.addi %add3A_330, %add3A_352 : i32
      %mul3A_354 = arith.constant 32 : i32
      %mul3A_355 = arith.muli %mul3A_354, %add3A_353 : i32
      %add3A_356 = arith.addi %add3A, %mul3A_355 : i32
      %lt3A_357 = arith.constant 98 : i32
      %lt3A_358 = arith.cmpi slt, %add3A_353, %lt3A_357 : i32
      %lt3A_359 = arith.constant 3125 : i32
      %lt3A_360 = arith.cmpi slt, %add3A_356, %lt3A_359 : i32
      %and3A_361 = arith.andi %lt3A_358, %lt3A_360 : i1
      %convert_element_type3A_362 = arith.extui %and3A_361 : i1 to i32
      %cond3A_363 = arith.constant 0 : i32
      %cond3A_364 = arith.cmpi ne, %convert_element_type3A_362, %cond3A_363 : i32
      scf.if %cond3A_364 {
        %mul3A_366 = arith.constant 256 : i32
        %mul3A_367 = arith.muli %add3A_356, %mul3A_366 : i32
        %dma_start3A = tpu.memref_slice %arg5[%mul3A_367] : memref<800000xi32, #tpu.memory_space<hbm>> -> memref<256xi32, #tpu.memory_space<hbm>>
        %dma_start3A_368 = tpu.memref_slice %arg5[%mul3A_367] : memref<800000xi32, #tpu.memory_space<hbm>> -> memref<256xi32, #tpu.memory_space<hbm>>
        tpu.enqueue_dma source(%dma_start3A_368 : memref<256xi32, #tpu.memory_space<hbm>>) target(%arg11 : memref<256xi32, #tpu.memory_space<vmem>>) target_semaphore(%arg25 : memref<!tpu.dma_semaphore, #tpu.memory_space<semaphore_mem>>)
        %dma_start3A_369 = tpu.memref_slice %arg6[%mul3A_367] : memref<800000xi32, #tpu.memory_space<hbm>> -> memref<256xi32, #tpu.memory_space<hbm>>
        %dma_start3A_370 = tpu.memref_slice %arg6[%mul3A_367] : memref<800000xi32, #tpu.memory_space<hbm>> -> memref<256xi32, #tpu.memory_space<hbm>>
        tpu.enqueue_dma source(%dma_start3A_370 : memref<256xi32, #tpu.memory_space<hbm>>) target(%arg13 : memref<256xi32, #tpu.memory_space<vmem>>) target_semaphore(%arg25 : memref<!tpu.dma_semaphore, #tpu.memory_space<semaphore_mem>>)
        %dma_start3A_371 = tpu.memref_slice %arg7[%mul3A_367] : memref<800000xi32, #tpu.memory_space<hbm>> -> memref<256xi32, #tpu.memory_space<hbm>>
        %dma_start3A_372 = tpu.memref_slice %arg7[%mul3A_367] : memref<800000xi32, #tpu.memory_space<hbm>> -> memref<256xi32, #tpu.memory_space<hbm>>
        tpu.enqueue_dma source(%dma_start3A_372 : memref<256xi32, #tpu.memory_space<hbm>>) target(%arg15 : memref<256xi32, #tpu.memory_space<vmem>>) target_semaphore(%arg25 : memref<!tpu.dma_semaphore, #tpu.memory_space<semaphore_mem>>)
      } else {
      }
      %scan3A_365 = arith.constant 0 : i32
      scf.yield %scan3A_365 : i32
    }
    %scan3A_286 = arith.constant 49 : i32
    "tpu.region"() ({
      %run_scoped3A = tpu.sem_alloc : memref<!tpu.dma_semaphore, #tpu.memory_space<semaphore_mem>>
      %dma_start3A = arith.constant 0 : i32
      %dma_start3A_287 = arith.constant 0 : i32
      %dma_start3A_288 = tpu.memref_slice %arg9[%add3A, %dma_start3A, %dma_start3A_287] : memref<32x64x16xf32, #tpu.memory_space<hbm>> -> memref<1x64x16xf32, #tpu.memory_space<hbm>>
      %dma_start3A_289 = tpu.memref_squeeze %dma_start3A_288 : memref<1x64x16xf32, #tpu.memory_space<hbm>> -> memref<64x16xf32, #tpu.memory_space<hbm>>
      %dma_start3A_290 = arith.constant 0 : i32
      %dma_start3A_291 = arith.constant 0 : i32
      %dma_start3A_292 = tpu.memref_slice %arg9[%add3A, %dma_start3A_290, %dma_start3A_291] : memref<32x64x16xf32, #tpu.memory_space<hbm>> -> memref<1x64x16xf32, #tpu.memory_space<hbm>>
      %dma_start3A_293 = tpu.memref_squeeze %dma_start3A_292 : memref<1x64x16xf32, #tpu.memory_space<hbm>> -> memref<64x16xf32, #tpu.memory_space<hbm>>
      tpu.enqueue_dma source(%arg22 : memref<64x16xf32, #tpu.memory_space<vmem>>) target(%dma_start3A_293 : memref<64x16xf32, #tpu.memory_space<hbm>>) target_semaphore(%run_scoped3A : memref<!tpu.dma_semaphore, #tpu.memory_space<semaphore_mem>>)
      %dma_wait3A = arith.constant 0 : i32
      %dma_wait3A_294 = arith.constant 0 : i32
      %dma_wait3A_295 = tpu.memref_slice %arg9[%add3A, %dma_wait3A, %dma_wait3A_294] : memref<32x64x16xf32, #tpu.memory_space<hbm>> -> memref<1x64x16xf32, #tpu.memory_space<hbm>>
      %dma_wait3A_296 = tpu.memref_squeeze %dma_wait3A_295 : memref<1x64x16xf32, #tpu.memory_space<hbm>> -> memref<64x16xf32, #tpu.memory_space<hbm>>
      %dma_wait3A_297 = arith.constant 0 : i32
      %dma_wait3A_298 = arith.constant 0 : i32
      %dma_wait3A_299 = tpu.memref_slice %arg9[%add3A, %dma_wait3A_297, %dma_wait3A_298] : memref<32x64x16xf32, #tpu.memory_space<hbm>> -> memref<1x64x16xf32, #tpu.memory_space<hbm>>
      %dma_wait3A_300 = tpu.memref_squeeze %dma_wait3A_299 : memref<1x64x16xf32, #tpu.memory_space<hbm>> -> memref<64x16xf32, #tpu.memory_space<hbm>>
      tpu.wait_dma2 semaphore(%run_scoped3A : memref<!tpu.dma_semaphore, #tpu.memory_space<semaphore_mem>>) src(%arg22 : memref<64x16xf32, #tpu.memory_space<vmem>>) dst(%dma_wait3A_300 : memref<64x16xf32, #tpu.memory_space<hbm>>)
      tpu.yield
    }) : () -> ()
    return
  }
}

module attributes {stable_mosaic.version = 14 : i64} {
  func.func @_edge_proj_body(%arg0: i32, %arg1: memref<2000x128xf32, #tpu.memory_space<vmem>>, %arg2: memref<128x512xf32, #tpu.memory_space<vmem>>, %arg3: memref<1x512xf32, #tpu.memory_space<vmem>>, %arg4: memref<2000x256xi32, #tpu.memory_space<vmem>>) attributes {dimension_semantics = [#tpu.dimension_semantics<arbitrary>], iteration_bounds = array<i64: 50>, scalar_prefetch = 0 : i64, scratch_operands = 0 : i64, tpu.core_type = #tpu.core_type<tc>, window_params = [{transform_indices = @transform_0, window_bounds = array<i64: 2000, 128>}, {pipeline_mode = #tpu.pipeline_mode<synchronous>, transform_indices = @transform_1, window_bounds = array<i64: 128, 512>}, {pipeline_mode = #tpu.pipeline_mode<synchronous>, transform_indices = @transform_2, window_bounds = array<i64: 1, 512>}, {transform_indices = @transform_3, window_bounds = array<i64: 2000, 256>}]} {
    %get3A = arith.constant 0 : index
    %get3A_0 = arith.constant 0 : index
    %get3A_1 = vector.load %arg1[%get3A, %get3A_0] : memref<2000x128xf32, #tpu.memory_space<vmem>>, vector<2000x128xf32>
    %get3A_2 = arith.constant 0 : index
    %get3A_3 = arith.constant 0 : index
    %get3A_4 = vector.load %arg2[%get3A_2, %get3A_3] : memref<128x512xf32, #tpu.memory_space<vmem>>, vector<128x512xf32>
    %dot_general3A = arith.constant dense<0.000000e+00> : vector<2000x512xf32>
    %dot_general3A_5 = tpu.matmul %get3A_1, %get3A_4, %dot_general3A {dimension_numbers = #tpu.dot_dimension_numbers<[1], [0], [0], [1], [0, 0, 1, 1], [], []>, transpose_lhs_hint = false} : vector<2000x128xf32>, vector<128x512xf32>, vector<2000x512xf32> -> vector<2000x512xf32>
    %get3A_6 = arith.constant 0 : index
    %get3A_7 = arith.constant 0 : index
    %get3A_8 = vector.load %arg3[%get3A_6, %get3A_7] : memref<1x512xf32, #tpu.memory_space<vmem>>, vector<1x512xf32>
    %add3A = vector.broadcast %get3A_8 : vector<1x512xf32> to vector<2000x512xf32>
    %add3A_9 = arith.addf %dot_general3A_5, %add3A : vector<2000x512xf32>
    %slice3A = vector.extract_strided_slice %add3A_9 {offsets = [0, 0], sizes = [2000, 64], strides = [1, 1]} : vector<2000x512xf32> to vector<2000x64xf32>
    %slice3A_10 = vector.extract_strided_slice %slice3A {offsets = [0, 0], sizes = [2000, 32], strides = [1, 1]} : vector<2000x64xf32> to vector<2000x32xf32>
    %convert_element_type3A = arith.truncf %slice3A_10 : vector<2000x32xf32> to vector<2000x32xbf16>
    %bitcast_convert_type3A = tpu.bitcast %convert_element_type3A : vector<2000x32xbf16> -> vector<2000x32xi16>
    %convert_element_type3A_11 = arith.extui %bitcast_convert_type3A : vector<2000x32xi16> to vector<2000x32xi32>
    %slice3A_12 = vector.extract_strided_slice %slice3A {offsets = [0, 32], sizes = [2000, 32], strides = [1, 1]} : vector<2000x64xf32> to vector<2000x32xf32>
    %convert_element_type3A_13 = arith.truncf %slice3A_12 : vector<2000x32xf32> to vector<2000x32xbf16>
    %bitcast_convert_type3A_14 = tpu.bitcast %convert_element_type3A_13 : vector<2000x32xbf16> -> vector<2000x32xi16>
    %convert_element_type3A_15 = arith.extui %bitcast_convert_type3A_14 : vector<2000x32xi16> to vector<2000x32xi32>
    %shift_left3A = arith.constant 16 : i32
    %shift_left3A_16 = vector.broadcast %shift_left3A : i32 to vector<2000x32xi32>
    %shift_left3A_17 = arith.shli %convert_element_type3A_15, %shift_left3A_16 : vector<2000x32xi32>
    %or3A = arith.ori %convert_element_type3A_11, %shift_left3A_17 : vector<2000x32xi32>
    %bitcast_convert_type3A_18 = tpu.bitcast %or3A : vector<2000x32xi32> -> vector<2000x32xi32>
    %swap3A = arith.constant 0 : index
    %swap3A_19 = arith.constant 0 : index
    %swap3A_20 = vector.load %arg4[%swap3A, %swap3A_19] : memref<2000x256xi32, #tpu.memory_space<vmem>>, vector<2000x32xi32>
    tpu.vector_store %arg4[%swap3A, %swap3A_19], %bitcast_convert_type3A_18 {strides = array<i32>} : memref<2000x256xi32, #tpu.memory_space<vmem>>, vector<2000x32xi32>,
    %slice3A_21 = vector.extract_strided_slice %add3A_9 {offsets = [0, 64], sizes = [2000, 64], strides = [1, 1]} : vector<2000x512xf32> to vector<2000x64xf32>
    %slice3A_22 = vector.extract_strided_slice %slice3A_21 {offsets = [0, 0], sizes = [2000, 32], strides = [1, 1]} : vector<2000x64xf32> to vector<2000x32xf32>
    %convert_element_type3A_23 = arith.truncf %slice3A_22 : vector<2000x32xf32> to vector<2000x32xbf16>
    %bitcast_convert_type3A_24 = tpu.bitcast %convert_element_type3A_23 : vector<2000x32xbf16> -> vector<2000x32xi16>
    %convert_element_type3A_25 = arith.extui %bitcast_convert_type3A_24 : vector<2000x32xi16> to vector<2000x32xi32>
    %slice3A_26 = vector.extract_strided_slice %slice3A_21 {offsets = [0, 32], sizes = [2000, 32], strides = [1, 1]} : vector<2000x64xf32> to vector<2000x32xf32>
    %convert_element_type3A_27 = arith.truncf %slice3A_26 : vector<2000x32xf32> to vector<2000x32xbf16>
    %bitcast_convert_type3A_28 = tpu.bitcast %convert_element_type3A_27 : vector<2000x32xbf16> -> vector<2000x32xi16>
    %convert_element_type3A_29 = arith.extui %bitcast_convert_type3A_28 : vector<2000x32xi16> to vector<2000x32xi32>
    %shift_left3A_30 = arith.constant 16 : i32
    %shift_left3A_31 = vector.broadcast %shift_left3A_30 : i32 to vector<2000x32xi32>
    %shift_left3A_32 = arith.shli %convert_element_type3A_29, %shift_left3A_31 : vector<2000x32xi32>
    %or3A_33 = arith.ori %convert_element_type3A_25, %shift_left3A_32 : vector<2000x32xi32>
    %bitcast_convert_type3A_34 = tpu.bitcast %or3A_33 : vector<2000x32xi32> -> vector<2000x32xi32>
    %swap3A_35 = arith.constant 0 : index
    %swap3A_36 = arith.constant 32 : index
    %swap3A_37 = vector.load %arg4[%swap3A_35, %swap3A_36] : memref<2000x256xi32, #tpu.memory_space<vmem>>, vector<2000x32xi32>
    tpu.vector_store %arg4[%swap3A_35, %swap3A_36], %bitcast_convert_type3A_34 {strides = array<i32>} : memref<2000x256xi32, #tpu.memory_space<vmem>>, vector<2000x32xi32>,
    %slice3A_38 = vector.extract_strided_slice %add3A_9 {offsets = [0, 128], sizes = [2000, 64], strides = [1, 1]} : vector<2000x512xf32> to vector<2000x64xf32>
    %slice3A_39 = vector.extract_strided_slice %slice3A_38 {offsets = [0, 0], sizes = [2000, 32], strides = [1, 1]} : vector<2000x64xf32> to vector<2000x32xf32>
    %convert_element_type3A_40 = arith.truncf %slice3A_39 : vector<2000x32xf32> to vector<2000x32xbf16>
    %bitcast_convert_type3A_41 = tpu.bitcast %convert_element_type3A_40 : vector<2000x32xbf16> -> vector<2000x32xi16>
    %convert_element_type3A_42 = arith.extui %bitcast_convert_type3A_41 : vector<2000x32xi16> to vector<2000x32xi32>
    %slice3A_43 = vector.extract_strided_slice %slice3A_38 {offsets = [0, 32], sizes = [2000, 32], strides = [1, 1]} : vector<2000x64xf32> to vector<2000x32xf32>
    %convert_element_type3A_44 = arith.truncf %slice3A_43 : vector<2000x32xf32> to vector<2000x32xbf16>
    %bitcast_convert_type3A_45 = tpu.bitcast %convert_element_type3A_44 : vector<2000x32xbf16> -> vector<2000x32xi16>
    %convert_element_type3A_46 = arith.extui %bitcast_convert_type3A_45 : vector<2000x32xi16> to vector<2000x32xi32>
    %shift_left3A_47 = arith.constant 16 : i32
    %shift_left3A_48 = vector.broadcast %shift_left3A_47 : i32 to vector<2000x32xi32>
    %shift_left3A_49 = arith.shli %convert_element_type3A_46, %shift_left3A_48 : vector<2000x32xi32>
    %or3A_50 = arith.ori %convert_element_type3A_42, %shift_left3A_49 : vector<2000x32xi32>
    %bitcast_convert_type3A_51 = tpu.bitcast %or3A_50 : vector<2000x32xi32> -> vector<2000x32xi32>
    %swap3A_52 = arith.constant 0 : index
    %swap3A_53 = arith.constant 64 : index
    %swap3A_54 = vector.load %arg4[%swap3A_52, %swap3A_53] : memref<2000x256xi32, #tpu.memory_space<vmem>>, vector<2000x32xi32>
    tpu.vector_store %arg4[%swap3A_52, %swap3A_53], %bitcast_convert_type3A_51 {strides = array<i32>} : memref<2000x256xi32, #tpu.memory_space<vmem>>, vector<2000x32xi32>,
    %slice3A_55 = vector.extract_strided_slice %add3A_9 {offsets = [0, 192], sizes = [2000, 64], strides = [1, 1]} : vector<2000x512xf32> to vector<2000x64xf32>
    %slice3A_56 = vector.extract_strided_slice %slice3A_55 {offsets = [0, 0], sizes = [2000, 32], strides = [1, 1]} : vector<2000x64xf32> to vector<2000x32xf32>
    %convert_element_type3A_57 = arith.truncf %slice3A_56 : vector<2000x32xf32> to vector<2000x32xbf16>
    %bitcast_convert_type3A_58 = tpu.bitcast %convert_element_type3A_57 : vector<2000x32xbf16> -> vector<2000x32xi16>
    %convert_element_type3A_59 = arith.extui %bitcast_convert_type3A_58 : vector<2000x32xi16> to vector<2000x32xi32>
    %slice3A_60 = vector.extract_strided_slice %slice3A_55 {offsets = [0, 32], sizes = [2000, 32], strides = [1, 1]} : vector<2000x64xf32> to vector<2000x32xf32>
    %convert_element_type3A_61 = arith.truncf %slice3A_60 : vector<2000x32xf32> to vector<2000x32xbf16>
    %bitcast_convert_type3A_62 = tpu.bitcast %convert_element_type3A_61 : vector<2000x32xbf16> -> vector<2000x32xi16>
    %convert_element_type3A_63 = arith.extui %bitcast_convert_type3A_62 : vector<2000x32xi16> to vector<2000x32xi32>
    %shift_left3A_64 = arith.constant 16 : i32
    %shift_left3A_65 = vector.broadcast %shift_left3A_64 : i32 to vector<2000x32xi32>
    %shift_left3A_66 = arith.shli %convert_element_type3A_63, %shift_left3A_65 : vector<2000x32xi32>
    %or3A_67 = arith.ori %convert_element_type3A_59, %shift_left3A_66 : vector<2000x32xi32>
    %bitcast_convert_type3A_68 = tpu.bitcast %or3A_67 : vector<2000x32xi32> -> vector<2000x32xi32>
    %swap3A_69 = arith.constant 0 : index
    %swap3A_70 = arith.constant 96 : index
    %swap3A_71 = vector.load %arg4[%swap3A_69, %swap3A_70] : memref<2000x256xi32, #tpu.memory_space<vmem>>, vector<2000x32xi32>
    tpu.vector_store %arg4[%swap3A_69, %swap3A_70], %bitcast_convert_type3A_68 {strides = array<i32>} : memref<2000x256xi32, #tpu.memory_space<vmem>>, vector<2000x32xi32>,
    %slice3A_72 = vector.extract_strided_slice %add3A_9 {offsets = [0, 256], sizes = [2000, 64], strides = [1, 1]} : vector<2000x512xf32> to vector<2000x64xf32>
    %slice3A_73 = vector.extract_strided_slice %slice3A_72 {offsets = [0, 0], sizes = [2000, 32], strides = [1, 1]} : vector<2000x64xf32> to vector<2000x32xf32>
    %convert_element_type3A_74 = arith.truncf %slice3A_73 : vector<2000x32xf32> to vector<2000x32xbf16>
    %bitcast_convert_type3A_75 = tpu.bitcast %convert_element_type3A_74 : vector<2000x32xbf16> -> vector<2000x32xi16>
    %convert_element_type3A_76 = arith.extui %bitcast_convert_type3A_75 : vector<2000x32xi16> to vector<2000x32xi32>
    %slice3A_77 = vector.extract_strided_slice %slice3A_72 {offsets = [0, 32], sizes = [2000, 32], strides = [1, 1]} : vector<2000x64xf32> to vector<2000x32xf32>
    %convert_element_type3A_78 = arith.truncf %slice3A_77 : vector<2000x32xf32> to vector<2000x32xbf16>
    %bitcast_convert_type3A_79 = tpu.bitcast %convert_element_type3A_78 : vector<2000x32xbf16> -> vector<2000x32xi16>
    %convert_element_type3A_80 = arith.extui %bitcast_convert_type3A_79 : vector<2000x32xi16> to vector<2000x32xi32>
    %shift_left3A_81 = arith.constant 16 : i32
    %shift_left3A_82 = vector.broadcast %shift_left3A_81 : i32 to vector<2000x32xi32>
    %shift_left3A_83 = arith.shli %convert_element_type3A_80, %shift_left3A_82 : vector<2000x32xi32>
    %or3A_84 = arith.ori %convert_element_type3A_76, %shift_left3A_83 : vector<2000x32xi32>
    %bitcast_convert_type3A_85 = tpu.bitcast %or3A_84 : vector<2000x32xi32> -> vector<2000x32xi32>
    %swap3A_86 = arith.constant 0 : index
    %swap3A_87 = arith.constant 128 : index
    %swap3A_88 = vector.load %arg4[%swap3A_86, %swap3A_87] : memref<2000x256xi32, #tpu.memory_space<vmem>>, vector<2000x32xi32>
    tpu.vector_store %arg4[%swap3A_86, %swap3A_87], %bitcast_convert_type3A_85 {strides = array<i32>} : memref<2000x256xi32, #tpu.memory_space<vmem>>, vector<2000x32xi32>,
    %slice3A_89 = vector.extract_strided_slice %add3A_9 {offsets = [0, 320], sizes = [2000, 64], strides = [1, 1]} : vector<2000x512xf32> to vector<2000x64xf32>
    %slice3A_90 = vector.extract_strided_slice %slice3A_89 {offsets = [0, 0], sizes = [2000, 32], strides = [1, 1]} : vector<2000x64xf32> to vector<2000x32xf32>
    %convert_element_type3A_91 = arith.truncf %slice3A_90 : vector<2000x32xf32> to vector<2000x32xbf16>
    %bitcast_convert_type3A_92 = tpu.bitcast %convert_element_type3A_91 : vector<2000x32xbf16> -> vector<2000x32xi16>
    %convert_element_type3A_93 = arith.extui %bitcast_convert_type3A_92 : vector<2000x32xi16> to vector<2000x32xi32>
    %slice3A_94 = vector.extract_strided_slice %slice3A_89 {offsets = [0, 32], sizes = [2000, 32], strides = [1, 1]} : vector<2000x64xf32> to vector<2000x32xf32>
    %convert_element_type3A_95 = arith.truncf %slice3A_94 : vector<2000x32xf32> to vector<2000x32xbf16>
    %bitcast_convert_type3A_96 = tpu.bitcast %convert_element_type3A_95 : vector<2000x32xbf16> -> vector<2000x32xi16>
    %convert_element_type3A_97 = arith.extui %bitcast_convert_type3A_96 : vector<2000x32xi16> to vector<2000x32xi32>
    %shift_left3A_98 = arith.constant 16 : i32
    %shift_left3A_99 = vector.broadcast %shift_left3A_98 : i32 to vector<2000x32xi32>
    %shift_left3A_100 = arith.shli %convert_element_type3A_97, %shift_left3A_99 : vector<2000x32xi32>
    %or3A_101 = arith.ori %convert_element_type3A_93, %shift_left3A_100 : vector<2000x32xi32>
    %bitcast_convert_type3A_102 = tpu.bitcast %or3A_101 : vector<2000x32xi32> -> vector<2000x32xi32>
    %swap3A_103 = arith.constant 0 : index
    %swap3A_104 = arith.constant 160 : index
    %swap3A_105 = vector.load %arg4[%swap3A_103, %swap3A_104] : memref<2000x256xi32, #tpu.memory_space<vmem>>, vector<2000x32xi32>
    tpu.vector_store %arg4[%swap3A_103, %swap3A_104], %bitcast_convert_type3A_102 {strides = array<i32>} : memref<2000x256xi32, #tpu.memory_space<vmem>>, vector<2000x32xi32>,
    %slice3A_106 = vector.extract_strided_slice %add3A_9 {offsets = [0, 384], sizes = [2000, 64], strides = [1, 1]} : vector<2000x512xf32> to vector<2000x64xf32>
    %slice3A_107 = vector.extract_strided_slice %slice3A_106 {offsets = [0, 0], sizes = [2000, 32], strides = [1, 1]} : vector<2000x64xf32> to vector<2000x32xf32>
    %convert_element_type3A_108 = arith.truncf %slice3A_107 : vector<2000x32xf32> to vector<2000x32xbf16>
    %bitcast_convert_type3A_109 = tpu.bitcast %convert_element_type3A_108 : vector<2000x32xbf16> -> vector<2000x32xi16>
    %convert_element_type3A_110 = arith.extui %bitcast_convert_type3A_109 : vector<2000x32xi16> to vector<2000x32xi32>
    %slice3A_111 = vector.extract_strided_slice %slice3A_106 {offsets = [0, 32], sizes = [2000, 32], strides = [1, 1]} : vector<2000x64xf32> to vector<2000x32xf32>
    %convert_element_type3A_112 = arith.truncf %slice3A_111 : vector<2000x32xf32> to vector<2000x32xbf16>
    %bitcast_convert_type3A_113 = tpu.bitcast %convert_element_type3A_112 : vector<2000x32xbf16> -> vector<2000x32xi16>
    %convert_element_type3A_114 = arith.extui %bitcast_convert_type3A_113 : vector<2000x32xi16> to vector<2000x32xi32>
    %shift_left3A_115 = arith.constant 16 : i32
    %shift_left3A_116 = vector.broadcast %shift_left3A_115 : i32 to vector<2000x32xi32>
    %shift_left3A_117 = arith.shli %convert_element_type3A_114, %shift_left3A_116 : vector<2000x32xi32>
    %or3A_118 = arith.ori %convert_element_type3A_110, %shift_left3A_117 : vector<2000x32xi32>
    %bitcast_convert_type3A_119 = tpu.bitcast %or3A_118 : vector<2000x32xi32> -> vector<2000x32xi32>
    %swap3A_120 = arith.constant 0 : index
    %swap3A_121 = arith.constant 192 : index
    %swap3A_122 = vector.load %arg4[%swap3A_120, %swap3A_121] : memref<2000x256xi32, #tpu.memory_space<vmem>>, vector<2000x32xi32>
    tpu.vector_store %arg4[%swap3A_120, %swap3A_121], %bitcast_convert_type3A_119 {strides = array<i32>} : memref<2000x256xi32, #tpu.memory_space<vmem>>, vector<2000x32xi32>,
    %slice3A_123 = vector.extract_strided_slice %add3A_9 {offsets = [0, 448], sizes = [2000, 64], strides = [1, 1]} : vector<2000x512xf32> to vector<2000x64xf32>
    %slice3A_124 = vector.extract_strided_slice %slice3A_123 {offsets = [0, 0], sizes = [2000, 32], strides = [1, 1]} : vector<2000x64xf32> to vector<2000x32xf32>
    %convert_element_type3A_125 = arith.truncf %slice3A_124 : vector<2000x32xf32> to vector<2000x32xbf16>
    %bitcast_convert_type3A_126 = tpu.bitcast %convert_element_type3A_125 : vector<2000x32xbf16> -> vector<2000x32xi16>
    %convert_element_type3A_127 = arith.extui %bitcast_convert_type3A_126 : vector<2000x32xi16> to vector<2000x32xi32>
    %slice3A_128 = vector.extract_strided_slice %slice3A_123 {offsets = [0, 32], sizes = [2000, 32], strides = [1, 1]} : vector<2000x64xf32> to vector<2000x32xf32>
    %convert_element_type3A_129 = arith.truncf %slice3A_128 : vector<2000x32xf32> to vector<2000x32xbf16>
    %bitcast_convert_type3A_130 = tpu.bitcast %convert_element_type3A_129 : vector<2000x32xbf16> -> vector<2000x32xi16>
    %convert_element_type3A_131 = arith.extui %bitcast_convert_type3A_130 : vector<2000x32xi16> to vector<2000x32xi32>
    %shift_left3A_132 = arith.constant 16 : i32
    %shift_left3A_133 = vector.broadcast %shift_left3A_132 : i32 to vector<2000x32xi32>
    %shift_left3A_134 = arith.shli %convert_element_type3A_131, %shift_left3A_133 : vector<2000x32xi32>
    %or3A_135 = arith.ori %convert_element_type3A_127, %shift_left3A_134 : vector<2000x32xi32>
    %bitcast_convert_type3A_136 = tpu.bitcast %or3A_135 : vector<2000x32xi32> -> vector<2000x32xi32>
    %swap3A_137 = arith.constant 0 : index
    %swap3A_138 = arith.constant 224 : index
    %swap3A_139 = vector.load %arg4[%swap3A_137, %swap3A_138] : memref<2000x256xi32, #tpu.memory_space<vmem>>, vector<2000x32xi32>
    tpu.vector_store %arg4[%swap3A_137, %swap3A_138], %bitcast_convert_type3A_136 {strides = array<i32>} : memref<2000x256xi32, #tpu.memory_space<vmem>>, vector<2000x32xi32>,
    return
  }
  func.func @transform_0(%arg0: i32) -> (i32, i32) {
    %c0_i32 = arith.constant 0 : i32
    %c0_i32_0 = arith.constant 0 : i32
    return %arg0, %c0_i32 : i32, i32
  }
  func.func @transform_1(%arg0: i32) -> (i32, i32) {
    %c0_i32 = arith.constant 0 : i32
    %c0_i32_0 = arith.constant 0 : i32
    %c0_i32_1 = arith.constant 0 : i32
    return %c0_i32, %c0_i32_0 : i32, i32
  }
  func.func @transform_2(%arg0: i32) -> (i32, i32) {
    %c0_i32 = arith.constant 0 : i32
    %c0_i32_0 = arith.constant 0 : i32
    %c0_i32_1 = arith.constant 0 : i32
    return %c0_i32, %c0_i32_0 : i32, i32
  }
  func.func @transform_3(%arg0: i32) -> (i32, i32) {
    %c0_i32 = arith.constant 0 : i32
    %c0_i32_0 = arith.constant 0 : i32
    return %arg0, %c0_i32 : i32, i32
  }
}

module attributes {stable_mosaic.version = 14 : i64} {
  func.func @_node_proj_body(%arg0: i32, %arg1: memref<5000x128xf32, #tpu.memory_space<vmem>>, %arg2: memref<5000x128xf32, #tpu.memory_space<vmem>>, %arg3: memref<128x64xf32, #tpu.memory_space<vmem>>, %arg4: memref<128x64xf32, #tpu.memory_space<vmem>>, %arg5: memref<128x64xf32, #tpu.memory_space<vmem>>, %arg6: memref<128x64xf32, #tpu.memory_space<vmem>>, %arg7: memref<1x64xf32, #tpu.memory_space<vmem>>, %arg8: memref<1x64xf32, #tpu.memory_space<vmem>>, %arg9: memref<1x64xf32, #tpu.memory_space<vmem>>, %arg10: memref<1x64xf32, #tpu.memory_space<vmem>>, %arg11: memref<5000x32xi32, #tpu.memory_space<vmem>>, %arg12: memref<5000x32xi32, #tpu.memory_space<vmem>>, %arg13: memref<5000x32xi32, #tpu.memory_space<vmem>>, %arg14: memref<5000x32xi32, #tpu.memory_space<vmem>>) attributes {dimension_semantics = [#tpu.dimension_semantics<arbitrary>], iteration_bounds = array<i64: 10>, scalar_prefetch = 0 : i64, scratch_operands = 0 : i64, tpu.core_type = #tpu.core_type<tc>, window_params = [{transform_indices = @transform_0, window_bounds = array<i64: 5000, 128>}, {transform_indices = @transform_1, window_bounds = array<i64: 5000, 128>}, {pipeline_mode = #tpu.pipeline_mode<synchronous>, transform_indices = @transform_2, window_bounds = array<i64: 128, 64>}, {pipeline_mode = #tpu.pipeline_mode<synchronous>, transform_indices = @transform_3, window_bounds = array<i64: 128, 64>}, {pipeline_mode = #tpu.pipeline_mode<synchronous>, transform_indices = @transform_4, window_bounds = array<i64: 128, 64>}, {pipeline_mode = #tpu.pipeline_mode<synchronous>, transform_indices = @transform_5, window_bounds = array<i64: 128, 64>}, {pipeline_mode = #tpu.pipeline_mode<synchronous>, transform_indices = @transform_6, window_bounds = array<i64: 1, 64>}, {pipeline_mode = #tpu.pipeline_mode<synchronous>, transform_indices = @transform_7, window_bounds = array<i64: 1, 64>}, {pipeline_mode = #tpu.pipeline_mode<synchronous>, transform_indices = @transform_8, window_bounds = array<i64: 1, 64>}, {pipeline_mode = #tpu.pipeline_mode<synchronous>, transform_indices = @transform_9, window_bounds = array<i64: 1, 64>}, {transform_indices = @transform_10, window_bounds = array<i64: 5000, 32>}, {transform_indices = @transform_11, window_bounds = array<i64: 5000, 32>}, {transform_indices = @transform_12, window_bounds = array<i64: 5000, 32>}, {transform_indices = @transform_13, window_bounds = array<i64: 5000, 32>}]} {
    %get3A = arith.constant 0 : index
    %get3A_0 = arith.constant 0 : index
    %get3A_1 = vector.load %arg1[%get3A, %get3A_0] : memref<5000x128xf32, #tpu.memory_space<vmem>>, vector<5000x128xf32>
    %get3A_2 = arith.constant 0 : index
    %get3A_3 = arith.constant 0 : index
    %get3A_4 = vector.load %arg2[%get3A_2, %get3A_3] : memref<5000x128xf32, #tpu.memory_space<vmem>>, vector<5000x128xf32>
    %get3A_5 = arith.constant 0 : index
    %get3A_6 = arith.constant 0 : index
    %get3A_7 = vector.load %arg3[%get3A_5, %get3A_6] : memref<128x64xf32, #tpu.memory_space<vmem>>, vector<128x64xf32>
    %dot_general3A = arith.constant dense<0.000000e+00> : vector<5000x64xf32>
    %dot_general3A_8 = tpu.matmul %get3A_1, %get3A_7, %dot_general3A {dimension_numbers = #tpu.dot_dimension_numbers<[1], [0], [0], [1], [0, 0, 1, 1], [], []>, transpose_lhs_hint = false} : vector<5000x128xf32>, vector<128x64xf32>, vector<5000x64xf32> -> vector<5000x64xf32>
    %get3A_9 = arith.constant 0 : index
    %get3A_10 = arith.constant 0 : index
    %get3A_11 = vector.load %arg7[%get3A_9, %get3A_10] : memref<1x64xf32, #tpu.memory_space<vmem>>, vector<1x64xf32>
    %add3A = vector.broadcast %get3A_11 : vector<1x64xf32> to vector<5000x64xf32>
    %add3A_12 = arith.addf %dot_general3A_8, %add3A : vector<5000x64xf32>
    %slice3A = vector.extract_strided_slice %add3A_12 {offsets = [0, 0], sizes = [5000, 32], strides = [1, 1]} : vector<5000x64xf32> to vector<5000x32xf32>
    %convert_element_type3A = arith.truncf %slice3A : vector<5000x32xf32> to vector<5000x32xbf16>
    %bitcast_convert_type3A = tpu.bitcast %convert_element_type3A : vector<5000x32xbf16> -> vector<5000x32xi16>
    %convert_element_type3A_13 = arith.extui %bitcast_convert_type3A : vector<5000x32xi16> to vector<5000x32xi32>
    %slice3A_14 = vector.extract_strided_slice %add3A_12 {offsets = [0, 32], sizes = [5000, 32], strides = [1, 1]} : vector<5000x64xf32> to vector<5000x32xf32>
    %convert_element_type3A_15 = arith.truncf %slice3A_14 : vector<5000x32xf32> to vector<5000x32xbf16>
    %bitcast_convert_type3A_16 = tpu.bitcast %convert_element_type3A_15 : vector<5000x32xbf16> -> vector<5000x32xi16>
    %convert_element_type3A_17 = arith.extui %bitcast_convert_type3A_16 : vector<5000x32xi16> to vector<5000x32xi32>
    %shift_left3A = arith.constant 16 : i32
    %shift_left3A_18 = vector.broadcast %shift_left3A : i32 to vector<5000x32xi32>
    %shift_left3A_19 = arith.shli %convert_element_type3A_17, %shift_left3A_18 : vector<5000x32xi32>
    %or3A = arith.ori %convert_element_type3A_13, %shift_left3A_19 : vector<5000x32xi32>
    %bitcast_convert_type3A_20 = tpu.bitcast %or3A : vector<5000x32xi32> -> vector<5000x32xi32>
    %swap3A = arith.constant 0 : index
    %swap3A_21 = arith.constant 0 : index
    %swap3A_22 = vector.load %arg11[%swap3A, %swap3A_21] : memref<5000x32xi32, #tpu.memory_space<vmem>>, vector<5000x32xi32>
    tpu.vector_store %arg11[%swap3A, %swap3A_21], %bitcast_convert_type3A_20 {strides = array<i32>} : memref<5000x32xi32, #tpu.memory_space<vmem>>, vector<5000x32xi32>,
    %get3A_23 = arith.constant 0 : index
    %get3A_24 = arith.constant 0 : index
    %get3A_25 = vector.load %arg4[%get3A_23, %get3A_24] : memref<128x64xf32, #tpu.memory_space<vmem>>, vector<128x64xf32>
    %dot_general3A_26 = arith.constant dense<0.000000e+00> : vector<5000x64xf32>
    %dot_general3A_27 = tpu.matmul %get3A_1, %get3A_25, %dot_general3A_26 {dimension_numbers = #tpu.dot_dimension_numbers<[1], [0], [0], [1], [0, 0, 1, 1], [], []>, transpose_lhs_hint = false} : vector<5000x128xf32>, vector<128x64xf32>, vector<5000x64xf32> -> vector<5000x64xf32>
    %get3A_28 = arith.constant 0 : index
    %get3A_29 = arith.constant 0 : index
    %get3A_30 = vector.load %arg8[%get3A_28, %get3A_29] : memref<1x64xf32, #tpu.memory_space<vmem>>, vector<1x64xf32>
    %add3A_31 = vector.broadcast %get3A_30 : vector<1x64xf32> to vector<5000x64xf32>
    %add3A_32 = arith.addf %dot_general3A_27, %add3A_31 : vector<5000x64xf32>
    %slice3A_33 = vector.extract_strided_slice %add3A_32 {offsets = [0, 0], sizes = [5000, 32], strides = [1, 1]} : vector<5000x64xf32> to vector<5000x32xf32>
    %convert_element_type3A_34 = arith.truncf %slice3A_33 : vector<5000x32xf32> to vector<5000x32xbf16>
    %bitcast_convert_type3A_35 = tpu.bitcast %convert_element_type3A_34 : vector<5000x32xbf16> -> vector<5000x32xi16>
    %convert_element_type3A_36 = arith.extui %bitcast_convert_type3A_35 : vector<5000x32xi16> to vector<5000x32xi32>
    %slice3A_37 = vector.extract_strided_slice %add3A_32 {offsets = [0, 32], sizes = [5000, 32], strides = [1, 1]} : vector<5000x64xf32> to vector<5000x32xf32>
    %convert_element_type3A_38 = arith.truncf %slice3A_37 : vector<5000x32xf32> to vector<5000x32xbf16>
    %bitcast_convert_type3A_39 = tpu.bitcast %convert_element_type3A_38 : vector<5000x32xbf16> -> vector<5000x32xi16>
    %convert_element_type3A_40 = arith.extui %bitcast_convert_type3A_39 : vector<5000x32xi16> to vector<5000x32xi32>
    %shift_left3A_41 = arith.constant 16 : i32
    %shift_left3A_42 = vector.broadcast %shift_left3A_41 : i32 to vector<5000x32xi32>
    %shift_left3A_43 = arith.shli %convert_element_type3A_40, %shift_left3A_42 : vector<5000x32xi32>
    %or3A_44 = arith.ori %convert_element_type3A_36, %shift_left3A_43 : vector<5000x32xi32>
    %bitcast_convert_type3A_45 = tpu.bitcast %or3A_44 : vector<5000x32xi32> -> vector<5000x32xi32>
    %swap3A_46 = arith.constant 0 : index
    %swap3A_47 = arith.constant 0 : index
    %swap3A_48 = vector.load %arg12[%swap3A_46, %swap3A_47] : memref<5000x32xi32, #tpu.memory_space<vmem>>, vector<5000x32xi32>
    tpu.vector_store %arg12[%swap3A_46, %swap3A_47], %bitcast_convert_type3A_45 {strides = array<i32>} : memref<5000x32xi32, #tpu.memory_space<vmem>>, vector<5000x32xi32>,
    %get3A_49 = arith.constant 0 : index
    %get3A_50 = arith.constant 0 : index
    %get3A_51 = vector.load %arg5[%get3A_49, %get3A_50] : memref<128x64xf32, #tpu.memory_space<vmem>>, vector<128x64xf32>
    %dot_general3A_52 = arith.constant dense<0.000000e+00> : vector<5000x64xf32>
    %dot_general3A_53 = tpu.matmul %get3A_4, %get3A_51, %dot_general3A_52 {dimension_numbers = #tpu.dot_dimension_numbers<[1], [0], [0], [1], [0, 0, 1, 1], [], []>, transpose_lhs_hint = false} : vector<5000x128xf32>, vector<128x64xf32>, vector<5000x64xf32> -> vector<5000x64xf32>
    %get3A_54 = arith.constant 0 : index
    %get3A_55 = arith.constant 0 : index
    %get3A_56 = vector.load %arg9[%get3A_54, %get3A_55] : memref<1x64xf32, #tpu.memory_space<vmem>>, vector<1x64xf32>
    %add3A_57 = vector.broadcast %get3A_56 : vector<1x64xf32> to vector<5000x64xf32>
    %add3A_58 = arith.addf %dot_general3A_53, %add3A_57 : vector<5000x64xf32>
    %slice3A_59 = vector.extract_strided_slice %add3A_58 {offsets = [0, 0], sizes = [5000, 32], strides = [1, 1]} : vector<5000x64xf32> to vector<5000x32xf32>
    %convert_element_type3A_60 = arith.truncf %slice3A_59 : vector<5000x32xf32> to vector<5000x32xbf16>
    %bitcast_convert_type3A_61 = tpu.bitcast %convert_element_type3A_60 : vector<5000x32xbf16> -> vector<5000x32xi16>
    %convert_element_type3A_62 = arith.extui %bitcast_convert_type3A_61 : vector<5000x32xi16> to vector<5000x32xi32>
    %slice3A_63 = vector.extract_strided_slice %add3A_58 {offsets = [0, 32], sizes = [5000, 32], strides = [1, 1]} : vector<5000x64xf32> to vector<5000x32xf32>
    %convert_element_type3A_64 = arith.truncf %slice3A_63 : vector<5000x32xf32> to vector<5000x32xbf16>
    %bitcast_convert_type3A_65 = tpu.bitcast %convert_element_type3A_64 : vector<5000x32xbf16> -> vector<5000x32xi16>
    %convert_element_type3A_66 = arith.extui %bitcast_convert_type3A_65 : vector<5000x32xi16> to vector<5000x32xi32>
    %shift_left3A_67 = arith.constant 16 : i32
    %shift_left3A_68 = vector.broadcast %shift_left3A_67 : i32 to vector<5000x32xi32>
    %shift_left3A_69 = arith.shli %convert_element_type3A_66, %shift_left3A_68 : vector<5000x32xi32>
    %or3A_70 = arith.ori %convert_element_type3A_62, %shift_left3A_69 : vector<5000x32xi32>
    %bitcast_convert_type3A_71 = tpu.bitcast %or3A_70 : vector<5000x32xi32> -> vector<5000x32xi32>
    %swap3A_72 = arith.constant 0 : index
    %swap3A_73 = arith.constant 0 : index
    %swap3A_74 = vector.load %arg13[%swap3A_72, %swap3A_73] : memref<5000x32xi32, #tpu.memory_space<vmem>>, vector<5000x32xi32>
    tpu.vector_store %arg13[%swap3A_72, %swap3A_73], %bitcast_convert_type3A_71 {strides = array<i32>} : memref<5000x32xi32, #tpu.memory_space<vmem>>, vector<5000x32xi32>,
    %get3A_75 = arith.constant 0 : index
    %get3A_76 = arith.constant 0 : index
    %get3A_77 = vector.load %arg6[%get3A_75, %get3A_76] : memref<128x64xf32, #tpu.memory_space<vmem>>, vector<128x64xf32>
    %dot_general3A_78 = arith.constant dense<0.000000e+00> : vector<5000x64xf32>
    %dot_general3A_79 = tpu.matmul %get3A_4, %get3A_77, %dot_general3A_78 {dimension_numbers = #tpu.dot_dimension_numbers<[1], [0], [0], [1], [0, 0, 1, 1], [], []>, transpose_lhs_hint = false} : vector<5000x128xf32>, vector<128x64xf32>, vector<5000x64xf32> -> vector<5000x64xf32>
    %get3A_80 = arith.constant 0 : index
    %get3A_81 = arith.constant 0 : index
    %get3A_82 = vector.load %arg10[%get3A_80, %get3A_81] : memref<1x64xf32, #tpu.memory_space<vmem>>, vector<1x64xf32>
    %add3A_83 = vector.broadcast %get3A_82 : vector<1x64xf32> to vector<5000x64xf32>
    %add3A_84 = arith.addf %dot_general3A_79, %add3A_83 : vector<5000x64xf32>
    %slice3A_85 = vector.extract_strided_slice %add3A_84 {offsets = [0, 0], sizes = [5000, 32], strides = [1, 1]} : vector<5000x64xf32> to vector<5000x32xf32>
    %convert_element_type3A_86 = arith.truncf %slice3A_85 : vector<5000x32xf32> to vector<5000x32xbf16>
    %bitcast_convert_type3A_87 = tpu.bitcast %convert_element_type3A_86 : vector<5000x32xbf16> -> vector<5000x32xi16>
    %convert_element_type3A_88 = arith.extui %bitcast_convert_type3A_87 : vector<5000x32xi16> to vector<5000x32xi32>
    %slice3A_89 = vector.extract_strided_slice %add3A_84 {offsets = [0, 32], sizes = [5000, 32], strides = [1, 1]} : vector<5000x64xf32> to vector<5000x32xf32>
    %convert_element_type3A_90 = arith.truncf %slice3A_89 : vector<5000x32xf32> to vector<5000x32xbf16>
    %bitcast_convert_type3A_91 = tpu.bitcast %convert_element_type3A_90 : vector<5000x32xbf16> -> vector<5000x32xi16>
    %convert_element_type3A_92 = arith.extui %bitcast_convert_type3A_91 : vector<5000x32xi16> to vector<5000x32xi32>
    %shift_left3A_93 = arith.constant 16 : i32
    %shift_left3A_94 = vector.broadcast %shift_left3A_93 : i32 to vector<5000x32xi32>
    %shift_left3A_95 = arith.shli %convert_element_type3A_92, %shift_left3A_94 : vector<5000x32xi32>
    %or3A_96 = arith.ori %convert_element_type3A_88, %shift_left3A_95 : vector<5000x32xi32>
    %bitcast_convert_type3A_97 = tpu.bitcast %or3A_96 : vector<5000x32xi32> -> vector<5000x32xi32>
    %swap3A_98 = arith.constant 0 : index
    %swap3A_99 = arith.constant 0 : index
    %swap3A_100 = vector.load %arg14[%swap3A_98, %swap3A_99] : memref<5000x32xi32, #tpu.memory_space<vmem>>, vector<5000x32xi32>
    tpu.vector_store %arg14[%swap3A_98, %swap3A_99], %bitcast_convert_type3A_97 {strides = array<i32>} : memref<5000x32xi32, #tpu.memory_space<vmem>>, vector<5000x32xi32>,
    return
  }
  func.func @transform_0(%arg0: i32) -> (i32, i32) {
    %c0_i32 = arith.constant 0 : i32
    %c0_i32_0 = arith.constant 0 : i32
    return %arg0, %c0_i32 : i32, i32
  }
  func.func @transform_1(%arg0: i32) -> (i32, i32) {
    %c0_i32 = arith.constant 0 : i32
    %c0_i32_0 = arith.constant 0 : i32
    return %arg0, %c0_i32 : i32, i32
  }
  func.func @transform_2(%arg0: i32) -> (i32, i32) {
    %c0_i32 = arith.constant 0 : i32
    %c0_i32_0 = arith.constant 0 : i32
    %c0_i32_1 = arith.constant 0 : i32
    return %c0_i32, %c0_i32_0 : i32, i32
  }
  func.func @transform_3(%arg0: i32) -> (i32, i32) {
    %c0_i32 = arith.constant 0 : i32
    %c0_i32_0 = arith.constant 0 : i32
    %c0_i32_1 = arith.constant 0 : i32
    return %c0_i32, %c0_i32_0 : i32, i32
  }
  func.func @transform_4(%arg0: i32) -> (i32, i32) {
    %c0_i32 = arith.constant 0 : i32
    %c0_i32_0 = arith.constant 0 : i32
    %c0_i32_1 = arith.constant 0 : i32
    return %c0_i32, %c0_i32_0 : i32, i32
  }
  func.func @transform_5(%arg0: i32) -> (i32, i32) {
    %c0_i32 = arith.constant 0 : i32
    %c0_i32_0 = arith.constant 0 : i32
    %c0_i32_1 = arith.constant 0 : i32
    return %c0_i32, %c0_i32_0 : i32, i32
  }
  func.func @transform_6(%arg0: i32) -> (i32, i32) {
    %c0_i32 = arith.constant 0 : i32
    %c0_i32_0 = arith.constant 0 : i32
    %c0_i32_1 = arith.constant 0 : i32
    return %c0_i32, %c0_i32_0 : i32, i32
  }
  func.func @transform_7(%arg0: i32) -> (i32, i32) {
    %c0_i32 = arith.constant 0 : i32
    %c0_i32_0 = arith.constant 0 : i32
    %c0_i32_1 = arith.constant 0 : i32
    return %c0_i32, %c0_i32_0 : i32, i32
  }
  func.func @transform_8(%arg0: i32) -> (i32, i32) {
    %c0_i32 = arith.constant 0 : i32
    %c0_i32_0 = arith.constant 0 : i32
    %c0_i32_1 = arith.constant 0 : i32
    return %c0_i32, %c0_i32_0 : i32, i32
  }
  func.func @transform_9(%arg0: i32) -> (i32, i32) {
    %c0_i32 = arith.constant 0 : i32
    %c0_i32_0 = arith.constant 0 : i32
    %c0_i32_1 = arith.constant 0 : i32
    return %c0_i32, %c0_i32_0 : i32, i32
  }
  func.func @transform_10(%arg0: i32) -> (i32, i32) {
    %c0_i32 = arith.constant 0 : i32
    %c0_i32_0 = arith.constant 0 : i32
    return %arg0, %c0_i32 : i32, i32
  }
  func.func @transform_11(%arg0: i32) -> (i32, i32) {
    %c0_i32 = arith.constant 0 : i32
    %c0_i32_0 = arith.constant 0 : i32
    return %arg0, %c0_i32 : i32, i32
  }
  func.func @transform_12(%arg0: i32) -> (i32, i32) {
    %c0_i32 = arith.constant 0 : i32
    %c0_i32_0 = arith.constant 0 : i32
    return %arg0, %c0_i32 : i32, i32
  }
  func.func @transform_13(%arg0: i32) -> (i32, i32) {
    %c0_i32 = arith.constant 0 : i32
    %c0_i32_0 = arith.constant 0 : i32
    return %arg0, %c0_i32 : i32, i32
  }
}

module attributes {stable_mosaic.version = 14 : i64} {
  func.func @_combine_body(%arg0: memref<32x64x16xf32, #tpu.memory_space<vmem>>, %arg1: memref<32x64x16xf32, #tpu.memory_space<vmem>>, %arg2: memref<64x1xf32, #tpu.memory_space<vmem>>, %arg3: memref<64x1xf32, #tpu.memory_space<vmem>>) attributes {dimension_semantics = [], scalar_prefetch = 0 : i64, scratch_operands = 0 : i64, tpu.core_type = #tpu.core_type<tc>} {
    %get3A = arith.constant 0 : index
    %get3A_0 = arith.constant 0 : index
    %get3A_1 = arith.constant 0 : index
    %get3A_2 = vector.load %arg0[%get3A, %get3A_0, %get3A_1] : memref<32x64x16xf32, #tpu.memory_space<vmem>>, vector<32x64x16xf32>
    %reduce_sum3A = arith.constant dense<0.000000e+00> : vector<64x16xf32>
    %reduce_sum3A_3 = vector.multi_reduction <add>, %get3A_2, %reduce_sum3A [0] : vector<32x64x16xf32> to vector<64x16xf32>
    %get3A_4 = arith.constant 0 : index
    %get3A_5 = arith.constant 0 : index
    %get3A_6 = arith.constant 0 : index
    %get3A_7 = vector.load %arg1[%get3A_4, %get3A_5, %get3A_6] : memref<32x64x16xf32, #tpu.memory_space<vmem>>, vector<32x64x16xf32>
    %reduce_sum3A_8 = arith.constant dense<0.000000e+00> : vector<64x16xf32>
    %reduce_sum3A_9 = vector.multi_reduction <add>, %get3A_7, %reduce_sum3A_8 [0] : vector<32x64x16xf32> to vector<64x16xf32>
    %reduce_sum3A_10 = arith.constant dense<0.000000e+00> : vector<64xf32>
    %reduce_sum3A_11 = vector.multi_reduction <add>, %reduce_sum3A_3, %reduce_sum3A_10 [1] : vector<64x16xf32> to vector<64xf32>
    %broadcast_in_dim3A = vector.shape_cast %reduce_sum3A_11 : vector<64xf32> to vector<64x1xf32>
    %swap3A = arith.constant 0 : index
    %swap3A_12 = arith.constant 0 : index
    %swap3A_13 = vector.load %arg2[%swap3A, %swap3A_12] : memref<64x1xf32, #tpu.memory_space<vmem>>, vector<64x1xf32>
    tpu.vector_store %arg2[%swap3A, %swap3A_12], %broadcast_in_dim3A {strides = array<i32>} : memref<64x1xf32, #tpu.memory_space<vmem>>, vector<64x1xf32>,
    %reduce_sum3A_14 = arith.constant dense<0.000000e+00> : vector<64xf32>
    %reduce_sum3A_15 = vector.multi_reduction <add>, %reduce_sum3A_9, %reduce_sum3A_14 [1] : vector<64x16xf32> to vector<64xf32>
    %broadcast_in_dim3A_16 = vector.shape_cast %reduce_sum3A_15 : vector<64xf32> to vector<64x1xf32>
    %swap3A_17 = arith.constant 0 : index
    %swap3A_18 = arith.constant 0 : index
    %swap3A_19 = vector.load %arg3[%swap3A_17, %swap3A_18] : memref<64x1xf32, #tpu.memory_space<vmem>>, vector<64x1xf32>
    tpu.vector_store %arg3[%swap3A_17, %swap3A_18], %broadcast_in_dim3A_16 {strides = array<i32>} : memref<64x1xf32, #tpu.memory_space<vmem>>, vector<64x1xf32>,
    return
  }
}

</mosaic_0001>

<sc_bundles>
// kernel: kernel.11.cloned.1.call-start
scs
__scs_entry_jumppad:
0x0: {  	(pc) =	sbr.rel $0x88, $3  }
0x1: {  	(tag) =	ssettag $0x0;
	lr =	simm.s32 $0x1  }
0x2: {  	[smem:$0x3F87] =	sst lr;
	_ =	strace $0xD0000000  }
0x3: {  	_ = 	snop  }
0x4: {  	_ = 	snop  }
0x5: {  	_ = 	snop  }
0x6: {  	_ = 	snop  }
0x7: {  	_ = 	snop  }
__scs_overlays_trampoline_lowered:
0x8: {  	[smem:$0x3F96] =	sst s0  }
0x9: {  	[smem:$0x3F97] =	sst s1  }
0xa: {  	[smem:$0x3F98] =	sst s2  }
0xb: {  	[smem:$0x3F99] =	sst s3  }
0xc: {  	[smem:$0x3F9A] =	sst s4  }
0xd: {  	[smem:$0x3F9B] =	sst s5  }
0xe: {  	[smem:$0x3F9C] =	sst s6  }
0xf: {  	[smem:$0x3F9D] =	sst s7  }
0x10: {  	[smem:$0x3F9E] =	sst s8  }
0x11: {  	[smem:$0x3F9F] =	sst s9;
	s0 =	simm.s32 @!p0 $0x0  }
0x12: {  	s1 =	sld [smem:$0x3F85];
	s0 =	simm.s32 @p0 $0x1  }
0x13: {  	[smem:$0x3FA0] =	sst s0;
	s0 =	simm.s32 @!p1 $0x0  }
0x14: {  	s2 =	sld [smem:$0x3F84];
	s0 =	simm.s32 @p1 $0x1  }
0x15: {  	[smem:$0x3FA1] =	sst s0;
	s0 =	simm.s32 @!p2 $0x0  }
0x16: {  	s3 =	sld [smem:$0x3FDB];
	s0 =	simm.s32 @p2 $0x1  }
0x17: {  	s4 =	simm.s32 $0x1BF5;
	[smem:$0x3FA3] =	sst s0  }
0x18: {  	s0 =	sld [smem:$0x3F86];
	_ =	swait.ge [sflag:s4], $0x0  }
0x19: {  	s7 =	sld [smem:$0x3F87]  }
0x1a: {  	s8 =	sadd.s32 $0xFFFFE003, lr  }
0x1b: {  	s9 =	sadd.s32 $0xFFFFFEF7, lr;
	s5 =	simm.s32 $0xFFFFFFFF;
	p2 =	slt.u32 s8, $0xFFFFF086  }
0x1c: {  	p1 =	slt.u32 s9, $0xF7A;
	s5 =	simm.s32 @!p2 $0x0  }
0x1d: {  	s5 =	simm.s32 @p1 $0x1;
	p0 =	seq.s32 s7, s2  }
0x1e: {  	s7 =	smul.u32 @!p0 $0xF7A, s2;
	p2 =	seq.s32 @!p0 s5, $0x0  }
0x1f: {  	s9 =	smul.u32 $0xF7A, s1;
	s8 =	simm.s32 @!p0 $0x1BF5;
	p2 =	por !p2, p0  }
0x20: {  	[sflag:s8] =	ssyncset.s32 @!p0 $0xFFFFF086;
	s6 =	sadd.s32 @!p0 s3, s7;
	s7 =	simm.s32 @!p0 $0x108  }
0x21: {  	s3 =	sadd.s32 s3, s9;
	s6 =	sadd.s32 @!p0 $0x88, s6;
	s7 =	simm.s32 @p2 $0x1082  }
0x22: {  	[simem:s7], [sflag:s8] =	dma.local @!p0 [hbm:s6], $0xF7A  }
0x23: {  	s9 =	sor.u32 $0xD0000000, s2;
	s6 =	simm.s32 $0x108;
	_ =	swait.ge @!p0 [sflag:s8], $0x0  }
0x24: {  	s3 =	sadd.s32 $0x88, s3;
	s6 =	simm.s32 @!p1 $0x1082;
	[sflag:s4] =	ssyncset.s32 $0xFFFFF086  }
0x25: {  	[simem:s6], [sflag:s4] =	dma.local [hbm:s3], $0xF7A  }
0x26: {  	[smem:$0x3F87] =	sst s1;
	(tag) =	ssettag s2;
	_ =	strace s9  }
0x27: {  	s1 =	sld [smem:$0x3F97]  }
0x28: {  	s2 =	sld [smem:$0x3F98]  }
0x29: {  	s4 =	sld [smem:$0x3F9A]  }
0x2a: {  	p0 =	seq.s32 s5, $0x0;
	s5 =	sld [smem:$0x3F9B]  }
0x2b: {  	s6 =	sld [smem:$0x3F9C]  }
0x2c: {  	s7 =	sld [smem:$0x3F9D]  }
0x2d: {  	s3 =	simm.s32 $0x108;
	s8 =	sld [smem:$0x3F9E]  }
0x2e: {  	s3 =	simm.s32 @!p0 $0x1082;
	s9 =	sld [smem:$0x3F9F]  }
0x2f: {  	lr =	sadd.s32 s0, s3;
	s0 =	sld [smem:$0x3F96]  }
0x30: {  	s3 =	sld [smem:$0x3F99]  }
0x31: {  	[smem:$0x3FA2] =	sst s10  }
0x32: {  	s10 =	sld [smem:$0x3FA0];
	_ =	sdelay $0x3  }
0x33: {  	p0 =	seq.s32 s10, $0x1;
	s10 =	sld [smem:$0x3FA2];
	_ =	sdelay $0x3  }
0x34: {  	[smem:$0x3FA2] =	sst s10  }
0x35: {  	s10 =	sld [smem:$0x3FA1];
	_ =	sdelay $0x3  }
0x36: {  	p1 =	seq.s32 s10, $0x1;
	s10 =	sld [smem:$0x3FA2];
	_ =	sdelay $0x3  }
0x37: {  	[smem:$0x3FA2] =	sst s10  }
0x38: {  	s10 =	sld [smem:$0x3FA3]  }
0x39: {  	_ = 	snop;
	(pc) =	sbr.ind lr, $3  }
0x3a: {  	_ = 	snop  }
0x3b: {  	_ = 	snop  }
0x3c: {  	p2 =	seq.s32 s10, $0x1;
	s10 =	sld [smem:$0x3FA2]  }
0x3d: {  	_ =	shalt  }
0x3e: {  	_ =	shalt  }
0x3f: {  	_ =	shalt  }
0x40: {  	_ =	shalt  }
0x41: {  	_ =	shalt  }
0x42: {  	_ =	shalt  }
0x43: {  	_ =	shalt  }
0x44: {  	_ =	shalt  }
0x45: {  	_ =	shalt  }
0x46: {  	_ =	shalt  }
0x47: {  	_ =	shalt  }
0x48: {  	_ =	shalt  }
0x49: {  	_ =	shalt  }
0x4a: {  	_ =	shalt  }
0x4b: {  	_ =	shalt  }
0x4c: {  	_ =	shalt  }
0x4d: {  	_ =	shalt  }
0x4e: {  	_ =	shalt  }
0x4f: {  	_ =	shalt  }
0x50: {  	_ =	shalt  }
0x51: {  	_ =	shalt  }
0x52: {  	_ =	shalt  }
0x53: {  	_ =	shalt  }
0x54: {  	_ =	shalt  }
0x55: {  	_ =	shalt  }
0x56: {  	_ =	shalt  }
0x57: {  	_ =	shalt  }
0x58: {  	_ =	shalt  }
0x59: {  	_ =	shalt  }
0x5a: {  	_ =	shalt  }
0x5b: {  	_ =	shalt  }
0x5c: {  	_ =	shalt  }
0x5d: {  	_ =	shalt  }
0x5e: {  	_ =	shalt  }
0x5f: {  	_ =	shalt  }
0x60: {  	_ =	shalt  }
0x61: {  	_ =	shalt  }
0x62: {  	_ =	shalt  }
0x63: {  	_ =	shalt  }
0x64: {  	_ =	shalt  }
0x65: {  	_ =	shalt  }
0x66: {  	_ =	shalt  }
0x67: {  	_ =	shalt  }
0x68: {  	_ =	shalt  }
0x69: {  	_ =	shalt  }
0x6a: {  	_ =	shalt  }
0x6b: {  	_ =	shalt  }
0x6c: {  	_ =	shalt  }
0x6d: {  	_ =	shalt  }
0x6e: {  	_ =	shalt  }
0x6f: {  	_ =	shalt  }
0x70: {  	_ =	shalt  }
0x71: {  	_ =	shalt  }
0x72: {  	_ =	shalt  }
0x73: {  	_ =	shalt  }
0x74: {  	_ =	shalt  }
0x75: {  	_ =	shalt  }
0x76: {  	_ =	shalt  }
0x77: {  	_ =	shalt  }
0x78: {  	_ =	shalt  }
0x79: {  	_ =	shalt  }
0x7a: {  	_ =	shalt  }
0x7b: {  	_ =	shalt  }
0x7c: {  	_ =	shalt  }
0x7d: {  	_ =	shalt  }
0x7e: {  	_ =	shalt  }
0x7f: {  	_ =	shalt  }
0x80: {  	_ =	shalt  }
0x81: {  	_ =	shalt  }
0x82: {  	_ =	shalt  }
0x83: {  	_ =	shalt  }
0x84: {  	_ =	shalt  }
0x85: {  	_ =	shalt  }
0x86: {  	_ =	shalt  }
0x87: {  	_ =	shalt  }
.Lfunc_end0:
.L_simem_size_0:
called_computation.3_lowered:
.L_overlay_start_0:
0x88: {  	s2 =	sld [smem:$0x3FD9]  }
0x89: {  	s3 =	sld [smem:$0x3FFE];
	_ =	sdelay $0x1  }
0x8a: {  	s1 =	srdreg.scid  }
0x8b: {  	s0 =	sand.u32 $0x1, s1  }
0x8c: {  	s17 =	sshll.u32 s0, $0xA;
	s2 =	sadd.s32 s3, s2  }
0x8d: {  	s2 =	sadd.s32 s2, s17  }
0x8e: {  	[smem:$0x3FAE] =	sst s2  }
0x8f: {  	_ = 	snop  }
0x90: {  	s18 =	sld [smem:$0x3FC3]  }
0x91: {  	s4 =	sld [smem:$0x3FC2]  }
0x92: {  	s5 =	sld [smem:$0x3FC0];
	(tm) =	ssettm $0x1  }
0x93: {  	s19 =	sld [smem:$0x3FFB];
	_ =	sdelay $0x3  }
0x94: {  	_ =	strace s19  }
0x95: {  	s2 =	sld [smem:$0x3FFC];
	_ =	sdelay $0x3  }
0x96: {  	_ =	strace s2  }
0x97: {  	s2 =	sld [smem:$0x3FFD];
	_ =	sdelay $0x3  }
0x98: {  	_ =	strace s2  }
0x99: {  	_ =	strace $0x8FFFFFFF  }
0x9a: {  	s20 =	sld [smem:$0x3FDB];
	_ =	sdelay $0x1  }
0x9b: {  	s6 =	simm.s32 $_scs_section_size  }
0x9c: {  	s7 =	simm.s32 $_size__tile_overlayer_lowered;
	s8 =	simm.s32 $_tile_overlayer_lowered  }
0x9d: {  	s9 =	simm.s32 $0x1BFF;
	s21 =	sshll.u32 s8, $0x1;
	s6 =	sadd.s32 s6, s20  }
0x9e: {  	s22 =	simm.s32 $0x0;
	s7 =	sshll.u32 s7, $0x1;
	s8 =	sadd.s32 s21, s6  }
0x9f: {  	[timem:s22], [sflag:s9] =	dma.local [hbm:s8], s7  }
0xa0: {  	_ =	swait.ge [sflag:s9], s7  }
0xa1: {  	s7 =	ssub.s32 $0x0, s7;
	[sflag:s9] =	ssyncset.done $0x0  }
0xa2: {  	[sflag:s9] =	ssyncadd.s32 s7;
	_ =	sdelay $0x1  }
0xa3: {  	s23 =	simm.s32 $0x1B8B  }
0xa4: {  	_ =	swait.ge [sflag:s23], $0x1  }
0xa5: {  	[sflag:s23] =	ssyncset.done $0x0  }
0xa6: {  	[sflag:s23] =	ssyncadd.s32 $0xFFFFFFFF  }
0xa7: {  	s7 =	sld [smem:$0x0]  }
0xa8: {  	s8 =	sand.u32 $0xFFFFFFFE, s1  }
0xa9: {  	p0 =	sne.s32 s1, s8  }
0xaa: {  	s8 =	sshll.u32 @p0 s8, $0xE  }
0xab: {  	s8 =	sadd.s32 @p0 $0x11B8D, s8;
	s9 =	sshll.u32 @p0 s7, $0x11  }
0xac: {  	s8 =	sor.u32 @p0 s9, s8  }
0xad: {  	[sflag:s8] =	ssyncadd.remote.s32 @p0 $0x1;
	_ =	sdelay $0x1  }
0xae: {  	s8 =	simm.s32 @p0 $0x1B8D  }
0xaf: {  	_ =	swait.eq @p0 [sflag:s8], $0x1  }
0xb0: {  	[sflag:s8] =	ssyncadd.s32 @p0 $0xFFFFFFFF  }
0xb1: {  	s9 =	sshll.u32 @!p0 s1, $0xE  }
0xb2: {  	s9 =	sor.u32 @!p0 $0x4000, s9;
	s8 =	simm.s32 @!p0 $0x1B8D  }
0xb3: {  	s7 =	sshll.u32 @!p0 s7, $0x11;
	s9 =	sadd.s32 @!p0 $0x11B8D, s9;
	_ =	swait.eq @!p0 [sflag:s8], $0x1  }
0xb4: {  	s7 =	sor.u32 @!p0 s7, s9;
	[sflag:s8] =	ssyncadd.s32 @!p0 $0xFFFFFFFF  }
0xb5: {  	s25 =	simm.s32 $0x1B8E;
	s24 =	sld [smem:$0x3FFE];
	[sflag:s7] =	ssyncadd.remote.s32 @!p0 $0x1  }
0xb6: {  	s26 =	simm.s32 $execute0_lowered;
	[smem:$0x3FD2] =	sst s25  }
0xb7: {  	s8 =	sshll.u32 s26, $0x1;
	_ =	strace $0x8000004F;
	[dreg:$0x1] =	wrdreg $0xFFFFFFFF  }
0xb8: {  	s28 =	simm.s32 $_size_execute0_lowered;
	s6 =	sadd.s32 s6, s8;
	[dreg:$0x0] =	wrdreg $0x0  }
0xb9: {  	s8 =	sshll.u32 s28, $0x1;
	[dreg:$0x2] =	wrdreg s6  }
0xba: {  	[dreg:$0x3] =	wrdreg s8  }
0xbb: {  	[dreg:$0x4] =	wrdreg $0xC0  }
0xbc: {  	_ =	task [dreg:s22], $0x5FFFF  }
0xbd: {  	[dreg:$0x1] =	wrdreg $0xFFFFFFFF  }
0xbe: {  	[dreg:$0x0] =	wrdreg $0x60  }
0xbf: {  	[dreg:$0x2] =	wrdreg s24  }
0xc0: {  	[dreg:$0x3] =	wrdreg s18  }
0xc1: {  	[dreg:$0x4] =	wrdreg s4  }
0xc2: {  	[dreg:$0x5] =	wrdreg s5  }
0xc3: {  	[dreg:$0x6] =	wrdreg $0x9  }
0xc4: {  	_ =	task.clear_ibuf [dreg:s22], $0x7FFFF;
	_ =	strace $0x9000004F  }
0xc5: {  	s29 =	simm.s32 $0x9;
	_ =	strace $0x80000051  }
0xc6: {  	_ =	swait.ge [sflag:s29], $0x1  }
0xc7: {  	[sflag:s29] =	ssyncadd.s32 $0xFFFFFFFF  }
0xc8: {  	_ =	strace $0x90000051  }
0xc9: {  	_ =	sfence  }
0xca: {  	s30 =	sld [smem:$0x0];
	_ =	sdelay $0x2  }
0xcb: {  	s31 =	sshll.u32 s1, $0xD;
	s1 =	sshrl.u32 s1, $0x2  }
0xcc: {  	s4 =	sand.u32 $0x4000, s31;
	s1 =	sadd.s32 s1, s30  }
0xcd: {  	s0 =	sor.u32 s4, s0;
	s1 =	sshll.u32 s1, $0x11  }
0xce: {  	s0 =	sor.u32 s1, s0  }
0xcf: {  	s0 =	sadd.s32 $0x8F2B, s0  }
0xd0: {  	[sflag:s0] =	ssyncadd.remote.s32 $0x1  }
0xd1: {  	_ =	sfence.sel $0xFFFF  }
0xd2: {  	[dreg:$0x0] =	wrdreg $0xFFFFFFFF;
	(pc) =	sbr.abs _section_cstart, $3  }
0xd3: {  	[dreg:$0x1] =	wrdreg $0xFFFFFFFF  }
0xd4: {  	_ =	task.clear_ibuf [dreg:s22], $0x2FFFF;
	_ =	strace $0x9FFFFFFF  }
0xd5: {  	(tm) =	ssettm $0x7FFFFFFF  }
tec
execute0_lowered:
.L_overlay_start_1:
0x0: {  	(tag) =	ssettag $0x1  }
0x1: {  	s0 =	rddreg [dreg:$0x0]  }
0x2: {  	s1 =	rddreg [dreg:$0x1]  }
0x3: {  	s2 =	rddreg [dreg:$0x2]  }
0x4: {  	s3 =	rddreg [dreg:$0x3];
	s4 =	simm.s32 $0x0  }
0x5: {  	s5 =	srdreg.scid;
	s8 =	stileid.u32;
	s29 =	simm.s32 $0x600  }
0x6: {  	s30 =	simm.s32 $0x4600;
	s31 =	simm.s32 $0x4;
	[smem:$0x7FF] =	sst s4  }
0x7: {  	s6 =	sadd.s32 $0xC70400, s0;
	s7 =	sadd.s32 $0xCA1200, s0;
	s5 =	sand.u32 $0x1, s5  }
0x8: {  	s9 =	sshll.u32 s8, $0x1;
	s8 =	sadd.s32 $0x931200, s0;
	s10 =	sadd.s32 $0xCD2000, s0  }
0x9: {  	_ =	strace $0x80000050;
	s9 =	sor.u32 s5, s9;
	s5 =	ssub.s32 $0x2, s5  }
0xa: {  	[dreg:$0x5] =	wrdreg s10;
	s20 =	sshll.u32 s9, $0x7;
	s11 =	sshrl.u32 s5, $0x1  }
0xb: {  	s21 =	sshll.u32 s9, $0x5;
	s24 =	sshll.u32 s9, $0xA;
	s17 =	sor.u32 $0x40, s9  }
0xc: {  	s18 =	sor.u32 $0x60, s9;
	s0 =	sadd.s32 s20, s0;
	s22 =	sadd.s32 s1, s21  }
0xd: {  	s5 =	ssub.s32 s5, s11;
	s23 =	sadd.s32 s2, s21;
	[dreg:$0x6] =	wrdreg s22  }
0xe: {  	s12 =	sadd.s32 s3, s21;
	s11 =	sadd.s32 s8, s24;
	[dreg:$0x7] =	wrdreg s23  }
0xf: {  	s10 =	sor.u32 $0x400, s21;
	s21 =	sor.u32 $0x20, s9;
	[dreg:$0x8] =	wrdreg s12  }
0x10: {  	s9 =	simm.s32 $0x2600;
	[dreg:$0x9] =	wrdreg s11;
	s25 =	sadd.s32 s1, s10  }
0x11: {  	s24 =	simm.s32 $0x6600;
	s26 =	sadd.s32 s2, s10;
	[dreg:$0xa] =	wrdreg s25  }
.Ltmp0:
0x12: {  	s10 =	sadd.s32 s3, s10;
	[dreg:$0xb] =	wrdreg s26;
	(pc) =	sbr.rel .LBB2_1-.Ltmp0, $4  }
0x13: {  	s0 =	sadd.s32 $0xCD2200, s0;
	s28 =	smax.u32 s5, $0x1;
	[dreg:$0xc] =	wrdreg s10  }
0x14: {  	v0 =	vlaneseq.u32;
	s23 =	simm.s32 $0x5;
	s22 =	simm.s32 $0x8600;
	[dreg:$0xd] =	wrdreg s0  }
0x15: {  	v1 =	vimm.f32 $0.0e+00;
	v2 =	vand.u32 $0x7, v0;
	s5 =	simm.s32 $0x3;
	[dreg:$0xe] =	wrdreg s28;
	s26 =	simm.s32 $0x1  }
0x16: {  	v3 =	vmul.u32 $0x20, v0;
	v4 =	vmul.u32 $0x21, v2;
	v5 =	vmul.u32 $0x20, v2;
	s25 =	simm.s32 $0xC600;
	s0 =	simm.s32 $0xA600;
	s10 =	simm.s32 $0x0  }
.LBB2_12:
0x17: {  	s11 =	rddreg [dreg:$0xd]  }
0x18: {  	[hbm4b:s11+s4] =	stream.linear.scatter [tilespmem:s25], [sflag:$0x5], $0x400, $0x38;
	[tilespmem:$0xCA10] =	vst v63  }
0x19: {  	_ =	swait.ge [sflag:s23], $0x400  }
0x1a: {  	s10 =	sadd.s32 $0x1, s10;
	s28 =	rddreg [dreg:$0xe]  }
0x1b: {  	p0 =	sne.s32 s10, s28  }
.Ltmp1:
0x1c: {  	_ = 	snop;
	(pc) =	sbr.rel @!p0 .LBB2_13-.Ltmp1, $3  }
0x1d: {  	_ =	sdelay $0x1  }
0x1e: {  	[sflag:s23] =	ssyncset.done $0x0  }
0x1f: {  	[sflag:s23] =	ssyncadd.s32 $0xFFFFFC00  }
.LBB2_1:
0x20: {  	[tilespmem:$0xC600] =	vst v1  }
0x21: {  	[tilespmem:$0xC610] =	vst v1  }
0x22: {  	[tilespmem:$0xC620] =	vst v1  }
0x23: {  	[tilespmem:$0xC630] =	vst v1  }
0x24: {  	[tilespmem:$0xC640] =	vst v1  }
0x25: {  	[tilespmem:$0xC650] =	vst v1  }
0x26: {  	[tilespmem:$0xC660] =	vst v1  }
0x27: {  	[tilespmem:$0xC670] =	vst v1  }
0x28: {  	[tilespmem:$0xC680] =	vst v1  }
0x29: {  	[tilespmem:$0xC690] =	vst v1  }
0x2a: {  	[tilespmem:$0xC6A0] =	vst v1  }
0x2b: {  	[tilespmem:$0xC6B0] =	vst v1  }
0x2c: {  	[tilespmem:$0xC6C0] =	vst v1  }
0x2d: {  	[tilespmem:$0xC6D0] =	vst v1  }
0x2e: {  	[tilespmem:$0xC6E0] =	vst v1  }
0x2f: {  	[tilespmem:$0xC6F0] =	vst v1  }
0x30: {  	[tilespmem:$0xC700] =	vst v1  }
0x31: {  	[tilespmem:$0xC710] =	vst v1  }
0x32: {  	[tilespmem:$0xC720] =	vst v1  }
0x33: {  	[tilespmem:$0xC730] =	vst v1  }
0x34: {  	[tilespmem:$0xC740] =	vst v1  }
0x35: {  	[tilespmem:$0xC750] =	vst v1  }
0x36: {  	[tilespmem:$0xC760] =	vst v1  }
0x37: {  	[tilespmem:$0xC770] =	vst v1  }
0x38: {  	[tilespmem:$0xC780] =	vst v1  }
0x39: {  	[tilespmem:$0xC790] =	vst v1  }
0x3a: {  	[tilespmem:$0xC7A0] =	vst v1  }
0x3b: {  	[tilespmem:$0xC7B0] =	vst v1  }
0x3c: {  	[tilespmem:$0xC7C0] =	vst v1  }
0x3d: {  	[tilespmem:$0xC7D0] =	vst v1  }
0x3e: {  	[tilespmem:$0xC7E0] =	vst v1  }
0x3f: {  	[tilespmem:$0xC7F0] =	vst v1  }
0x40: {  	[tilespmem:$0xC800] =	vst v1  }
0x41: {  	[tilespmem:$0xC810] =	vst v1  }
0x42: {  	[tilespmem:$0xC820] =	vst v1  }
0x43: {  	[tilespmem:$0xC830] =	vst v1  }
0x44: {  	[tilespmem:$0xC840] =	vst v1  }
0x45: {  	[tilespmem:$0xC850] =	vst v1  }
0x46: {  	[tilespmem:$0xC860] =	vst v1  }
0x47: {  	[tilespmem:$0xC870] =	vst v1  }
0x48: {  	[tilespmem:$0xC880] =	vst v1  }
0x49: {  	[tilespmem:$0xC890] =	vst v1  }
0x4a: {  	[tilespmem:$0xC8A0] =	vst v1  }
0x4b: {  	[tilespmem:$0xC8B0] =	vst v1  }
0x4c: {  	[tilespmem:$0xC8C0] =	vst v1  }
0x4d: {  	[tilespmem:$0xC8D0] =	vst v1  }
0x4e: {  	[tilespmem:$0xC8E0] =	vst v1  }
0x4f: {  	[tilespmem:$0xC8F0] =	vst v1  }
0x50: {  	[tilespmem:$0xC900] =	vst v1  }
0x51: {  	[tilespmem:$0xC910] =	vst v1  }
0x52: {  	[tilespmem:$0xC920] =	vst v1  }
0x53: {  	[tilespmem:$0xC930] =	vst v1  }
0x54: {  	[tilespmem:$0xC940] =	vst v1  }
0x55: {  	[tilespmem:$0xC950] =	vst v1  }
0x56: {  	[tilespmem:$0xC960] =	vst v1  }
0x57: {  	[tilespmem:$0xC970] =	vst v1  }
0x58: {  	[tilespmem:$0xC980] =	vst v1  }
0x59: {  	[tilespmem:$0xC990] =	vst v1  }
0x5a: {  	[tilespmem:$0xC9A0] =	vst v1  }
0x5b: {  	[tilespmem:$0xC9B0] =	vst v1  }
0x5c: {  	[tilespmem:$0xC9C0] =	vst v1  }
0x5d: {  	[tilespmem:$0xC9D0] =	vst v1  }
0x5e: {  	[tilespmem:$0xC9E0] =	vst v1  }
0x5f: {  	[tilespmem:$0xC9F0] =	vst v1;
	s11 =	rddreg [dreg:$0x5];
	s12 =	simm.s32 $0xCA00  }
0x60: {  	[tilespmem:s12], [sflag:$0x5] =	stream.linear.gather [hbm4b:s11+s4], $0x10, $0x38;
	[tilespmem:$0xCA10] =	vst v63  }
0x61: {  	_ =	swait.ge [sflag:s23], $0x10  }
0x62: {  	[sflag:s23] =	ssyncset.done $0x0  }
0x63: {  	s12 =	rddreg [dreg:$0x6];
	[sflag:s23] =	ssyncadd.s32 $0xFFFFFFF0  }
0x64: {  	v6 =	vld [tilespmem:$0xCA00];
	[tilespmem:s4], [sflag:$0x1] =	stream.linear.gather [hbm4b:s12+s4], $0x100, $0x38  }
0x65: {  	s14 =	simm.s32 $0x200;
	s13 =	rddreg [dreg:$0x7]  }
0x66: {  	[tilespmem:s14], [sflag:$0x1] =	stream.linear.gather [hbm4b:s13+s4], $0x100, $0x38;
	[tilespmem:$0xCA10] =	vst v63  }
0x67: {  	s15 =	rddreg [dreg:$0x8];
	s13 =	simm.s32 $0x400  }
0x68: {  	[tilespmem:s13], [sflag:$0x1] =	stream.linear.gather [hbm4b:s15+s4], $0x100, $0x38;
	[tilespmem:$0xCA10] =	vst v63  }
0x69: {  	_ =	swait.ge [sflag:s26], $0x100  }
0x6a: {  	[sflag:s26] =	ssyncset.done $0x0  }
0x6b: {  	[sflag:s26] =	ssyncadd.s32 $0xFFFFFF00  }
0x6c: {  	_ =	swait.ge [sflag:s26], $0x100  }
0x6d: {  	[sflag:s26] =	ssyncset.done $0x0  }
0x6e: {  	[sflag:s26] =	ssyncadd.s32 $0xFFFFFF00  }
0x6f: {  	_ =	swait.ge [sflag:s26], $0x100  }
0x70: {  	[sflag:s26] =	ssyncset.done $0x0  }
0x71: {  	s16 =	simm.s32 $0x80;
	[sflag:s26] =	ssyncadd.s32 $0xFFFFFF00  }
0x72: {  	[tilespmem:s29], [sflag:$0x3] =	stream.indirect.gather [hbm4b:s6+s16], $0x20, s4, s16, $0xb8;
	[tilespmem:$0xCA10] =	vst v63  }
0x73: {  	_ = 	snop  }
0x74: {  	[tilespmem:s30], [sflag:$0x3] =	stream.indirect.gather [hbm4b:s7+s16], $0x20, s14, s16, $0xb8;
	[tilespmem:$0xCA10] =	vst v63  }
0x75: {  	s19 =	simm.s32 $0x1600  }
0x76: {  	[tilespmem:s19], [sflag:$0x3] =	stream.indirect.gather [hbm4b:s6+s16], $0x20, s16, s16, $0xb8;
	[tilespmem:$0xCA10] =	vst v63  }
0x77: {  	s20 =	simm.s32 $0x280;
	s28 =	simm.s32 $0x5600  }
0x78: {  	[tilespmem:s28], [sflag:$0x3] =	stream.indirect.gather [hbm4b:s7+s16], $0x20, s20, s16, $0xb8;
	[tilespmem:$0xCA10] =	vst v63  }
0x79: {  	s13 =	rddreg [dreg:$0x9]  }
0x7a: {  	[tilespmem:s22], [sflag:$0x3] =	stream.linear.gather [hbm4b:s13+s4], $0x2000, $0x38;
	[tilespmem:$0xCA10] =	vst v63  }
0x7b: {  	s15 =	simm.s32 $0x100;
	s14 =	rddreg [dreg:$0xa]  }
0x7c: {  	[tilespmem:s15], [sflag:$0x2] =	stream.linear.gather [hbm4b:s14+s4], $0x100, $0x38;
	[tilespmem:$0xCA10] =	vst v63  }
.Ltmp2:
0x7d: {  	_ = 	snop;
	(pc) =	sbr.rel .LBB2_2-.Ltmp2, $4  }
0x7e: {  	s19 =	simm.s32 $0x300;
	s16 =	rddreg [dreg:$0xb]  }
0x7f: {  	[tilespmem:s19], [sflag:$0x2] =	stream.linear.gather [hbm4b:s16+s4], $0x100, $0x38;
	[tilespmem:$0xCA10] =	vst v63  }
0x80: {  	s11 =	simm.s32 $0x0;
	s20 =	rddreg [dreg:$0xc];
	s28 =	simm.s32 $0x500  }
0x81: {  	[tilespmem:s28], [sflag:$0x2] =	stream.linear.gather [hbm4b:s20+s4], $0x100, $0x38;
	[tilespmem:$0xCA10] =	vst v63  }
.LBB2_11:
0x82: {  	s12 =	sadd.s32 s18, s12  }
0x83: {  	p0 =	sgt.u32 s12, $0xC34  }
0x84: {  	s12 =	sshll.u32 @!p0 s12, $0x5  }
0x85: {  	s14 =	simm.s32 @!p0 $0x0;
	s15 =	simm.s32 @!p0 $0x100;
	s13 =	sadd.s32 @!p0 s1, s12  }
0x86: {  	[tilespmem:s15], [sflag:$0x2] =	stream.linear.gather @!p0 [hbm4b:s13+s14], $0x100, $0x38;
	[tilespmem:$0xCA10] =	vst v63  }
0x87: {  	s13 =	sadd.s32 @!p0 s2, s12;
	s15 =	simm.s32 @!p0 $0x300  }
0x88: {  	[tilespmem:s15], [sflag:$0x2] =	stream.linear.gather @!p0 [hbm4b:s13+s14], $0x100, $0x38;
	[tilespmem:$0xCA10] =	vst v63  }
0x89: {  	s11 =	sadd.s32 $0x1, s11;
	s12 =	sadd.s32 @!p0 s3, s12;
	s13 =	simm.s32 @!p0 $0x500  }
0x8a: {  	[tilespmem:s13], [sflag:$0x2] =	stream.linear.gather @!p0 [hbm4b:s12+s14], $0x100, $0x38;
	[tilespmem:$0xCA10] =	vst v63  }
0x8b: {  	p0 =	sne.s32 s11, $0x31  }
.Ltmp3:
0x8c: {  	_ = 	snop;
	(pc) =	sbr.rel @!p0 .LBB2_12-.Ltmp3, $1  }
0x8d: {  	_ =	sdelay $0x3  }
.LBB2_2:
0x8e: {  	s12 =	sshll.u32 s11, $0x6  }
0x8f: {  	s13 =	sor.u32 s21, s12  }
0x90: {  	p0 =	sgt.u32 s13, $0xC34  }
0x91: {  	s14 =	simm.s32 @!p0 $0x2  }
0x92: {  	_ =	swait.ge @!p0 [sflag:s14], $0x100  }
0x93: {  	[sflag:s14] =	ssyncset.done @!p0 $0x0  }
0x94: {  	[sflag:s14] =	ssyncadd.s32 @!p0 $0xFFFFFF00  }
0x95: {  	_ =	swait.ge @!p0 [sflag:s14], $0x100  }
0x96: {  	[sflag:s14] =	ssyncset.done @!p0 $0x0  }
0x97: {  	[sflag:s14] =	ssyncadd.s32 @!p0 $0xFFFFFF00  }
0x98: {  	_ =	swait.ge @!p0 [sflag:s14], $0x100  }
0x99: {  	s15 =	simm.s32 @!p0 $0x100;
	[sflag:s14] =	ssyncset.done @!p0 $0x0  }
0x9a: {  	s16 =	simm.s32 @!p0 $0x2600;
	[sflag:s14] =	ssyncadd.s32 @!p0 $0xFFFFFF00;
	s14 =	simm.s32 @!p0 $0x80  }
0x9b: {  	[tilespmem:s16], [sflag:$0x4] =	stream.indirect.gather @!p0 [hbm4b:s6+s14], $0x20, s15, s14, $0xb8;
	[tilespmem:$0xCA10] =	vst v63  }
0x9c: {  	s15 =	simm.s32 @!p0 $0x300;
	s16 =	simm.s32 @!p0 $0x6600  }
0x9d: {  	[tilespmem:s16], [sflag:$0x4] =	stream.indirect.gather @!p0 [hbm4b:s7+s14], $0x20, s15, s14, $0xb8;
	[tilespmem:$0xCA10] =	vst v63  }
0x9e: {  	s15 =	simm.s32 @!p0 $0x180;
	s16 =	simm.s32 @!p0 $0x3600  }
0x9f: {  	[tilespmem:s16], [sflag:$0x4] =	stream.indirect.gather @!p0 [hbm4b:s6+s14], $0x20, s15, s14, $0xb8;
	[tilespmem:$0xCA10] =	vst v63  }
0xa0: {  	s13 =	sshll.u32 @!p0 s13, $0xA;
	s15 =	simm.s32 @!p0 $0x380;
	s16 =	simm.s32 @!p0 $0x7600  }
0xa1: {  	[tilespmem:s16], [sflag:$0x4] =	stream.indirect.gather @!p0 [hbm4b:s7+s14], $0x20, s15, s14, $0xb8;
	[tilespmem:$0xCA10] =	vst v63  }
0xa2: {  	s13 =	sadd.s32 @!p0 s8, s13;
	s14 =	simm.s32 @!p0 $0x0;
	s15 =	simm.s32 @!p0 $0xA600  }
0xa3: {  	[tilespmem:s15], [sflag:$0x4] =	stream.linear.gather @!p0 [hbm4b:s13+s14], $0x2000, $0x38;
	[tilespmem:$0xCA10] =	vst v63  }
0xa4: {  	_ =	swait.ge [sflag:s5], $0x1000  }
0xa5: {  	[sflag:s5] =	ssyncset.done $0x0  }
0xa6: {  	[sflag:s5] =	ssyncadd.s32 $0xFFFFF000  }
0xa7: {  	_ =	swait.ge [sflag:s5], $0x1000  }
0xa8: {  	[sflag:s5] =	ssyncset.done $0x0  }
0xa9: {  	[sflag:s5] =	ssyncadd.s32 $0xFFFFF000  }
0xaa: {  	_ =	swait.ge [sflag:s5], $0x1000  }
0xab: {  	[sflag:s5] =	ssyncset.done $0x0  }
0xac: {  	[sflag:s5] =	ssyncadd.s32 $0xFFFFF000  }
0xad: {  	_ =	swait.ge [sflag:s5], $0x1000  }
0xae: {  	[sflag:s5] =	ssyncset.done $0x0  }
0xaf: {  	[sflag:s5] =	ssyncadd.s32 $0xFFFFF000  }
0xb0: {  	_ =	swait.ge [sflag:s5], $0x2000  }
0xb1: {  	[sflag:s5] =	ssyncset.done $0x0  }
0xb2: {  	s13 =	simm.s32 $0x0;
	[sflag:s5] =	ssyncadd.s32 $0xFFFFE000  }
.LBB2_3:
0xb3: {  	s14 =	sshll.u32 s13, $0x4;
	s15 =	simm.s32 $0x0  }
0xb4: {  	s19 =	simm.s32 $0x1;
	v7 =	vmov s14;
	v9 =	vadd.s32 s15, v0  }
0xb5: {  	s20 =	simm.s32 $0x5;
	v7 =	vshll.u32 v7, $0x5;
	v10 =	vand.u32 $0x18, v9;
	v9 =	vadd.s32 s19, v0  }
0xb6: {  	s16 =	simm.s32 $0x3;
	v15 =	vadd.s32 s20, v0;
	v7 =	vor.u32 v3, v7;
	v13 =	vand.u32 $0x1F, v9  }
0xb7: {  	v19 =	vadd.s32 s16, v0;
	v15 =	vand.u32 $0x1F, v15;
	v14 =	vor.u32 v7, v13  }
0xb8: {  	v19 =	vand.u32 $0x1F, v19;
	v17 =	vor.u32 v7, v15  }
0xb9: {  	s19 =	simm.s32 $0x4;
	v8 =	vor.u32 v2, v7;
	v25 =	vor.u32 v7, v19  }
0xba: {  	v20 =	vadd.s32 s19, v0;
	v11 =	vor.u32 v8, v10  }
0xbb: {  	v12 =	vand.u32 $0x1F00, v7;
	v20 =	vand.u32 $0x1F, v20  }
0xbc: {  	v9 =	vor.u32 v4, v12;
	v26 =	vor.u32 v7, v20;
	v22 =	vld.idx.msk [tilespmem:v14+s30+$0x0], $0xffff  }
0xbd: {  	v16 =	vor.u32 v10, v9;
	v23 =	vld.idx.msk [tilespmem:v17+s30+$0x0], $0xffff  }
0xbe: {  	v34 =	vld.idx.msk [tilespmem:v25+s30+$0x0], $0xffff  }
0xbf: {  	s28 =	simm.s32 $0x2;
	v10 =	vor.u32 v5, v12;
	v18 =	vld.idx.msk [tilespmem:v11+s30+$0x0], $0xffff  }
0xc0: {  	v12 =	vadd.s32 s28, v0;
	v15 =	vor.u32 v15, v10;
	v11 =	vld.idx.msk [tilespmem:v11+s29+$0x0], $0xffff  }
0xc1: {  	v12 =	vand.u32 $0x1F, v12;
	v19 =	vor.u32 v19, v10;
	v35 =	vld.idx.msk [tilespmem:v26+s29+$0x0], $0xffff  }
0xc2: {  	s20 =	simm.s32 $0x6;
	v21 =	vor.u32 v7, v12;
	v24 =	vld.idx.msk [tilespmem:v16+s22+$0x0], $0xffff  }
0xc3: {  	v16 =	vor.u32 v20, v10;
	v20 =	vld.idx.msk [tilespmem:v14+s29+$0x0], $0xffff;
	v14 =	vadd.s32 s20, v0  }
0xc4: {  	v30 =	vor.u32 v13, v10;
	v25 =	vld.idx.msk [tilespmem:v25+s29+$0x0], $0xffff;
	v27 =	vand.u32 $0x1F, v14  }
0xc5: {  	v31 =	vor.u32 v12, v10;
	v15 =	vld.idx.msk [tilespmem:v15+s22+$0x0], $0xffff;
	v14 =	vimm.f32 $0.0e+00;
	v29 =	vor.u32 v7, v27  }
0xc6: {  	v44 =	vld.idx.msk [tilespmem:v19+s22+$0x0], $0xffff;
	v27 =	vor.u32 v27, v10;
	v40 =	vand.u32 $0xFFFF0000, v22;
	v37 =	vshll.u32 v22, $0x10  }
0xc7: {  	v28 =	vld.idx.msk [tilespmem:v21+s30+$0x0], $0xffff;
	v38 =	vand.u32 $0xFFFF0000, v23;
	v36 =	vand.u32 $0xFFFF0000, v18;
	v12 =	vand.u32 $0xFFFF0000, v11  }
0xc8: {  	s28 =	simm.s32 $0x7;
	v21 =	vld.idx.msk [tilespmem:v21+s29+$0x0], $0xffff;
	v11 =	vshll.u32 v11, $0x10;
	v18 =	vshll.u32 v18, $0x10;
	v60 =	vshll.u32 v35, $0x10  }
0xc9: {  	v32 =	vld.idx.msk [tilespmem:v16+s22+$0x0], $0xffff;
	v13 =	vand.u32 $0xFFFF0000, v24;
	v16 =	vadd.s32 s28, v0;
	v43 =	vand.u32 $0xFFFF0000, v20  }
0xca: {  	v22 =	vld.idx.msk [tilespmem:v17+s29+$0x0], $0xffff;
	v20 =	vshll.u32 v20, $0x10;
	v24 =	vshll.u32 v24, $0x10;
	v39 =	vmul.f32 v12, v13  }
0xcb: {  	v50 =	vld.idx.msk [tilespmem:v26+s30+$0x0], $0xffff;
	v33 =	vand.u32 $0x1F, v16;
	v12 =	vshll.u32 v34, $0x10;
	v61 =	vshll.u32 v15, $0x10  }
0xcc: {  	v31 =	vld.idx.msk [tilespmem:v31+s22+$0x0], $0xffff;
	v15 =	vand.u32 $0xFFFF0000, v15;
	v11 =	vmul.f32 v11, v24;
	v49 =	vand.u32 $0xFFFF0000, v44  }
0xcd: {  	v34 =	vand.u32 $0xFFFF0000, v34;
	v41 =	vld.idx.msk [tilespmem:v29+s30+$0x0], $0xffff;
	v42 =	vor.u32 v33, v10;
	v16 =	vshll.u32 v28, $0x10  }
0xce: {  	v17 =	vand.u32 $0xFFFF0000, v28;
	v28 =	vld.idx.msk [tilespmem:v30+s22+$0x0], $0xffff;
	v30 =	vshll.u32 v23, $0x10;
	v45 =	vor.u32 v7, v33  }
0xcf: {  	v29 =	vld.idx.msk [tilespmem:v29+s29+$0x0], $0xffff;
	v46 =	vshll.u32 v21, $0x10;
	v21 =	vand.u32 $0xFFFF0000, v21;
	v19 =	vand.u32 $0xFFFF0000, v22  }
0xd0: {  	v27 =	vld.idx.msk [tilespmem:v27+s22+$0x0], $0xffff;
	v22 =	vshll.u32 v22, $0x10;
	v11 =	vmul.f32 v18, v11;
	v39 =	vmul.f32 v36, v39  }
0xd1: {  	v36 =	vshll.u32 v25, $0x10;
	v15 =	vmul.f32 v19, v15;
	v22 =	vmul.f32 v22, v61  }
0xd2: {  	v13 =	vand.u32 $0xFFFF0000, v32;
	v23 =	vshll.u32 v32, $0x10;
	v26 =	vadd.f32 v11, v14  }
0xd3: {  	v11 =	vand.u32 $0xFFFF0000, v31;
	v23 =	vmul.f32 v60, v23;
	v19 =	vmul.f32 v38, v15  }
0xd4: {  	v18 =	vmul.f32 v30, v22;
	v38 =	vshll.u32 v50, $0x10;
	v47 =	vshll.u32 v29, $0x10  }
0xd5: {  	v24 =	vshll.u32 v27, $0x10;
	v48 =	vshll.u32 v28, $0x10;
	v29 =	vand.u32 $0xFFFF0000, v29  }
0xd6: {  	v63 =	vand.u32 $0xFFFF0000, v28;
	v28 =	vshll.u32 v31, $0x10;
	v31 =	vmul.f32 v21, v11  }
0xd7: {  	v42 =	vld.idx.msk [tilespmem:v42+s22+$0x0], $0xffff;
	v22 =	vand.u32 $0xFFFF0000, v27;
	v15 =	vmul.f32 v47, v24;
	v27 =	vmul.f32 v20, v48  }
0xd8: {  	v62 =	vshll.u32 v41, $0x10;
	v33 =	vld.idx.msk [tilespmem:v45+s29+$0x0], $0xffff;
	v22 =	vmul.f32 v29, v22;
	v30 =	vmul.f32 v46, v28  }
0xd9: {  	v20 =	vand.u32 $0xFFFF0000, v50;
	v28 =	vand.u32 $0xFFFF0000, v35;
	v21 =	vmul.f32 v43, v63  }
0xda: {  	v35 =	vshll.u32 v44, $0x10;
	v15 =	vmul.f32 v62, v15;
	v29 =	vmul.f32 v37, v27  }
0xdb: {  	v27 =	vand.u32 $0xFFFF0000, v25;
	v40 =	vmul.f32 v40, v21;
	v21 =	vimm.f32 $0.0e+00  }
0xdc: {  	v11 =	vld [tilespmem:s14+$0x400];
	v37 =	vmul.f32 v27, v49;
	v27 =	vand.u32 $0xFFFF0000, v41;
	v24 =	vshll.u32 v42, $0x10  }
0xdd: {  	s14 =	simm.s32 $0xF;
	v32 =	vand.u32 $0xFFFF0000, v42;
	v25 =	vadd.f32 v29, v14;
	v29 =	vld.idx.msk [tilespmem:v45+s30+$0x0], $0xffff;
	v41 =	vand.u32 $0xFFFF0000, v33  }
.LBB2_4:
0xde: {  	s16 =	sadd.s32 $0xFFFFFFF9, s14  }
0xdf: {  	s19 =	sadd.s32 $0xFFFFFFFA, s14;
	s20 =	sadd.s32 $0xFFFFFFFC, s14;
	v23 =	vmul.f32 v38, v23;
	v33 =	vshll.u32 v33, $0x10;
	v32 =	vmul.f32 v41, v32;
	s15 =	smov.u32 s14  }
0xe0: {  	v14 =	vadd.f32 v39, v14;
	v38 =	vadd.s32 s16, v0;
	v41 =	vadd.s32 s19, v0;
	s19 =	sadd.s32 $0xFFFFFFFD, s15;
	s28 =	sadd.s32 $0xFFFFFFFE, s15;
	s16 =	sadd.s32 $0x8, s14  }
0xe1: {  	p1 =	sne.s32 s14, $0x1F;
	v21 =	vadd.f32 v40, v21;
	v38 =	vand.u32 $0x18, v38;
	v39 =	vand.u32 $0x1F, v41  }
0xe2: {  	v34 =	vmul.f32 v34, v37;
	v40 =	vor.u32 v38, v9;
	v38 =	vor.u32 v8, v38  }
0xe3: {  	v17 =	vmul.f32 v17, v31;
	s14 =	sadd.s32 $0xFFFFFFFB, s15;
	v41 =	vadd.s32 s19, v0;
	v37 =	vor.u32 v7, v39  }
0xe4: {  	v16 =	vmul.f32 v16, v30;
	v31 =	vadd.s32 s14, v0;
	v42 =	vadd.s32 s28, v0  }
0xe5: {  	v35 =	vmul.f32 v36, v35;
	v30 =	vand.u32 $0x1F, v31;
	v31 =	vand.u32 $0x1F, v42  }
0xe6: {  	v16 =	vadd.f32 v16, v26;
	v36 =	vor.u32 v31, v10;
	v31 =	vor.u32 v7, v31  }
0xe7: {  	v41 =	vand.u32 $0x1F, v41;
	v21 =	vadd.f32 v34, v21;
	v42 =	vor.u32 v7, v30;
	v26 =	vld.idx.msk [tilespmem:v38+s30+$0x0], $0xffff  }
0xe8: {  	v24 =	vmul.f32 v33, v24;
	v34 =	vld.idx.msk [tilespmem:v38+s29+$0x0], $0xffff;
	v38 =	vor.u32 v39, v10;
	v39 =	vadd.s32 s20, v0  }
0xe9: {  	v14 =	vadd.f32 v17, v14;
	v43 =	vor.u32 v7, v41;
	v33 =	vld.idx.msk [tilespmem:v37+s30+$0x0], $0xffff;
	v39 =	vand.u32 $0x1F, v39  }
0xea: {  	v13 =	vmul.f32 v28, v13;
	v40 =	vld.idx.msk [tilespmem:v40+s22+$0x0], $0xffff;
	v17 =	vor.u32 v39, v10;
	v39 =	vor.u32 v7, v39  }
0xeb: {  	v22 =	vmul.f32 v27, v22;
	s14 =	sadd.s32 $0xFFFFFFFF, s15;
	v12 =	vmul.f32 v12, v35;
	v28 =	vor.u32 v41, v10;
	v41 =	vld.idx.msk [tilespmem:v31+s30+$0x0], $0xffff  }
0xec: {  	v35 =	vadd.s32 s14, v0;
	v27 =	vld.idx.msk [tilespmem:v37+s29+$0x0], $0xffff;
	v37 =	vshll.u32 v29, $0x10;
	v29 =	vand.u32 $0xFFFF0000, v29  }
0xed: {  	v30 =	vor.u32 v30, v10;
	v35 =	vand.u32 $0x1F, v35;
	v19 =	vadd.f32 v19, v21;
	v36 =	vld.idx.msk [tilespmem:v36+s22+$0x0], $0xffff  }
0xee: {  	v13 =	vmul.f32 v20, v13;
	v45 =	vor.u32 v35, v10;
	v20 =	vmul.f32 v29, v32;
	v44 =	vld.idx.msk [tilespmem:v42+s30+$0x0], $0xffff  }
0xef: {  	v12 =	vadd.f32 v12, v25;
	v32 =	vor.u32 v7, v35;
	v29 =	vld.idx.msk [tilespmem:v43+s29+$0x0], $0xffff  }
0xf0: {  	v16 =	vadd.f32 v23, v16;
	v13 =	vadd.f32 v13, v14;
	v23 =	vmul.f32 v37, v24;
	v25 =	vld.idx.msk [tilespmem:v39+s30+$0x0], $0xffff  }
0xf1: {  	v12 =	vadd.f32 v18, v12;
	v35 =	vand.u32 $0xFFFF0000, v26;
	v21 =	vadd.f32 v20, v19;
	v24 =	vld.idx.msk [tilespmem:v28+s22+$0x0], $0xffff  }
0xf2: {  	v14 =	vadd.f32 v22, v13;
	v46 =	vand.u32 $0xFFFF0000, v33;
	v20 =	vadd.f32 v15, v16;
	v47 =	vld.idx.msk [tilespmem:v17+s22+$0x0], $0xffff  }
0xf3: {  	v13 =	vand.u32 $0xFFFF0000, v34;
	v28 =	vshll.u32 v33, $0x10;
	v15 =	vld.idx.msk [tilespmem:v42+s29+$0x0], $0xffff;
	v42 =	vadd.f32 v23, v12  }
0xf4: {  	v18 =	vshll.u32 v34, $0x10;
	v16 =	vadd.s32 s15, v0;
	v12 =	vand.u32 $0xFFFF0000, v40;
	v19 =	vld.idx.msk [tilespmem:v31+s29+$0x0], $0xffff  }
0xf5: {  	v22 =	vshll.u32 v26, $0x10;
	v23 =	vand.u32 $0x1F, v16;
	v48 =	vmul.f32 v13, v12;
	v49 =	vld.idx.msk [tilespmem:v32+s30+$0x0], $0xffff  }
0xf6: {  	v26 =	vand.u32 $0xFFFF0000, v41;
	v12 =	vshll.u32 v25, $0x10;
	v31 =	vld.idx.msk [tilespmem:v32+s29+$0x0], $0xffff;
	v32 =	vor.u32 v23, v10  }
0xf7: {  	v16 =	vshll.u32 v44, $0x10;
	v17 =	vand.u32 $0xFFFF0000, v44;
	v13 =	vand.u32 $0xFFFF0000, v24;
	v33 =	vld.idx.msk [tilespmem:v45+s22+$0x0], $0xffff  }
0xf8: {  	v37 =	vand.u32 $0xFFFF0000, v27;
	v34 =	vld.idx.msk [tilespmem:v38+s22+$0x0], $0xffff;
	v38 =	vshll.u32 v41, $0x10;
	v41 =	vor.u32 v7, v23  }
0xf9: {  	v44 =	vshll.u32 v36, $0x10;
	v23 =	vshll.u32 v24, $0x10;
	v24 =	vshll.u32 v29, $0x10  }
0xfa: {  	v23 =	vmul.f32 v24, v23;
	v24 =	vand.u32 $0xFFFF0000, v36;
	v45 =	vld.idx.msk [tilespmem:v30+s22+$0x0], $0xffff;
	v30 =	vand.u32 $0xFFFF0000, v19  }
0xfb: {  	v27 =	vshll.u32 v27, $0x10;
	v36 =	vshll.u32 v15, $0x10;
	v50 =	vshll.u32 v49, $0x10;
	v32 =	vld.idx.msk [tilespmem:v32+s22+$0x0], $0xffff  }
0xfc: {  	v40 =	vshll.u32 v40, $0x10;
	v24 =	vmul.f32 v30, v24;
	v30 =	vshll.u32 v31, $0x10  }
0xfd: {  	v18 =	vmul.f32 v18, v40;
	v40 =	vand.u32 $0xFFFF0000, v15;
	v15 =	vshll.u32 v33, $0x10  }
0xfe: {  	v52 =	vand.u32 $0xFFFF0000, v47;
	v31 =	vand.u32 $0xFFFF0000, v31;
	v51 =	vshll.u32 v34, $0x10;
	v43 =	vld.idx.msk [tilespmem:v43+s30+$0x0], $0xffff  }
0xff: {  	v15 =	vmul.f32 v30, v15;
	v53 =	vld.idx.msk [tilespmem:v39+s29+$0x0], $0xffff;
	v39 =	vshll.u32 v19, $0x10;
	v19 =	vmul.f32 v26, v24  }
0x100: {  	v54 =	vand.u32 $0xFFFF0000, v34;
	v30 =	vshll.u32 v45, $0x10;
	v26 =	vmul.f32 v39, v44  }
0x101: {  	v22 =	vmul.f32 v22, v18;
	v15 =	vmul.f32 v50, v15;
	v24 =	vshll.u32 v32, $0x10  }
0x102: {  	v34 =	vand.u32 $0xFFFF0000, v33;
	v32 =	vand.u32 $0xFFFF0000, v32;
	v18 =	vmul.f32 v38, v26;
	v33 =	vld.idx.msk [tilespmem:v41+s29+$0x0], $0xffff  }
0x103: {  	v27 =	vmul.f32 v27, v51;
	v26 =	vadd.f32 v22, v20;
	v22 =	vmul.f32 v31, v34  }
0x104: {  	v30 =	vmul.f32 v36, v30;
	v38 =	vshll.u32 v43, $0x10;
	v20 =	vand.u32 $0xFFFF0000, v43  }
.Ltmp4:
0x105: {  	v43 =	vmul.f32 v28, v27;
	v27 =	vand.u32 $0xFFFF0000, v45;
	v36 =	vand.u32 $0xFFFF0000, v53;
	(pc) =	sbr.rel @p1 .LBB2_4-.Ltmp4, $4  }
0x106: {  	v34 =	vand.u32 $0xFFFF0000, v25;
	v28 =	vand.u32 $0xFFFF0000, v29;
	v31 =	vmul.f32 v40, v27  }
0x107: {  	v29 =	vmul.f32 v37, v54;
	v27 =	vand.u32 $0xFFFF0000, v49;
	v37 =	vmul.f32 v36, v52  }
0x108: {  	v39 =	vmul.f32 v35, v48;
	v35 =	vshll.u32 v47, $0x10;
	v36 =	vshll.u32 v53, $0x10  }
0x109: {  	s14 =	smov.u32 s16;
	v25 =	vadd.f32 v43, v42;
	v40 =	vmul.f32 v46, v29;
	v29 =	vld.idx.msk [tilespmem:v41+s30+$0x0], $0xffff;
	v41 =	vand.u32 $0xFFFF0000, v33  }
0x10a: {  	v7 =	vmul.f32 v38, v23;
	v9 =	vmul.f32 v41, v32  }
0x10b: {  	v8 =	vshll.u32 v33, $0x10;
	v56 =	vmul.f32 v16, v30;
	v58 =	vmul.f32 v34, v37  }
0x10c: {  	v10 =	vadd.f32 v39, v14;
	v59 =	vmul.f32 v36, v35;
	v17 =	vmul.f32 v17, v31  }
0x10d: {  	v13 =	vmul.f32 v28, v13;
	v60 =	vmul.f32 v27, v22;
	v57 =	vadd.f32 v40, v21  }
0x10e: {  	v8 =	vmul.f32 v8, v24;
	v14 =	vadd.f32 v56, v26;
	v12 =	vmul.f32 v12, v59  }
0x10f: {  	v10 =	vadd.f32 v17, v10;
	v13 =	vmul.f32 v20, v13;
	v16 =	vadd.f32 v58, v57  }
0x110: {  	v61 =	vshll.u32 v29, $0x10;
	v12 =	vadd.f32 v12, v25;
	v7 =	vadd.f32 v7, v14  }
0x111: {  	v62 =	vand.u32 $0xFFFF0000, v29;
	v10 =	vadd.f32 v13, v10;
	v16 =	vadd.f32 v19, v16  }
0x112: {  	v9 =	vmul.f32 v62, v9;
	v8 =	vmul.f32 v61, v8;
	v12 =	vadd.f32 v18, v12  }
0x113: {  	v7 =	vadd.f32 v15, v7;
	v10 =	vadd.f32 v60, v10  }
0x114: {  	v9 =	vadd.f32 v9, v16;
	v8 =	vadd.f32 v8, v12;
	_ =	sdelay $0x1  }
0x115: {  	v63 =	vshll.u32 v11, $0x4;
	s13 =	sadd.s32 $0x1, s13;
	v7 =	vadd.f32 v10, v7;
	v8 =	vadd.f32 v9, v8  }
0x116: {  	p1 =	sne.s32 s13, $0x10;
	v9 =	vor.u32 v0, v63  }
.Ltmp5:
0x117: {  	v7 =	vadd.f32 v8, v7;
	(pc) =	sbr.rel @p1 .LBB2_3-.Ltmp5, $3  }
0x118: {  	_ = 	snop  }
0x119: {  	v7 =	vadd.f32 v7, v6;
	_ =	sdelay $0x1  }
0x11a: {  	[tilespmem:v9+s25+$0x0] =	vst.idx.add.f32.msk $0xffff, v7  }
0x11b: {  	s13 =	sadd.s32 s17, s12  }
0x11c: {  	p1 =	sgt.u32 s13, $0xC34  }
0x11d: {  	s14 =	sshll.u32 @!p1 s13, $0x5  }
0x11e: {  	s16 =	simm.s32 @!p1 $0x0;
	s15 =	sadd.s32 @!p1 s1, s14  }
0x11f: {  	[tilespmem:s16], [sflag:$0x1] =	stream.linear.gather @!p1 [hbm4b:s15+s16], $0x100, $0x38;
	[tilespmem:$0xCA10] =	vst v63  }
0x120: {  	s19 =	simm.s32 @!p1 $0x200;
	s15 =	sadd.s32 @!p1 s2, s14  }
0x121: {  	[tilespmem:s19], [sflag:$0x1] =	stream.linear.gather @!p1 [hbm4b:s15+s16], $0x100, $0x38;
	[tilespmem:$0xCA10] =	vst v63  }
0x122: {  	s14 =	sadd.s32 @!p1 s3, s14;
	s15 =	simm.s32 @!p1 $0x400  }
0x123: {  	[tilespmem:s15], [sflag:$0x1] =	stream.linear.gather @!p1 [hbm4b:s14+s16], $0x100, $0x38;
	[tilespmem:$0xCA10] =	vst v63  }
0x124: {  	s14 =	simm.s32 @!p1 $0x1  }
0x125: {  	_ =	swait.ge @!p1 [sflag:s14], $0x100  }
0x126: {  	[sflag:s14] =	ssyncset.done @!p1 $0x0  }
0x127: {  	[sflag:s14] =	ssyncadd.s32 @!p1 $0xFFFFFF00  }
0x128: {  	_ =	swait.ge @!p1 [sflag:s14], $0x100  }
0x129: {  	[sflag:s14] =	ssyncset.done @!p1 $0x0  }
0x12a: {  	[sflag:s14] =	ssyncadd.s32 @!p1 $0xFFFFFF00  }
0x12b: {  	_ =	swait.ge @!p1 [sflag:s14], $0x100  }
0x12c: {  	[sflag:s14] =	ssyncset.done @!p1 $0x0  }
0x12d: {  	s15 =	simm.s32 @!p1 $0x600;
	[sflag:s14] =	ssyncadd.s32 @!p1 $0xFFFFFF00;
	s14 =	simm.s32 @!p1 $0x80  }
0x12e: {  	[tilespmem:s15], [sflag:$0x3] =	stream.indirect.gather @!p1 [hbm4b:s6+s14], $0x20, s16, s14, $0xb8;
	[tilespmem:$0xCA10] =	vst v63  }
0x12f: {  	s15 =	simm.s32 @!p1 $0x4600  }
0x130: {  	[tilespmem:s15], [sflag:$0x3] =	stream.indirect.gather @!p1 [hbm4b:s7+s14], $0x20, s19, s14, $0xb8;
	[tilespmem:$0xCA10] =	vst v63  }
0x131: {  	s15 =	simm.s32 @!p1 $0x1600  }
0x132: {  	[tilespmem:s15], [sflag:$0x3] =	stream.indirect.gather @!p1 [hbm4b:s6+s14], $0x20, s14, s14, $0xb8;
	[tilespmem:$0xCA10] =	vst v63  }
.Ltmp6:
0x133: {  	_ = 	snop;
	(pc) =	sbr.rel @p0 .LBB2_11-.Ltmp6, $4  }
0x134: {  	s13 =	sshll.u32 @!p1 s13, $0xA;
	s19 =	simm.s32 @!p1 $0x5600;
	s15 =	simm.s32 @!p1 $0x280  }
0x135: {  	[tilespmem:s19], [sflag:$0x3] =	stream.indirect.gather @!p1 [hbm4b:s7+s14], $0x20, s15, s14, $0xb8;
	[tilespmem:$0xCA10] =	vst v63  }
0x136: {  	s13 =	sadd.s32 @!p1 s8, s13;
	s14 =	simm.s32 @!p1 $0x8600  }
0x137: {  	[tilespmem:s14], [sflag:$0x3] =	stream.linear.gather @!p1 [hbm4b:s13+s16], $0x2000, $0x38;
	[tilespmem:$0xCA10] =	vst v63  }
0x138: {  	_ =	swait.ge [sflag:s31], $0x1000  }
0x139: {  	[sflag:s31] =	ssyncset.done $0x0  }
0x13a: {  	[sflag:s31] =	ssyncadd.s32 $0xFFFFF000  }
0x13b: {  	_ =	swait.ge [sflag:s31], $0x1000  }
0x13c: {  	[sflag:s31] =	ssyncset.done $0x0  }
0x13d: {  	[sflag:s31] =	ssyncadd.s32 $0xFFFFF000  }
0x13e: {  	_ =	swait.ge [sflag:s31], $0x1000  }
0x13f: {  	[sflag:s31] =	ssyncset.done $0x0  }
0x140: {  	[sflag:s31] =	ssyncadd.s32 $0xFFFFF000  }
0x141: {  	_ =	swait.ge [sflag:s31], $0x1000  }
0x142: {  	[sflag:s31] =	ssyncset.done $0x0  }
0x143: {  	[sflag:s31] =	ssyncadd.s32 $0xFFFFF000  }
0x144: {  	_ =	swait.ge [sflag:s31], $0x2000  }
0x145: {  	[sflag:s31] =	ssyncset.done $0x0  }
0x146: {  	s13 =	simm.s32 $0x0;
	[sflag:s31] =	ssyncadd.s32 $0xFFFFE000  }
.LBB2_8:
0x147: {  	s14 =	sshll.u32 s13, $0x4;
	s15 =	simm.s32 $0x0  }
0x148: {  	s19 =	simm.s32 $0x1;
	v7 =	vmov s14;
	v9 =	vadd.s32 s15, v0  }
0x149: {  	s20 =	simm.s32 $0x5;
	v7 =	vshll.u32 v7, $0x5;
	v10 =	vand.u32 $0x18, v9;
	v9 =	vadd.s32 s19, v0  }
0x14a: {  	s16 =	simm.s32 $0x3;
	v15 =	vadd.s32 s20, v0;
	v7 =	vor.u32 v3, v7;
	v13 =	vand.u32 $0x1F, v9  }
0x14b: {  	v19 =	vadd.s32 s16, v0;
	v15 =	vand.u32 $0x1F, v15;
	v14 =	vor.u32 v7, v13  }
0x14c: {  	v19 =	vand.u32 $0x1F, v19;
	v17 =	vor.u32 v7, v15  }
0x14d: {  	s19 =	simm.s32 $0x4;
	v8 =	vor.u32 v2, v7;
	v25 =	vor.u32 v7, v19  }
0x14e: {  	v20 =	vadd.s32 s19, v0;
	v11 =	vor.u32 v8, v10  }
0x14f: {  	v12 =	vand.u32 $0x1F00, v7;
	v20 =	vand.u32 $0x1F, v20  }
0x150: {  	v9 =	vor.u32 v4, v12;
	v26 =	vor.u32 v7, v20;
	v22 =	vld.idx.msk [tilespmem:v14+s24+$0x0], $0xffff  }
0x151: {  	v16 =	vor.u32 v10, v9;
	v23 =	vld.idx.msk [tilespmem:v17+s24+$0x0], $0xffff  }
0x152: {  	v34 =	vld.idx.msk [tilespmem:v25+s24+$0x0], $0xffff  }
0x153: {  	s28 =	simm.s32 $0x2;
	v10 =	vor.u32 v5, v12;
	v18 =	vld.idx.msk [tilespmem:v11+s24+$0x0], $0xffff  }
0x154: {  	v12 =	vadd.s32 s28, v0;
	v15 =	vor.u32 v15, v10;
	v11 =	vld.idx.msk [tilespmem:v11+s9+$0x0], $0xffff  }
0x155: {  	v12 =	vand.u32 $0x1F, v12;
	v19 =	vor.u32 v19, v10;
	v35 =	vld.idx.msk [tilespmem:v26+s9+$0x0], $0xffff  }
0x156: {  	s20 =	simm.s32 $0x6;
	v21 =	vor.u32 v7, v12;
	v24 =	vld.idx.msk [tilespmem:v16+s0+$0x0], $0xffff  }
0x157: {  	v16 =	vor.u32 v20, v10;
	v20 =	vld.idx.msk [tilespmem:v14+s9+$0x0], $0xffff;
	v14 =	vadd.s32 s20, v0  }
0x158: {  	v30 =	vor.u32 v13, v10;
	v25 =	vld.idx.msk [tilespmem:v25+s9+$0x0], $0xffff;
	v27 =	vand.u32 $0x1F, v14  }
0x159: {  	v31 =	vor.u32 v12, v10;
	v15 =	vld.idx.msk [tilespmem:v15+s0+$0x0], $0xffff;
	v14 =	vimm.f32 $0.0e+00;
	v29 =	vor.u32 v7, v27  }
0x15a: {  	v44 =	vld.idx.msk [tilespmem:v19+s0+$0x0], $0xffff;
	v27 =	vor.u32 v27, v10;
	v40 =	vand.u32 $0xFFFF0000, v22;
	v37 =	vshll.u32 v22, $0x10  }
0x15b: {  	v28 =	vld.idx.msk [tilespmem:v21+s24+$0x0], $0xffff;
	v38 =	vand.u32 $0xFFFF0000, v23;
	v36 =	vand.u32 $0xFFFF0000, v18;
	v12 =	vand.u32 $0xFFFF0000, v11  }
0x15c: {  	s28 =	simm.s32 $0x7;
	v21 =	vld.idx.msk [tilespmem:v21+s9+$0x0], $0xffff;
	v11 =	vshll.u32 v11, $0x10;
	v18 =	vshll.u32 v18, $0x10;
	v60 =	vshll.u32 v35, $0x10  }
0x15d: {  	v32 =	vld.idx.msk [tilespmem:v16+s0+$0x0], $0xffff;
	v13 =	vand.u32 $0xFFFF0000, v24;
	v16 =	vadd.s32 s28, v0;
	v43 =	vand.u32 $0xFFFF0000, v20  }
0x15e: {  	v22 =	vld.idx.msk [tilespmem:v17+s9+$0x0], $0xffff;
	v20 =	vshll.u32 v20, $0x10;
	v24 =	vshll.u32 v24, $0x10;
	v39 =	vmul.f32 v12, v13  }
0x15f: {  	v50 =	vld.idx.msk [tilespmem:v26+s24+$0x0], $0xffff;
	v33 =	vand.u32 $0x1F, v16;
	v12 =	vshll.u32 v34, $0x10;
	v61 =	vshll.u32 v15, $0x10  }
0x160: {  	v31 =	vld.idx.msk [tilespmem:v31+s0+$0x0], $0xffff;
	v15 =	vand.u32 $0xFFFF0000, v15;
	v11 =	vmul.f32 v11, v24;
	v49 =	vand.u32 $0xFFFF0000, v44  }
0x161: {  	v34 =	vand.u32 $0xFFFF0000, v34;
	v41 =	vld.idx.msk [tilespmem:v29+s24+$0x0], $0xffff;
	v42 =	vor.u32 v33, v10;
	v16 =	vshll.u32 v28, $0x10  }
0x162: {  	v17 =	vand.u32 $0xFFFF0000, v28;
	v28 =	vld.idx.msk [tilespmem:v30+s0+$0x0], $0xffff;
	v30 =	vshll.u32 v23, $0x10;
	v45 =	vor.u32 v7, v33  }
0x163: {  	v29 =	vld.idx.msk [tilespmem:v29+s9+$0x0], $0xffff;
	v46 =	vshll.u32 v21, $0x10;
	v21 =	vand.u32 $0xFFFF0000, v21;
	v19 =	vand.u32 $0xFFFF0000, v22  }
0x164: {  	v27 =	vld.idx.msk [tilespmem:v27+s0+$0x0], $0xffff;
	v22 =	vshll.u32 v22, $0x10;
	v11 =	vmul.f32 v18, v11;
	v39 =	vmul.f32 v36, v39  }
0x165: {  	v36 =	vshll.u32 v25, $0x10;
	v15 =	vmul.f32 v19, v15;
	v22 =	vmul.f32 v22, v61  }
0x166: {  	v13 =	vand.u32 $0xFFFF0000, v32;
	v23 =	vshll.u32 v32, $0x10;
	v26 =	vadd.f32 v11, v14  }
0x167: {  	v11 =	vand.u32 $0xFFFF0000, v31;
	v23 =	vmul.f32 v60, v23;
	v19 =	vmul.f32 v38, v15  }
0x168: {  	v18 =	vmul.f32 v30, v22;
	v38 =	vshll.u32 v50, $0x10;
	v47 =	vshll.u32 v29, $0x10  }
0x169: {  	v24 =	vshll.u32 v27, $0x10;
	v48 =	vshll.u32 v28, $0x10;
	v29 =	vand.u32 $0xFFFF0000, v29  }
0x16a: {  	v63 =	vand.u32 $0xFFFF0000, v28;
	v28 =	vshll.u32 v31, $0x10;
	v31 =	vmul.f32 v21, v11  }
0x16b: {  	v42 =	vld.idx.msk [tilespmem:v42+s0+$0x0], $0xffff;
	v22 =	vand.u32 $0xFFFF0000, v27;
	v15 =	vmul.f32 v47, v24;
	v27 =	vmul.f32 v20, v48  }
0x16c: {  	v62 =	vshll.u32 v41, $0x10;
	v33 =	vld.idx.msk [tilespmem:v45+s9+$0x0], $0xffff;
	v22 =	vmul.f32 v29, v22;
	v30 =	vmul.f32 v46, v28  }
0x16d: {  	v20 =	vand.u32 $0xFFFF0000, v50;
	v28 =	vand.u32 $0xFFFF0000, v35;
	v21 =	vmul.f32 v43, v63  }
0x16e: {  	v35 =	vshll.u32 v44, $0x10;
	v15 =	vmul.f32 v62, v15;
	v29 =	vmul.f32 v37, v27  }
0x16f: {  	v27 =	vand.u32 $0xFFFF0000, v25;
	v40 =	vmul.f32 v40, v21;
	v21 =	vimm.f32 $0.0e+00  }
0x170: {  	v11 =	vld [tilespmem:s14+$0x500];
	v37 =	vmul.f32 v27, v49;
	v27 =	vand.u32 $0xFFFF0000, v41;
	v24 =	vshll.u32 v42, $0x10  }
0x171: {  	s16 =	simm.s32 $0xF;
	v32 =	vand.u32 $0xFFFF0000, v42;
	v25 =	vadd.f32 v29, v14;
	v29 =	vld.idx.msk [tilespmem:v45+s24+$0x0], $0xffff;
	v41 =	vand.u32 $0xFFFF0000, v33  }
.LBB2_9:
0x172: {  	s14 =	sadd.s32 $0xFFFFFFF9, s16  }
0x173: {  	s19 =	sadd.s32 $0xFFFFFFFA, s16;
	s20 =	sadd.s32 $0xFFFFFFFC, s16;
	v23 =	vmul.f32 v38, v23;
	v33 =	vshll.u32 v33, $0x10;
	v32 =	vmul.f32 v41, v32;
	s15 =	smov.u32 s16  }
0x174: {  	v14 =	vadd.f32 v39, v14;
	v38 =	vadd.s32 s14, v0;
	v41 =	vadd.s32 s19, v0;
	s19 =	sadd.s32 $0xFFFFFFFD, s15;
	s28 =	sadd.s32 $0xFFFFFFFE, s15;
	s14 =	sadd.s32 $0x8, s16  }
0x175: {  	p0 =	sne.s32 s16, $0x1F;
	v21 =	vadd.f32 v40, v21;
	v38 =	vand.u32 $0x18, v38;
	v39 =	vand.u32 $0x1F, v41  }
0x176: {  	v34 =	vmul.f32 v34, v37;
	v40 =	vor.u32 v38, v9;
	v38 =	vor.u32 v8, v38  }
0x177: {  	v17 =	vmul.f32 v17, v31;
	s16 =	sadd.s32 $0xFFFFFFFB, s15;
	v41 =	vadd.s32 s19, v0;
	v37 =	vor.u32 v7, v39  }
0x178: {  	v16 =	vmul.f32 v16, v30;
	v31 =	vadd.s32 s16, v0;
	v42 =	vadd.s32 s28, v0  }
0x179: {  	v35 =	vmul.f32 v36, v35;
	v30 =	vand.u32 $0x1F, v31;
	v31 =	vand.u32 $0x1F, v42  }
0x17a: {  	v16 =	vadd.f32 v16, v26;
	v36 =	vor.u32 v31, v10;
	v31 =	vor.u32 v7, v31  }
0x17b: {  	v41 =	vand.u32 $0x1F, v41;
	v21 =	vadd.f32 v34, v21;
	v42 =	vor.u32 v7, v30;
	v26 =	vld.idx.msk [tilespmem:v38+s24+$0x0], $0xffff  }
0x17c: {  	v24 =	vmul.f32 v33, v24;
	v34 =	vld.idx.msk [tilespmem:v38+s9+$0x0], $0xffff;
	v38 =	vor.u32 v39, v10;
	v39 =	vadd.s32 s20, v0  }
0x17d: {  	v14 =	vadd.f32 v17, v14;
	v43 =	vor.u32 v7, v41;
	v33 =	vld.idx.msk [tilespmem:v37+s24+$0x0], $0xffff;
	v39 =	vand.u32 $0x1F, v39  }
0x17e: {  	v13 =	vmul.f32 v28, v13;
	v40 =	vld.idx.msk [tilespmem:v40+s0+$0x0], $0xffff;
	v17 =	vor.u32 v39, v10;
	v39 =	vor.u32 v7, v39  }
0x17f: {  	v22 =	vmul.f32 v27, v22;
	s16 =	sadd.s32 $0xFFFFFFFF, s15;
	v12 =	vmul.f32 v12, v35;
	v28 =	vor.u32 v41, v10;
	v41 =	vld.idx.msk [tilespmem:v31+s24+$0x0], $0xffff  }
0x180: {  	v35 =	vadd.s32 s16, v0;
	v27 =	vld.idx.msk [tilespmem:v37+s9+$0x0], $0xffff;
	v37 =	vshll.u32 v29, $0x10;
	v29 =	vand.u32 $0xFFFF0000, v29  }
0x181: {  	v30 =	vor.u32 v30, v10;
	v35 =	vand.u32 $0x1F, v35;
	v19 =	vadd.f32 v19, v21;
	v36 =	vld.idx.msk [tilespmem:v36+s0+$0x0], $0xffff  }
0x182: {  	v13 =	vmul.f32 v20, v13;
	v45 =	vor.u32 v35, v10;
	v20 =	vmul.f32 v29, v32;
	v44 =	vld.idx.msk [tilespmem:v42+s24+$0x0], $0xffff  }
0x183: {  	v12 =	vadd.f32 v12, v25;
	v32 =	vor.u32 v7, v35;
	v29 =	vld.idx.msk [tilespmem:v43+s9+$0x0], $0xffff  }
0x184: {  	v16 =	vadd.f32 v23, v16;
	v13 =	vadd.f32 v13, v14;
	v23 =	vmul.f32 v37, v24;
	v25 =	vld.idx.msk [tilespmem:v39+s24+$0x0], $0xffff  }
0x185: {  	v12 =	vadd.f32 v18, v12;
	v35 =	vand.u32 $0xFFFF0000, v26;
	v21 =	vadd.f32 v20, v19;
	v24 =	vld.idx.msk [tilespmem:v28+s0+$0x0], $0xffff  }
0x186: {  	v14 =	vadd.f32 v22, v13;
	v46 =	vand.u32 $0xFFFF0000, v33;
	v20 =	vadd.f32 v15, v16;
	v47 =	vld.idx.msk [tilespmem:v17+s0+$0x0], $0xffff  }
0x187: {  	v13 =	vand.u32 $0xFFFF0000, v34;
	v28 =	vshll.u32 v33, $0x10;
	v15 =	vld.idx.msk [tilespmem:v42+s9+$0x0], $0xffff;
	v42 =	vadd.f32 v23, v12  }
0x188: {  	v18 =	vshll.u32 v34, $0x10;
	v16 =	vadd.s32 s15, v0;
	v12 =	vand.u32 $0xFFFF0000, v40;
	v19 =	vld.idx.msk [tilespmem:v31+s9+$0x0], $0xffff  }
0x189: {  	v22 =	vshll.u32 v26, $0x10;
	v23 =	vand.u32 $0x1F, v16;
	v48 =	vmul.f32 v13, v12;
	v49 =	vld.idx.msk [tilespmem:v32+s24+$0x0], $0xffff  }
0x18a: {  	v26 =	vand.u32 $0xFFFF0000, v41;
	v12 =	vshll.u32 v25, $0x10;
	v31 =	vld.idx.msk [tilespmem:v32+s9+$0x0], $0xffff;
	v32 =	vor.u32 v23, v10  }
0x18b: {  	v16 =	vshll.u32 v44, $0x10;
	v17 =	vand.u32 $0xFFFF0000, v44;
	v13 =	vand.u32 $0xFFFF0000, v24;
	v33 =	vld.idx.msk [tilespmem:v45+s0+$0x0], $0xffff  }
0x18c: {  	v37 =	vand.u32 $0xFFFF0000, v27;
	v34 =	vld.idx.msk [tilespmem:v38+s0+$0x0], $0xffff;
	v38 =	vshll.u32 v41, $0x10;
	v41 =	vor.u32 v7, v23  }
0x18d: {  	v44 =	vshll.u32 v36, $0x10;
	v23 =	vshll.u32 v24, $0x10;
	v24 =	vshll.u32 v29, $0x10  }
0x18e: {  	v23 =	vmul.f32 v24, v23;
	v24 =	vand.u32 $0xFFFF0000, v36;
	v45 =	vld.idx.msk [tilespmem:v30+s0+$0x0], $0xffff;
	v30 =	vand.u32 $0xFFFF0000, v19  }
0x18f: {  	v27 =	vshll.u32 v27, $0x10;
	v36 =	vshll.u32 v15, $0x10;
	v50 =	vshll.u32 v49, $0x10;
	v32 =	vld.idx.msk [tilespmem:v32+s0+$0x0], $0xffff  }
0x190: {  	v40 =	vshll.u32 v40, $0x10;
	v24 =	vmul.f32 v30, v24;
	v30 =	vshll.u32 v31, $0x10  }
0x191: {  	v18 =	vmul.f32 v18, v40;
	v40 =	vand.u32 $0xFFFF0000, v15;
	v15 =	vshll.u32 v33, $0x10  }
0x192: {  	v52 =	vand.u32 $0xFFFF0000, v47;
	v31 =	vand.u32 $0xFFFF0000, v31;
	v51 =	vshll.u32 v34, $0x10;
	v43 =	vld.idx.msk [tilespmem:v43+s24+$0x0], $0xffff  }
0x193: {  	v15 =	vmul.f32 v30, v15;
	v53 =	vld.idx.msk [tilespmem:v39+s9+$0x0], $0xffff;
	v39 =	vshll.u32 v19, $0x10;
	v19 =	vmul.f32 v26, v24  }
0x194: {  	v54 =	vand.u32 $0xFFFF0000, v34;
	v30 =	vshll.u32 v45, $0x10;
	v26 =	vmul.f32 v39, v44  }
0x195: {  	v22 =	vmul.f32 v22, v18;
	v15 =	vmul.f32 v50, v15;
	v24 =	vshll.u32 v32, $0x10  }
0x196: {  	v34 =	vand.u32 $0xFFFF0000, v33;
	v32 =	vand.u32 $0xFFFF0000, v32;
	v18 =	vmul.f32 v38, v26;
	v33 =	vld.idx.msk [tilespmem:v41+s9+$0x0], $0xffff  }
0x197: {  	v27 =	vmul.f32 v27, v51;
	v26 =	vadd.f32 v22, v20;
	v22 =	vmul.f32 v31, v34  }
0x198: {  	v30 =	vmul.f32 v36, v30;
	v38 =	vshll.u32 v43, $0x10;
	v20 =	vand.u32 $0xFFFF0000, v43  }
.Ltmp7:
0x199: {  	v43 =	vmul.f32 v28, v27;
	v27 =	vand.u32 $0xFFFF0000, v45;
	v36 =	vand.u32 $0xFFFF0000, v53;
	(pc) =	sbr.rel @p0 .LBB2_9-.Ltmp7, $4  }
0x19a: {  	v34 =	vand.u32 $0xFFFF0000, v25;
	v28 =	vand.u32 $0xFFFF0000, v29;
	v31 =	vmul.f32 v40, v27  }
0x19b: {  	v29 =	vmul.f32 v37, v54;
	v27 =	vand.u32 $0xFFFF0000, v49;
	v37 =	vmul.f32 v36, v52  }
0x19c: {  	v39 =	vmul.f32 v35, v48;
	v35 =	vshll.u32 v47, $0x10;
	v36 =	vshll.u32 v53, $0x10  }
0x19d: {  	s16 =	smov.u32 s14;
	v25 =	vadd.f32 v43, v42;
	v40 =	vmul.f32 v46, v29;
	v29 =	vld.idx.msk [tilespmem:v41+s24+$0x0], $0xffff;
	v41 =	vand.u32 $0xFFFF0000, v33  }
0x19e: {  	v7 =	vmul.f32 v38, v23;
	v9 =	vmul.f32 v41, v32  }
0x19f: {  	v8 =	vshll.u32 v33, $0x10;
	v56 =	vmul.f32 v16, v30;
	v58 =	vmul.f32 v34, v37  }
0x1a0: {  	v10 =	vadd.f32 v39, v14;
	v59 =	vmul.f32 v36, v35;
	v17 =	vmul.f32 v17, v31  }
0x1a1: {  	v13 =	vmul.f32 v28, v13;
	v60 =	vmul.f32 v27, v22;
	v57 =	vadd.f32 v40, v21  }
0x1a2: {  	v8 =	vmul.f32 v8, v24;
	v14 =	vadd.f32 v56, v26;
	v12 =	vmul.f32 v12, v59  }
0x1a3: {  	v10 =	vadd.f32 v17, v10;
	v13 =	vmul.f32 v20, v13;
	v16 =	vadd.f32 v58, v57  }
0x1a4: {  	v61 =	vshll.u32 v29, $0x10;
	v12 =	vadd.f32 v12, v25;
	v7 =	vadd.f32 v7, v14  }
0x1a5: {  	v62 =	vand.u32 $0xFFFF0000, v29;
	v10 =	vadd.f32 v13, v10;
	v16 =	vadd.f32 v19, v16  }
0x1a6: {  	v9 =	vmul.f32 v62, v9;
	v8 =	vmul.f32 v61, v8;
	v12 =	vadd.f32 v18, v12  }
0x1a7: {  	v7 =	vadd.f32 v15, v7;
	v10 =	vadd.f32 v60, v10  }
0x1a8: {  	v9 =	vadd.f32 v9, v16;
	v8 =	vadd.f32 v8, v12;
	_ =	sdelay $0x1  }
0x1a9: {  	v63 =	vshll.u32 v11, $0x4;
	s13 =	sadd.s32 $0x1, s13;
	v7 =	vadd.f32 v10, v7;
	v8 =	vadd.f32 v9, v8  }
0x1aa: {  	p0 =	sne.s32 s13, $0x10;
	v9 =	vor.u32 v0, v63  }
.Ltmp8:
0x1ab: {  	v7 =	vadd.f32 v8, v7;
	(pc) =	sbr.rel @p0 .LBB2_8-.Ltmp8, $4  }
.Ltmp9:
0x1ac: {  	_ = 	snop;
	(pc) =	sbr.rel @!p0 .LBB2_11-.Ltmp9, $4  }
0x1ad: {  	v7 =	vadd.f32 v7, v6  }
0x1ae: {  	_ = 	snop  }
0x1af: {  	[tilespmem:v9+s25+$0x0] =	vst.idx.add.f32.msk $0xffff, v7  }
0x1b0: {  	_ = 	snop  }
.LBB2_13:
0x1b1: {  	_ =	sfence.sel $0x180000  }
0x1b2: {  	[bflag:$0x0] =	sbarrier.arrive $0xFFFF  }
0x1b3: {  	_ =	strace $0x90000050  }
0x1b4: {  	s0 =	stileid.u32;
	[bflag:$0x2] =	sbarrier.arrive $0xFFFF  }
0x1b5: {  	p0 =	sne.s32 s0, $0x0;
	s0 =	rddreg [dreg:$0x4]  }
0x1b6: {  	s0 =	sadd.s32 @!p0 $0x100000, s0  }
0x1b7: {  	[sflag:s0] =	ssyncadd.tile.s32 @!p0 $0x1;
	_ =	shalt  }
.Lfunc_end2:
_tile_overlayer_lowered:
.L_overlay_start_2:
0x1b8: {  	(tag) =	ssettag $0x2  }
0x1b9: {  	s0 =	rddreg [dreg:$0x0];
	s2 =	stileid.u32  }
0x1ba: {  	s1 =	rddreg [dreg:$0x1];
	p0 =	sne.s32 s2, $0x0  }
0x1bb: {  	s3 =	rddreg [dreg:$0x2];
	[bflag:$0x3] =	sbarrier.arrive $0xFFFF;
	s2 =	simm.s32 @!p0 $0x1C05  }
0x1bc: {  	[timem:s3], [sflag:s2] =	dma.local @!p0 [hbm:s0], s1  }
0x1bd: {  	s0 =	simm.s32 @!p0 $0x5  }
0x1be: {  	_ =	swait.ge @!p0 [sflag:s0], s1  }
0x1bf: {  	s1 =	ssub.s32 @!p0 $0x0, s1;
	[sflag:s0] =	ssyncset.done @!p0 $0x0  }
0x1c0: {  	[sflag:s0] =	ssyncadd.s32 @!p0 s1  }
0x1c1: {  	[bflag:$0x3] =	sbarrier.arrive $0xFFFF  }
0x1c2: {  	_ =	shalt  }

// kernel: kernel.8.cloned.1.call-start
scs
__scs_entry_jumppad:
0x0: {  	(pc) =	sbr.rel $0x88, $3  }
0x1: {  	(tag) =	ssettag $0x0;
	lr =	simm.s32 $0x1  }
0x2: {  	[smem:$0x3F87] =	sst lr;
	_ =	strace $0xD0000000  }
0x3: {  	_ = 	snop  }
0x4: {  	_ = 	snop  }
0x5: {  	_ = 	snop  }
0x6: {  	_ = 	snop  }
0x7: {  	_ = 	snop  }
__scs_overlays_trampoline_lowered:
0x8: {  	[smem:$0x3F96] =	sst s0  }
0x9: {  	[smem:$0x3F97] =	sst s1  }
0xa: {  	[smem:$0x3F98] =	sst s2  }
0xb: {  	[smem:$0x3F99] =	sst s3  }
0xc: {  	[smem:$0x3F9A] =	sst s4  }
0xd: {  	[smem:$0x3F9B] =	sst s5  }
0xe: {  	[smem:$0x3F9C] =	sst s6  }
0xf: {  	[smem:$0x3F9D] =	sst s7  }
0x10: {  	[smem:$0x3F9E] =	sst s8  }
0x11: {  	[smem:$0x3F9F] =	sst s9;
	s0 =	simm.s32 @!p0 $0x0  }
0x12: {  	s1 =	sld [smem:$0x3F85];
	s0 =	simm.s32 @p0 $0x1  }
0x13: {  	[smem:$0x3FA0] =	sst s0;
	s0 =	simm.s32 @!p1 $0x0  }
0x14: {  	s2 =	sld [smem:$0x3F84];
	s0 =	simm.s32 @p1 $0x1  }
0x15: {  	[smem:$0x3FA1] =	sst s0;
	s0 =	simm.s32 @!p2 $0x0  }
0x16: {  	s3 =	sld [smem:$0x3FDB];
	s0 =	simm.s32 @p2 $0x1  }
0x17: {  	s4 =	simm.s32 $0x1BF5;
	[smem:$0x3FA3] =	sst s0  }
0x18: {  	s0 =	sld [smem:$0x3F86];
	_ =	swait.ge [sflag:s4], $0x0  }
0x19: {  	s7 =	sld [smem:$0x3F87]  }
0x1a: {  	s8 =	sadd.s32 $0xFFFFE003, lr  }
0x1b: {  	s9 =	sadd.s32 $0xFFFFFEF7, lr;
	s5 =	simm.s32 $0xFFFFFFFF;
	p2 =	slt.u32 s8, $0xFFFFF086  }
0x1c: {  	p1 =	slt.u32 s9, $0xF7A;
	s5 =	simm.s32 @!p2 $0x0  }
0x1d: {  	s5 =	simm.s32 @p1 $0x1;
	p0 =	seq.s32 s7, s2  }
0x1e: {  	s7 =	smul.u32 @!p0 $0xF7A, s2;
	p2 =	seq.s32 @!p0 s5, $0x0  }
0x1f: {  	s9 =	smul.u32 $0xF7A, s1;
	s8 =	simm.s32 @!p0 $0x1BF5;
	p2 =	por !p2, p0  }
0x20: {  	[sflag:s8] =	ssyncset.s32 @!p0 $0xFFFFF086;
	s6 =	sadd.s32 @!p0 s3, s7;
	s7 =	simm.s32 @!p0 $0x108  }
0x21: {  	s3 =	sadd.s32 s3, s9;
	s6 =	sadd.s32 @!p0 $0x88, s6;
	s7 =	simm.s32 @p2 $0x1082  }
0x22: {  	[simem:s7], [sflag:s8] =	dma.local @!p0 [hbm:s6], $0xF7A  }
0x23: {  	s9 =	sor.u32 $0xD0000000, s2;
	s6 =	simm.s32 $0x108;
	_ =	swait.ge @!p0 [sflag:s8], $0x0  }
0x24: {  	s3 =	sadd.s32 $0x88, s3;
	s6 =	simm.s32 @!p1 $0x1082;
	[sflag:s4] =	ssyncset.s32 $0xFFFFF086  }
0x25: {  	[simem:s6], [sflag:s4] =	dma.local [hbm:s3], $0xF7A  }
0x26: {  	[smem:$0x3F87] =	sst s1;
	(tag) =	ssettag s2;
	_ =	strace s9  }
0x27: {  	s1 =	sld [smem:$0x3F97]  }
0x28: {  	s2 =	sld [smem:$0x3F98]  }
0x29: {  	s4 =	sld [smem:$0x3F9A]  }
0x2a: {  	p0 =	seq.s32 s5, $0x0;
	s5 =	sld [smem:$0x3F9B]  }
0x2b: {  	s6 =	sld [smem:$0x3F9C]  }
0x2c: {  	s7 =	sld [smem:$0x3F9D]  }
0x2d: {  	s3 =	simm.s32 $0x108;
	s8 =	sld [smem:$0x3F9E]  }
0x2e: {  	s3 =	simm.s32 @!p0 $0x1082;
	s9 =	sld [smem:$0x3F9F]  }
0x2f: {  	lr =	sadd.s32 s0, s3;
	s0 =	sld [smem:$0x3F96]  }
0x30: {  	s3 =	sld [smem:$0x3F99]  }
0x31: {  	[smem:$0x3FA2] =	sst s10  }
0x32: {  	s10 =	sld [smem:$0x3FA0];
	_ =	sdelay $0x3  }
0x33: {  	p0 =	seq.s32 s10, $0x1;
	s10 =	sld [smem:$0x3FA2];
	_ =	sdelay $0x3  }
0x34: {  	[smem:$0x3FA2] =	sst s10  }
0x35: {  	s10 =	sld [smem:$0x3FA1];
	_ =	sdelay $0x3  }
0x36: {  	p1 =	seq.s32 s10, $0x1;
	s10 =	sld [smem:$0x3FA2];
	_ =	sdelay $0x3  }
0x37: {  	[smem:$0x3FA2] =	sst s10  }
0x38: {  	s10 =	sld [smem:$0x3FA3]  }
0x39: {  	_ = 	snop;
	(pc) =	sbr.ind lr, $3  }
0x3a: {  	_ = 	snop  }
0x3b: {  	_ = 	snop  }
0x3c: {  	p2 =	seq.s32 s10, $0x1;
	s10 =	sld [smem:$0x3FA2]  }
0x3d: {  	_ =	shalt  }
0x3e: {  	_ =	shalt  }
0x3f: {  	_ =	shalt  }
0x40: {  	_ =	shalt  }
0x41: {  	_ =	shalt  }
0x42: {  	_ =	shalt  }
0x43: {  	_ =	shalt  }
0x44: {  	_ =	shalt  }
0x45: {  	_ =	shalt  }
0x46: {  	_ =	shalt  }
0x47: {  	_ =	shalt  }
0x48: {  	_ =	shalt  }
0x49: {  	_ =	shalt  }
0x4a: {  	_ =	shalt  }
0x4b: {  	_ =	shalt  }
0x4c: {  	_ =	shalt  }
0x4d: {  	_ =	shalt  }
0x4e: {  	_ =	shalt  }
0x4f: {  	_ =	shalt  }
0x50: {  	_ =	shalt  }
0x51: {  	_ =	shalt  }
0x52: {  	_ =	shalt  }
0x53: {  	_ =	shalt  }
0x54: {  	_ =	shalt  }
0x55: {  	_ =	shalt  }
0x56: {  	_ =	shalt  }
0x57: {  	_ =	shalt  }
0x58: {  	_ =	shalt  }
0x59: {  	_ =	shalt  }
0x5a: {  	_ =	shalt  }
0x5b: {  	_ =	shalt  }
0x5c: {  	_ =	shalt  }
0x5d: {  	_ =	shalt  }
0x5e: {  	_ =	shalt  }
0x5f: {  	_ =	shalt  }
0x60: {  	_ =	shalt  }
0x61: {  	_ =	shalt  }
0x62: {  	_ =	shalt  }
0x63: {  	_ =	shalt  }
0x64: {  	_ =	shalt  }
0x65: {  	_ =	shalt  }
0x66: {  	_ =	shalt  }
0x67: {  	_ =	shalt  }
0x68: {  	_ =	shalt  }
0x69: {  	_ =	shalt  }
0x6a: {  	_ =	shalt  }
0x6b: {  	_ =	shalt  }
0x6c: {  	_ =	shalt  }
0x6d: {  	_ =	shalt  }
0x6e: {  	_ =	shalt  }
0x6f: {  	_ =	shalt  }
0x70: {  	_ =	shalt  }
0x71: {  	_ =	shalt  }
0x72: {  	_ =	shalt  }
0x73: {  	_ =	shalt  }
0x74: {  	_ =	shalt  }
0x75: {  	_ =	shalt  }
0x76: {  	_ =	shalt  }
0x77: {  	_ =	shalt  }
0x78: {  	_ =	shalt  }
0x79: {  	_ =	shalt  }
0x7a: {  	_ =	shalt  }
0x7b: {  	_ =	shalt  }
0x7c: {  	_ =	shalt  }
0x7d: {  	_ =	shalt  }
0x7e: {  	_ =	shalt  }
0x7f: {  	_ =	shalt  }
0x80: {  	_ =	shalt  }
0x81: {  	_ =	shalt  }
0x82: {  	_ =	shalt  }
0x83: {  	_ =	shalt  }
0x84: {  	_ =	shalt  }
0x85: {  	_ =	shalt  }
0x86: {  	_ =	shalt  }
0x87: {  	_ =	shalt  }
.Lfunc_end0:
.L_simem_size_0:
called_computation.2_lowered:
.L_overlay_start_0:
0x88: {  	s2 =	sld [smem:$0x3FD9]  }
0x89: {  	s3 =	sld [smem:$0x3FFE];
	_ =	sdelay $0x1  }
0x8a: {  	s1 =	srdreg.scid  }
0x8b: {  	s0 =	sand.u32 $0x1, s1  }
0x8c: {  	s15 =	sshll.u32 s0, $0xA;
	s2 =	sadd.s32 s3, s2  }
0x8d: {  	s2 =	sadd.s32 s2, s15  }
0x8e: {  	[smem:$0x3FAE] =	sst s2  }
0x8f: {  	_ = 	snop  }
0x90: {  	s5 =	sld [smem:$0x3FD0]  }
0x91: {  	s2 =	sld [smem:$0x3FC5]  }
0x92: {  	s16 =	sld [smem:$0x3FC4]  }
0x93: {  	s6 =	simm.s32 $0xB;
	s7 =	simm.s32 $0x10;
	s4 =	sld [smem:$0x3FC1]  }
0x94: {  	[smem:s7], [sflag:s6] =	dma.local [hbm:s5], $0x1  }
0x95: {  	_ =	swait.eq [sflag:s6], $0x1  }
0x96: {  	[sflag:s6] =	ssyncset.done $0x0  }
0x97: {  	[sflag:s6] =	ssyncadd.s32 $0xFFFFFFFF  }
0x98: {  	s17 =	sld [smem:$0x10];
	(tm) =	ssettm $0x1  }
0x99: {  	s18 =	sld [smem:$0x3FFB];
	_ =	sdelay $0x3  }
0x9a: {  	_ =	strace s18  }
0x9b: {  	s5 =	sld [smem:$0x3FFC];
	_ =	sdelay $0x3  }
0x9c: {  	_ =	strace s5  }
0x9d: {  	s5 =	sld [smem:$0x3FFD];
	_ =	sdelay $0x3  }
0x9e: {  	_ =	strace s5  }
0x9f: {  	_ =	strace $0x8FFFFFFF  }
0xa0: {  	s19 =	sld [smem:$0x3FDB];
	_ =	sdelay $0x1  }
0xa1: {  	s20 =	simm.s32 $_scs_section_size  }
0xa2: {  	s8 =	simm.s32 $_size__tile_overlayer_lowered;
	s9 =	simm.s32 $_tile_overlayer_lowered  }
0xa3: {  	s10 =	simm.s32 $0x1BFF;
	s21 =	sshll.u32 s9, $0x1;
	s7 =	sadd.s32 s20, s19  }
0xa4: {  	s22 =	simm.s32 $0x0;
	s8 =	sshll.u32 s8, $0x1;
	s9 =	sadd.s32 s21, s7  }
0xa5: {  	[timem:s22], [sflag:s10] =	dma.local [hbm:s9], s8  }
0xa6: {  	_ =	swait.ge [sflag:s10], s8  }
0xa7: {  	s8 =	ssub.s32 $0x0, s8;
	[sflag:s10] =	ssyncset.done $0x0  }
0xa8: {  	[sflag:s10] =	ssyncadd.s32 s8;
	_ =	sdelay $0x1  }
0xa9: {  	s23 =	simm.s32 $0x1B8B  }
0xaa: {  	_ =	swait.ge [sflag:s23], $0x1  }
0xab: {  	[sflag:s23] =	ssyncset.done $0x0  }
0xac: {  	[sflag:s23] =	ssyncadd.s32 $0xFFFFFFFF  }
0xad: {  	s8 =	sld [smem:$0x0]  }
0xae: {  	s9 =	sand.u32 $0xFFFFFFFE, s1  }
0xaf: {  	p0 =	sne.s32 s1, s9  }
0xb0: {  	s9 =	sshll.u32 @p0 s9, $0xE  }
0xb1: {  	s9 =	sadd.s32 @p0 $0x11B8D, s9;
	s10 =	sshll.u32 @p0 s8, $0x11  }
0xb2: {  	s9 =	sor.u32 @p0 s10, s9  }
0xb3: {  	[sflag:s9] =	ssyncadd.remote.s32 @p0 $0x1;
	_ =	sdelay $0x1  }
0xb4: {  	s9 =	simm.s32 @p0 $0x1B8D  }
0xb5: {  	_ =	swait.eq @p0 [sflag:s9], $0x1  }
0xb6: {  	[sflag:s9] =	ssyncadd.s32 @p0 $0xFFFFFFFF  }
0xb7: {  	s10 =	sshll.u32 @!p0 s1, $0xE  }
0xb8: {  	s10 =	sor.u32 @!p0 $0x4000, s10;
	s9 =	simm.s32 @!p0 $0x1B8D  }
0xb9: {  	s8 =	sshll.u32 @!p0 s8, $0x11;
	s10 =	sadd.s32 @!p0 $0x11B8D, s10;
	_ =	swait.eq @!p0 [sflag:s9], $0x1  }
0xba: {  	s8 =	sor.u32 @!p0 s8, s10;
	[sflag:s9] =	ssyncadd.s32 @!p0 $0xFFFFFFFF  }
0xbb: {  	s25 =	simm.s32 $0x1B8E;
	s24 =	sld [smem:$0x3FFE];
	[sflag:s8] =	ssyncadd.remote.s32 @!p0 $0x1  }
0xbc: {  	s26 =	simm.s32 $execute0_lowered;
	[smem:$0x3FD2] =	sst s25  }
0xbd: {  	s9 =	sshll.u32 s26, $0x1;
	_ =	strace $0x8000004C;
	[dreg:$0x1] =	wrdreg $0xFFFFFFFF  }
0xbe: {  	s28 =	simm.s32 $_size_execute0_lowered;
	s7 =	sadd.s32 s7, s9;
	[dreg:$0x0] =	wrdreg $0x0  }
0xbf: {  	s9 =	sshll.u32 s28, $0x1;
	[dreg:$0x2] =	wrdreg s7  }
0xc0: {  	[dreg:$0x3] =	wrdreg s9  }
0xc1: {  	[dreg:$0x4] =	wrdreg $0xC0  }
0xc2: {  	_ =	task [dreg:s22], $0x5FFFF  }
0xc3: {  	[dreg:$0x1] =	wrdreg $0xFFFFFFFF  }
0xc4: {  	[dreg:$0x0] =	wrdreg $0x60  }
0xc5: {  	[dreg:$0x2] =	wrdreg s24  }
0xc6: {  	[dreg:$0x3] =	wrdreg s2  }
0xc7: {  	[dreg:$0x4] =	wrdreg s16  }
0xc8: {  	[dreg:$0x5] =	wrdreg s4  }
0xc9: {  	[dreg:$0x6] =	wrdreg s17  }
0xca: {  	[dreg:$0x7] =	wrdreg $0xA  }
0xcb: {  	_ =	task.clear_ibuf [dreg:s22], $0x8FFFF;
	_ =	strace $0x9000004C  }
0xcc: {  	s29 =	simm.s32 $0xA;
	_ =	strace $0x8000004E  }
0xcd: {  	_ =	swait.ge [sflag:s29], $0x1  }
0xce: {  	[sflag:s29] =	ssyncadd.s32 $0xFFFFFFFF  }
0xcf: {  	_ =	strace $0x9000004E  }
0xd0: {  	_ =	sfence  }
0xd1: {  	s30 =	sld [smem:$0x0];
	_ =	sdelay $0x2  }
0xd2: {  	s31 =	sshll.u32 s1, $0xD;
	s1 =	sshrl.u32 s1, $0x2  }
0xd3: {  	s3 =	sand.u32 $0x4000, s31;
	s1 =	sadd.s32 s1, s30  }
0xd4: {  	s0 =	sor.u32 s3, s0;
	s1 =	sshll.u32 s1, $0x11  }
0xd5: {  	s0 =	sor.u32 s1, s0  }
0xd6: {  	s0 =	sadd.s32 $0x8F2B, s0  }
0xd7: {  	[sflag:s0] =	ssyncadd.remote.s32 $0x1  }
0xd8: {  	_ =	sfence.sel $0xFFFF  }
0xd9: {  	[dreg:$0x0] =	wrdreg $0xFFFFFFFF;
	(pc) =	sbr.abs _section_cstart, $3  }
0xda: {  	[dreg:$0x1] =	wrdreg $0xFFFFFFFF  }
0xdb: {  	_ =	task.clear_ibuf [dreg:s22], $0x2FFFF;
	_ =	strace $0x9FFFFFFF  }
0xdc: {  	(tm) =	ssettm $0x7FFFFFFF  }
0xdd: {  	_ =	shalt  }
tec
execute0_lowered:
.L_overlay_start_1:
0x0: {  	(tag) =	ssettag $0x1  }
0x1: {  	s0 =	rddreg [dreg:$0x0]  }
0x2: {  	s1 =	rddreg [dreg:$0x1]  }
0x3: {  	s2 =	rddreg [dreg:$0x2]  }
0x4: {  	s3 =	rddreg [dreg:$0x3];
	s6 =	simm.s32 $0x0;
	s4 =	srdreg.scid  }
0x5: {  	s5 =	stileid.u32;
	s29 =	simm.s32 $0x600;
	s30 =	simm.s32 $0x4600  }
0x6: {  	s31 =	simm.s32 $0x2600;
	[smem:$0x7FF] =	sst s6;
	s7 =	sadd.s32 $0xF4BE00, s0  }
0x7: {  	s4 =	sand.u32 $0x1, s4;
	s5 =	sshll.u32 s5, $0x1;
	s8 =	sadd.s32 $0xC3E600, s0  }
0x8: {  	s9 =	sadd.s32 $0x316A00, s0;
	s5 =	sor.u32 s4, s5;
	s4 =	ssub.s32 $0x2, s4  }
0x9: {  	_ =	strace $0x8000004D;
	s10 =	sshll.u32 s5, $0x7;
	s11 =	sshrl.u32 s4, $0x1  }
0xa: {  	s21 =	sshll.u32 s5, $0x5;
	s24 =	sshll.u32 s5, $0xA;
	s17 =	sor.u32 $0x40, s5  }
0xb: {  	s18 =	sor.u32 $0x60, s5;
	s0 =	sadd.s32 s10, s0;
	s22 =	sadd.s32 s1, s21  }
0xc: {  	s4 =	ssub.s32 s4, s11;
	s23 =	sadd.s32 s2, s21;
	[dreg:$0x6] =	wrdreg s22  }
0xd: {  	s12 =	sadd.s32 s3, s21;
	s11 =	sadd.s32 s9, s24;
	[dreg:$0x7] =	wrdreg s23  }
0xe: {  	s10 =	sor.u32 $0x400, s21;
	s21 =	sor.u32 $0x20, s5;
	[dreg:$0x8] =	wrdreg s12  }
0xf: {  	s5 =	simm.s32 $0xC600;
	[dreg:$0x9] =	wrdreg s11;
	s25 =	sadd.s32 s1, s10  }
0x10: {  	s24 =	simm.s32 $0x6600;
	s26 =	sadd.s32 s2, s10;
	[dreg:$0xa] =	wrdreg s25  }
.Ltmp0:
0x11: {  	s10 =	sadd.s32 s3, s10;
	[dreg:$0xb] =	wrdreg s26;
	(pc) =	sbr.rel .LBB2_1-.Ltmp0, $4  }
0x12: {  	s0 =	sadd.s32 $0xC6F400, s0;
	s28 =	smax.u32 s4, $0x1;
	[dreg:$0xc] =	wrdreg s10  }
0x13: {  	v0 =	vlaneseq.u32;
	s23 =	simm.s32 $0x5;
	s4 =	simm.s32 $0x8600;
	[dreg:$0xd] =	wrdreg s0  }
0x14: {  	v1 =	vimm.f32 $0.0e+00;
	v2 =	vand.u32 $0x7, v0;
	s22 =	simm.s32 $0x4;
	[dreg:$0xe] =	wrdreg s28;
	s26 =	simm.s32 $0x1  }
0x15: {  	v3 =	vmul.u32 $0x20, v0;
	v4 =	vmul.u32 $0x21, v2;
	v5 =	vmul.u32 $0x20, v2;
	s0 =	simm.s32 $0x3;
	s25 =	simm.s32 $0xA600;
	s10 =	simm.s32 $0x0  }
.LBB2_12:
0x16: {  	s11 =	rddreg [dreg:$0xd]  }
0x17: {  	[hbm4b:s11+s6] =	stream.linear.scatter [tilespmem:s5], [sflag:$0x5], $0x400, $0x38;
	[tilespmem:$0xCA10] =	vst v63  }
0x18: {  	_ =	swait.ge [sflag:s23], $0x400  }
0x19: {  	s10 =	sadd.s32 $0x1, s10;
	s28 =	rddreg [dreg:$0xe]  }
0x1a: {  	p0 =	sne.s32 s10, s28  }
.Ltmp1:
0x1b: {  	_ = 	snop;
	(pc) =	sbr.rel @!p0 .LBB2_13-.Ltmp1, $3  }
0x1c: {  	_ =	sdelay $0x1  }
0x1d: {  	[sflag:s23] =	ssyncset.done $0x0  }
0x1e: {  	[sflag:s23] =	ssyncadd.s32 $0xFFFFFC00  }
.LBB2_1:
0x1f: {  	[tilespmem:$0xC600] =	vst v1  }
0x20: {  	[tilespmem:$0xC610] =	vst v1  }
0x21: {  	[tilespmem:$0xC620] =	vst v1  }
0x22: {  	[tilespmem:$0xC630] =	vst v1  }
0x23: {  	[tilespmem:$0xC640] =	vst v1  }
0x24: {  	[tilespmem:$0xC650] =	vst v1  }
0x25: {  	[tilespmem:$0xC660] =	vst v1  }
0x26: {  	[tilespmem:$0xC670] =	vst v1  }
0x27: {  	[tilespmem:$0xC680] =	vst v1  }
0x28: {  	[tilespmem:$0xC690] =	vst v1  }
0x29: {  	[tilespmem:$0xC6A0] =	vst v1  }
0x2a: {  	[tilespmem:$0xC6B0] =	vst v1  }
0x2b: {  	[tilespmem:$0xC6C0] =	vst v1  }
0x2c: {  	[tilespmem:$0xC6D0] =	vst v1  }
0x2d: {  	[tilespmem:$0xC6E0] =	vst v1  }
0x2e: {  	[tilespmem:$0xC6F0] =	vst v1  }
0x2f: {  	[tilespmem:$0xC700] =	vst v1  }
0x30: {  	[tilespmem:$0xC710] =	vst v1  }
0x31: {  	[tilespmem:$0xC720] =	vst v1  }
0x32: {  	[tilespmem:$0xC730] =	vst v1  }
0x33: {  	[tilespmem:$0xC740] =	vst v1  }
0x34: {  	[tilespmem:$0xC750] =	vst v1  }
0x35: {  	[tilespmem:$0xC760] =	vst v1  }
0x36: {  	[tilespmem:$0xC770] =	vst v1  }
0x37: {  	[tilespmem:$0xC780] =	vst v1  }
0x38: {  	[tilespmem:$0xC790] =	vst v1  }
0x39: {  	[tilespmem:$0xC7A0] =	vst v1  }
0x3a: {  	[tilespmem:$0xC7B0] =	vst v1  }
0x3b: {  	[tilespmem:$0xC7C0] =	vst v1  }
0x3c: {  	[tilespmem:$0xC7D0] =	vst v1  }
0x3d: {  	[tilespmem:$0xC7E0] =	vst v1  }
0x3e: {  	[tilespmem:$0xC7F0] =	vst v1  }
0x3f: {  	[tilespmem:$0xC800] =	vst v1  }
0x40: {  	[tilespmem:$0xC810] =	vst v1  }
0x41: {  	[tilespmem:$0xC820] =	vst v1  }
0x42: {  	[tilespmem:$0xC830] =	vst v1  }
0x43: {  	[tilespmem:$0xC840] =	vst v1  }
0x44: {  	[tilespmem:$0xC850] =	vst v1  }
0x45: {  	[tilespmem:$0xC860] =	vst v1  }
0x46: {  	[tilespmem:$0xC870] =	vst v1  }
0x47: {  	[tilespmem:$0xC880] =	vst v1  }
0x48: {  	[tilespmem:$0xC890] =	vst v1  }
0x49: {  	[tilespmem:$0xC8A0] =	vst v1  }
0x4a: {  	[tilespmem:$0xC8B0] =	vst v1  }
0x4b: {  	[tilespmem:$0xC8C0] =	vst v1  }
0x4c: {  	[tilespmem:$0xC8D0] =	vst v1  }
0x4d: {  	[tilespmem:$0xC8E0] =	vst v1  }
0x4e: {  	[tilespmem:$0xC8F0] =	vst v1  }
0x4f: {  	[tilespmem:$0xC900] =	vst v1  }
0x50: {  	[tilespmem:$0xC910] =	vst v1  }
0x51: {  	[tilespmem:$0xC920] =	vst v1  }
0x52: {  	[tilespmem:$0xC930] =	vst v1  }
0x53: {  	[tilespmem:$0xC940] =	vst v1  }
0x54: {  	[tilespmem:$0xC950] =	vst v1  }
0x55: {  	[tilespmem:$0xC960] =	vst v1  }
0x56: {  	[tilespmem:$0xC970] =	vst v1  }
0x57: {  	[tilespmem:$0xC980] =	vst v1  }
0x58: {  	[tilespmem:$0xC990] =	vst v1  }
0x59: {  	[tilespmem:$0xC9A0] =	vst v1  }
0x5a: {  	[tilespmem:$0xC9B0] =	vst v1  }
0x5b: {  	[tilespmem:$0xC9C0] =	vst v1  }
0x5c: {  	[tilespmem:$0xC9D0] =	vst v1  }
0x5d: {  	[tilespmem:$0xC9E0] =	vst v1  }
0x5e: {  	[tilespmem:$0xC9F0] =	vst v1;
	s11 =	rddreg [dreg:$0x4];
	s12 =	simm.s32 $0xCA00  }
0x5f: {  	[tilespmem:s12], [sflag:$0x5] =	stream.linear.gather [hbm4b:s11+s6], $0x10, $0x38;
	[tilespmem:$0xCA10] =	vst v63  }
0x60: {  	_ =	swait.ge [sflag:s23], $0x10  }
0x61: {  	[sflag:s23] =	ssyncset.done $0x0  }
0x62: {  	s12 =	rddreg [dreg:$0x6];
	[sflag:s23] =	ssyncadd.s32 $0xFFFFFFF0  }
0x63: {  	v6 =	vld [tilespmem:$0xCA00];
	[tilespmem:s6], [sflag:$0x1] =	stream.linear.gather [hbm4b:s12+s6], $0x100, $0x38  }
0x64: {  	s14 =	simm.s32 $0x200;
	s13 =	rddreg [dreg:$0x7]  }
0x65: {  	[tilespmem:s14], [sflag:$0x1] =	stream.linear.gather [hbm4b:s13+s6], $0x100, $0x38;
	[tilespmem:$0xCA10] =	vst v63  }
0x66: {  	s15 =	rddreg [dreg:$0x8];
	s13 =	simm.s32 $0x400  }
0x67: {  	[tilespmem:s13], [sflag:$0x1] =	stream.linear.gather [hbm4b:s15+s6], $0x100, $0x38;
	[tilespmem:$0xCA10] =	vst v63  }
0x68: {  	_ =	swait.ge [sflag:s26], $0x100  }
0x69: {  	[sflag:s26] =	ssyncset.done $0x0  }
0x6a: {  	[sflag:s26] =	ssyncadd.s32 $0xFFFFFF00  }
0x6b: {  	_ =	swait.ge [sflag:s26], $0x100  }
0x6c: {  	[sflag:s26] =	ssyncset.done $0x0  }
0x6d: {  	[sflag:s26] =	ssyncadd.s32 $0xFFFFFF00  }
0x6e: {  	_ =	swait.ge [sflag:s26], $0x100  }
0x6f: {  	[sflag:s26] =	ssyncset.done $0x0  }
0x70: {  	s16 =	simm.s32 $0x80;
	[sflag:s26] =	ssyncadd.s32 $0xFFFFFF00  }
0x71: {  	[tilespmem:s29], [sflag:$0x3] =	stream.indirect.gather [hbm4b:s7+s16], $0x20, s6, s16, $0xb8;
	[tilespmem:$0xCA10] =	vst v63  }
0x72: {  	_ = 	snop  }
0x73: {  	[tilespmem:s30], [sflag:$0x3] =	stream.indirect.gather [hbm4b:s8+s16], $0x20, s14, s16, $0xb8;
	[tilespmem:$0xCA10] =	vst v63  }
0x74: {  	s19 =	simm.s32 $0x1600  }
0x75: {  	[tilespmem:s19], [sflag:$0x3] =	stream.indirect.gather [hbm4b:s7+s16], $0x20, s16, s16, $0xb8;
	[tilespmem:$0xCA10] =	vst v63  }
0x76: {  	s20 =	simm.s32 $0x280;
	s28 =	simm.s32 $0x5600  }
0x77: {  	[tilespmem:s28], [sflag:$0x3] =	stream.indirect.gather [hbm4b:s8+s16], $0x20, s20, s16, $0xb8;
	[tilespmem:$0xCA10] =	vst v63  }
0x78: {  	s13 =	rddreg [dreg:$0x9]  }
0x79: {  	[tilespmem:s4], [sflag:$0x3] =	stream.linear.gather [hbm4b:s13+s6], $0x2000, $0x38;
	[tilespmem:$0xCA10] =	vst v63  }
0x7a: {  	s15 =	simm.s32 $0x100;
	s14 =	rddreg [dreg:$0xa]  }
0x7b: {  	[tilespmem:s15], [sflag:$0x2] =	stream.linear.gather [hbm4b:s14+s6], $0x100, $0x38;
	[tilespmem:$0xCA10] =	vst v63  }
.Ltmp2:
0x7c: {  	_ = 	snop;
	(pc) =	sbr.rel .LBB2_2-.Ltmp2, $4  }
0x7d: {  	s19 =	simm.s32 $0x300;
	s16 =	rddreg [dreg:$0xb]  }
0x7e: {  	[tilespmem:s19], [sflag:$0x2] =	stream.linear.gather [hbm4b:s16+s6], $0x100, $0x38;
	[tilespmem:$0xCA10] =	vst v63  }
0x7f: {  	s11 =	simm.s32 $0x0;
	s20 =	rddreg [dreg:$0xc];
	s28 =	simm.s32 $0x500  }
0x80: {  	[tilespmem:s28], [sflag:$0x2] =	stream.linear.gather [hbm4b:s20+s6], $0x100, $0x38;
	[tilespmem:$0xCA10] =	vst v63  }
.LBB2_11:
0x81: {  	s12 =	sadd.s32 s18, s12  }
0x82: {  	p0 =	sgt.u32 s12, $0xC34  }
0x83: {  	s12 =	sshll.u32 @!p0 s12, $0x5  }
0x84: {  	s14 =	simm.s32 @!p0 $0x0;
	s15 =	simm.s32 @!p0 $0x100;
	s13 =	sadd.s32 @!p0 s1, s12  }
0x85: {  	[tilespmem:s15], [sflag:$0x2] =	stream.linear.gather @!p0 [hbm4b:s13+s14], $0x100, $0x38;
	[tilespmem:$0xCA10] =	vst v63  }
0x86: {  	s13 =	sadd.s32 @!p0 s2, s12;
	s15 =	simm.s32 @!p0 $0x300  }
0x87: {  	[tilespmem:s15], [sflag:$0x2] =	stream.linear.gather @!p0 [hbm4b:s13+s14], $0x100, $0x38;
	[tilespmem:$0xCA10] =	vst v63  }
0x88: {  	s11 =	sadd.s32 $0x1, s11;
	s12 =	sadd.s32 @!p0 s3, s12;
	s13 =	simm.s32 @!p0 $0x500  }
0x89: {  	[tilespmem:s13], [sflag:$0x2] =	stream.linear.gather @!p0 [hbm4b:s12+s14], $0x100, $0x38;
	[tilespmem:$0xCA10] =	vst v63  }
0x8a: {  	p0 =	sne.s32 s11, $0x31  }
.Ltmp3:
0x8b: {  	_ = 	snop;
	(pc) =	sbr.rel @!p0 .LBB2_12-.Ltmp3, $1  }
0x8c: {  	_ =	sdelay $0x3  }
.LBB2_2:
0x8d: {  	s12 =	sshll.u32 s11, $0x6  }
0x8e: {  	s13 =	sor.u32 s21, s12  }
0x8f: {  	p0 =	sgt.u32 s13, $0xC34  }
0x90: {  	s14 =	simm.s32 @!p0 $0x2  }
0x91: {  	_ =	swait.ge @!p0 [sflag:s14], $0x100  }
0x92: {  	[sflag:s14] =	ssyncset.done @!p0 $0x0  }
0x93: {  	[sflag:s14] =	ssyncadd.s32 @!p0 $0xFFFFFF00  }
0x94: {  	_ =	swait.ge @!p0 [sflag:s14], $0x100  }
0x95: {  	[sflag:s14] =	ssyncset.done @!p0 $0x0  }
0x96: {  	[sflag:s14] =	ssyncadd.s32 @!p0 $0xFFFFFF00  }
0x97: {  	_ =	swait.ge @!p0 [sflag:s14], $0x100  }
0x98: {  	s15 =	simm.s32 @!p0 $0x100;
	[sflag:s14] =	ssyncset.done @!p0 $0x0  }
0x99: {  	s16 =	simm.s32 @!p0 $0x2600;
	[sflag:s14] =	ssyncadd.s32 @!p0 $0xFFFFFF00;
	s14 =	simm.s32 @!p0 $0x80  }
0x9a: {  	[tilespmem:s16], [sflag:$0x4] =	stream.indirect.gather @!p0 [hbm4b:s7+s14], $0x20, s15, s14, $0xb8;
	[tilespmem:$0xCA10] =	vst v63  }
0x9b: {  	s15 =	simm.s32 @!p0 $0x300;
	s16 =	simm.s32 @!p0 $0x6600  }
0x9c: {  	[tilespmem:s16], [sflag:$0x4] =	stream.indirect.gather @!p0 [hbm4b:s8+s14], $0x20, s15, s14, $0xb8;
	[tilespmem:$0xCA10] =	vst v63  }
0x9d: {  	s15 =	simm.s32 @!p0 $0x180;
	s16 =	simm.s32 @!p0 $0x3600  }
0x9e: {  	[tilespmem:s16], [sflag:$0x4] =	stream.indirect.gather @!p0 [hbm4b:s7+s14], $0x20, s15, s14, $0xb8;
	[tilespmem:$0xCA10] =	vst v63  }
0x9f: {  	s13 =	sshll.u32 @!p0 s13, $0xA;
	s15 =	simm.s32 @!p0 $0x380;
	s16 =	simm.s32 @!p0 $0x7600  }
0xa0: {  	[tilespmem:s16], [sflag:$0x4] =	stream.indirect.gather @!p0 [hbm4b:s8+s14], $0x20, s15, s14, $0xb8;
	[tilespmem:$0xCA10] =	vst v63  }
0xa1: {  	s13 =	sadd.s32 @!p0 s9, s13;
	s14 =	simm.s32 @!p0 $0x0;
	s15 =	simm.s32 @!p0 $0xA600  }
0xa2: {  	[tilespmem:s15], [sflag:$0x4] =	stream.linear.gather @!p0 [hbm4b:s13+s14], $0x2000, $0x38;
	[tilespmem:$0xCA10] =	vst v63  }
0xa3: {  	_ =	swait.ge [sflag:s0], $0x1000  }
0xa4: {  	[sflag:s0] =	ssyncset.done $0x0  }
0xa5: {  	[sflag:s0] =	ssyncadd.s32 $0xFFFFF000  }
0xa6: {  	_ =	swait.ge [sflag:s0], $0x1000  }
0xa7: {  	[sflag:s0] =	ssyncset.done $0x0  }
0xa8: {  	[sflag:s0] =	ssyncadd.s32 $0xFFFFF000  }
0xa9: {  	_ =	swait.ge [sflag:s0], $0x1000  }
0xaa: {  	[sflag:s0] =	ssyncset.done $0x0  }
0xab: {  	[sflag:s0] =	ssyncadd.s32 $0xFFFFF000  }
0xac: {  	_ =	swait.ge [sflag:s0], $0x1000  }
0xad: {  	[sflag:s0] =	ssyncset.done $0x0  }
0xae: {  	[sflag:s0] =	ssyncadd.s32 $0xFFFFF000  }
0xaf: {  	_ =	swait.ge [sflag:s0], $0x2000  }
0xb0: {  	[sflag:s0] =	ssyncset.done $0x0  }
0xb1: {  	s13 =	simm.s32 $0x0;
	[sflag:s0] =	ssyncadd.s32 $0xFFFFE000  }
.LBB2_3:
0xb2: {  	s14 =	sshll.u32 s13, $0x4;
	s15 =	simm.s32 $0x0  }
0xb3: {  	s19 =	simm.s32 $0x1;
	v7 =	vmov s14;
	v9 =	vadd.s32 s15, v0  }
0xb4: {  	s20 =	simm.s32 $0x5;
	v7 =	vshll.u32 v7, $0x5;
	v10 =	vand.u32 $0x18, v9;
	v9 =	vadd.s32 s19, v0  }
0xb5: {  	s16 =	simm.s32 $0x3;
	v15 =	vadd.s32 s20, v0;
	v7 =	vor.u32 v3, v7;
	v13 =	vand.u32 $0x1F, v9  }
0xb6: {  	v19 =	vadd.s32 s16, v0;
	v15 =	vand.u32 $0x1F, v15;
	v14 =	vor.u32 v7, v13  }
0xb7: {  	v19 =	vand.u32 $0x1F, v19;
	v17 =	vor.u32 v7, v15  }
0xb8: {  	s19 =	simm.s32 $0x4;
	v8 =	vor.u32 v2, v7;
	v25 =	vor.u32 v7, v19  }
0xb9: {  	v20 =	vadd.s32 s19, v0;
	v11 =	vor.u32 v8, v10  }
0xba: {  	v12 =	vand.u32 $0x1F00, v7;
	v20 =	vand.u32 $0x1F, v20  }
0xbb: {  	v9 =	vor.u32 v4, v12;
	v26 =	vor.u32 v7, v20;
	v22 =	vld.idx.msk [tilespmem:v14+s30+$0x0], $0xffff  }
0xbc: {  	v16 =	vor.u32 v10, v9;
	v23 =	vld.idx.msk [tilespmem:v17+s30+$0x0], $0xffff  }
0xbd: {  	v34 =	vld.idx.msk [tilespmem:v25+s30+$0x0], $0xffff  }
0xbe: {  	s28 =	simm.s32 $0x2;
	v10 =	vor.u32 v5, v12;
	v18 =	vld.idx.msk [tilespmem:v11+s30+$0x0], $0xffff  }
0xbf: {  	v12 =	vadd.s32 s28, v0;
	v15 =	vor.u32 v15, v10;
	v11 =	vld.idx.msk [tilespmem:v11+s29+$0x0], $0xffff  }
0xc0: {  	v12 =	vand.u32 $0x1F, v12;
	v19 =	vor.u32 v19, v10;
	v35 =	vld.idx.msk [tilespmem:v26+s29+$0x0], $0xffff  }
0xc1: {  	s20 =	simm.s32 $0x6;
	v21 =	vor.u32 v7, v12;
	v24 =	vld.idx.msk [tilespmem:v16+s4+$0x0], $0xffff  }
0xc2: {  	v16 =	vor.u32 v20, v10;
	v20 =	vld.idx.msk [tilespmem:v14+s29+$0x0], $0xffff;
	v14 =	vadd.s32 s20, v0  }
0xc3: {  	v30 =	vor.u32 v13, v10;
	v25 =	vld.idx.msk [tilespmem:v25+s29+$0x0], $0xffff;
	v27 =	vand.u32 $0x1F, v14  }
0xc4: {  	v31 =	vor.u32 v12, v10;
	v15 =	vld.idx.msk [tilespmem:v15+s4+$0x0], $0xffff;
	v14 =	vimm.f32 $0.0e+00;
	v29 =	vor.u32 v7, v27  }
0xc5: {  	v44 =	vld.idx.msk [tilespmem:v19+s4+$0x0], $0xffff;
	v27 =	vor.u32 v27, v10;
	v40 =	vand.u32 $0xFFFF0000, v22;
	v37 =	vshll.u32 v22, $0x10  }
0xc6: {  	v28 =	vld.idx.msk [tilespmem:v21+s30+$0x0], $0xffff;
	v38 =	vand.u32 $0xFFFF0000, v23;
	v36 =	vand.u32 $0xFFFF0000, v18;
	v12 =	vand.u32 $0xFFFF0000, v11  }
0xc7: {  	s28 =	simm.s32 $0x7;
	v21 =	vld.idx.msk [tilespmem:v21+s29+$0x0], $0xffff;
	v11 =	vshll.u32 v11, $0x10;
	v18 =	vshll.u32 v18, $0x10;
	v60 =	vshll.u32 v35, $0x10  }
0xc8: {  	v32 =	vld.idx.msk [tilespmem:v16+s4+$0x0], $0xffff;
	v13 =	vand.u32 $0xFFFF0000, v24;
	v16 =	vadd.s32 s28, v0;
	v43 =	vand.u32 $0xFFFF0000, v20  }
0xc9: {  	v22 =	vld.idx.msk [tilespmem:v17+s29+$0x0], $0xffff;
	v20 =	vshll.u32 v20, $0x10;
	v24 =	vshll.u32 v24, $0x10;
	v39 =	vmul.f32 v12, v13  }
0xca: {  	v50 =	vld.idx.msk [tilespmem:v26+s30+$0x0], $0xffff;
	v33 =	vand.u32 $0x1F, v16;
	v12 =	vshll.u32 v34, $0x10;
	v61 =	vshll.u32 v15, $0x10  }
0xcb: {  	v31 =	vld.idx.msk [tilespmem:v31+s4+$0x0], $0xffff;
	v15 =	vand.u32 $0xFFFF0000, v15;
	v11 =	vmul.f32 v11, v24;
	v49 =	vand.u32 $0xFFFF0000, v44  }
0xcc: {  	v34 =	vand.u32 $0xFFFF0000, v34;
	v41 =	vld.idx.msk [tilespmem:v29+s30+$0x0], $0xffff;
	v42 =	vor.u32 v33, v10;
	v16 =	vshll.u32 v28, $0x10  }
0xcd: {  	v17 =	vand.u32 $0xFFFF0000, v28;
	v28 =	vld.idx.msk [tilespmem:v30+s4+$0x0], $0xffff;
	v30 =	vshll.u32 v23, $0x10;
	v45 =	vor.u32 v7, v33  }
0xce: {  	v29 =	vld.idx.msk [tilespmem:v29+s29+$0x0], $0xffff;
	v46 =	vshll.u32 v21, $0x10;
	v21 =	vand.u32 $0xFFFF0000, v21;
	v19 =	vand.u32 $0xFFFF0000, v22  }
0xcf: {  	v27 =	vld.idx.msk [tilespmem:v27+s4+$0x0], $0xffff;
	v22 =	vshll.u32 v22, $0x10;
	v11 =	vmul.f32 v18, v11;
	v39 =	vmul.f32 v36, v39  }
0xd0: {  	v36 =	vshll.u32 v25, $0x10;
	v15 =	vmul.f32 v19, v15;
	v22 =	vmul.f32 v22, v61  }
0xd1: {  	v13 =	vand.u32 $0xFFFF0000, v32;
	v23 =	vshll.u32 v32, $0x10;
	v26 =	vadd.f32 v11, v14  }
0xd2: {  	v11 =	vand.u32 $0xFFFF0000, v31;
	v23 =	vmul.f32 v60, v23;
	v19 =	vmul.f32 v38, v15  }
0xd3: {  	v18 =	vmul.f32 v30, v22;
	v38 =	vshll.u32 v50, $0x10;
	v47 =	vshll.u32 v29, $0x10  }
0xd4: {  	v24 =	vshll.u32 v27, $0x10;
	v48 =	vshll.u32 v28, $0x10;
	v29 =	vand.u32 $0xFFFF0000, v29  }
0xd5: {  	v63 =	vand.u32 $0xFFFF0000, v28;
	v28 =	vshll.u32 v31, $0x10;
	v31 =	vmul.f32 v21, v11  }
0xd6: {  	v42 =	vld.idx.msk [tilespmem:v42+s4+$0x0], $0xffff;
	v22 =	vand.u32 $0xFFFF0000, v27;
	v15 =	vmul.f32 v47, v24;
	v27 =	vmul.f32 v20, v48  }
0xd7: {  	v62 =	vshll.u32 v41, $0x10;
	v33 =	vld.idx.msk [tilespmem:v45+s29+$0x0], $0xffff;
	v22 =	vmul.f32 v29, v22;
	v30 =	vmul.f32 v46, v28  }
0xd8: {  	v20 =	vand.u32 $0xFFFF0000, v50;
	v28 =	vand.u32 $0xFFFF0000, v35;
	v21 =	vmul.f32 v43, v63  }
0xd9: {  	v35 =	vshll.u32 v44, $0x10;
	v15 =	vmul.f32 v62, v15;
	v29 =	vmul.f32 v37, v27  }
0xda: {  	v27 =	vand.u32 $0xFFFF0000, v25;
	v40 =	vmul.f32 v40, v21;
	v21 =	vimm.f32 $0.0e+00  }
0xdb: {  	v11 =	vld [tilespmem:s14+$0x400];
	v37 =	vmul.f32 v27, v49;
	v27 =	vand.u32 $0xFFFF0000, v41;
	v24 =	vshll.u32 v42, $0x10  }
0xdc: {  	s14 =	simm.s32 $0xF;
	v32 =	vand.u32 $0xFFFF0000, v42;
	v25 =	vadd.f32 v29, v14;
	v29 =	vld.idx.msk [tilespmem:v45+s30+$0x0], $0xffff;
	v41 =	vand.u32 $0xFFFF0000, v33  }
.LBB2_4:
0xdd: {  	s16 =	sadd.s32 $0xFFFFFFF9, s14  }
0xde: {  	s19 =	sadd.s32 $0xFFFFFFFA, s14;
	s20 =	sadd.s32 $0xFFFFFFFC, s14;
	v23 =	vmul.f32 v38, v23;
	v33 =	vshll.u32 v33, $0x10;
	v32 =	vmul.f32 v41, v32;
	s15 =	smov.u32 s14  }
0xdf: {  	v14 =	vadd.f32 v39, v14;
	v38 =	vadd.s32 s16, v0;
	v41 =	vadd.s32 s19, v0;
	s19 =	sadd.s32 $0xFFFFFFFD, s15;
	s28 =	sadd.s32 $0xFFFFFFFE, s15;
	s16 =	sadd.s32 $0x8, s14  }
0xe0: {  	p1 =	sne.s32 s14, $0x1F;
	v21 =	vadd.f32 v40, v21;
	v38 =	vand.u32 $0x18, v38;
	v39 =	vand.u32 $0x1F, v41  }
0xe1: {  	v34 =	vmul.f32 v34, v37;
	v40 =	vor.u32 v38, v9;
	v38 =	vor.u32 v8, v38  }
0xe2: {  	v17 =	vmul.f32 v17, v31;
	s14 =	sadd.s32 $0xFFFFFFFB, s15;
	v41 =	vadd.s32 s19, v0;
	v37 =	vor.u32 v7, v39  }
0xe3: {  	v16 =	vmul.f32 v16, v30;
	v31 =	vadd.s32 s14, v0;
	v42 =	vadd.s32 s28, v0  }
0xe4: {  	v35 =	vmul.f32 v36, v35;
	v30 =	vand.u32 $0x1F, v31;
	v31 =	vand.u32 $0x1F, v42  }
0xe5: {  	v16 =	vadd.f32 v16, v26;
	v36 =	vor.u32 v31, v10;
	v31 =	vor.u32 v7, v31  }
0xe6: {  	v41 =	vand.u32 $0x1F, v41;
	v21 =	vadd.f32 v34, v21;
	v42 =	vor.u32 v7, v30;
	v26 =	vld.idx.msk [tilespmem:v38+s30+$0x0], $0xffff  }
0xe7: {  	v24 =	vmul.f32 v33, v24;
	v34 =	vld.idx.msk [tilespmem:v38+s29+$0x0], $0xffff;
	v38 =	vor.u32 v39, v10;
	v39 =	vadd.s32 s20, v0  }
0xe8: {  	v14 =	vadd.f32 v17, v14;
	v43 =	vor.u32 v7, v41;
	v33 =	vld.idx.msk [tilespmem:v37+s30+$0x0], $0xffff;
	v39 =	vand.u32 $0x1F, v39  }
0xe9: {  	v13 =	vmul.f32 v28, v13;
	v40 =	vld.idx.msk [tilespmem:v40+s4+$0x0], $0xffff;
	v17 =	vor.u32 v39, v10;
	v39 =	vor.u32 v7, v39  }
0xea: {  	v22 =	vmul.f32 v27, v22;
	s14 =	sadd.s32 $0xFFFFFFFF, s15;
	v12 =	vmul.f32 v12, v35;
	v28 =	vor.u32 v41, v10;
	v41 =	vld.idx.msk [tilespmem:v31+s30+$0x0], $0xffff  }
0xeb: {  	v35 =	vadd.s32 s14, v0;
	v27 =	vld.idx.msk [tilespmem:v37+s29+$0x0], $0xffff;
	v37 =	vshll.u32 v29, $0x10;
	v29 =	vand.u32 $0xFFFF0000, v29  }
0xec: {  	v30 =	vor.u32 v30, v10;
	v35 =	vand.u32 $0x1F, v35;
	v19 =	vadd.f32 v19, v21;
	v36 =	vld.idx.msk [tilespmem:v36+s4+$0x0], $0xffff  }
0xed: {  	v13 =	vmul.f32 v20, v13;
	v45 =	vor.u32 v35, v10;
	v20 =	vmul.f32 v29, v32;
	v44 =	vld.idx.msk [tilespmem:v42+s30+$0x0], $0xffff  }
0xee: {  	v12 =	vadd.f32 v12, v25;
	v32 =	vor.u32 v7, v35;
	v29 =	vld.idx.msk [tilespmem:v43+s29+$0x0], $0xffff  }
0xef: {  	v16 =	vadd.f32 v23, v16;
	v13 =	vadd.f32 v13, v14;
	v23 =	vmul.f32 v37, v24;
	v25 =	vld.idx.msk [tilespmem:v39+s30+$0x0], $0xffff  }
0xf0: {  	v12 =	vadd.f32 v18, v12;
	v35 =	vand.u32 $0xFFFF0000, v26;
	v21 =	vadd.f32 v20, v19;
	v24 =	vld.idx.msk [tilespmem:v28+s4+$0x0], $0xffff  }
0xf1: {  	v14 =	vadd.f32 v22, v13;
	v46 =	vand.u32 $0xFFFF0000, v33;
	v20 =	vadd.f32 v15, v16;
	v47 =	vld.idx.msk [tilespmem:v17+s4+$0x0], $0xffff  }
0xf2: {  	v13 =	vand.u32 $0xFFFF0000, v34;
	v28 =	vshll.u32 v33, $0x10;
	v15 =	vld.idx.msk [tilespmem:v42+s29+$0x0], $0xffff;
	v42 =	vadd.f32 v23, v12  }
0xf3: {  	v18 =	vshll.u32 v34, $0x10;
	v16 =	vadd.s32 s15, v0;
	v12 =	vand.u32 $0xFFFF0000, v40;
	v19 =	vld.idx.msk [tilespmem:v31+s29+$0x0], $0xffff  }
0xf4: {  	v22 =	vshll.u32 v26, $0x10;
	v23 =	vand.u32 $0x1F, v16;
	v48 =	vmul.f32 v13, v12;
	v49 =	vld.idx.msk [tilespmem:v32+s30+$0x0], $0xffff  }
0xf5: {  	v26 =	vand.u32 $0xFFFF0000, v41;
	v12 =	vshll.u32 v25, $0x10;
	v31 =	vld.idx.msk [tilespmem:v32+s29+$0x0], $0xffff;
	v32 =	vor.u32 v23, v10  }
0xf6: {  	v16 =	vshll.u32 v44, $0x10;
	v17 =	vand.u32 $0xFFFF0000, v44;
	v13 =	vand.u32 $0xFFFF0000, v24;
	v33 =	vld.idx.msk [tilespmem:v45+s4+$0x0], $0xffff  }
0xf7: {  	v37 =	vand.u32 $0xFFFF0000, v27;
	v34 =	vld.idx.msk [tilespmem:v38+s4+$0x0], $0xffff;
	v38 =	vshll.u32 v41, $0x10;
	v41 =	vor.u32 v7, v23  }
0xf8: {  	v44 =	vshll.u32 v36, $0x10;
	v23 =	vshll.u32 v24, $0x10;
	v24 =	vshll.u32 v29, $0x10  }
0xf9: {  	v23 =	vmul.f32 v24, v23;
	v24 =	vand.u32 $0xFFFF0000, v36;
	v45 =	vld.idx.msk [tilespmem:v30+s4+$0x0], $0xffff;
	v30 =	vand.u32 $0xFFFF0000, v19  }
0xfa: {  	v27 =	vshll.u32 v27, $0x10;
	v36 =	vshll.u32 v15, $0x10;
	v50 =	vshll.u32 v49, $0x10;
	v32 =	vld.idx.msk [tilespmem:v32+s4+$0x0], $0xffff  }
0xfb: {  	v40 =	vshll.u32 v40, $0x10;
	v24 =	vmul.f32 v30, v24;
	v30 =	vshll.u32 v31, $0x10  }
0xfc: {  	v18 =	vmul.f32 v18, v40;
	v40 =	vand.u32 $0xFFFF0000, v15;
	v15 =	vshll.u32 v33, $0x10  }
0xfd: {  	v52 =	vand.u32 $0xFFFF0000, v47;
	v31 =	vand.u32 $0xFFFF0000, v31;
	v51 =	vshll.u32 v34, $0x10;
	v43 =	vld.idx.msk [tilespmem:v43+s30+$0x0], $0xffff  }
0xfe: {  	v15 =	vmul.f32 v30, v15;
	v53 =	vld.idx.msk [tilespmem:v39+s29+$0x0], $0xffff;
	v39 =	vshll.u32 v19, $0x10;
	v19 =	vmul.f32 v26, v24  }
0xff: {  	v54 =	vand.u32 $0xFFFF0000, v34;
	v30 =	vshll.u32 v45, $0x10;
	v26 =	vmul.f32 v39, v44  }
0x100: {  	v22 =	vmul.f32 v22, v18;
	v15 =	vmul.f32 v50, v15;
	v24 =	vshll.u32 v32, $0x10  }
0x101: {  	v34 =	vand.u32 $0xFFFF0000, v33;
	v32 =	vand.u32 $0xFFFF0000, v32;
	v18 =	vmul.f32 v38, v26;
	v33 =	vld.idx.msk [tilespmem:v41+s29+$0x0], $0xffff  }
0x102: {  	v27 =	vmul.f32 v27, v51;
	v26 =	vadd.f32 v22, v20;
	v22 =	vmul.f32 v31, v34  }
0x103: {  	v30 =	vmul.f32 v36, v30;
	v38 =	vshll.u32 v43, $0x10;
	v20 =	vand.u32 $0xFFFF0000, v43  }
.Ltmp4:
0x104: {  	v43 =	vmul.f32 v28, v27;
	v27 =	vand.u32 $0xFFFF0000, v45;
	v36 =	vand.u32 $0xFFFF0000, v53;
	(pc) =	sbr.rel @p1 .LBB2_4-.Ltmp4, $4  }
0x105: {  	v34 =	vand.u32 $0xFFFF0000, v25;
	v28 =	vand.u32 $0xFFFF0000, v29;
	v31 =	vmul.f32 v40, v27  }
0x106: {  	v29 =	vmul.f32 v37, v54;
	v27 =	vand.u32 $0xFFFF0000, v49;
	v37 =	vmul.f32 v36, v52  }
0x107: {  	v39 =	vmul.f32 v35, v48;
	v35 =	vshll.u32 v47, $0x10;
	v36 =	vshll.u32 v53, $0x10  }
0x108: {  	s14 =	smov.u32 s16;
	v25 =	vadd.f32 v43, v42;
	v40 =	vmul.f32 v46, v29;
	v29 =	vld.idx.msk [tilespmem:v41+s30+$0x0], $0xffff;
	v41 =	vand.u32 $0xFFFF0000, v33  }
0x109: {  	v7 =	vmul.f32 v38, v23;
	v9 =	vmul.f32 v41, v32  }
0x10a: {  	v8 =	vshll.u32 v33, $0x10;
	v56 =	vmul.f32 v16, v30;
	v58 =	vmul.f32 v34, v37  }
0x10b: {  	v10 =	vadd.f32 v39, v14;
	v59 =	vmul.f32 v36, v35;
	v17 =	vmul.f32 v17, v31  }
0x10c: {  	v13 =	vmul.f32 v28, v13;
	v60 =	vmul.f32 v27, v22;
	v57 =	vadd.f32 v40, v21  }
0x10d: {  	v8 =	vmul.f32 v8, v24;
	v14 =	vadd.f32 v56, v26;
	v12 =	vmul.f32 v12, v59  }
0x10e: {  	v10 =	vadd.f32 v17, v10;
	v13 =	vmul.f32 v20, v13;
	v16 =	vadd.f32 v58, v57  }
0x10f: {  	v61 =	vshll.u32 v29, $0x10;
	v12 =	vadd.f32 v12, v25;
	v7 =	vadd.f32 v7, v14  }
0x110: {  	v62 =	vand.u32 $0xFFFF0000, v29;
	v10 =	vadd.f32 v13, v10;
	v16 =	vadd.f32 v19, v16  }
0x111: {  	v9 =	vmul.f32 v62, v9;
	v8 =	vmul.f32 v61, v8;
	v12 =	vadd.f32 v18, v12  }
0x112: {  	v7 =	vadd.f32 v15, v7;
	v10 =	vadd.f32 v60, v10  }
0x113: {  	v9 =	vadd.f32 v9, v16;
	v8 =	vadd.f32 v8, v12;
	_ =	sdelay $0x1  }
0x114: {  	v63 =	vshll.u32 v11, $0x4;
	s13 =	sadd.s32 $0x1, s13;
	v7 =	vadd.f32 v10, v7;
	v8 =	vadd.f32 v9, v8  }
0x115: {  	p1 =	sne.s32 s13, $0x10;
	v9 =	vor.u32 v0, v63  }
.Ltmp5:
0x116: {  	v7 =	vadd.f32 v8, v7;
	(pc) =	sbr.rel @p1 .LBB2_3-.Ltmp5, $3  }
0x117: {  	_ = 	snop  }
0x118: {  	v7 =	vadd.f32 v7, v6;
	_ =	sdelay $0x1  }
0x119: {  	[tilespmem:v9+s5+$0x0] =	vst.idx.add.f32.msk $0xffff, v7  }
0x11a: {  	s13 =	sadd.s32 s17, s12  }
0x11b: {  	p1 =	sgt.u32 s13, $0xC34  }
0x11c: {  	s14 =	sshll.u32 @!p1 s13, $0x5  }
0x11d: {  	s16 =	simm.s32 @!p1 $0x0;
	s15 =	sadd.s32 @!p1 s1, s14  }
0x11e: {  	[tilespmem:s16], [sflag:$0x1] =	stream.linear.gather @!p1 [hbm4b:s15+s16], $0x100, $0x38;
	[tilespmem:$0xCA10] =	vst v63  }
0x11f: {  	s19 =	simm.s32 @!p1 $0x200;
	s15 =	sadd.s32 @!p1 s2, s14  }
0x120: {  	[tilespmem:s19], [sflag:$0x1] =	stream.linear.gather @!p1 [hbm4b:s15+s16], $0x100, $0x38;
	[tilespmem:$0xCA10] =	vst v63  }
0x121: {  	s14 =	sadd.s32 @!p1 s3, s14;
	s15 =	simm.s32 @!p1 $0x400  }
0x122: {  	[tilespmem:s15], [sflag:$0x1] =	stream.linear.gather @!p1 [hbm4b:s14+s16], $0x100, $0x38;
	[tilespmem:$0xCA10] =	vst v63  }
0x123: {  	s14 =	simm.s32 @!p1 $0x1  }
0x124: {  	_ =	swait.ge @!p1 [sflag:s14], $0x100  }
0x125: {  	[sflag:s14] =	ssyncset.done @!p1 $0x0  }
0x126: {  	[sflag:s14] =	ssyncadd.s32 @!p1 $0xFFFFFF00  }
0x127: {  	_ =	swait.ge @!p1 [sflag:s14], $0x100  }
0x128: {  	[sflag:s14] =	ssyncset.done @!p1 $0x0  }
0x129: {  	[sflag:s14] =	ssyncadd.s32 @!p1 $0xFFFFFF00  }
0x12a: {  	_ =	swait.ge @!p1 [sflag:s14], $0x100  }
0x12b: {  	[sflag:s14] =	ssyncset.done @!p1 $0x0  }
0x12c: {  	s15 =	simm.s32 @!p1 $0x600;
	[sflag:s14] =	ssyncadd.s32 @!p1 $0xFFFFFF00;
	s14 =	simm.s32 @!p1 $0x80  }
0x12d: {  	[tilespmem:s15], [sflag:$0x3] =	stream.indirect.gather @!p1 [hbm4b:s7+s14], $0x20, s16, s14, $0xb8;
	[tilespmem:$0xCA10] =	vst v63  }
0x12e: {  	s15 =	simm.s32 @!p1 $0x4600  }
0x12f: {  	[tilespmem:s15], [sflag:$0x3] =	stream.indirect.gather @!p1 [hbm4b:s8+s14], $0x20, s19, s14, $0xb8;
	[tilespmem:$0xCA10] =	vst v63  }
0x130: {  	s15 =	simm.s32 @!p1 $0x1600  }
0x131: {  	[tilespmem:s15], [sflag:$0x3] =	stream.indirect.gather @!p1 [hbm4b:s7+s14], $0x20, s14, s14, $0xb8;
	[tilespmem:$0xCA10] =	vst v63  }
.Ltmp6:
0x132: {  	_ = 	snop;
	(pc) =	sbr.rel @p0 .LBB2_11-.Ltmp6, $4  }
0x133: {  	s13 =	sshll.u32 @!p1 s13, $0xA;
	s19 =	simm.s32 @!p1 $0x5600;
	s15 =	simm.s32 @!p1 $0x280  }
0x134: {  	[tilespmem:s19], [sflag:$0x3] =	stream.indirect.gather @!p1 [hbm4b:s8+s14], $0x20, s15, s14, $0xb8;
	[tilespmem:$0xCA10] =	vst v63  }
0x135: {  	s13 =	sadd.s32 @!p1 s9, s13;
	s14 =	simm.s32 @!p1 $0x8600  }
0x136: {  	[tilespmem:s14], [sflag:$0x3] =	stream.linear.gather @!p1 [hbm4b:s13+s16], $0x2000, $0x38;
	[tilespmem:$0xCA10] =	vst v63  }
0x137: {  	_ =	swait.ge [sflag:s22], $0x1000  }
0x138: {  	[sflag:s22] =	ssyncset.done $0x0  }
0x139: {  	[sflag:s22] =	ssyncadd.s32 $0xFFFFF000  }
0x13a: {  	_ =	swait.ge [sflag:s22], $0x1000  }
0x13b: {  	[sflag:s22] =	ssyncset.done $0x0  }
0x13c: {  	[sflag:s22] =	ssyncadd.s32 $0xFFFFF000  }
0x13d: {  	_ =	swait.ge [sflag:s22], $0x1000  }
0x13e: {  	[sflag:s22] =	ssyncset.done $0x0  }
0x13f: {  	[sflag:s22] =	ssyncadd.s32 $0xFFFFF000  }
0x140: {  	_ =	swait.ge [sflag:s22], $0x1000  }
0x141: {  	[sflag:s22] =	ssyncset.done $0x0  }
0x142: {  	[sflag:s22] =	ssyncadd.s32 $0xFFFFF000  }
0x143: {  	_ =	swait.ge [sflag:s22], $0x2000  }
0x144: {  	[sflag:s22] =	ssyncset.done $0x0  }
0x145: {  	s13 =	simm.s32 $0x0;
	[sflag:s22] =	ssyncadd.s32 $0xFFFFE000  }
.LBB2_8:
0x146: {  	s14 =	sshll.u32 s13, $0x4;
	s15 =	simm.s32 $0x0  }
0x147: {  	s19 =	simm.s32 $0x1;
	v7 =	vmov s14;
	v9 =	vadd.s32 s15, v0  }
0x148: {  	s20 =	simm.s32 $0x5;
	v7 =	vshll.u32 v7, $0x5;
	v10 =	vand.u32 $0x18, v9;
	v9 =	vadd.s32 s19, v0  }
0x149: {  	s16 =	simm.s32 $0x3;
	v15 =	vadd.s32 s20, v0;
	v7 =	vor.u32 v3, v7;
	v13 =	vand.u32 $0x1F, v9  }
0x14a: {  	v19 =	vadd.s32 s16, v0;
	v15 =	vand.u32 $0x1F, v15;
	v14 =	vor.u32 v7, v13  }
0x14b: {  	v19 =	vand.u32 $0x1F, v19;
	v17 =	vor.u32 v7, v15  }
0x14c: {  	s19 =	simm.s32 $0x4;
	v8 =	vor.u32 v2, v7;
	v25 =	vor.u32 v7, v19  }
0x14d: {  	v20 =	vadd.s32 s19, v0;
	v11 =	vor.u32 v8, v10  }
0x14e: {  	v12 =	vand.u32 $0x1F00, v7;
	v20 =	vand.u32 $0x1F, v20  }
0x14f: {  	v9 =	vor.u32 v4, v12;
	v26 =	vor.u32 v7, v20;
	v22 =	vld.idx.msk [tilespmem:v14+s24+$0x0], $0xffff  }
0x150: {  	v16 =	vor.u32 v10, v9;
	v23 =	vld.idx.msk [tilespmem:v17+s24+$0x0], $0xffff  }
0x151: {  	v34 =	vld.idx.msk [tilespmem:v25+s24+$0x0], $0xffff  }
0x152: {  	s28 =	simm.s32 $0x2;
	v10 =	vor.u32 v5, v12;
	v18 =	vld.idx.msk [tilespmem:v11+s24+$0x0], $0xffff  }
0x153: {  	v12 =	vadd.s32 s28, v0;
	v15 =	vor.u32 v15, v10;
	v11 =	vld.idx.msk [tilespmem:v11+s31+$0x0], $0xffff  }
0x154: {  	v12 =	vand.u32 $0x1F, v12;
	v19 =	vor.u32 v19, v10;
	v35 =	vld.idx.msk [tilespmem:v26+s31+$0x0], $0xffff  }
0x155: {  	s20 =	simm.s32 $0x6;
	v21 =	vor.u32 v7, v12;
	v24 =	vld.idx.msk [tilespmem:v16+s25+$0x0], $0xffff  }
0x156: {  	v16 =	vor.u32 v20, v10;
	v20 =	vld.idx.msk [tilespmem:v14+s31+$0x0], $0xffff;
	v14 =	vadd.s32 s20, v0  }
0x157: {  	v30 =	vor.u32 v13, v10;
	v25 =	vld.idx.msk [tilespmem:v25+s31+$0x0], $0xffff;
	v27 =	vand.u32 $0x1F, v14  }
0x158: {  	v31 =	vor.u32 v12, v10;
	v15 =	vld.idx.msk [tilespmem:v15+s25+$0x0], $0xffff;
	v14 =	vimm.f32 $0.0e+00;
	v29 =	vor.u32 v7, v27  }
0x159: {  	v44 =	vld.idx.msk [tilespmem:v19+s25+$0x0], $0xffff;
	v27 =	vor.u32 v27, v10;
	v40 =	vand.u32 $0xFFFF0000, v22;
	v37 =	vshll.u32 v22, $0x10  }
0x15a: {  	v28 =	vld.idx.msk [tilespmem:v21+s24+$0x0], $0xffff;
	v38 =	vand.u32 $0xFFFF0000, v23;
	v36 =	vand.u32 $0xFFFF0000, v18;
	v12 =	vand.u32 $0xFFFF0000, v11  }
0x15b: {  	s28 =	simm.s32 $0x7;
	v21 =	vld.idx.msk [tilespmem:v21+s31+$0x0], $0xffff;
	v11 =	vshll.u32 v11, $0x10;
	v18 =	vshll.u32 v18, $0x10;
	v60 =	vshll.u32 v35, $0x10  }
0x15c: {  	v32 =	vld.idx.msk [tilespmem:v16+s25+$0x0], $0xffff;
	v13 =	vand.u32 $0xFFFF0000, v24;
	v16 =	vadd.s32 s28, v0;
	v43 =	vand.u32 $0xFFFF0000, v20  }
0x15d: {  	v22 =	vld.idx.msk [tilespmem:v17+s31+$0x0], $0xffff;
	v20 =	vshll.u32 v20, $0x10;
	v24 =	vshll.u32 v24, $0x10;
	v39 =	vmul.f32 v12, v13  }
0x15e: {  	v50 =	vld.idx.msk [tilespmem:v26+s24+$0x0], $0xffff;
	v33 =	vand.u32 $0x1F, v16;
	v12 =	vshll.u32 v34, $0x10;
	v61 =	vshll.u32 v15, $0x10  }
0x15f: {  	v31 =	vld.idx.msk [tilespmem:v31+s25+$0x0], $0xffff;
	v15 =	vand.u32 $0xFFFF0000, v15;
	v11 =	vmul.f32 v11, v24;
	v49 =	vand.u32 $0xFFFF0000, v44  }
0x160: {  	v34 =	vand.u32 $0xFFFF0000, v34;
	v41 =	vld.idx.msk [tilespmem:v29+s24+$0x0], $0xffff;
	v42 =	vor.u32 v33, v10;
	v16 =	vshll.u32 v28, $0x10  }
0x161: {  	v17 =	vand.u32 $0xFFFF0000, v28;
	v28 =	vld.idx.msk [tilespmem:v30+s25+$0x0], $0xffff;
	v30 =	vshll.u32 v23, $0x10;
	v45 =	vor.u32 v7, v33  }
0x162: {  	v29 =	vld.idx.msk [tilespmem:v29+s31+$0x0], $0xffff;
	v46 =	vshll.u32 v21, $0x10;
	v21 =	vand.u32 $0xFFFF0000, v21;
	v19 =	vand.u32 $0xFFFF0000, v22  }
0x163: {  	v27 =	vld.idx.msk [tilespmem:v27+s25+$0x0], $0xffff;
	v22 =	vshll.u32 v22, $0x10;
	v11 =	vmul.f32 v18, v11;
	v39 =	vmul.f32 v36, v39  }
0x164: {  	v36 =	vshll.u32 v25, $0x10;
	v15 =	vmul.f32 v19, v15;
	v22 =	vmul.f32 v22, v61  }
0x165: {  	v13 =	vand.u32 $0xFFFF0000, v32;
	v23 =	vshll.u32 v32, $0x10;
	v26 =	vadd.f32 v11, v14  }
0x166: {  	v11 =	vand.u32 $0xFFFF0000, v31;
	v23 =	vmul.f32 v60, v23;
	v19 =	vmul.f32 v38, v15  }
0x167: {  	v18 =	vmul.f32 v30, v22;
	v38 =	vshll.u32 v50, $0x10;
	v47 =	vshll.u32 v29, $0x10  }
0x168: {  	v24 =	vshll.u32 v27, $0x10;
	v48 =	vshll.u32 v28, $0x10;
	v29 =	vand.u32 $0xFFFF0000, v29  }
0x169: {  	v63 =	vand.u32 $0xFFFF0000, v28;
	v28 =	vshll.u32 v31, $0x10;
	v31 =	vmul.f32 v21, v11  }
0x16a: {  	v42 =	vld.idx.msk [tilespmem:v42+s25+$0x0], $0xffff;
	v22 =	vand.u32 $0xFFFF0000, v27;
	v15 =	vmul.f32 v47, v24;
	v27 =	vmul.f32 v20, v48  }
0x16b: {  	v62 =	vshll.u32 v41, $0x10;
	v33 =	vld.idx.msk [tilespmem:v45+s31+$0x0], $0xffff;
	v22 =	vmul.f32 v29, v22;
	v30 =	vmul.f32 v46, v28  }
0x16c: {  	v20 =	vand.u32 $0xFFFF0000, v50;
	v28 =	vand.u32 $0xFFFF0000, v35;
	v21 =	vmul.f32 v43, v63  }
0x16d: {  	v35 =	vshll.u32 v44, $0x10;
	v15 =	vmul.f32 v62, v15;
	v29 =	vmul.f32 v37, v27  }
0x16e: {  	v27 =	vand.u32 $0xFFFF0000, v25;
	v40 =	vmul.f32 v40, v21;
	v21 =	vimm.f32 $0.0e+00  }
0x16f: {  	v11 =	vld [tilespmem:s14+$0x500];
	v37 =	vmul.f32 v27, v49;
	v27 =	vand.u32 $0xFFFF0000, v41;
	v24 =	vshll.u32 v42, $0x10  }
0x170: {  	s16 =	simm.s32 $0xF;
	v32 =	vand.u32 $0xFFFF0000, v42;
	v25 =	vadd.f32 v29, v14;
	v29 =	vld.idx.msk [tilespmem:v45+s24+$0x0], $0xffff;
	v41 =	vand.u32 $0xFFFF0000, v33  }
.LBB2_9:
0x171: {  	s14 =	sadd.s32 $0xFFFFFFF9, s16  }
0x172: {  	s19 =	sadd.s32 $0xFFFFFFFA, s16;
	s20 =	sadd.s32 $0xFFFFFFFC, s16;
	v23 =	vmul.f32 v38, v23;
	v33 =	vshll.u32 v33, $0x10;
	v32 =	vmul.f32 v41, v32;
	s15 =	smov.u32 s16  }
0x173: {  	v14 =	vadd.f32 v39, v14;
	v38 =	vadd.s32 s14, v0;
	v41 =	vadd.s32 s19, v0;
	s19 =	sadd.s32 $0xFFFFFFFD, s15;
	s28 =	sadd.s32 $0xFFFFFFFE, s15;
	s14 =	sadd.s32 $0x8, s16  }
0x174: {  	p0 =	sne.s32 s16, $0x1F;
	v21 =	vadd.f32 v40, v21;
	v38 =	vand.u32 $0x18, v38;
	v39 =	vand.u32 $0x1F, v41  }
0x175: {  	v34 =	vmul.f32 v34, v37;
	v40 =	vor.u32 v38, v9;
	v38 =	vor.u32 v8, v38  }
0x176: {  	v17 =	vmul.f32 v17, v31;
	s16 =	sadd.s32 $0xFFFFFFFB, s15;
	v41 =	vadd.s32 s19, v0;
	v37 =	vor.u32 v7, v39  }
0x177: {  	v16 =	vmul.f32 v16, v30;
	v31 =	vadd.s32 s16, v0;
	v42 =	vadd.s32 s28, v0  }
0x178: {  	v35 =	vmul.f32 v36, v35;
	v30 =	vand.u32 $0x1F, v31;
	v31 =	vand.u32 $0x1F, v42  }
0x179: {  	v16 =	vadd.f32 v16, v26;
	v36 =	vor.u32 v31, v10;
	v31 =	vor.u32 v7, v31  }
0x17a: {  	v41 =	vand.u32 $0x1F, v41;
	v21 =	vadd.f32 v34, v21;
	v42 =	vor.u32 v7, v30;
	v26 =	vld.idx.msk [tilespmem:v38+s24+$0x0], $0xffff  }
0x17b: {  	v24 =	vmul.f32 v33, v24;
	v34 =	vld.idx.msk [tilespmem:v38+s31+$0x0], $0xffff;
	v38 =	vor.u32 v39, v10;
	v39 =	vadd.s32 s20, v0  }
0x17c: {  	v14 =	vadd.f32 v17, v14;
	v43 =	vor.u32 v7, v41;
	v33 =	vld.idx.msk [tilespmem:v37+s24+$0x0], $0xffff;
	v39 =	vand.u32 $0x1F, v39  }
0x17d: {  	v13 =	vmul.f32 v28, v13;
	v40 =	vld.idx.msk [tilespmem:v40+s25+$0x0], $0xffff;
	v17 =	vor.u32 v39, v10;
	v39 =	vor.u32 v7, v39  }
0x17e: {  	v22 =	vmul.f32 v27, v22;
	s16 =	sadd.s32 $0xFFFFFFFF, s15;
	v12 =	vmul.f32 v12, v35;
	v28 =	vor.u32 v41, v10;
	v41 =	vld.idx.msk [tilespmem:v31+s24+$0x0], $0xffff  }
0x17f: {  	v35 =	vadd.s32 s16, v0;
	v27 =	vld.idx.msk [tilespmem:v37+s31+$0x0], $0xffff;
	v37 =	vshll.u32 v29, $0x10;
	v29 =	vand.u32 $0xFFFF0000, v29  }
0x180: {  	v30 =	vor.u32 v30, v10;
	v35 =	vand.u32 $0x1F, v35;
	v19 =	vadd.f32 v19, v21;
	v36 =	vld.idx.msk [tilespmem:v36+s25+$0x0], $0xffff  }
0x181: {  	v13 =	vmul.f32 v20, v13;
	v45 =	vor.u32 v35, v10;
	v20 =	vmul.f32 v29, v32;
	v44 =	vld.idx.msk [tilespmem:v42+s24+$0x0], $0xffff  }
0x182: {  	v12 =	vadd.f32 v12, v25;
	v32 =	vor.u32 v7, v35;
	v29 =	vld.idx.msk [tilespmem:v43+s31+$0x0], $0xffff  }
0x183: {  	v16 =	vadd.f32 v23, v16;
	v13 =	vadd.f32 v13, v14;
	v23 =	vmul.f32 v37, v24;
	v25 =	vld.idx.msk [tilespmem:v39+s24+$0x0], $0xffff  }
0x184: {  	v12 =	vadd.f32 v18, v12;
	v35 =	vand.u32 $0xFFFF0000, v26;
	v21 =	vadd.f32 v20, v19;
	v24 =	vld.idx.msk [tilespmem:v28+s25+$0x0], $0xffff  }
0x185: {  	v14 =	vadd.f32 v22, v13;
	v46 =	vand.u32 $0xFFFF0000, v33;
	v20 =	vadd.f32 v15, v16;
	v47 =	vld.idx.msk [tilespmem:v17+s25+$0x0], $0xffff  }
0x186: {  	v13 =	vand.u32 $0xFFFF0000, v34;
	v28 =	vshll.u32 v33, $0x10;
	v15 =	vld.idx.msk [tilespmem:v42+s31+$0x0], $0xffff;
	v42 =	vadd.f32 v23, v12  }
0x187: {  	v18 =	vshll.u32 v34, $0x10;
	v16 =	vadd.s32 s15, v0;
	v12 =	vand.u32 $0xFFFF0000, v40;
	v19 =	vld.idx.msk [tilespmem:v31+s31+$0x0], $0xffff  }
0x188: {  	v22 =	vshll.u32 v26, $0x10;
	v23 =	vand.u32 $0x1F, v16;
	v48 =	vmul.f32 v13, v12;
	v49 =	vld.idx.msk [tilespmem:v32+s24+$0x0], $0xffff  }
0x189: {  	v26 =	vand.u32 $0xFFFF0000, v41;
	v12 =	vshll.u32 v25, $0x10;
	v31 =	vld.idx.msk [tilespmem:v32+s31+$0x0], $0xffff;
	v32 =	vor.u32 v23, v10  }
0x18a: {  	v16 =	vshll.u32 v44, $0x10;
	v17 =	vand.u32 $0xFFFF0000, v44;
	v13 =	vand.u32 $0xFFFF0000, v24;
	v33 =	vld.idx.msk [tilespmem:v45+s25+$0x0], $0xffff  }
0x18b: {  	v37 =	vand.u32 $0xFFFF0000, v27;
	v34 =	vld.idx.msk [tilespmem:v38+s25+$0x0], $0xffff;
	v38 =	vshll.u32 v41, $0x10;
	v41 =	vor.u32 v7, v23  }
0x18c: {  	v44 =	vshll.u32 v36, $0x10;
	v23 =	vshll.u32 v24, $0x10;
	v24 =	vshll.u32 v29, $0x10  }
0x18d: {  	v23 =	vmul.f32 v24, v23;
	v24 =	vand.u32 $0xFFFF0000, v36;
	v45 =	vld.idx.msk [tilespmem:v30+s25+$0x0], $0xffff;
	v30 =	vand.u32 $0xFFFF0000, v19  }
0x18e: {  	v27 =	vshll.u32 v27, $0x10;
	v36 =	vshll.u32 v15, $0x10;
	v50 =	vshll.u32 v49, $0x10;
	v32 =	vld.idx.msk [tilespmem:v32+s25+$0x0], $0xffff  }
0x18f: {  	v40 =	vshll.u32 v40, $0x10;
	v24 =	vmul.f32 v30, v24;
	v30 =	vshll.u32 v31, $0x10  }
0x190: {  	v18 =	vmul.f32 v18, v40;
	v40 =	vand.u32 $0xFFFF0000, v15;
	v15 =	vshll.u32 v33, $0x10  }
0x191: {  	v52 =	vand.u32 $0xFFFF0000, v47;
	v31 =	vand.u32 $0xFFFF0000, v31;
	v51 =	vshll.u32 v34, $0x10;
	v43 =	vld.idx.msk [tilespmem:v43+s24+$0x0], $0xffff  }
0x192: {  	v15 =	vmul.f32 v30, v15;
	v53 =	vld.idx.msk [tilespmem:v39+s31+$0x0], $0xffff;
	v39 =	vshll.u32 v19, $0x10;
	v19 =	vmul.f32 v26, v24  }
0x193: {  	v54 =	vand.u32 $0xFFFF0000, v34;
	v30 =	vshll.u32 v45, $0x10;
	v26 =	vmul.f32 v39, v44  }
0x194: {  	v22 =	vmul.f32 v22, v18;
	v15 =	vmul.f32 v50, v15;
	v24 =	vshll.u32 v32, $0x10  }
0x195: {  	v34 =	vand.u32 $0xFFFF0000, v33;
	v32 =	vand.u32 $0xFFFF0000, v32;
	v18 =	vmul.f32 v38, v26;
	v33 =	vld.idx.msk [tilespmem:v41+s31+$0x0], $0xffff  }
0x196: {  	v27 =	vmul.f32 v27, v51;
	v26 =	vadd.f32 v22, v20;
	v22 =	vmul.f32 v31, v34  }
0x197: {  	v30 =	vmul.f32 v36, v30;
	v38 =	vshll.u32 v43, $0x10;
	v20 =	vand.u32 $0xFFFF0000, v43  }
.Ltmp7:
0x198: {  	v43 =	vmul.f32 v28, v27;
	v27 =	vand.u32 $0xFFFF0000, v45;
	v36 =	vand.u32 $0xFFFF0000, v53;
	(pc) =	sbr.rel @p0 .LBB2_9-.Ltmp7, $4  }
0x199: {  	v34 =	vand.u32 $0xFFFF0000, v25;
	v28 =	vand.u32 $0xFFFF0000, v29;
	v31 =	vmul.f32 v40, v27  }
0x19a: {  	v29 =	vmul.f32 v37, v54;
	v27 =	vand.u32 $0xFFFF0000, v49;
	v37 =	vmul.f32 v36, v52  }
0x19b: {  	v39 =	vmul.f32 v35, v48;
	v35 =	vshll.u32 v47, $0x10;
	v36 =	vshll.u32 v53, $0x10  }
0x19c: {  	s16 =	smov.u32 s14;
	v25 =	vadd.f32 v43, v42;
	v40 =	vmul.f32 v46, v29;
	v29 =	vld.idx.msk [tilespmem:v41+s24+$0x0], $0xffff;
	v41 =	vand.u32 $0xFFFF0000, v33  }
0x19d: {  	v7 =	vmul.f32 v38, v23;
	v9 =	vmul.f32 v41, v32  }
0x19e: {  	v8 =	vshll.u32 v33, $0x10;
	v56 =	vmul.f32 v16, v30;
	v58 =	vmul.f32 v34, v37  }
0x19f: {  	v10 =	vadd.f32 v39, v14;
	v59 =	vmul.f32 v36, v35;
	v17 =	vmul.f32 v17, v31  }
0x1a0: {  	v13 =	vmul.f32 v28, v13;
	v60 =	vmul.f32 v27, v22;
	v57 =	vadd.f32 v40, v21  }
0x1a1: {  	v8 =	vmul.f32 v8, v24;
	v14 =	vadd.f32 v56, v26;
	v12 =	vmul.f32 v12, v59  }
0x1a2: {  	v10 =	vadd.f32 v17, v10;
	v13 =	vmul.f32 v20, v13;
	v16 =	vadd.f32 v58, v57  }
0x1a3: {  	v61 =	vshll.u32 v29, $0x10;
	v12 =	vadd.f32 v12, v25;
	v7 =	vadd.f32 v7, v14  }
0x1a4: {  	v62 =	vand.u32 $0xFFFF0000, v29;
	v10 =	vadd.f32 v13, v10;
	v16 =	vadd.f32 v19, v16  }
0x1a5: {  	v9 =	vmul.f32 v62, v9;
	v8 =	vmul.f32 v61, v8;
	v12 =	vadd.f32 v18, v12  }
0x1a6: {  	v7 =	vadd.f32 v15, v7;
	v10 =	vadd.f32 v60, v10  }
0x1a7: {  	v9 =	vadd.f32 v9, v16;
	v8 =	vadd.f32 v8, v12;
	_ =	sdelay $0x1  }
0x1a8: {  	v63 =	vshll.u32 v11, $0x4;
	s13 =	sadd.s32 $0x1, s13;
	v7 =	vadd.f32 v10, v7;
	v8 =	vadd.f32 v9, v8  }
0x1a9: {  	p0 =	sne.s32 s13, $0x10;
	v9 =	vor.u32 v0, v63  }
.Ltmp8:
0x1aa: {  	v7 =	vadd.f32 v8, v7;
	(pc) =	sbr.rel @p0 .LBB2_8-.Ltmp8, $4  }
.Ltmp9:
0x1ab: {  	_ = 	snop;
	(pc) =	sbr.rel @!p0 .LBB2_11-.Ltmp9, $4  }
0x1ac: {  	v7 =	vadd.f32 v7, v6  }
0x1ad: {  	_ = 	snop  }
0x1ae: {  	[tilespmem:v9+s5+$0x0] =	vst.idx.add.f32.msk $0xffff, v7  }
0x1af: {  	_ = 	snop  }
.LBB2_13:
0x1b0: {  	_ =	sfence.sel $0x180000  }
0x1b1: {  	[bflag:$0x0] =	sbarrier.arrive $0xFFFF  }
0x1b2: {  	_ =	strace $0x9000004D  }
0x1b3: {  	s0 =	stileid.u32;
	[bflag:$0x2] =	sbarrier.arrive $0xFFFF  }
0x1b4: {  	p0 =	sne.s32 s0, $0x0;
	s0 =	rddreg [dreg:$0x5]  }
0x1b5: {  	s0 =	sadd.s32 @!p0 $0x100000, s0  }
0x1b6: {  	[sflag:s0] =	ssyncadd.tile.s32 @!p0 $0x1;
	_ =	shalt  }
.Lfunc_end2:
_tile_overlayer_lowered:
.L_overlay_start_2:
0x1b7: {  	(tag) =	ssettag $0x2  }
0x1b8: {  	s0 =	rddreg [dreg:$0x0];
	s2 =	stileid.u32  }
0x1b9: {  	s1 =	rddreg [dreg:$0x1];
	p0 =	sne.s32 s2, $0x0  }
0x1ba: {  	s3 =	rddreg [dreg:$0x2];
	[bflag:$0x3] =	sbarrier.arrive $0xFFFF;
	s2 =	simm.s32 @!p0 $0x1C05  }
0x1bb: {  	[timem:s3], [sflag:s2] =	dma.local @!p0 [hbm:s0], s1  }
0x1bc: {  	s0 =	simm.s32 @!p0 $0x5  }
0x1bd: {  	_ =	swait.ge @!p0 [sflag:s0], s1  }
0x1be: {  	s1 =	ssub.s32 @!p0 $0x0, s1;
	[sflag:s0] =	ssyncset.done @!p0 $0x0  }
0x1bf: {  	[sflag:s0] =	ssyncadd.s32 @!p0 s1  }
0x1c0: {  	[bflag:$0x3] =	sbarrier.arrive $0xFFFF  }
0x1c1: {  	_ =	shalt  }

// kernel: sparse-core-data-format-call.1.cloned.1.call-start
scs
called_computation.1_lowered:
.L_overlay_start_0:
0x0: {  	s1 =	sld [smem:$0x3FD9]  }
0x1: {  	s2 =	sld [smem:$0x3FFE];
	_ =	sdelay $0x1  }
0x2: {  	s3 =	srdreg.scid  }
0x3: {  	s0 =	sand.u32 $0x1, s3  }
0x4: {  	s17 =	sshll.u32 s0, $0xA;
	s1 =	sadd.s32 s2, s1  }
0x5: {  	s1 =	sadd.s32 s1, s17  }
0x6: {  	[smem:$0x3FAE] =	sst s1  }
0x7: {  	_ = 	snop  }
0x8: {  	(tm) =	ssettm $0x1  }
0x9: {  	s18 =	sld [smem:$0x3FFB];
	_ =	sdelay $0x3  }
0xa: {  	_ =	strace s18  }
0xb: {  	s1 =	sld [smem:$0x3FFC];
	_ =	sdelay $0x3  }
0xc: {  	_ =	strace s1  }
0xd: {  	s1 =	sld [smem:$0x3FFD];
	_ =	sdelay $0x3  }
0xe: {  	_ =	strace s1  }
0xf: {  	_ =	strace $0x8FFFFFFF  }
0x10: {  	s19 =	sld [smem:$0x3FDB];
	_ =	sdelay $0x1  }
0x11: {  	s20 =	simm.s32 $_scs_section_size  }
0x12: {  	s4 =	simm.s32 $_size__tile_overlayer_lowered;
	s5 =	simm.s32 $_tile_overlayer_lowered  }
0x13: {  	s23 =	simm.s32 $0x1BFF;
	s22 =	sshll.u32 s5, $0x1;
	s1 =	sadd.s32 s20, s19  }
0x14: {  	s6 =	simm.s32 $0x0;
	s21 =	sshll.u32 s4, $0x1;
	s4 =	sadd.s32 s22, s1  }
0x15: {  	[timem:s6], [sflag:s23] =	dma.local [hbm:s4], s21  }
0x16: {  	_ =	swait.ge [sflag:s23], s21  }
0x17: {  	s2 =	ssub.s32 $0x0, s21;
	[sflag:s23] =	ssyncset.done $0x0  }
0x18: {  	[sflag:s23] =	ssyncadd.s32 s2;
	_ =	sdelay $0x1  }
0x19: {  	s24 =	simm.s32 $0x1B8B  }
0x1a: {  	_ =	swait.ge [sflag:s24], $0x1  }
0x1b: {  	[sflag:s24] =	ssyncset.done $0x0  }
0x1c: {  	s26 =	simm.s32 $0x1B8E;
	s25 =	sld [smem:$0x3FFE];
	[sflag:s24] =	ssyncadd.s32 $0xFFFFFFFF  }
0x1d: {  	s27 =	simm.s32 $execute0_lowered;
	[smem:$0x3FD2] =	sst s26  }
0x1e: {  	s4 =	sshll.u32 s27, $0x1;
	_ =	strace $0x80000046;
	[dreg:$0x1] =	wrdreg $0xFFFFFFFF  }
0x1f: {  	s28 =	simm.s32 $_size_execute0_lowered;
	s1 =	sadd.s32 s1, s4;
	[dreg:$0x0] =	wrdreg $0x0  }
0x20: {  	s4 =	sshll.u32 s28, $0x1;
	[dreg:$0x2] =	wrdreg s1  }
0x21: {  	[dreg:$0x3] =	wrdreg s4  }
0x22: {  	[dreg:$0x4] =	wrdreg $0xC0  }
0x23: {  	_ =	task [dreg:s6], $0x5FFFF  }
0x24: {  	[dreg:$0x1] =	wrdreg $0xFFFFFFFF  }
0x25: {  	[dreg:$0x0] =	wrdreg $0x60  }
0x26: {  	[dreg:$0x2] =	wrdreg s25  }
0x27: {  	[dreg:$0x3] =	wrdreg $0xA  }
0x28: {  	_ =	task.clear_ibuf [dreg:s6], $0x4FFFF;
	_ =	strace $0x90000046  }
0x29: {  	s29 =	simm.s32 $0xA;
	_ =	strace $0x80000048  }
0x2a: {  	_ =	swait.ge [sflag:s29], $0x1  }
0x2b: {  	[sflag:s29] =	ssyncadd.s32 $0xFFFFFFFF  }
0x2c: {  	_ =	strace $0x90000048  }
0x2d: {  	_ =	sfence  }
0x2e: {  	s30 =	sld [smem:$0x0];
	_ =	sdelay $0x2  }
0x2f: {  	s31 =	sshll.u32 s3, $0xD;
	s3 =	sshrl.u32 s3, $0x2  }
0x30: {  	s2 =	sand.u32 $0x4000, s31;
	s1 =	sadd.s32 s3, s30  }
0x31: {  	s0 =	sor.u32 s2, s0;
	s1 =	sshll.u32 s1, $0x11  }
0x32: {  	s0 =	sor.u32 s1, s0  }
0x33: {  	s0 =	sadd.s32 $0x8F2B, s0  }
0x34: {  	[sflag:s0] =	ssyncadd.remote.s32 $0x1  }
0x35: {  	_ =	sfence.sel $0xFFFF  }
0x36: {  	[dreg:$0x0] =	wrdreg $0xFFFFFFFF;
	(pc) =	sbr.abs _section_cstart, $3  }
0x37: {  	[dreg:$0x1] =	wrdreg $0xFFFFFFFF  }
0x38: {  	_ =	task.clear_ibuf [dreg:s6], $0x2FFFF;
	_ =	strace $0x9FFFFFFF  }
0x39: {  	(tm) =	ssettm $0x7FFFFFFF  }
tec
execute0_lowered:
.L_overlay_start_1:
0x0: {  	(tag) =	ssettag $0x1  }
0x1: {  	s0 =	srdreg.scid  }
0x2: {  	s5 =	rddreg [dreg:$0x0];
	s1 =	stileid.u32;
	s4 =	simm.s32 $0x1  }
0x3: {  	s6 =	simm.s32 $0x2;
	s8 =	simm.s32 $0x0;
	s2 =	sshll.u32 s0, $0x4  }
0x4: {  	s9 =	simm.s32 $0x0;
	s13 =	simm.s32 $0x0;
	s2 =	sand.u32 $0x10, s2  }
.Ltmp0:
0x5: {  	s10 =	simm.s32 $0x0;
	s3 =	sor.u32 s1, s2;
	(pc) =	sbr.rel .LBB1_1-.Ltmp0, $4  }
0x6: {  	s0 =	rddreg [dreg:$0x1];
	_ =	strace $0x80000047;
	s3 =	sshll.u32 s3, $0x3  }
0x7: {  	s12 =	simm.s32 $0x0;
	[sflag:s4] =	ssyncpa.u1 $0x0;
	s7 =	ssub.s32 $0x30D0, s3  }
0x8: {  	s2 =	sadd.s32 $0x9600, s5;
	[sflag:s6] =	ssyncpa.u1 $0x0;
	s6 =	sshrl.u32 s7, $0x8  }
0x9: {  	s5 =	sadd.s32 $0x316A00, s5;
	s11 =	smov.u32 s3;
	s7 =	sadd.s32 $0x2, s6  }
.LBB1_9:
0xa: {  	s15 =	sshll.u32 s12, $0xE  }
0xb: {  	s16 =	sshll.u32 s10, $0x8;
	s15 =	sand.u32 $0x4000, s15  }
0xc: {  	s16 =	sadd.s32 s5, s16;
	s15 =	sor.u32 $0x8000, s15  }
0xd: {  	[hbm4b:s16+s8] =	stream.linear.scatter [tilespmem:s15], [sflag:$0x2], s14, $0x38;
	[tilespmem:$0x10000] =	vst v63  }
.LBB1_10:
0xe: {  	p0 =	slt.u32 s12, $0x2  }
0xf: {  	p1 =	sgt.s32 @!p0 s13, $0x30CC  }
0x10: {  	s14 =	smov.u32 s13;
	s15 =	sshra.s32 @!p0 s13, $0x1F;
	p1 =	por !p1, p0  }
0x11: {  	s13 =	sand.u32 @!p0 s15, s13;
	s14 =	simm.s32 @p1 $0x30CC  }
0x12: {  	s13 =	ssub.s32 @!p0 s14, s13  }
0x13: {  	s13 =	sadd.s32 @!p0 $0xFFFFCF34, s13  }
0x14: {  	s14 =	sshll.u32 @!p0 s13, $0xD  }
0x15: {  	p1 =	sgt.s32 @!p0 s13, $0x7;
	s13 =	ssub.s32 @!p0 $0x10000, s14  }
0x16: {  	s15 =	sadd.s32 $0x100, s11;
	p1 =	por !p1, p0;
	s13 =	sshrl.u32 @!p0 s13, $0x2  }
0x17: {  	s13 =	simm.s32 @!p1 $0x0;
	p1 =	sgt.s32 s15, $0x30D3  }
0x18: {  	s15 =	smov.u32 @p1 s3;
	p1 =	sne.s32 s12, s7  }
.Ltmp1:
0x19: {  	_ = 	snop;
	(pc) =	sbr.rel @!p1 .LBB1_11-.Ltmp1, $4  }
0x1a: {  	s14 =	simm.s32 @!p0 $0x2  }
0x1b: {  	s9 =	sadd.s32 $0x4000, s9;
	_ =	swait.ge @!p0 [sflag:s14], s13;
	s16 =	ssub.s32 @!p0 $0x0, s13  }
0x1c: {  	s13 =	smov.u32 s10;
	s12 =	sadd.s32 $0x1, s12;
	[sflag:s14] =	ssyncset.done @!p0 $0x0  }
0x1d: {  	s10 =	smov.u32 s11;
	s11 =	smov.u32 s15;
	[sflag:s14] =	ssyncadd.s32 @!p0 s16  }
.LBB1_1:
0x1e: {  	p0 =	sgt.u32 s12, s6  }
0x1f: {  	p1 =	sgt.s32 @!p0 s11, $0x30CC  }
0x20: {  	s14 =	smov.u32 s11;
	s15 =	sshra.s32 @!p0 s11, $0x1F;
	p1 =	por !p1, p0  }
0x21: {  	s15 =	sand.u32 @!p0 s15, s11;
	s14 =	simm.s32 @p1 $0x30CC  }
0x22: {  	s14 =	ssub.s32 @!p0 s14, s15  }
0x23: {  	s14 =	sadd.s32 @!p0 $0xFFFFCF34, s14  }
0x24: {  	s17 =	simm.s32 @!p0 $0x0;
	s15 =	sxor.u32 @!p0 $0xFFFFFFFF, s12;
	s16 =	sshll.u32 @!p0 s14, $0xD  }
0x25: {  	s15 =	sshll.u32 @!p0 s15, $0xE;
	p1 =	sgt.s32 @!p0 s14, $0x7;
	s14 =	ssub.s32 @!p0 $0x10000, s16  }
0x26: {  	p1 =	por !p1, p0;
	s16 =	sshll.u32 @!p0 s11, $0x8;
	s14 =	sshrl.u32 @!p0 s14, $0x2  }
0x27: {  	s15 =	sand.u32 @!p0 $0x4000, s15;
	s16 =	sadd.s32 @!p0 s2, s16;
	s14 =	simm.s32 @!p1 $0x0  }
0x28: {  	[tilespmem:s15], [sflag:$0x1] =	stream.linear.gather @!p0 [hbm4b:s16+s17], s14, $0x38;
	[tilespmem:$0x10000] =	vst v63  }
0x29: {  	p0 =	seq.s32 s12, $0x0  }
0x2a: {  	p1 =	sge.u32 @!p0 s12, s7  }
0x2b: {  	p0 =	por p0, p1  }
.Ltmp2:
0x2c: {  	_ = 	snop;
	(pc) =	sbr.rel @p0 .LBB1_10-.Ltmp2, $1  }
0x2d: {  	_ =	sdelay $0x3  }
0x2e: {  	p0 =	sgt.s32 s10, $0x30CC;
	s14 =	smov.u32 s10;
	s15 =	sshra.s32 s10, $0x1F  }
0x2f: {  	s14 =	simm.s32 @!p0 $0x30CC;
	s15 =	sand.u32 s15, s10  }
0x30: {  	s14 =	ssub.s32 s14, s15  }
0x31: {  	s16 =	sadd.s32 $0x8, s10;
	s14 =	sadd.s32 $0xFFFFCF34, s14  }
0x32: {  	p1 =	slt.s32 s16, $0x30D4;
	s30 =	sshll.u32 s14, $0xD  }
0x33: {  	s16 =	simm.s32 @!p1 $0x30D4;
	s15 =	ssub.s32 $0x10000, s30  }
0x34: {  	p0 =	sgt.s32 s14, $0x7;
	s14 =	sshrl.u32 s15, $0x2;
	s15 =	ssub.s32 s16, s10  }
0x35: {  	s14 =	simm.s32 @p0 $0x0;
	p0 =	slt.s32 s15, $0x1  }
.Ltmp3:
0x36: {  	_ = 	snop;
	(pc) =	sbr.rel @p0 .LBB1_9-.Ltmp3, $4  }
0x37: {  	_ = 	snop  }
0x38: {  	_ =	swait.ge [sflag:s4], s14  }
0x39: {  	s31 =	ssub.s32 $0x0, s14;
	[sflag:s4] =	ssyncset.done $0x0  }
0x3a: {  	[sflag:s4] =	ssyncadd.s32 s31  }
0x3b: {  	s16 =	sshll.u32 s9, $0x2  }
0x3c: {  	s16 =	sand.u32 $0x10000, s16  }
0x3d: {  	s16 =	sshrl.u32 s16, $0x2  }
0x3e: {  	s18 =	simm.s32 $0x0;
	s19 =	simm.s32 $0x0;
	s17 =	sor.u32 $0x8000, s16  }
.LBB1_4:
0x3f: {  	s20 =	sshra.s32 s18, $0x2  }
0x40: {  	v0 =	vmov s20;
	_ =	sdelay $0x3  }
0x41: {  	p1 =	por $0x1, $0x1;
	s20 =	simm.s32 $0x0  }
.LBB1_5:
0x42: {  	_ = 	snop  }
0x43: {  	s21 =	sshll.u32 s20, $0xA  }
0x44: {  	s21 =	sand.u32 $0x3FFFFC00, s21  }
0x45: {  	s21 =	sadd.s32 s21, s16  }
0x46: {  	v5 =	vld.idx.msk [tilespmem:v0+s21+$0x70 ss:$0x1], $0xffff  }
0x47: {  	v6 =	vld.idx.msk [tilespmem:v0+s21+$0x10 ss:$0x1], $0xffff  }
0x48: {  	v7 =	vld.idx.msk [tilespmem:v0+s21+$0x20 ss:$0x1], $0xffff  }
0x49: {  	s31 =	sshll.u32 s20, $0x7;
	v1 =	vld.idx.msk [tilespmem:v0+s21+$0x30 ss:$0x1], $0xffff  }
0x4a: {  	s20 =	sand.u32 $0x3FFFFF80, s31;
	v2 =	vld.idx.msk [tilespmem:v0+s21+$0x40 ss:$0x1], $0xffff  }
0x4b: {  	s20 =	sadd.s32 s20, s17;
	v3 =	vld.idx.msk [tilespmem:v0+s21+$0x50 ss:$0x1], $0xffff  }
0x4c: {  	v4 =	vld.idx.msk [tilespmem:v0+s21+$0x60 ss:$0x1], $0xffff;
	[tilespmem:v0+s20+$0x70 ss:$0x1] =	vst.idx.msk $0xffff, v5  }
0x4d: {  	v5 =	vld.idx.msk [tilespmem:v0+s21+$0x0 ss:$0x1], $0xffff;
	[tilespmem:v0+s20+$0x10 ss:$0x1] =	vst.idx.msk $0xffff, v6;
	s21 =	sadd.s32 $0x80, s21  }
0x4e: {  	p0 =	por p1, p1;
	s22 =	simm.s32 $0x6;
	[tilespmem:v0+s20+$0x20 ss:$0x1] =	vst.idx.msk $0xffff, v7;
	v6 =	vld.idx.msk [tilespmem:v0+s21+$0x70 ss:$0x1], $0xffff  }
.LBB1_6:
0x4f: {  	p1 =	sne.s32 s22, $0x1;
	v7 =	vld.idx.msk [tilespmem:v0+s21+$0x10 ss:$0x1], $0xffff;
	[tilespmem:v0+s20+$0x30 ss:$0x1] =	vst.idx.msk $0xffff, v1  }
0x50: {  	v8 =	vld.idx.msk [tilespmem:v0+s21+$0x20 ss:$0x1], $0xffff;
	[tilespmem:v0+s20+$0x40 ss:$0x1] =	vst.idx.msk $0xffff, v2  }
0x51: {  	v1 =	vld.idx.msk [tilespmem:v0+s21+$0x30 ss:$0x1], $0xffff;
	[tilespmem:v0+s20+$0x50 ss:$0x1] =	vst.idx.msk $0xffff, v3  }
.Ltmp4:
0x52: {  	v2 =	vld.idx.msk [tilespmem:v0+s21+$0x40 ss:$0x1], $0xffff;
	[tilespmem:v0+s20+$0x60 ss:$0x1] =	vst.idx.msk $0xffff, v4;
	(pc) =	sbr.rel @p1 .LBB1_6-.Ltmp4, $4  }
0x53: {  	v3 =	vld.idx.msk [tilespmem:v0+s21+$0x50 ss:$0x1], $0xffff;
	[tilespmem:v0+s20+$0x0 ss:$0x1] =	vst.idx.msk $0xffff, v5;
	s20 =	sadd.s32 $0x100, s20  }
0x54: {  	v4 =	vld.idx.msk [tilespmem:v0+s21+$0x60 ss:$0x1], $0xffff;
	[tilespmem:v0+s20+$0x70 ss:$0x1] =	vst.idx.msk $0xffff, v6  }
0x55: {  	v5 =	vld.idx.msk [tilespmem:v0+s21+$0x0 ss:$0x1], $0xffff;
	[tilespmem:v0+s20+$0x10 ss:$0x1] =	vst.idx.msk $0xffff, v7;
	s21 =	sadd.s32 $0x80, s21  }
0x56: {  	s22 =	sadd.s32 $0xFFFFFFFF, s22;
	v6 =	vld.idx.msk [tilespmem:v0+s21+$0x70 ss:$0x1], $0xffff;
	[tilespmem:v0+s20+$0x20 ss:$0x1] =	vst.idx.msk $0xffff, v8  }
0x57: {  	_ =	sdelay $0x3  }
0x58: {  	[tilespmem:v0+s20+$0x30 ss:$0x1] =	vst.idx.msk $0xffff, v1  }
0x59: {  	v1 =	vld.idx.msk [tilespmem:v0+s21+$0x10 ss:$0x1], $0xffff;
	[tilespmem:v0+s20+$0x40 ss:$0x1] =	vst.idx.msk $0xffff, v2  }
0x5a: {  	v2 =	vld.idx.msk [tilespmem:v0+s21+$0x20 ss:$0x1], $0xffff;
	[tilespmem:v0+s20+$0x50 ss:$0x1] =	vst.idx.msk $0xffff, v3  }
0x5b: {  	v61 =	vld.idx.msk [tilespmem:v0+s21+$0x40 ss:$0x1], $0xffff;
	[tilespmem:v0+s20+$0x60 ss:$0x1] =	vst.idx.msk $0xffff, v4  }
0x5c: {  	s31 =	sadd.s32 $0x100, s20;
	v62 =	vld.idx.msk [tilespmem:v0+s21+$0x50 ss:$0x1], $0xffff;
	[tilespmem:v0+s20+$0x0 ss:$0x1] =	vst.idx.msk $0xffff, v5  }
0x5d: {  	v63 =	vld.idx.msk [tilespmem:v0+s21+$0x60 ss:$0x1], $0xffff;
	[tilespmem:v0+s31+$0x70 ss:$0x1] =	vst.idx.msk $0xffff, v6  }
0x5e: {  	v3 =	vld.idx.msk [tilespmem:v0+s21+$0x30 ss:$0x1], $0xffff;
	[tilespmem:v0+s31+$0x10 ss:$0x1] =	vst.idx.msk $0xffff, v1  }
0x5f: {  	v1 =	vld.idx.msk [tilespmem:v0+s21+$0x0 ss:$0x1], $0xffff;
	[tilespmem:v0+s31+$0x20 ss:$0x1] =	vst.idx.msk $0xffff, v2  }
.Ltmp5:
0x60: {  	[tilespmem:v0+s31+$0x40 ss:$0x1] =	vst.idx.msk $0xffff, v61;
	(pc) =	sbr.rel @p0 .LBB1_5-.Ltmp5, $4  }
0x61: {  	[tilespmem:v0+s31+$0x50 ss:$0x1] =	vst.idx.msk $0xffff, v62  }
0x62: {  	[tilespmem:v0+s31+$0x60 ss:$0x1] =	vst.idx.msk $0xffff, v63  }
0x63: {  	[tilespmem:v0+s31+$0x30 ss:$0x1] =	vst.idx.msk $0xffff, v3  }
0x64: {  	p1 =	por $0x0, $0x0;
	s20 =	simm.s32 $0x1;
	[tilespmem:v0+s31+$0x0 ss:$0x1] =	vst.idx.msk $0xffff, v1  }
0x65: {  	s19 =	sadd.s32 $0x1, s19  }
0x66: {  	p0 =	sne.s32 s19, s15  }
.Ltmp6:
0x67: {  	_ = 	snop;
	(pc) =	sbr.rel @p0 .LBB1_4-.Ltmp6, $4  }
.Ltmp7:
0x68: {  	_ = 	snop;
	(pc) =	sbr.rel @!p0 .LBB1_9-.Ltmp7, $4  }
0x69: {  	_ = 	snop  }
0x6a: {  	_ = 	snop  }
0x6b: {  	s18 =	sadd.s32 $0x2000, s18  }
0x6c: {  	_ = 	snop  }
.LBB1_11:
0x6d: {  	_ =	sfence.sel $0x180000  }
0x6e: {  	s2 =	simm.s32 $0x1;
	[bflag:$0x0] =	sbarrier.arrive $0xFFFF  }
0x6f: {  	s31 =	simm.s32 $0x2;
	[sflag:s2] =	ssyncpa.u1 $0x1  }
0x70: {  	[sflag:s31] =	ssyncpa.u1 $0x1  }
0x71: {  	p0 =	sne.s32 s1, $0x0;
	_ =	strace $0x90000047  }
0x72: {  	s0 =	sadd.s32 @!p0 $0x100000, s0;
	[bflag:$0x2] =	sbarrier.arrive $0xFFFF  }
0x73: {  	[sflag:s0] =	ssyncadd.tile.s32 @!p0 $0x1;
	_ =	shalt  }
.Lfunc_end1:
_tile_overlayer_lowered:
.L_overlay_start_2:
0x74: {  	(tag) =	ssettag $0x2  }
0x75: {  	s0 =	rddreg [dreg:$0x0];
	s2 =	stileid.u32  }
0x76: {  	s1 =	rddreg [dreg:$0x1];
	p0 =	sne.s32 s2, $0x0  }
0x77: {  	s3 =	rddreg [dreg:$0x2];
	[bflag:$0x3] =	sbarrier.arrive $0xFFFF;
	s2 =	simm.s32 @!p0 $0x1C01  }
0x78: {  	[timem:s3], [sflag:s2] =	dma.local @!p0 [hbm:s0], s1  }
0x79: {  	s0 =	simm.s32 @!p0 $0x1  }
0x7a: {  	_ =	swait.ge @!p0 [sflag:s0], s1  }
0x7b: {  	s1 =	ssub.s32 @!p0 $0x0, s1;
	[sflag:s0] =	ssyncset.done @!p0 $0x0  }
0x7c: {  	[sflag:s0] =	ssyncadd.s32 @!p0 s1  }
0x7d: {  	[bflag:$0x3] =	sbarrier.arrive $0xFFFF  }
0x7e: {  	_ =	shalt  }

// kernel: sparse-core-data-format-call.cloned.1.call-start
scs
called_computation_lowered:
.L_overlay_start_0:
0x0: {  	s2 =	sld [smem:$0x3FD9]  }
0x1: {  	s3 =	sld [smem:$0x3FFE];
	_ =	sdelay $0x1  }
0x2: {  	s1 =	srdreg.scid  }
0x3: {  	s0 =	sand.u32 $0x1, s1  }
0x4: {  	s18 =	sshll.u32 s0, $0xA;
	s2 =	sadd.s32 s3, s2  }
0x5: {  	s2 =	sadd.s32 s2, s18  }
0x6: {  	[smem:$0x3FAE] =	sst s2  }
0x7: {  	_ = 	snop  }
0x8: {  	(tm) =	ssettm $0x1  }
0x9: {  	s19 =	sld [smem:$0x3FFB];
	_ =	sdelay $0x3  }
0xa: {  	_ =	strace s19  }
0xb: {  	s2 =	sld [smem:$0x3FFC];
	_ =	sdelay $0x3  }
0xc: {  	_ =	strace s2  }
0xd: {  	s2 =	sld [smem:$0x3FFD];
	_ =	sdelay $0x3  }
0xe: {  	_ =	strace s2  }
0xf: {  	_ =	strace $0x8FFFFFFF  }
0x10: {  	s20 =	sld [smem:$0x3FDB];
	_ =	sdelay $0x1  }
0x11: {  	s21 =	simm.s32 $_scs_section_size  }
0x12: {  	s4 =	simm.s32 $_size__tile_overlayer_lowered;
	s5 =	simm.s32 $_tile_overlayer_lowered  }
0x13: {  	s6 =	simm.s32 $0x1BFF;
	s22 =	sshll.u32 s5, $0x1;
	s3 =	sadd.s32 s21, s20  }
0x14: {  	s23 =	simm.s32 $0x0;
	s4 =	sshll.u32 s4, $0x1;
	s5 =	sadd.s32 s22, s3  }
0x15: {  	[timem:s23], [sflag:s6] =	dma.local [hbm:s5], s4  }
0x16: {  	_ =	swait.ge [sflag:s6], s4  }
0x17: {  	s4 =	ssub.s32 $0x0, s4;
	[sflag:s6] =	ssyncset.done $0x0  }
0x18: {  	[sflag:s6] =	ssyncadd.s32 s4;
	_ =	sdelay $0x1  }
0x19: {  	s24 =	simm.s32 $0x1B8B  }
0x1a: {  	_ =	swait.ge [sflag:s24], $0x1  }
0x1b: {  	[sflag:s24] =	ssyncset.done $0x0  }
0x1c: {  	[sflag:s24] =	ssyncadd.s32 $0xFFFFFFFF  }
0x1d: {  	s4 =	sld [smem:$0x0]  }
0x1e: {  	s5 =	sand.u32 $0xFFFFFFFE, s1  }
0x1f: {  	p0 =	sne.s32 s1, s5  }
0x20: {  	s5 =	sshll.u32 @p0 s5, $0xE  }
0x21: {  	s5 =	sadd.s32 @p0 $0x11B8D, s5;
	s6 =	sshll.u32 @p0 s4, $0x11  }
0x22: {  	s5 =	sor.u32 @p0 s6, s5  }
0x23: {  	[sflag:s5] =	ssyncadd.remote.s32 @p0 $0x1;
	_ =	sdelay $0x1  }
0x24: {  	s5 =	simm.s32 @p0 $0x1B8D  }
0x25: {  	_ =	swait.eq @p0 [sflag:s5], $0x1  }
0x26: {  	[sflag:s5] =	ssyncadd.s32 @p0 $0xFFFFFFFF  }
0x27: {  	s6 =	sshll.u32 @!p0 s1, $0xE  }
0x28: {  	s6 =	sor.u32 @!p0 $0x4000, s6;
	s5 =	simm.s32 @!p0 $0x1B8D  }
0x29: {  	s4 =	sshll.u32 @!p0 s4, $0x11;
	s6 =	sadd.s32 @!p0 $0x11B8D, s6;
	_ =	swait.eq @!p0 [sflag:s5], $0x1  }
0x2a: {  	s4 =	sor.u32 @!p0 s4, s6;
	[sflag:s5] =	ssyncadd.s32 @!p0 $0xFFFFFFFF  }
0x2b: {  	s26 =	simm.s32 $0x1B8E;
	s25 =	sld [smem:$0x3FFE];
	[sflag:s4] =	ssyncadd.remote.s32 @!p0 $0x1  }
0x2c: {  	s27 =	simm.s32 $execute0_lowered;
	[smem:$0x3FD2] =	sst s26  }
0x2d: {  	s5 =	sshll.u32 s27, $0x1;
	_ =	strace $0x80000049;
	[dreg:$0x1] =	wrdreg $0xFFFFFFFF  }
0x2e: {  	s28 =	simm.s32 $_size_execute0_lowered;
	s3 =	sadd.s32 s3, s5;
	[dreg:$0x0] =	wrdreg $0x0  }
0x2f: {  	s5 =	sshll.u32 s28, $0x1;
	[dreg:$0x2] =	wrdreg s3  }
0x30: {  	[dreg:$0x3] =	wrdreg s5  }
0x31: {  	[dreg:$0x4] =	wrdreg $0xC0  }
0x32: {  	_ =	task [dreg:s23], $0x5FFFF  }
0x33: {  	[dreg:$0x1] =	wrdreg $0xFFFFFFFF  }
0x34: {  	[dreg:$0x0] =	wrdreg $0x60  }
0x35: {  	[dreg:$0x2] =	wrdreg s25  }
0x36: {  	[dreg:$0x3] =	wrdreg $0x9  }
0x37: {  	_ =	task.clear_ibuf [dreg:s23], $0x4FFFF;
	_ =	strace $0x90000049  }
0x38: {  	s29 =	simm.s32 $0x9;
	_ =	strace $0x8000004B  }
0x39: {  	_ =	swait.ge [sflag:s29], $0x1  }
0x3a: {  	[sflag:s29] =	ssyncadd.s32 $0xFFFFFFFF  }
0x3b: {  	_ =	strace $0x9000004B  }
0x3c: {  	_ =	sfence  }
0x3d: {  	s30 =	sld [smem:$0x0];
	_ =	sdelay $0x2  }
0x3e: {  	s31 =	sshll.u32 s1, $0xD;
	s1 =	sshrl.u32 s1, $0x2  }
0x3f: {  	s4 =	sand.u32 $0x4000, s31;
	s1 =	sadd.s32 s1, s30  }
0x40: {  	s0 =	sor.u32 s4, s0;
	s1 =	sshll.u32 s1, $0x11  }
0x41: {  	s0 =	sor.u32 s1, s0  }
0x42: {  	s0 =	sadd.s32 $0x8F2B, s0  }
0x43: {  	[sflag:s0] =	ssyncadd.remote.s32 $0x1  }
0x44: {  	_ =	sfence.sel $0xFFFF  }
0x45: {  	[dreg:$0x0] =	wrdreg $0xFFFFFFFF;
	(pc) =	sbr.abs _section_cstart, $3  }
0x46: {  	[dreg:$0x1] =	wrdreg $0xFFFFFFFF  }
0x47: {  	_ =	task.clear_ibuf [dreg:s23], $0x2FFFF;
	_ =	strace $0x9FFFFFFF  }
0x48: {  	(tm) =	ssettm $0x7FFFFFFF  }
0x49: {  	_ =	shalt  }
tec
execute0_lowered:
.L_overlay_start_1:
0x0: {  	(tag) =	ssettag $0x1  }
0x1: {  	s0 =	srdreg.scid  }
0x2: {  	s5 =	rddreg [dreg:$0x0];
	s1 =	stileid.u32;
	s4 =	simm.s32 $0x1  }
0x3: {  	s6 =	simm.s32 $0x2;
	s8 =	simm.s32 $0x0;
	s2 =	sshll.u32 s0, $0x4  }
0x4: {  	s9 =	simm.s32 $0x0;
	s13 =	simm.s32 $0x0;
	s2 =	sand.u32 $0x10, s2  }
.Ltmp0:
0x5: {  	s10 =	simm.s32 $0x0;
	s3 =	sor.u32 s1, s2;
	(pc) =	sbr.rel .LBB1_1-.Ltmp0, $4  }
0x6: {  	s0 =	rddreg [dreg:$0x1];
	_ =	strace $0x8000004A;
	s3 =	sshll.u32 s3, $0x3  }
0x7: {  	s12 =	simm.s32 $0x0;
	[sflag:s4] =	ssyncpa.u1 $0x0;
	s7 =	ssub.s32 $0x30D0, s3  }
0x8: {  	s2 =	sadd.s32 $0x623E00, s5;
	[sflag:s6] =	ssyncpa.u1 $0x0;
	s6 =	sshrl.u32 s7, $0x8  }
0x9: {  	s5 =	sadd.s32 $0x931200, s5;
	s11 =	smov.u32 s3;
	s7 =	sadd.s32 $0x2, s6  }
.LBB1_9:
0xa: {  	s15 =	sshll.u32 s12, $0xE  }
0xb: {  	s16 =	sshll.u32 s10, $0x8;
	s15 =	sand.u32 $0x4000, s15  }
0xc: {  	s16 =	sadd.s32 s5, s16;
	s15 =	sor.u32 $0x8000, s15  }
0xd: {  	[hbm4b:s16+s8] =	stream.linear.scatter [tilespmem:s15], [sflag:$0x2], s14, $0x38;
	[tilespmem:$0x10000] =	vst v63  }
.LBB1_10:
0xe: {  	p0 =	slt.u32 s12, $0x2  }
0xf: {  	p1 =	sgt.s32 @!p0 s13, $0x30CC  }
0x10: {  	s14 =	smov.u32 s13;
	s15 =	sshra.s32 @!p0 s13, $0x1F;
	p1 =	por !p1, p0  }
0x11: {  	s13 =	sand.u32 @!p0 s15, s13;
	s14 =	simm.s32 @p1 $0x30CC  }
0x12: {  	s13 =	ssub.s32 @!p0 s14, s13  }
0x13: {  	s13 =	sadd.s32 @!p0 $0xFFFFCF34, s13  }
0x14: {  	s14 =	sshll.u32 @!p0 s13, $0xD  }
0x15: {  	p1 =	sgt.s32 @!p0 s13, $0x7;
	s13 =	ssub.s32 @!p0 $0x10000, s14  }
0x16: {  	s15 =	sadd.s32 $0x100, s11;
	p1 =	por !p1, p0;
	s13 =	sshrl.u32 @!p0 s13, $0x2  }
0x17: {  	s13 =	simm.s32 @!p1 $0x0;
	p1 =	sgt.s32 s15, $0x30D3  }
0x18: {  	s15 =	smov.u32 @p1 s3;
	p1 =	sne.s32 s12, s7  }
.Ltmp1:
0x19: {  	_ = 	snop;
	(pc) =	sbr.rel @!p1 .LBB1_11-.Ltmp1, $4  }
0x1a: {  	s14 =	simm.s32 @!p0 $0x2  }
0x1b: {  	s9 =	sadd.s32 $0x4000, s9;
	_ =	swait.ge @!p0 [sflag:s14], s13;
	s16 =	ssub.s32 @!p0 $0x0, s13  }
0x1c: {  	s13 =	smov.u32 s10;
	s12 =	sadd.s32 $0x1, s12;
	[sflag:s14] =	ssyncset.done @!p0 $0x0  }
0x1d: {  	s10 =	smov.u32 s11;
	s11 =	smov.u32 s15;
	[sflag:s14] =	ssyncadd.s32 @!p0 s16  }
.LBB1_1:
0x1e: {  	p0 =	sgt.u32 s12, s6  }
0x1f: {  	p1 =	sgt.s32 @!p0 s11, $0x30CC  }
0x20: {  	s14 =	smov.u32 s11;
	s15 =	sshra.s32 @!p0 s11, $0x1F;
	p1 =	por !p1, p0  }
0x21: {  	s15 =	sand.u32 @!p0 s15, s11;
	s14 =	simm.s32 @p1 $0x30CC  }
0x22: {  	s14 =	ssub.s32 @!p0 s14, s15  }
0x23: {  	s14 =	sadd.s32 @!p0 $0xFFFFCF34, s14  }
0x24: {  	s17 =	simm.s32 @!p0 $0x0;
	s15 =	sxor.u32 @!p0 $0xFFFFFFFF, s12;
	s16 =	sshll.u32 @!p0 s14, $0xD  }
0x25: {  	s15 =	sshll.u32 @!p0 s15, $0xE;
	p1 =	sgt.s32 @!p0 s14, $0x7;
	s14 =	ssub.s32 @!p0 $0x10000, s16  }
0x26: {  	p1 =	por !p1, p0;
	s16 =	sshll.u32 @!p0 s11, $0x8;
	s14 =	sshrl.u32 @!p0 s14, $0x2  }
0x27: {  	s15 =	sand.u32 @!p0 $0x4000, s15;
	s16 =	sadd.s32 @!p0 s2, s16;
	s14 =	simm.s32 @!p1 $0x0  }
0x28: {  	[tilespmem:s15], [sflag:$0x1] =	stream.linear.gather @!p0 [hbm4b:s16+s17], s14, $0x38;
	[tilespmem:$0x10000] =	vst v63  }
0x29: {  	p0 =	seq.s32 s12, $0x0  }
0x2a: {  	p1 =	sge.u32 @!p0 s12, s7  }
0x2b: {  	p0 =	por p0, p1  }
.Ltmp2:
0x2c: {  	_ = 	snop;
	(pc) =	sbr.rel @p0 .LBB1_10-.Ltmp2, $1  }
0x2d: {  	_ =	sdelay $0x3  }
0x2e: {  	p0 =	sgt.s32 s10, $0x30CC;
	s14 =	smov.u32 s10;
	s15 =	sshra.s32 s10, $0x1F  }
0x2f: {  	s14 =	simm.s32 @!p0 $0x30CC;
	s15 =	sand.u32 s15, s10  }
0x30: {  	s14 =	ssub.s32 s14, s15  }
0x31: {  	s16 =	sadd.s32 $0x8, s10;
	s14 =	sadd.s32 $0xFFFFCF34, s14  }
0x32: {  	p1 =	slt.s32 s16, $0x30D4;
	s30 =	sshll.u32 s14, $0xD  }
0x33: {  	s16 =	simm.s32 @!p1 $0x30D4;
	s15 =	ssub.s32 $0x10000, s30  }
0x34: {  	p0 =	sgt.s32 s14, $0x7;
	s14 =	sshrl.u32 s15, $0x2;
	s15 =	ssub.s32 s16, s10  }
0x35: {  	s14 =	simm.s32 @p0 $0x0;
	p0 =	slt.s32 s15, $0x1  }
.Ltmp3:
0x36: {  	_ = 	snop;
	(pc) =	sbr.rel @p0 .LBB1_9-.Ltmp3, $4  }
0x37: {  	_ = 	snop  }
0x38: {  	_ =	swait.ge [sflag:s4], s14  }
0x39: {  	s31 =	ssub.s32 $0x0, s14;
	[sflag:s4] =	ssyncset.done $0x0  }
0x3a: {  	[sflag:s4] =	ssyncadd.s32 s31  }
0x3b: {  	s16 =	sshll.u32 s9, $0x2  }
0x3c: {  	s16 =	sand.u32 $0x10000, s16  }
0x3d: {  	s16 =	sshrl.u32 s16, $0x2  }
0x3e: {  	s18 =	simm.s32 $0x0;
	s19 =	simm.s32 $0x0;
	s17 =	sor.u32 $0x8000, s16  }
.LBB1_4:
0x3f: {  	s20 =	sshra.s32 s18, $0x2  }
0x40: {  	v0 =	vmov s20;
	_ =	sdelay $0x3  }
0x41: {  	p1 =	por $0x1, $0x1;
	s20 =	simm.s32 $0x0  }
.LBB1_5:
0x42: {  	_ = 	snop  }
0x43: {  	s21 =	sshll.u32 s20, $0xA  }
0x44: {  	s21 =	sand.u32 $0x3FFFFC00, s21  }
0x45: {  	s21 =	sadd.s32 s21, s16  }
0x46: {  	v5 =	vld.idx.msk [tilespmem:v0+s21+$0x70 ss:$0x1], $0xffff  }
0x47: {  	v6 =	vld.idx.msk [tilespmem:v0+s21+$0x10 ss:$0x1], $0xffff  }
0x48: {  	v7 =	vld.idx.msk [tilespmem:v0+s21+$0x20 ss:$0x1], $0xffff  }
0x49: {  	s31 =	sshll.u32 s20, $0x7;
	v1 =	vld.idx.msk [tilespmem:v0+s21+$0x30 ss:$0x1], $0xffff  }
0x4a: {  	s20 =	sand.u32 $0x3FFFFF80, s31;
	v2 =	vld.idx.msk [tilespmem:v0+s21+$0x40 ss:$0x1], $0xffff  }
0x4b: {  	s20 =	sadd.s32 s20, s17;
	v3 =	vld.idx.msk [tilespmem:v0+s21+$0x50 ss:$0x1], $0xffff  }
0x4c: {  	v4 =	vld.idx.msk [tilespmem:v0+s21+$0x60 ss:$0x1], $0xffff;
	[tilespmem:v0+s20+$0x70 ss:$0x1] =	vst.idx.msk $0xffff, v5  }
0x4d: {  	v5 =	vld.idx.msk [tilespmem:v0+s21+$0x0 ss:$0x1], $0xffff;
	[tilespmem:v0+s20+$0x10 ss:$0x1] =	vst.idx.msk $0xffff, v6;
	s21 =	sadd.s32 $0x80, s21  }
0x4e: {  	p0 =	por p1, p1;
	s22 =	simm.s32 $0x6;
	[tilespmem:v0+s20+$0x20 ss:$0x1] =	vst.idx.msk $0xffff, v7;
	v6 =	vld.idx.msk [tilespmem:v0+s21+$0x70 ss:$0x1], $0xffff  }
.LBB1_6:
0x4f: {  	p1 =	sne.s32 s22, $0x1;
	v7 =	vld.idx.msk [tilespmem:v0+s21+$0x10 ss:$0x1], $0xffff;
	[tilespmem:v0+s20+$0x30 ss:$0x1] =	vst.idx.msk $0xffff, v1  }
0x50: {  	v8 =	vld.idx.msk [tilespmem:v0+s21+$0x20 ss:$0x1], $0xffff;
	[tilespmem:v0+s20+$0x40 ss:$0x1] =	vst.idx.msk $0xffff, v2  }
0x51: {  	v1 =	vld.idx.msk [tilespmem:v0+s21+$0x30 ss:$0x1], $0xffff;
	[tilespmem:v0+s20+$0x50 ss:$0x1] =	vst.idx.msk $0xffff, v3  }
.Ltmp4:
0x52: {  	v2 =	vld.idx.msk [tilespmem:v0+s21+$0x40 ss:$0x1], $0xffff;
	[tilespmem:v0+s20+$0x60 ss:$0x1] =	vst.idx.msk $0xffff, v4;
	(pc) =	sbr.rel @p1 .LBB1_6-.Ltmp4, $4  }
0x53: {  	v3 =	vld.idx.msk [tilespmem:v0+s21+$0x50 ss:$0x1], $0xffff;
	[tilespmem:v0+s20+$0x0 ss:$0x1] =	vst.idx.msk $0xffff, v5;
	s20 =	sadd.s32 $0x100, s20  }
0x54: {  	v4 =	vld.idx.msk [tilespmem:v0+s21+$0x60 ss:$0x1], $0xffff;
	[tilespmem:v0+s20+$0x70 ss:$0x1] =	vst.idx.msk $0xffff, v6  }
0x55: {  	v5 =	vld.idx.msk [tilespmem:v0+s21+$0x0 ss:$0x1], $0xffff;
	[tilespmem:v0+s20+$0x10 ss:$0x1] =	vst.idx.msk $0xffff, v7;
	s21 =	sadd.s32 $0x80, s21  }
0x56: {  	s22 =	sadd.s32 $0xFFFFFFFF, s22;
	v6 =	vld.idx.msk [tilespmem:v0+s21+$0x70 ss:$0x1], $0xffff;
	[tilespmem:v0+s20+$0x20 ss:$0x1] =	vst.idx.msk $0xffff, v8  }
0x57: {  	_ =	sdelay $0x3  }
0x58: {  	[tilespmem:v0+s20+$0x30 ss:$0x1] =	vst.idx.msk $0xffff, v1  }
0x59: {  	v1 =	vld.idx.msk [tilespmem:v0+s21+$0x10 ss:$0x1], $0xffff;
	[tilespmem:v0+s20+$0x40 ss:$0x1] =	vst.idx.msk $0xffff, v2  }
0x5a: {  	v2 =	vld.idx.msk [tilespmem:v0+s21+$0x20 ss:$0x1], $0xffff;
	[tilespmem:v0+s20+$0x50 ss:$0x1] =	vst.idx.msk $0xffff, v3  }
0x5b: {  	v61 =	vld.idx.msk [tilespmem:v0+s21+$0x40 ss:$0x1], $0xffff;
	[tilespmem:v0+s20+$0x60 ss:$0x1] =	vst.idx.msk $0xffff, v4  }
0x5c: {  	s31 =	sadd.s32 $0x100, s20;
	v62 =	vld.idx.msk [tilespmem:v0+s21+$0x50 ss:$0x1], $0xffff;
	[tilespmem:v0+s20+$0x0 ss:$0x1] =	vst.idx.msk $0xffff, v5  }
0x5d: {  	v63 =	vld.idx.msk [tilespmem:v0+s21+$0x60 ss:$0x1], $0xffff;
	[tilespmem:v0+s31+$0x70 ss:$0x1] =	vst.idx.msk $0xffff, v6  }
0x5e: {  	v3 =	vld.idx.msk [tilespmem:v0+s21+$0x30 ss:$0x1], $0xffff;
	[tilespmem:v0+s31+$0x10 ss:$0x1] =	vst.idx.msk $0xffff, v1  }
0x5f: {  	v1 =	vld.idx.msk [tilespmem:v0+s21+$0x0 ss:$0x1], $0xffff;
	[tilespmem:v0+s31+$0x20 ss:$0x1] =	vst.idx.msk $0xffff, v2  }
.Ltmp5:
0x60: {  	[tilespmem:v0+s31+$0x40 ss:$0x1] =	vst.idx.msk $0xffff, v61;
	(pc) =	sbr.rel @p0 .LBB1_5-.Ltmp5, $4  }
0x61: {  	[tilespmem:v0+s31+$0x50 ss:$0x1] =	vst.idx.msk $0xffff, v62  }
0x62: {  	[tilespmem:v0+s31+$0x60 ss:$0x1] =	vst.idx.msk $0xffff, v63  }
0x63: {  	[tilespmem:v0+s31+$0x30 ss:$0x1] =	vst.idx.msk $0xffff, v3  }
0x64: {  	p1 =	por $0x0, $0x0;
	s20 =	simm.s32 $0x1;
	[tilespmem:v0+s31+$0x0 ss:$0x1] =	vst.idx.msk $0xffff, v1  }
0x65: {  	s19 =	sadd.s32 $0x1, s19  }
0x66: {  	p0 =	sne.s32 s19, s15  }
.Ltmp6:
0x67: {  	_ = 	snop;
	(pc) =	sbr.rel @p0 .LBB1_4-.Ltmp6, $4  }
.Ltmp7:
0x68: {  	_ = 	snop;
	(pc) =	sbr.rel @!p0 .LBB1_9-.Ltmp7, $4  }
0x69: {  	_ = 	snop  }
0x6a: {  	_ = 	snop  }
0x6b: {  	s18 =	sadd.s32 $0x2000, s18  }
0x6c: {  	_ = 	snop  }
.LBB1_11:
0x6d: {  	_ =	sfence.sel $0x180000  }
0x6e: {  	s2 =	simm.s32 $0x1;
	[bflag:$0x0] =	sbarrier.arrive $0xFFFF  }
0x6f: {  	s31 =	simm.s32 $0x2;
	[sflag:s2] =	ssyncpa.u1 $0x1  }
0x70: {  	[sflag:s31] =	ssyncpa.u1 $0x1  }
0x71: {  	p0 =	sne.s32 s1, $0x0;
	_ =	strace $0x9000004A  }
0x72: {  	s0 =	sadd.s32 @!p0 $0x100000, s0;
	[bflag:$0x2] =	sbarrier.arrive $0xFFFF  }
0x73: {  	[sflag:s0] =	ssyncadd.tile.s32 @!p0 $0x1;
	_ =	shalt  }
.Lfunc_end1:
_tile_overlayer_lowered:
.L_overlay_start_2:
0x74: {  	(tag) =	ssettag $0x2  }
0x75: {  	s0 =	rddreg [dreg:$0x0];
	s2 =	stileid.u32  }
0x76: {  	s1 =	rddreg [dreg:$0x1];
	p0 =	sne.s32 s2, $0x0  }
0x77: {  	s3 =	rddreg [dreg:$0x2];
	[bflag:$0x3] =	sbarrier.arrive $0xFFFF;
	s2 =	simm.s32 @!p0 $0x1C01  }
0x78: {  	[timem:s3], [sflag:s2] =	dma.local @!p0 [hbm:s0], s1  }
0x79: {  	s0 =	simm.s32 @!p0 $0x1  }
0x7a: {  	_ =	swait.ge @!p0 [sflag:s0], s1  }
0x7b: {  	s1 =	ssub.s32 @!p0 $0x0, s1;
	[sflag:s0] =	ssyncset.done @!p0 $0x0  }
0x7c: {  	[sflag:s0] =	ssyncadd.s32 @!p0 s1  }
0x7d: {  	[bflag:$0x3] =	sbarrier.arrive $0xFFFF  }
0x7e: {  	_ =	shalt  }

</sc_bundles>
